<compile_context>
chip_gen: v7x
topology: tpu7x:2x2x1
jax: 0.10.2.dev20260603
libtpu: 0.0.44.dev20260713+nightly
codegen_flags: <defaults>
</compile_context>

<pallas_src>
import jax
import jax.numpy as jnp
from jax import lax
from jax.experimental import pallas as pl
from jax.experimental.pallas import tpu as pltpu
from jax.experimental.pallas import tpu_sc as plsc

N0, N1, N2 = 50000, 16384, 4096
E0, E1 = 262144, 65536
D = 256
DC = 64
NCHUNK = D // DC
NCORE, NSUB = 2, 16
NW = NCORE * NSUB
F32 = jnp.float32
HI = lax.Precision.HIGHEST


def _fill(ref, rows, cols, val):
  v = jnp.full((16,), val, F32)

  def body(i, _):
    for k in range(cols // 16):
      ref[i, pl.ds(k * 16, 16)] = v
    return 0

  lax.fori_loop(0, rows, body, 0)


def _sc_l0_body(table4, src2d, dst2d, agg_part, deg_part,
                acc_sh, deg_sh, dstbuf, idxbuf, rows_a, rows_b, ones, zdeg,
                sem_a, sem_b, sem_sa, sem_sb):
  c = lax.axis_index("c")
  s = lax.axis_index("s")
  wid = c * NSUB + s

  _fill(ones, 128, 16, 1.0)
  _fill(zdeg, 128, 16, 0.0)

  def zacc(r, _):
    pltpu.sync_copy(rows_a, acc_sh.at[pl.ds(s * 1024 + r * 128, 128)])
    return 0

  def zdg(r, _):
    pltpu.sync_copy(zdeg, deg_sh.at[pl.ds(s * 1024 + r * 128, 128)])
    return 0

  pltpu.sync_copy(src2d.at[pl.ds(wid * 64, 64)], idxbuf)
  pltpu.sync_copy(dst2d.at[pl.ds(wid * 64, 64)], dstbuf)

  def scale4(j, _):
    for k in range(8):
      idxbuf[j, pl.ds(k * 16, 16)] = idxbuf[j, pl.ds(k * 16, 16)] * 4
    return 0

  lax.fori_loop(0, 64, scale4, 0)

  def plus1(j, _):
    for k in range(8):
      idxbuf[j, pl.ds(k * 16, 16)] = idxbuf[j, pl.ds(k * 16, 16)] + 1
    return 0

  for cc in range(NCHUNK):
    if cc > 0:
      lax.fori_loop(0, 64, plus1, 0)
    _fill(rows_a, 128, DC, 0.0)
    lax.fori_loop(0, 8, zacc, 0)
    if cc == 0:
      lax.fori_loop(0, 8, zdg, 0)
    plsc.subcore_barrier()

    pltpu.async_copy(table4.at[idxbuf.at[0]], rows_a, sem_a)

    def pair(g, _):
      j0 = 2 * g
      j1 = j0 + 1

      @pl.when(g > 0)
      def _():
        pltpu.make_async_copy(rows_b, acc_sh.at[dstbuf.at[j0 - 1]],
                              sem_sb).wait()

      pltpu.async_copy(table4.at[idxbuf.at[j1]], rows_b, sem_b)
      pltpu.make_async_copy(table4.at[idxbuf.at[j0]], rows_a, sem_a).wait()
      pltpu.async_copy(rows_a, acc_sh.at[dstbuf.at[j0]], sem_sa, add=True)
      if cc == 0:
        pltpu.sync_copy(ones, deg_sh.at[dstbuf.at[j0]], add=True)

      @pl.when(j1 < 63)
      def _():
        pltpu.make_async_copy(rows_a, acc_sh.at[dstbuf.at[j0]],
                              sem_sa).wait()
        pltpu.async_copy(table4.at[idxbuf.at[j1 + 1]], rows_a, sem_a)

      pltpu.make_async_copy(table4.at[idxbuf.at[j1]], rows_b, sem_b).wait()
      pltpu.async_copy(rows_b, acc_sh.at[dstbuf.at[j1]], sem_sb, add=True)
      if cc == 0:
        pltpu.sync_copy(ones, deg_sh.at[dstbuf.at[j1]], add=True)
      return 0

    lax.fori_loop(0, 32, pair, 0)

    pltpu.make_async_copy(rows_a, acc_sh.at[dstbuf.at[62]], sem_sa).wait()
    pltpu.make_async_copy(rows_b, acc_sh.at[dstbuf.at[63]], sem_sb).wait()
    plsc.subcore_barrier()
    pltpu.sync_copy(acc_sh.at[pl.ds(s * 1024, 1024)],
                    agg_part.at[c, cc, pl.ds(s * 1024, 1024)])
    if cc == 0:
      pltpu.sync_copy(deg_sh.at[pl.ds(s * 1024, 1024)],
                      deg_part.at[c, pl.ds(s * 1024, 1024)])


_sc_l0 = pl.kernel(
    _sc_l0_body,
    out_type=(
        jax.ShapeDtypeStruct((NCORE, NCHUNK, N1, DC), F32),
        jax.ShapeDtypeStruct((NCORE, N1, 16), F32),
    ),
    mesh=plsc.VectorSubcoreMesh(core_axis_name="c", subcore_axis_name="s"),
    compiler_params=pltpu.CompilerParams(use_tc_tiling_on_sc=False),
    scratch_types=[
        pltpu.VMEM_SHARED((N1, DC), F32),
        pltpu.VMEM_SHARED((N1, 16), F32),
        pltpu.VMEM((64, 128), jnp.int32),
        pltpu.VMEM((64, 128), jnp.int32),
        pltpu.VMEM((128, DC), F32),
        pltpu.VMEM((128, DC), F32),
        pltpu.VMEM((128, 16), F32),
        pltpu.VMEM((128, 16), F32),
        pltpu.SemaphoreType.DMA,
        pltpu.SemaphoreType.DMA,
        pltpu.SemaphoreType.DMA,
        pltpu.SemaphoreType.DMA,
    ],
)


def _sc_l1_body(h1, src2d, dst2d, agg_part, deg_part,
                acc_sh, deg_sh, srcbuf, dstbuf, rows_a, rows_b, ones, zdeg,
                sem_a, sem_b):
  c = lax.axis_index("c")
  s = lax.axis_index("s")
  wid = c * NSUB + s

  _fill(rows_a, 64, D, 0.0)
  _fill(zdeg, 64, 16, 0.0)
  _fill(ones, 64, 16, 1.0)

  def zacc(r, _):
    pltpu.sync_copy(rows_a, acc_sh.at[pl.ds(s * 256 + r * 64, 64)])
    return 0

  def zdg(r, _):
    pltpu.sync_copy(zdeg, deg_sh.at[pl.ds(s * 256 + r * 64, 64)])
    return 0

  lax.fori_loop(0, 4, zacc, 0)
  lax.fori_loop(0, 4, zdg, 0)

  pltpu.sync_copy(src2d.at[pl.ds(wid * 32, 32)], srcbuf)
  pltpu.sync_copy(dst2d.at[pl.ds(wid * 32, 32)], dstbuf)
  plsc.subcore_barrier()

  pltpu.async_copy(h1.at[srcbuf.at[0]], rows_a, sem_a)

  def pair(g, _):
    j0 = 2 * g
    j1 = j0 + 1
    pltpu.async_copy(h1.at[srcbuf.at[j1]], rows_b, sem_b)
    pltpu.make_async_copy(h1.at[srcbuf.at[j0]], rows_a, sem_a).wait()
    pltpu.sync_copy(rows_a, acc_sh.at[dstbuf.at[j0]], add=True)
    pltpu.sync_copy(ones, deg_sh.at[dstbuf.at[j0]], add=True)

    @pl.when(j1 < 31)
    def _():
      pltpu.async_copy(h1.at[srcbuf.at[j1 + 1]], rows_a, sem_a)

    pltpu.make_async_copy(h1.at[srcbuf.at[j1]], rows_b, sem_b).wait()
    pltpu.sync_copy(rows_b, acc_sh.at[dstbuf.at[j1]], add=True)
    pltpu.sync_copy(ones, deg_sh.at[dstbuf.at[j1]], add=True)
    return 0

  lax.fori_loop(0, 16, pair, 0)

  plsc.subcore_barrier()
  pltpu.sync_copy(acc_sh.at[pl.ds(s * 256, 256)],
                  agg_part.at[c, pl.ds(s * 256, 256)])
  pltpu.sync_copy(deg_sh.at[pl.ds(s * 256, 256)],
                  deg_part.at[c, pl.ds(s * 256, 256)])


_sc_l1 = pl.kernel(
    _sc_l1_body,
    out_type=(
        jax.ShapeDtypeStruct((NCORE, N2, D), F32),
        jax.ShapeDtypeStruct((NCORE, N2, 16), F32),
    ),
    mesh=plsc.VectorSubcoreMesh(core_axis_name="c", subcore_axis_name="s"),
    compiler_params=pltpu.CompilerParams(use_tc_tiling_on_sc=False),
    scratch_types=[
        pltpu.VMEM_SHARED((N2, D), F32),
        pltpu.VMEM_SHARED((N2, 16), F32),
        pltpu.VMEM((32, 64), jnp.int32),
        pltpu.VMEM((32, 64), jnp.int32),
        pltpu.VMEM((64, D), F32),
        pltpu.VMEM((64, D), F32),
        pltpu.VMEM((64, 16), F32),
        pltpu.VMEM((64, 16), F32),
        pltpu.SemaphoreType.DMA,
        pltpu.SemaphoreType.DMA,
    ],
)


def _dense0_body(x_ref, ap_ref, dg_ref, ws_ref, wn_ref, b_ref, o_ref):
  ap = ap_ref[...]
  agg = ap[0] + ap[1]
  agg = jnp.concatenate([agg[0], agg[1], agg[2], agg[3]], axis=-1)
  deg = jnp.max(dg_ref[0] + dg_ref[1], axis=1)
  neigh = agg / jnp.clip(deg, 1.0, None)[:, None]
  h = (jnp.dot(x_ref[...], ws_ref[...], preferred_element_type=F32)
       + jnp.dot(neigh, wn_ref[...], preferred_element_type=F32)
       + b_ref[...])
  o_ref[...] = jnp.maximum(h, 0.0)


_dense0 = pl.pallas_call(
    _dense0_body,
    grid=(N1 // 512,),
    in_specs=[
        pl.BlockSpec((512, D), lambda i: (i, 0)),
        pl.BlockSpec((NCORE, NCHUNK, 512, DC), lambda i: (0, 0, i, 0)),
        pl.BlockSpec((NCORE, 512, 16), lambda i: (0, i, 0)),
        pl.BlockSpec((D, D), lambda i: (0, 0)),
        pl.BlockSpec((D, D), lambda i: (0, 0)),
        pl.BlockSpec((1, D), lambda i: (0, 0)),
    ],
    out_specs=pl.BlockSpec((512, D), lambda i: (i, 0)),
    out_shape=jax.ShapeDtypeStruct((N1, D), F32),
)


def _head_body(h_ref, ap_ref, dg_ref, ws_ref, wn_ref, b_ref, wp_ref, wpp_ref,
               o_ref):
  ap = ap_ref[...]
  deg = jnp.max(dg_ref[0] + dg_ref[1], axis=1)
  neigh = (ap[0] + ap[1]) / jnp.clip(deg, 1.0, None)[:, None]
  hd = h_ref[...]
  h2 = (jnp.dot(hd, ws_ref[...], preferred_element_type=F32)
        + jnp.dot(neigh, wn_ref[...], preferred_element_type=F32)
        + b_ref[...])
  h2 = jnp.maximum(h2, 0.0)
  hcat = jnp.concatenate([h2, jnp.maximum(hd, 0.0)], axis=1)
  logits = lax.dot_general(hcat, wp_ref[...], (((1,), (1,)), ((), ())))
  mx = jnp.max(logits, axis=1, keepdims=True)
  eq = (logits >= mx).astype(F32)
  tri = (lax.broadcasted_iota(jnp.int32, (8, 8), 0)
         <= lax.broadcasted_iota(jnp.int32, (8, 8), 1)).astype(F32)
  cs = jnp.dot(eq, tri)
  onehot = eq * (cs == 1.0).astype(F32)
  allout = lax.dot_general(hcat, wpp_ref[...], (((1,), (1,)), ((), ())))
  ccg = lax.broadcasted_iota(jnp.int32, (8, 128), 0)
  jjg = lax.broadcasted_iota(jnp.int32, (8, 128), 1)
  expand = (jjg // 16 == ccg).astype(F32)
  maskfull = jnp.dot(onehot, expand)
  jk = lax.broadcasted_iota(jnp.int32, (128, 16), 0)
  kk = lax.broadcasted_iota(jnp.int32, (128, 16), 1)
  fold = (jk % 16 == kk).astype(F32)
  o_ref[...] = jnp.dot(allout * maskfull, fold)


_head = pl.pallas_call(
    _head_body,
    grid=(N2 // 512,),
    in_specs=[
        pl.BlockSpec((512, D), lambda i: (i, 0)),
        pl.BlockSpec((NCORE, 512, D), lambda i: (0, i, 0)),
        pl.BlockSpec((NCORE, 512, 16), lambda i: (0, i, 0)),
        pl.BlockSpec((D, D), lambda i: (0, 0)),
        pl.BlockSpec((D, D), lambda i: (0, 0)),
        pl.BlockSpec((1, D), lambda i: (0, 0)),
        pl.BlockSpec((8, 2 * D), lambda i: (0, 0)),
        pl.BlockSpec((128, 2 * D), lambda i: (0, 0)),
    ],
    out_specs=pl.BlockSpec((512, 16), lambda i: (i, 0)),
    out_shape=jax.ShapeDtypeStruct((N2, 16), F32),
)


def kernel(inputs, src0, dst0, src1, dst1, W_self0, W_neigh0, b0, W_self1,
           W_neigh1, b1, W_prompt, W_pp):
  table4 = inputs.reshape(N0 * NCHUNK, DC)
  agg0, deg0 = _sc_l0(table4, src0.reshape(E0 // 128, 128),
                      dst0.reshape(E0 // 128, 128))
  h1 = _dense0(inputs[:N1], agg0, deg0, W_self0, W_neigh0, b0.reshape(1, D))
  agg1, deg1 = _sc_l1(h1, src1.reshape(E1 // 64, 64),
                      dst1.reshape(E1 // 64, 64))
  out = _head(h1, agg1, deg1, W_self1, W_neigh1, b1.reshape(1, D), W_prompt,
              W_pp.reshape(8 * 16, 2 * D))
  return out

# --- scband reference (transcript-rebuilt; emitter-appended) ---
"""Pipeline reference for scband-graph-sage-13245679141137 (READ-ONLY COPY).

The authoritative reference and input builder live on the scoring server;
editing this copy changes nothing except your own understanding.
"""

import jax, jax.numpy as jnp
import numpy as np

N0, N1, N2 = 50000, 16384, 4096
E0, E1 = 262144, 65536
IN_FEATS = 256
N_HIDDEN = 256
N_CLASSES = 16
CENTER_NUM = 8


def setup_inputs(seed: int = 0) -> dict:
    key = jax.random.key(seed)
    ks = jax.random.split(key, 12)
    s = 0.05
    inputs = jax.random.normal(ks[0], (N0, IN_FEATS), dtype=jnp.float32)
    src0 = jax.random.randint(ks[1], (E0,), 0, N0, dtype=jnp.int32)
    dst0 = jax.random.randint(ks[2], (E0,), 0, N1, dtype=jnp.int32)
    src1 = jax.random.randint(ks[3], (E1,), 0, N1, dtype=jnp.int32)
    dst1 = jax.random.randint(ks[4], (E1,), 0, N2, dtype=jnp.int32)
    W_self0 = jax.random.normal(ks[5], (IN_FEATS, N_HIDDEN), dtype=jnp.float32) * s
    W_neigh0 = jax.random.normal(ks[6], (IN_FEATS, N_HIDDEN), dtype=jnp.float32) * s
    b0 = jnp.zeros((N_HIDDEN,), jnp.float32)
    W_self1 = jax.random.normal(ks[7], (N_HIDDEN, N_HIDDEN), dtype=jnp.float32) * s
    W_neigh1 = jax.random.normal(ks[8], (N_HIDDEN, N_HIDDEN), dtype=jnp.float32) * s
    b1 = jnp.zeros((N_HIDDEN,), jnp.float32)
    W_prompt = jax.random.normal(ks[9], (CENTER_NUM, 2 * N_HIDDEN), dtype=jnp.float32) * s
    W_pp = jax.random.normal(ks[10], (CENTER_NUM, N_CLASSES, 2 * N_HIDDEN), dtype=jnp.float32) * s
    return {"inputs": inputs, "src0": src0, "dst0": dst0, "src1": src1, "dst1": dst1,
            "W_self0": W_self0, "W_neigh0": W_neigh0, "b0": b0,
            "W_self1": W_self1, "W_neigh1": W_neigh1, "b1": b1,
            "W_prompt": W_prompt, "W_pp": W_pp}


def _sage_conv(h_src, h_dst, src, dst, num_dst, W_self, W_neigh, b):
    # DGL SAGEConv, aggregator_type='mean': rst = fc_self(h_dst) + fc_neigh(mean_{u in N(v)} h_u) + bias
    msgs = jnp.take(h_src, src, axis=0)
    agg = jax.ops.segment_sum(msgs, dst, num_segments=num_dst)
    deg = jax.ops.segment_sum(jnp.ones((src.shape[0], 1), h_src.dtype), dst, num_segments=num_dst)
    neigh = agg / jnp.clip(deg, 1.0, None)
    return h_dst @ W_self + neigh @ W_neigh + b


def reference(inputs, src0, dst0, src1, dst1, W_self0, W_neigh0, b0, W_self1, W_neigh1, b1, W_prompt, W_pp):
    # dropout p=0.0 (identity at eval)
    h = inputs
    # layer 0 block: N0 src -> N1 dst
    h_dst = h[:N1]
    h = _sage_conv(h, h_dst, src0, dst0, N1, W_self0, W_neigh0, b0)
    h = jax.nn.relu(h)
    # layer 1 block: N1 src -> N2 dst (h_dst captured BEFORE the layer, as in torch loop)
    h_dst = h[:N2]
    h = _sage_conv(h, h_dst, src1, dst1, N2, W_self1, W_neigh1, b1)
    h = jax.nn.relu(h)
    neighbor = jax.nn.relu(h_dst)
    hcat = jnp.concatenate([h, neighbor], axis=1)  # [N2, 2*n_hidden]
    # prompt router: argmax over center_num logits
    logits = hcat @ W_prompt.T
    idx = jnp.argmax(logits, axis=1)
    # per-node expert head: out[n] = W_pp[idx[n]] @ hcat[n]
    selW = jnp.take(W_pp, idx, axis=0)  # [N2, n_classes, 2*n_hidden]
    out = jnp.einsum('nkd,nd->nk', selW, hcat)
    return out

if __name__ == "__main__":
    import jax
    _d = setup_inputs()
    print(jax.jit(kernel)(*tuple(_d.values())))

</pallas_src>

<mosaic_0001>
#map = affine_map<(d0, d1) -> (0, 0)>
#map1 = affine_map<(d0, d1) -> (0, 0, 0, 0)>
#map2 = affine_map<(d0, d1) -> (0, 0, 0)>
module attributes {stable_mosaic.version = 14 : i64} {
  func.func @_sc_l0_body(%arg0: i32, %arg1: i32, %arg2: memref<200000x64xf32, #tpu.memory_space<hbm>>, %arg3: memref<2048x128xi32, #tpu.memory_space<hbm>>, %arg4: memref<2048x128xi32, #tpu.memory_space<hbm>>, %arg5: memref<2x4x16384x64xf32, #tpu.memory_space<hbm>>, %arg6: memref<2x16384x16xf32, #tpu.memory_space<hbm>>, %arg7: memref<16384x64xf32, #tpu.memory_space<vmem_shared>>, %arg8: memref<16384x16xf32, #tpu.memory_space<vmem_shared>>, %arg9: memref<64x128xi32, #tpu.memory_space<vmem>>, %arg10: memref<64x128xi32, #tpu.memory_space<vmem>>, %arg11: memref<128x64xf32, #tpu.memory_space<vmem>>, %arg12: memref<128x64xf32, #tpu.memory_space<vmem>>, %arg13: memref<128x16xf32, #tpu.memory_space<vmem>>, %arg14: memref<128x16xf32, #tpu.memory_space<vmem>>, %arg15: memref<!tpu.dma_semaphore, #tpu.memory_space<semaphore_mem>>, %arg16: memref<!tpu.dma_semaphore, #tpu.memory_space<semaphore_mem>>, %arg17: memref<!tpu.dma_semaphore, #tpu.memory_space<semaphore_mem>>, %arg18: memref<!tpu.dma_semaphore, #tpu.memory_space<semaphore_mem>>) attributes {dimension_semantics = [#tpu.dimension_semantics<core_parallel>, #tpu.dimension_semantics<subcore_parallel>], iteration_bounds = array<i64: 2, 16>, scalar_prefetch = 0 : i64, scratch_operands = 12 : i64, tpu.core_type = #tpu.core_type<sc_vector_subcore>, window_params = [{transform_indices = #map}, {transform_indices = #map}, {transform_indices = #map}, {transform_indices = #map1}, {transform_indices = #map2}]} {
    %mul3A = arith.constant 16 : i32
    %mul3A_0 = arith.muli %arg0, %mul3A : i32
    %add3A = arith.addi %mul3A_0, %arg1 : i32
    %broadcast_in_dim3A = arith.constant 1.000000e+00 : f32
    %broadcast_in_dim3A_1 = vector.broadcast %broadcast_in_dim3A : f32 to vector<16xf32>
    %scan3A = arith.constant 0 : i32
    %scan3A_2 = arith.constant 0 : i32
    %scan3A_3 = arith.constant 128 : i32
    %scan3A_4 = arith.addi %scan3A_2, %scan3A_3 : i32
    %scan3A_5 = arith.constant 1 : i32
    %scan3A_6 = scf.for %scan3A_260 = %scan3A_2 to %scan3A_4 step %scan3A_5 iter_args(%scan3A_261 = %scan3A) -> (i32)  : i32 {
      %swap3A = arith.index_cast %scan3A_260 : i32 to index
      %swap3A_262 = arith.constant 0 : index
      %swap3A_263 = tpu.vector_load %arg13[%swap3A, %swap3A_262] {strides = array<i32>} : memref<128x16xf32, #tpu.memory_space<vmem>>, vector<1x16xf32>,
      %swap3A_264 = vector.shape_cast %swap3A_263 : vector<1x16xf32> to vector<16xf32>
      %swap3A_265 = vector.shape_cast %broadcast_in_dim3A_1 : vector<16xf32> to vector<1x16xf32>
      tpu.vector_store %arg13[%swap3A, %swap3A_262], %swap3A_265 {strides = array<i32>} : memref<128x16xf32, #tpu.memory_space<vmem>>, vector<1x16xf32>,
      %scan3A_266 = arith.constant 0 : i32
      scf.yield %scan3A_266 : i32
    }
    %scan3A_7 = arith.constant 128 : i32
    %broadcast_in_dim3A_8 = arith.constant 0.000000e+00 : f32
    %broadcast_in_dim3A_9 = vector.broadcast %broadcast_in_dim3A_8 : f32 to vector<16xf32>
    %scan3A_10 = arith.constant 0 : i32
    %scan3A_11 = arith.constant 0 : i32
    %scan3A_12 = arith.constant 128 : i32
    %scan3A_13 = arith.addi %scan3A_11, %scan3A_12 : i32
    %scan3A_14 = arith.constant 1 : i32
    %scan3A_15 = scf.for %scan3A_260 = %scan3A_11 to %scan3A_13 step %scan3A_14 iter_args(%scan3A_261 = %scan3A_10) -> (i32)  : i32 {
      %swap3A = arith.index_cast %scan3A_260 : i32 to index
      %swap3A_262 = arith.constant 0 : index
      %swap3A_263 = tpu.vector_load %arg14[%swap3A, %swap3A_262] {strides = array<i32>} : memref<128x16xf32, #tpu.memory_space<vmem>>, vector<1x16xf32>,
      %swap3A_264 = vector.shape_cast %swap3A_263 : vector<1x16xf32> to vector<16xf32>
      %swap3A_265 = vector.shape_cast %broadcast_in_dim3A_9 : vector<16xf32> to vector<1x16xf32>
      tpu.vector_store %arg14[%swap3A, %swap3A_262], %swap3A_265 {strides = array<i32>} : memref<128x16xf32, #tpu.memory_space<vmem>>, vector<1x16xf32>,
      %scan3A_266 = arith.constant 0 : i32
      scf.yield %scan3A_266 : i32
    }
    %scan3A_16 = arith.constant 128 : i32
    %mul3A_17 = arith.constant 64 : i32
    %mul3A_18 = arith.muli %add3A, %mul3A_17 : i32
    "tpu.region"() ({
      %run_scoped3A_260 = tpu.sem_alloc : memref<!tpu.dma_semaphore, #tpu.memory_space<semaphore_mem>>
      %dma_start3A_261 = arith.constant 0 : i32
      %dma_start3A_262 = tpu.memref_slice %arg3[%mul3A_18, %dma_start3A_261] : memref<2048x128xi32, #tpu.memory_space<hbm>> -> memref<64x128xi32, #tpu.memory_space<hbm>>
      %dma_start3A_263 = arith.constant 0 : i32
      %dma_start3A_264 = tpu.memref_slice %arg3[%mul3A_18, %dma_start3A_263] : memref<2048x128xi32, #tpu.memory_space<hbm>> -> memref<64x128xi32, #tpu.memory_space<hbm>>
      tpu.enqueue_dma source(%dma_start3A_264 : memref<64x128xi32, #tpu.memory_space<hbm>>) target(%arg10 : memref<64x128xi32, #tpu.memory_space<vmem>>) target_semaphore(%run_scoped3A_260 : memref<!tpu.dma_semaphore, #tpu.memory_space<semaphore_mem>>)
      %dma_wait3A_265 = arith.constant 0 : i32
      %dma_wait3A_266 = tpu.memref_slice %arg3[%mul3A_18, %dma_wait3A_265] : memref<2048x128xi32, #tpu.memory_space<hbm>> -> memref<64x128xi32, #tpu.memory_space<hbm>>
      %dma_wait3A_267 = arith.constant 0 : i32
      %dma_wait3A_268 = tpu.memref_slice %arg3[%mul3A_18, %dma_wait3A_267] : memref<2048x128xi32, #tpu.memory_space<hbm>> -> memref<64x128xi32, #tpu.memory_space<hbm>>
      tpu.wait_dma2 semaphore(%run_scoped3A_260 : memref<!tpu.dma_semaphore, #tpu.memory_space<semaphore_mem>>) src(%dma_wait3A_268 : memref<64x128xi32, #tpu.memory_space<hbm>>) dst(%arg10 : memref<64x128xi32, #tpu.memory_space<vmem>>)
      tpu.yield
    }) : () -> ()
    %mul3A_19 = arith.constant 64 : i32
    %mul3A_20 = arith.muli %add3A, %mul3A_19 : i32
    "tpu.region"() ({
      %run_scoped3A_260 = tpu.sem_alloc : memref<!tpu.dma_semaphore, #tpu.memory_space<semaphore_mem>>
      %dma_start3A_261 = arith.constant 0 : i32
      %dma_start3A_262 = tpu.memref_slice %arg4[%mul3A_20, %dma_start3A_261] : memref<2048x128xi32, #tpu.memory_space<hbm>> -> memref<64x128xi32, #tpu.memory_space<hbm>>
      %dma_start3A_263 = arith.constant 0 : i32
      %dma_start3A_264 = tpu.memref_slice %arg4[%mul3A_20, %dma_start3A_263] : memref<2048x128xi32, #tpu.memory_space<hbm>> -> memref<64x128xi32, #tpu.memory_space<hbm>>
      tpu.enqueue_dma source(%dma_start3A_264 : memref<64x128xi32, #tpu.memory_space<hbm>>) target(%arg9 : memref<64x128xi32, #tpu.memory_space<vmem>>) target_semaphore(%run_scoped3A_260 : memref<!tpu.dma_semaphore, #tpu.memory_space<semaphore_mem>>)
      %dma_wait3A_265 = arith.constant 0 : i32
      %dma_wait3A_266 = tpu.memref_slice %arg4[%mul3A_20, %dma_wait3A_265] : memref<2048x128xi32, #tpu.memory_space<hbm>> -> memref<64x128xi32, #tpu.memory_space<hbm>>
      %dma_wait3A_267 = arith.constant 0 : i32
      %dma_wait3A_268 = tpu.memref_slice %arg4[%mul3A_20, %dma_wait3A_267] : memref<2048x128xi32, #tpu.memory_space<hbm>> -> memref<64x128xi32, #tpu.memory_space<hbm>>
      tpu.wait_dma2 semaphore(%run_scoped3A_260 : memref<!tpu.dma_semaphore, #tpu.memory_space<semaphore_mem>>) src(%dma_wait3A_268 : memref<64x128xi32, #tpu.memory_space<hbm>>) dst(%arg9 : memref<64x128xi32, #tpu.memory_space<vmem>>)
      tpu.yield
    }) : () -> ()
    %scan3A_21 = arith.constant 0 : i32
    %scan3A_22 = arith.constant 0 : i32
    %scan3A_23 = arith.constant 64 : i32
    %scan3A_24 = arith.addi %scan3A_22, %scan3A_23 : i32
    %scan3A_25 = arith.constant 1 : i32
    %scan3A_26 = scf.for %scan3A_260 = %scan3A_22 to %scan3A_24 step %scan3A_25 iter_args(%scan3A_261 = %scan3A_21) -> (i32)  : i32 {
      %get3A = arith.index_cast %scan3A_260 : i32 to index
      %get3A_262 = arith.constant 0 : index
      %get3A_263 = tpu.vector_load %arg10[%get3A, %get3A_262] {strides = array<i32>} : memref<64x128xi32, #tpu.memory_space<vmem>>, vector<1x16xi32>,
      %get3A_264 = vector.shape_cast %get3A_263 : vector<1x16xi32> to vector<16xi32>
      %mul3A_265 = arith.constant 4 : i32
      %mul3A_266 = vector.broadcast %mul3A_265 : i32 to vector<16xi32>
      %mul3A_267 = arith.muli %get3A_264, %mul3A_266 : vector<16xi32>
      %swap3A = arith.index_cast %scan3A_260 : i32 to index
      %swap3A_268 = arith.constant 0 : index
      %swap3A_269 = tpu.vector_load %arg10[%swap3A, %swap3A_268] {strides = array<i32>} : memref<64x128xi32, #tpu.memory_space<vmem>>, vector<1x16xi32>,
      %swap3A_270 = vector.shape_cast %swap3A_269 : vector<1x16xi32> to vector<16xi32>
      %swap3A_271 = vector.shape_cast %mul3A_267 : vector<16xi32> to vector<1x16xi32>
      tpu.vector_store %arg10[%swap3A, %swap3A_268], %swap3A_271 {strides = array<i32>} : memref<64x128xi32, #tpu.memory_space<vmem>>, vector<1x16xi32>,
      %get3A_272 = arith.index_cast %scan3A_260 : i32 to index
      %get3A_273 = arith.constant 16 : index
      %get3A_274 = tpu.vector_load %arg10[%get3A_272, %get3A_273] {strides = array<i32>} : memref<64x128xi32, #tpu.memory_space<vmem>>, vector<1x16xi32>,
      %get3A_275 = vector.shape_cast %get3A_274 : vector<1x16xi32> to vector<16xi32>
      %mul3A_276 = arith.constant 4 : i32
      %mul3A_277 = vector.broadcast %mul3A_276 : i32 to vector<16xi32>
      %mul3A_278 = arith.muli %get3A_275, %mul3A_277 : vector<16xi32>
      %swap3A_279 = arith.index_cast %scan3A_260 : i32 to index
      %swap3A_280 = arith.constant 16 : index
      %swap3A_281 = tpu.vector_load %arg10[%swap3A_279, %swap3A_280] {strides = array<i32>} : memref<64x128xi32, #tpu.memory_space<vmem>>, vector<1x16xi32>,
      %swap3A_282 = vector.shape_cast %swap3A_281 : vector<1x16xi32> to vector<16xi32>
      %swap3A_283 = vector.shape_cast %mul3A_278 : vector<16xi32> to vector<1x16xi32>
      tpu.vector_store %arg10[%swap3A_279, %swap3A_280], %swap3A_283 {strides = array<i32>} : memref<64x128xi32, #tpu.memory_space<vmem>>, vector<1x16xi32>,
      %get3A_284 = arith.index_cast %scan3A_260 : i32 to index
      %get3A_285 = arith.constant 32 : index
      %get3A_286 = tpu.vector_load %arg10[%get3A_284, %get3A_285] {strides = array<i32>} : memref<64x128xi32, #tpu.memory_space<vmem>>, vector<1x16xi32>,
      %get3A_287 = vector.shape_cast %get3A_286 : vector<1x16xi32> to vector<16xi32>
      %mul3A_288 = arith.constant 4 : i32
      %mul3A_289 = vector.broadcast %mul3A_288 : i32 to vector<16xi32>
      %mul3A_290 = arith.muli %get3A_287, %mul3A_289 : vector<16xi32>
      %swap3A_291 = arith.index_cast %scan3A_260 : i32 to index
      %swap3A_292 = arith.constant 32 : index
      %swap3A_293 = tpu.vector_load %arg10[%swap3A_291, %swap3A_292] {strides = array<i32>} : memref<64x128xi32, #tpu.memory_space<vmem>>, vector<1x16xi32>,
      %swap3A_294 = vector.shape_cast %swap3A_293 : vector<1x16xi32> to vector<16xi32>
      %swap3A_295 = vector.shape_cast %mul3A_290 : vector<16xi32> to vector<1x16xi32>
      tpu.vector_store %arg10[%swap3A_291, %swap3A_292], %swap3A_295 {strides = array<i32>} : memref<64x128xi32, #tpu.memory_space<vmem>>, vector<1x16xi32>,
      %get3A_296 = arith.index_cast %scan3A_260 : i32 to index
      %get3A_297 = arith.constant 48 : index
      %get3A_298 = tpu.vector_load %arg10[%get3A_296, %get3A_297] {strides = array<i32>} : memref<64x128xi32, #tpu.memory_space<vmem>>, vector<1x16xi32>,
      %get3A_299 = vector.shape_cast %get3A_298 : vector<1x16xi32> to vector<16xi32>
      %mul3A_300 = arith.constant 4 : i32
      %mul3A_301 = vector.broadcast %mul3A_300 : i32 to vector<16xi32>
      %mul3A_302 = arith.muli %get3A_299, %mul3A_301 : vector<16xi32>
      %swap3A_303 = arith.index_cast %scan3A_260 : i32 to index
      %swap3A_304 = arith.constant 48 : index
      %swap3A_305 = tpu.vector_load %arg10[%swap3A_303, %swap3A_304] {strides = array<i32>} : memref<64x128xi32, #tpu.memory_space<vmem>>, vector<1x16xi32>,
      %swap3A_306 = vector.shape_cast %swap3A_305 : vector<1x16xi32> to vector<16xi32>
      %swap3A_307 = vector.shape_cast %mul3A_302 : vector<16xi32> to vector<1x16xi32>
      tpu.vector_store %arg10[%swap3A_303, %swap3A_304], %swap3A_307 {strides = array<i32>} : memref<64x128xi32, #tpu.memory_space<vmem>>, vector<1x16xi32>,
      %get3A_308 = arith.index_cast %scan3A_260 : i32 to index
      %get3A_309 = arith.constant 64 : index
      %get3A_310 = tpu.vector_load %arg10[%get3A_308, %get3A_309] {strides = array<i32>} : memref<64x128xi32, #tpu.memory_space<vmem>>, vector<1x16xi32>,
      %get3A_311 = vector.shape_cast %get3A_310 : vector<1x16xi32> to vector<16xi32>
      %mul3A_312 = arith.constant 4 : i32
      %mul3A_313 = vector.broadcast %mul3A_312 : i32 to vector<16xi32>
      %mul3A_314 = arith.muli %get3A_311, %mul3A_313 : vector<16xi32>
      %swap3A_315 = arith.index_cast %scan3A_260 : i32 to index
      %swap3A_316 = arith.constant 64 : index
      %swap3A_317 = tpu.vector_load %arg10[%swap3A_315, %swap3A_316] {strides = array<i32>} : memref<64x128xi32, #tpu.memory_space<vmem>>, vector<1x16xi32>,
      %swap3A_318 = vector.shape_cast %swap3A_317 : vector<1x16xi32> to vector<16xi32>
      %swap3A_319 = vector.shape_cast %mul3A_314 : vector<16xi32> to vector<1x16xi32>
      tpu.vector_store %arg10[%swap3A_315, %swap3A_316], %swap3A_319 {strides = array<i32>} : memref<64x128xi32, #tpu.memory_space<vmem>>, vector<1x16xi32>,
      %get3A_320 = arith.index_cast %scan3A_260 : i32 to index
      %get3A_321 = arith.constant 80 : index
      %get3A_322 = tpu.vector_load %arg10[%get3A_320, %get3A_321] {strides = array<i32>} : memref<64x128xi32, #tpu.memory_space<vmem>>, vector<1x16xi32>,
      %get3A_323 = vector.shape_cast %get3A_322 : vector<1x16xi32> to vector<16xi32>
      %mul3A_324 = arith.constant 4 : i32
      %mul3A_325 = vector.broadcast %mul3A_324 : i32 to vector<16xi32>
      %mul3A_326 = arith.muli %get3A_323, %mul3A_325 : vector<16xi32>
      %swap3A_327 = arith.index_cast %scan3A_260 : i32 to index
      %swap3A_328 = arith.constant 80 : index
      %swap3A_329 = tpu.vector_load %arg10[%swap3A_327, %swap3A_328] {strides = array<i32>} : memref<64x128xi32, #tpu.memory_space<vmem>>, vector<1x16xi32>,
      %swap3A_330 = vector.shape_cast %swap3A_329 : vector<1x16xi32> to vector<16xi32>
      %swap3A_331 = vector.shape_cast %mul3A_326 : vector<16xi32> to vector<1x16xi32>
      tpu.vector_store %arg10[%swap3A_327, %swap3A_328], %swap3A_331 {strides = array<i32>} : memref<64x128xi32, #tpu.memory_space<vmem>>, vector<1x16xi32>,
      %get3A_332 = arith.index_cast %scan3A_260 : i32 to index
      %get3A_333 = arith.constant 96 : index
      %get3A_334 = tpu.vector_load %arg10[%get3A_332, %get3A_333] {strides = array<i32>} : memref<64x128xi32, #tpu.memory_space<vmem>>, vector<1x16xi32>,
      %get3A_335 = vector.shape_cast %get3A_334 : vector<1x16xi32> to vector<16xi32>
      %mul3A_336 = arith.constant 4 : i32
      %mul3A_337 = vector.broadcast %mul3A_336 : i32 to vector<16xi32>
      %mul3A_338 = arith.muli %get3A_335, %mul3A_337 : vector<16xi32>
      %swap3A_339 = arith.index_cast %scan3A_260 : i32 to index
      %swap3A_340 = arith.constant 96 : index
      %swap3A_341 = tpu.vector_load %arg10[%swap3A_339, %swap3A_340] {strides = array<i32>} : memref<64x128xi32, #tpu.memory_space<vmem>>, vector<1x16xi32>,
      %swap3A_342 = vector.shape_cast %swap3A_341 : vector<1x16xi32> to vector<16xi32>
      %swap3A_343 = vector.shape_cast %mul3A_338 : vector<16xi32> to vector<1x16xi32>
      tpu.vector_store %arg10[%swap3A_339, %swap3A_340], %swap3A_343 {strides = array<i32>} : memref<64x128xi32, #tpu.memory_space<vmem>>, vector<1x16xi32>,
      %get3A_344 = arith.index_cast %scan3A_260 : i32 to index
      %get3A_345 = arith.constant 112 : index
      %get3A_346 = tpu.vector_load %arg10[%get3A_344, %get3A_345] {strides = array<i32>} : memref<64x128xi32, #tpu.memory_space<vmem>>, vector<1x16xi32>,
      %get3A_347 = vector.shape_cast %get3A_346 : vector<1x16xi32> to vector<16xi32>
      %mul3A_348 = arith.constant 4 : i32
      %mul3A_349 = vector.broadcast %mul3A_348 : i32 to vector<16xi32>
      %mul3A_350 = arith.muli %get3A_347, %mul3A_349 : vector<16xi32>
      %swap3A_351 = arith.index_cast %scan3A_260 : i32 to index
      %swap3A_352 = arith.constant 112 : index
      %swap3A_353 = tpu.vector_load %arg10[%swap3A_351, %swap3A_352] {strides = array<i32>} : memref<64x128xi32, #tpu.memory_space<vmem>>, vector<1x16xi32>,
      %swap3A_354 = vector.shape_cast %swap3A_353 : vector<1x16xi32> to vector<16xi32>
      %swap3A_355 = vector.shape_cast %mul3A_350 : vector<16xi32> to vector<1x16xi32>
      tpu.vector_store %arg10[%swap3A_351, %swap3A_352], %swap3A_355 {strides = array<i32>} : memref<64x128xi32, #tpu.memory_space<vmem>>, vector<1x16xi32>,
      %scan3A_356 = arith.constant 0 : i32
      scf.yield %scan3A_356 : i32
    }
    %scan3A_27 = arith.constant 64 : i32
    %broadcast_in_dim3A_28 = arith.constant 0.000000e+00 : f32
    %broadcast_in_dim3A_29 = vector.broadcast %broadcast_in_dim3A_28 : f32 to vector<16xf32>
    %scan3A_30 = arith.constant 0 : i32
    %scan3A_31 = arith.constant 0 : i32
    %scan3A_32 = arith.constant 128 : i32
    %scan3A_33 = arith.addi %scan3A_31, %scan3A_32 : i32
    %scan3A_34 = arith.constant 1 : i32
    %scan3A_35 = scf.for %scan3A_260 = %scan3A_31 to %scan3A_33 step %scan3A_34 iter_args(%scan3A_261 = %scan3A_30) -> (i32)  : i32 {
      %swap3A = arith.index_cast %scan3A_260 : i32 to index
      %swap3A_262 = arith.constant 0 : index
      %swap3A_263 = tpu.vector_load %arg11[%swap3A, %swap3A_262] {strides = array<i32>} : memref<128x64xf32, #tpu.memory_space<vmem>>, vector<1x16xf32>,
      %swap3A_264 = vector.shape_cast %swap3A_263 : vector<1x16xf32> to vector<16xf32>
      %swap3A_265 = vector.shape_cast %broadcast_in_dim3A_29 : vector<16xf32> to vector<1x16xf32>
      tpu.vector_store %arg11[%swap3A, %swap3A_262], %swap3A_265 {strides = array<i32>} : memref<128x64xf32, #tpu.memory_space<vmem>>, vector<1x16xf32>,
      %swap3A_266 = arith.index_cast %scan3A_260 : i32 to index
      %swap3A_267 = arith.constant 16 : index
      %swap3A_268 = tpu.vector_load %arg11[%swap3A_266, %swap3A_267] {strides = array<i32>} : memref<128x64xf32, #tpu.memory_space<vmem>>, vector<1x16xf32>,
      %swap3A_269 = vector.shape_cast %swap3A_268 : vector<1x16xf32> to vector<16xf32>
      %swap3A_270 = vector.shape_cast %broadcast_in_dim3A_29 : vector<16xf32> to vector<1x16xf32>
      tpu.vector_store %arg11[%swap3A_266, %swap3A_267], %swap3A_270 {strides = array<i32>} : memref<128x64xf32, #tpu.memory_space<vmem>>, vector<1x16xf32>,
      %swap3A_271 = arith.index_cast %scan3A_260 : i32 to index
      %swap3A_272 = arith.constant 32 : index
      %swap3A_273 = tpu.vector_load %arg11[%swap3A_271, %swap3A_272] {strides = array<i32>} : memref<128x64xf32, #tpu.memory_space<vmem>>, vector<1x16xf32>,
      %swap3A_274 = vector.shape_cast %swap3A_273 : vector<1x16xf32> to vector<16xf32>
      %swap3A_275 = vector.shape_cast %broadcast_in_dim3A_29 : vector<16xf32> to vector<1x16xf32>
      tpu.vector_store %arg11[%swap3A_271, %swap3A_272], %swap3A_275 {strides = array<i32>} : memref<128x64xf32, #tpu.memory_space<vmem>>, vector<1x16xf32>,
      %swap3A_276 = arith.index_cast %scan3A_260 : i32 to index
      %swap3A_277 = arith.constant 48 : index
      %swap3A_278 = tpu.vector_load %arg11[%swap3A_276, %swap3A_277] {strides = array<i32>} : memref<128x64xf32, #tpu.memory_space<vmem>>, vector<1x16xf32>,
      %swap3A_279 = vector.shape_cast %swap3A_278 : vector<1x16xf32> to vector<16xf32>
      %swap3A_280 = vector.shape_cast %broadcast_in_dim3A_29 : vector<16xf32> to vector<1x16xf32>
      tpu.vector_store %arg11[%swap3A_276, %swap3A_277], %swap3A_280 {strides = array<i32>} : memref<128x64xf32, #tpu.memory_space<vmem>>, vector<1x16xf32>,
      %scan3A_281 = arith.constant 0 : i32
      scf.yield %scan3A_281 : i32
    }
    %scan3A_36 = arith.constant 128 : i32
    %scan3A_37 = arith.constant 0 : i32
    %scan3A_38 = arith.constant 0 : i32
    %scan3A_39 = arith.constant 8 : i32
    %scan3A_40 = arith.addi %scan3A_38, %scan3A_39 : i32
    %scan3A_41 = arith.constant 1 : i32
    %scan3A_42 = scf.for %scan3A_260 = %scan3A_38 to %scan3A_40 step %scan3A_41 iter_args(%scan3A_261 = %scan3A_37) -> (i32)  : i32 {
      %mul3A_262 = arith.constant 1024 : i32
      %mul3A_263 = arith.muli %arg1, %mul3A_262 : i32
      %mul3A_264 = arith.constant 128 : i32
      %mul3A_265 = arith.muli %scan3A_260, %mul3A_264 : i32
      %add3A_266 = arith.addi %mul3A_263, %mul3A_265 : i32
      "tpu.region"() ({
        %run_scoped3A_268 = tpu.sem_alloc : memref<!tpu.dma_semaphore, #tpu.memory_space<semaphore_mem>>
        %dma_start3A_269 = arith.constant 0 : i32
        %dma_start3A_270 = tpu.memref_slice %arg7[%add3A_266, %dma_start3A_269] : memref<16384x64xf32, #tpu.memory_space<vmem_shared>> -> memref<128x64xf32, #tpu.memory_space<vmem_shared>>
        %dma_start3A_271 = arith.constant 0 : i32
        %dma_start3A_272 = tpu.memref_slice %arg7[%add3A_266, %dma_start3A_271] : memref<16384x64xf32, #tpu.memory_space<vmem_shared>> -> memref<128x64xf32, #tpu.memory_space<vmem_shared>>
        tpu.enqueue_dma source(%arg11 : memref<128x64xf32, #tpu.memory_space<vmem>>) target(%dma_start3A_272 : memref<128x64xf32, #tpu.memory_space<vmem_shared>>) target_semaphore(%run_scoped3A_268 : memref<!tpu.dma_semaphore, #tpu.memory_space<semaphore_mem>>)
        %dma_wait3A_273 = arith.constant 0 : i32
        %dma_wait3A_274 = tpu.memref_slice %arg7[%add3A_266, %dma_wait3A_273] : memref<16384x64xf32, #tpu.memory_space<vmem_shared>> -> memref<128x64xf32, #tpu.memory_space<vmem_shared>>
        %dma_wait3A_275 = arith.constant 0 : i32
        %dma_wait3A_276 = tpu.memref_slice %arg7[%add3A_266, %dma_wait3A_275] : memref<16384x64xf32, #tpu.memory_space<vmem_shared>> -> memref<128x64xf32, #tpu.memory_space<vmem_shared>>
        tpu.wait_dma2 semaphore(%run_scoped3A_268 : memref<!tpu.dma_semaphore, #tpu.memory_space<semaphore_mem>>) src(%arg11 : memref<128x64xf32, #tpu.memory_space<vmem>>) dst(%dma_wait3A_276 : memref<128x64xf32, #tpu.memory_space<vmem_shared>>)
        tpu.yield
      }) : () -> ()
      %scan3A_267 = arith.constant 0 : i32
      scf.yield %scan3A_267 : i32
    }
    %scan3A_43 = arith.constant 8 : i32
    %scan3A_44 = arith.constant 0 : i32
    %scan3A_45 = arith.constant 0 : i32
    %scan3A_46 = arith.constant 8 : i32
    %scan3A_47 = arith.addi %scan3A_45, %scan3A_46 : i32
    %scan3A_48 = arith.constant 1 : i32
    %scan3A_49 = scf.for %scan3A_260 = %scan3A_45 to %scan3A_47 step %scan3A_48 iter_args(%scan3A_261 = %scan3A_44) -> (i32)  : i32 {
      %mul3A_262 = arith.constant 1024 : i32
      %mul3A_263 = arith.muli %arg1, %mul3A_262 : i32
      %mul3A_264 = arith.constant 128 : i32
      %mul3A_265 = arith.muli %scan3A_260, %mul3A_264 : i32
      %add3A_266 = arith.addi %mul3A_263, %mul3A_265 : i32
      "tpu.region"() ({
        %run_scoped3A_268 = tpu.sem_alloc : memref<!tpu.dma_semaphore, #tpu.memory_space<semaphore_mem>>
        %dma_start3A_269 = arith.constant 0 : i32
        %dma_start3A_270 = tpu.memref_slice %arg8[%add3A_266, %dma_start3A_269] : memref<16384x16xf32, #tpu.memory_space<vmem_shared>> -> memref<128x16xf32, #tpu.memory_space<vmem_shared>>
        %dma_start3A_271 = arith.constant 0 : i32
        %dma_start3A_272 = tpu.memref_slice %arg8[%add3A_266, %dma_start3A_271] : memref<16384x16xf32, #tpu.memory_space<vmem_shared>> -> memref<128x16xf32, #tpu.memory_space<vmem_shared>>
        tpu.enqueue_dma source(%arg14 : memref<128x16xf32, #tpu.memory_space<vmem>>) target(%dma_start3A_272 : memref<128x16xf32, #tpu.memory_space<vmem_shared>>) target_semaphore(%run_scoped3A_268 : memref<!tpu.dma_semaphore, #tpu.memory_space<semaphore_mem>>)
        %dma_wait3A_273 = arith.constant 0 : i32
        %dma_wait3A_274 = tpu.memref_slice %arg8[%add3A_266, %dma_wait3A_273] : memref<16384x16xf32, #tpu.memory_space<vmem_shared>> -> memref<128x16xf32, #tpu.memory_space<vmem_shared>>
        %dma_wait3A_275 = arith.constant 0 : i32
        %dma_wait3A_276 = tpu.memref_slice %arg8[%add3A_266, %dma_wait3A_275] : memref<16384x16xf32, #tpu.memory_space<vmem_shared>> -> memref<128x16xf32, #tpu.memory_space<vmem_shared>>
        tpu.wait_dma2 semaphore(%run_scoped3A_268 : memref<!tpu.dma_semaphore, #tpu.memory_space<semaphore_mem>>) src(%arg14 : memref<128x16xf32, #tpu.memory_space<vmem>>) dst(%dma_wait3A_276 : memref<128x16xf32, #tpu.memory_space<vmem_shared>>)
        tpu.yield
      }) : () -> ()
      %scan3A_267 = arith.constant 0 : i32
      scf.yield %scan3A_267 : i32
    }
    %scan3A_50 = arith.constant 8 : i32
    %barrier3A = arith.constant 0 : index
    tpu.barrier barrier_id(%barrier3A)
    %dma_start3A = arith.constant 0 : i32
    %dma_start3A_51 = arith.constant 0 : i32
    %dma_start3A_52 = tpu.memref_slice %arg10[%dma_start3A, %dma_start3A_51] : memref<64x128xi32, #tpu.memory_space<vmem>> -> memref<1x128xi32, #tpu.memory_space<vmem>>
    %dma_start3A_53 = tpu.memref_squeeze %dma_start3A_52 : memref<1x128xi32, #tpu.memory_space<vmem>> -> memref<128xi32, #tpu.memory_space<vmem>>
    %dma_start3A_54 = arith.constant 0 : i32
    %dma_start3A_55 = arith.constant 0 : i32
    %dma_start3A_56 = tpu.memref_slice %arg2[%dma_start3A_54, %dma_start3A_55] : memref<200000x64xf32, #tpu.memory_space<hbm>> -> memref<200000x64xf32, #tpu.memory_space<hbm>>
    tpu.enqueue_indirect_dma source(%dma_start3A_56 : memref<200000x64xf32, #tpu.memory_space<hbm>>) target(%arg11 : memref<128x64xf32, #tpu.memory_space<vmem>>) offsets(%dma_start3A_53 : memref<128xi32, #tpu.memory_space<vmem>>) semaphore(%arg15 : memref<!tpu.dma_semaphore, #tpu.memory_space<semaphore_mem>>)
    %scan3A_57 = arith.constant 0 : i32
    %scan3A_58 = arith.constant 0 : i32
    %scan3A_59 = arith.constant 32 : i32
    %scan3A_60 = arith.addi %scan3A_58, %scan3A_59 : i32
    %scan3A_61 = arith.constant 1 : i32
    %scan3A_62 = scf.for %scan3A_260 = %scan3A_58 to %scan3A_60 step %scan3A_61 iter_args(%scan3A_261 = %scan3A_57) -> (i32)  : i32 {
      %mul3A_262 = arith.constant 2 : i32
      %mul3A_263 = arith.muli %mul3A_262, %scan3A_260 : i32
      %add3A_264 = arith.constant 1 : i32
      %add3A_265 = arith.addi %mul3A_263, %add3A_264 : i32
      %gt3A = arith.constant 0 : i32
      %gt3A_266 = arith.cmpi sgt, %scan3A_260, %gt3A : i32
      %convert_element_type3A = arith.extui %gt3A_266 : i1 to i32
      %cond3A = arith.constant 0 : i32
      %cond3A_267 = arith.cmpi ne, %convert_element_type3A, %cond3A : i32
      scf.if %cond3A_267 {
        %sub3A = arith.constant 1 : i32
        %sub3A_303 = arith.subi %mul3A_263, %sub3A : i32
        %dma_wait3A_304 = arith.constant 0 : i32
        %dma_wait3A_305 = tpu.memref_slice %arg9[%sub3A_303, %dma_wait3A_304] : memref<64x128xi32, #tpu.memory_space<vmem>> -> memref<1x128xi32, #tpu.memory_space<vmem>>
        %dma_wait3A_306 = tpu.memref_squeeze %dma_wait3A_305 : memref<1x128xi32, #tpu.memory_space<vmem>> -> memref<128xi32, #tpu.memory_space<vmem>>
        %dma_wait3A_307 = arith.constant 0 : i32
        %dma_wait3A_308 = arith.constant 0 : i32
        %dma_wait3A_309 = tpu.memref_slice %arg7[%dma_wait3A_307, %dma_wait3A_308] : memref<16384x64xf32, #tpu.memory_space<vmem_shared>> -> memref<16384x64xf32, #tpu.memory_space<vmem_shared>>
        tpu.wait_indirect_dma semaphore(%arg18 : memref<!tpu.dma_semaphore, #tpu.memory_space<semaphore_mem>>) src(%arg12 : memref<128x64xf32, #tpu.memory_space<vmem>>) dst(%dma_wait3A_309 : memref<16384x64xf32, #tpu.memory_space<vmem_shared>>)
      } else {
      }
      %dma_start3A_268 = arith.constant 0 : i32
      %dma_start3A_269 = tpu.memref_slice %arg10[%add3A_265, %dma_start3A_268] : memref<64x128xi32, #tpu.memory_space<vmem>> -> memref<1x128xi32, #tpu.memory_space<vmem>>
      %dma_start3A_270 = tpu.memref_squeeze %dma_start3A_269 : memref<1x128xi32, #tpu.memory_space<vmem>> -> memref<128xi32, #tpu.memory_space<vmem>>
      %dma_start3A_271 = arith.constant 0 : i32
      %dma_start3A_272 = arith.constant 0 : i32
      %dma_start3A_273 = tpu.memref_slice %arg2[%dma_start3A_271, %dma_start3A_272] : memref<200000x64xf32, #tpu.memory_space<hbm>> -> memref<200000x64xf32, #tpu.memory_space<hbm>>
      tpu.enqueue_indirect_dma source(%dma_start3A_273 : memref<200000x64xf32, #tpu.memory_space<hbm>>) target(%arg12 : memref<128x64xf32, #tpu.memory_space<vmem>>) offsets(%dma_start3A_270 : memref<128xi32, #tpu.memory_space<vmem>>) semaphore(%arg16 : memref<!tpu.dma_semaphore, #tpu.memory_space<semaphore_mem>>)
      %dma_wait3A_274 = arith.constant 0 : i32
      %dma_wait3A_275 = tpu.memref_slice %arg10[%mul3A_263, %dma_wait3A_274] : memref<64x128xi32, #tpu.memory_space<vmem>> -> memref<1x128xi32, #tpu.memory_space<vmem>>
      %dma_wait3A_276 = tpu.memref_squeeze %dma_wait3A_275 : memref<1x128xi32, #tpu.memory_space<vmem>> -> memref<128xi32, #tpu.memory_space<vmem>>
      %dma_wait3A_277 = arith.constant 0 : i32
      %dma_wait3A_278 = arith.constant 0 : i32
      %dma_wait3A_279 = tpu.memref_slice %arg2[%dma_wait3A_277, %dma_wait3A_278] : memref<200000x64xf32, #tpu.memory_space<hbm>> -> memref<200000x64xf32, #tpu.memory_space<hbm>>
      tpu.wait_indirect_dma semaphore(%arg15 : memref<!tpu.dma_semaphore, #tpu.memory_space<semaphore_mem>>) src(%dma_wait3A_279 : memref<200000x64xf32, #tpu.memory_space<hbm>>) dst(%arg11 : memref<128x64xf32, #tpu.memory_space<vmem>>)
      %dma_start3A_280 = arith.constant 0 : i32
      %dma_start3A_281 = tpu.memref_slice %arg9[%mul3A_263, %dma_start3A_280] : memref<64x128xi32, #tpu.memory_space<vmem>> -> memref<1x128xi32, #tpu.memory_space<vmem>>
      %dma_start3A_282 = tpu.memref_squeeze %dma_start3A_281 : memref<1x128xi32, #tpu.memory_space<vmem>> -> memref<128xi32, #tpu.memory_space<vmem>>
      %dma_start3A_283 = arith.constant 0 : i32
      %dma_start3A_284 = arith.constant 0 : i32
      %dma_start3A_285 = tpu.memref_slice %arg7[%dma_start3A_283, %dma_start3A_284] : memref<16384x64xf32, #tpu.memory_space<vmem_shared>> -> memref<16384x64xf32, #tpu.memory_space<vmem_shared>>
      tpu.enqueue_indirect_dma source(%arg11 : memref<128x64xf32, #tpu.memory_space<vmem>>) target(%dma_start3A_285 : memref<16384x64xf32, #tpu.memory_space<vmem_shared>>) offsets(%dma_start3A_282 : memref<128xi32, #tpu.memory_space<vmem>>) semaphore(%arg17 : memref<!tpu.dma_semaphore, #tpu.memory_space<semaphore_mem>>) {add = true}
      "tpu.region"() ({
        %run_scoped3A_303 = tpu.sem_alloc : memref<!tpu.dma_semaphore, #tpu.memory_space<semaphore_mem>>
        %dma_start3A_304 = arith.constant 0 : i32
        %dma_start3A_305 = tpu.memref_slice %arg9[%mul3A_263, %dma_start3A_304] : memref<64x128xi32, #tpu.memory_space<vmem>> -> memref<1x128xi32, #tpu.memory_space<vmem>>
        %dma_start3A_306 = tpu.memref_squeeze %dma_start3A_305 : memref<1x128xi32, #tpu.memory_space<vmem>> -> memref<128xi32, #tpu.memory_space<vmem>>
        %dma_start3A_307 = arith.constant 0 : i32
        %dma_start3A_308 = arith.constant 0 : i32
        %dma_start3A_309 = tpu.memref_slice %arg8[%dma_start3A_307, %dma_start3A_308] : memref<16384x16xf32, #tpu.memory_space<vmem_shared>> -> memref<16384x16xf32, #tpu.memory_space<vmem_shared>>
        tpu.enqueue_indirect_dma source(%arg13 : memref<128x16xf32, #tpu.memory_space<vmem>>) target(%dma_start3A_309 : memref<16384x16xf32, #tpu.memory_space<vmem_shared>>) offsets(%dma_start3A_306 : memref<128xi32, #tpu.memory_space<vmem>>) semaphore(%run_scoped3A_303 : memref<!tpu.dma_semaphore, #tpu.memory_space<semaphore_mem>>) {add = true}
        %dma_wait3A_310 = arith.constant 0 : i32
        %dma_wait3A_311 = tpu.memref_slice %arg9[%mul3A_263, %dma_wait3A_310] : memref<64x128xi32, #tpu.memory_space<vmem>> -> memref<1x128xi32, #tpu.memory_space<vmem>>
        %dma_wait3A_312 = tpu.memref_squeeze %dma_wait3A_311 : memref<1x128xi32, #tpu.memory_space<vmem>> -> memref<128xi32, #tpu.memory_space<vmem>>
        %dma_wait3A_313 = arith.constant 0 : i32
        %dma_wait3A_314 = arith.constant 0 : i32
        %dma_wait3A_315 = tpu.memref_slice %arg8[%dma_wait3A_313, %dma_wait3A_314] : memref<16384x16xf32, #tpu.memory_space<vmem_shared>> -> memref<16384x16xf32, #tpu.memory_space<vmem_shared>>
        tpu.wait_indirect_dma semaphore(%run_scoped3A_303 : memref<!tpu.dma_semaphore, #tpu.memory_space<semaphore_mem>>) src(%arg13 : memref<128x16xf32, #tpu.memory_space<vmem>>) dst(%dma_wait3A_315 : memref<16384x16xf32, #tpu.memory_space<vmem_shared>>)
        tpu.yield
      }) : () -> ()
      %lt3A = arith.constant 63 : i32
      %lt3A_286 = arith.cmpi slt, %add3A_265, %lt3A : i32
      %convert_element_type3A_287 = arith.extui %lt3A_286 : i1 to i32
      %cond3A_288 = arith.constant 0 : i32
      %cond3A_289 = arith.cmpi ne, %convert_element_type3A_287, %cond3A_288 : i32
      scf.if %cond3A_289 {
        %dma_wait3A_303 = arith.constant 0 : i32
        %dma_wait3A_304 = tpu.memref_slice %arg9[%mul3A_263, %dma_wait3A_303] : memref<64x128xi32, #tpu.memory_space<vmem>> -> memref<1x128xi32, #tpu.memory_space<vmem>>
        %dma_wait3A_305 = tpu.memref_squeeze %dma_wait3A_304 : memref<1x128xi32, #tpu.memory_space<vmem>> -> memref<128xi32, #tpu.memory_space<vmem>>
        %dma_wait3A_306 = arith.constant 0 : i32
        %dma_wait3A_307 = arith.constant 0 : i32
        %dma_wait3A_308 = tpu.memref_slice %arg7[%dma_wait3A_306, %dma_wait3A_307] : memref<16384x64xf32, #tpu.memory_space<vmem_shared>> -> memref<16384x64xf32, #tpu.memory_space<vmem_shared>>
        tpu.wait_indirect_dma semaphore(%arg17 : memref<!tpu.dma_semaphore, #tpu.memory_space<semaphore_mem>>) src(%arg11 : memref<128x64xf32, #tpu.memory_space<vmem>>) dst(%dma_wait3A_308 : memref<16384x64xf32, #tpu.memory_space<vmem_shared>>)
        %add3A_309 = arith.constant 1 : i32
        %add3A_310 = arith.addi %add3A_265, %add3A_309 : i32
        %dma_start3A_311 = arith.constant 0 : i32
        %dma_start3A_312 = tpu.memref_slice %arg10[%add3A_310, %dma_start3A_311] : memref<64x128xi32, #tpu.memory_space<vmem>> -> memref<1x128xi32, #tpu.memory_space<vmem>>
        %dma_start3A_313 = tpu.memref_squeeze %dma_start3A_312 : memref<1x128xi32, #tpu.memory_space<vmem>> -> memref<128xi32, #tpu.memory_space<vmem>>
        %dma_start3A_314 = arith.constant 0 : i32
        %dma_start3A_315 = arith.constant 0 : i32
        %dma_start3A_316 = tpu.memref_slice %arg2[%dma_start3A_314, %dma_start3A_315] : memref<200000x64xf32, #tpu.memory_space<hbm>> -> memref<200000x64xf32, #tpu.memory_space<hbm>>
        tpu.enqueue_indirect_dma source(%dma_start3A_316 : memref<200000x64xf32, #tpu.memory_space<hbm>>) target(%arg11 : memref<128x64xf32, #tpu.memory_space<vmem>>) offsets(%dma_start3A_313 : memref<128xi32, #tpu.memory_space<vmem>>) semaphore(%arg15 : memref<!tpu.dma_semaphore, #tpu.memory_space<semaphore_mem>>)
      } else {
      }
      %dma_wait3A_290 = arith.constant 0 : i32
      %dma_wait3A_291 = tpu.memref_slice %arg10[%add3A_265, %dma_wait3A_290] : memref<64x128xi32, #tpu.memory_space<vmem>> -> memref<1x128xi32, #tpu.memory_space<vmem>>
      %dma_wait3A_292 = tpu.memref_squeeze %dma_wait3A_291 : memref<1x128xi32, #tpu.memory_space<vmem>> -> memref<128xi32, #tpu.memory_space<vmem>>
      %dma_wait3A_293 = arith.constant 0 : i32
      %dma_wait3A_294 = arith.constant 0 : i32
      %dma_wait3A_295 = tpu.memref_slice %arg2[%dma_wait3A_293, %dma_wait3A_294] : memref<200000x64xf32, #tpu.memory_space<hbm>> -> memref<200000x64xf32, #tpu.memory_space<hbm>>
      tpu.wait_indirect_dma semaphore(%arg16 : memref<!tpu.dma_semaphore, #tpu.memory_space<semaphore_mem>>) src(%dma_wait3A_295 : memref<200000x64xf32, #tpu.memory_space<hbm>>) dst(%arg12 : memref<128x64xf32, #tpu.memory_space<vmem>>)
      %dma_start3A_296 = arith.constant 0 : i32
      %dma_start3A_297 = tpu.memref_slice %arg9[%add3A_265, %dma_start3A_296] : memref<64x128xi32, #tpu.memory_space<vmem>> -> memref<1x128xi32, #tpu.memory_space<vmem>>
      %dma_start3A_298 = tpu.memref_squeeze %dma_start3A_297 : memref<1x128xi32, #tpu.memory_space<vmem>> -> memref<128xi32, #tpu.memory_space<vmem>>
      %dma_start3A_299 = arith.constant 0 : i32
      %dma_start3A_300 = arith.constant 0 : i32
      %dma_start3A_301 = tpu.memref_slice %arg7[%dma_start3A_299, %dma_start3A_300] : memref<16384x64xf32, #tpu.memory_space<vmem_shared>> -> memref<16384x64xf32, #tpu.memory_space<vmem_shared>>
      tpu.enqueue_indirect_dma source(%arg12 : memref<128x64xf32, #tpu.memory_space<vmem>>) target(%dma_start3A_301 : memref<16384x64xf32, #tpu.memory_space<vmem_shared>>) offsets(%dma_start3A_298 : memref<128xi32, #tpu.memory_space<vmem>>) semaphore(%arg18 : memref<!tpu.dma_semaphore, #tpu.memory_space<semaphore_mem>>) {add = true}
      "tpu.region"() ({
        %run_scoped3A_303 = tpu.sem_alloc : memref<!tpu.dma_semaphore, #tpu.memory_space<semaphore_mem>>
        %dma_start3A_304 = arith.constant 0 : i32
        %dma_start3A_305 = tpu.memref_slice %arg9[%add3A_265, %dma_start3A_304] : memref<64x128xi32, #tpu.memory_space<vmem>> -> memref<1x128xi32, #tpu.memory_space<vmem>>
        %dma_start3A_306 = tpu.memref_squeeze %dma_start3A_305 : memref<1x128xi32, #tpu.memory_space<vmem>> -> memref<128xi32, #tpu.memory_space<vmem>>
        %dma_start3A_307 = arith.constant 0 : i32
        %dma_start3A_308 = arith.constant 0 : i32
        %dma_start3A_309 = tpu.memref_slice %arg8[%dma_start3A_307, %dma_start3A_308] : memref<16384x16xf32, #tpu.memory_space<vmem_shared>> -> memref<16384x16xf32, #tpu.memory_space<vmem_shared>>
        tpu.enqueue_indirect_dma source(%arg13 : memref<128x16xf32, #tpu.memory_space<vmem>>) target(%dma_start3A_309 : memref<16384x16xf32, #tpu.memory_space<vmem_shared>>) offsets(%dma_start3A_306 : memref<128xi32, #tpu.memory_space<vmem>>) semaphore(%run_scoped3A_303 : memref<!tpu.dma_semaphore, #tpu.memory_space<semaphore_mem>>) {add = true}
        %dma_wait3A_310 = arith.constant 0 : i32
        %dma_wait3A_311 = tpu.memref_slice %arg9[%add3A_265, %dma_wait3A_310] : memref<64x128xi32, #tpu.memory_space<vmem>> -> memref<1x128xi32, #tpu.memory_space<vmem>>
        %dma_wait3A_312 = tpu.memref_squeeze %dma_wait3A_311 : memref<1x128xi32, #tpu.memory_space<vmem>> -> memref<128xi32, #tpu.memory_space<vmem>>
        %dma_wait3A_313 = arith.constant 0 : i32
        %dma_wait3A_314 = arith.constant 0 : i32
        %dma_wait3A_315 = tpu.memref_slice %arg8[%dma_wait3A_313, %dma_wait3A_314] : memref<16384x16xf32, #tpu.memory_space<vmem_shared>> -> memref<16384x16xf32, #tpu.memory_space<vmem_shared>>
        tpu.wait_indirect_dma semaphore(%run_scoped3A_303 : memref<!tpu.dma_semaphore, #tpu.memory_space<semaphore_mem>>) src(%arg13 : memref<128x16xf32, #tpu.memory_space<vmem>>) dst(%dma_wait3A_315 : memref<16384x16xf32, #tpu.memory_space<vmem_shared>>)
        tpu.yield
      }) : () -> ()
      %scan3A_302 = arith.constant 0 : i32
      scf.yield %scan3A_302 : i32
    }
    %scan3A_63 = arith.constant 32 : i32
    %dma_wait3A = arith.constant 62 : i32
    %dma_wait3A_64 = arith.constant 0 : i32
    %dma_wait3A_65 = tpu.memref_slice %arg9[%dma_wait3A, %dma_wait3A_64] : memref<64x128xi32, #tpu.memory_space<vmem>> -> memref<1x128xi32, #tpu.memory_space<vmem>>
    %dma_wait3A_66 = tpu.memref_squeeze %dma_wait3A_65 : memref<1x128xi32, #tpu.memory_space<vmem>> -> memref<128xi32, #tpu.memory_space<vmem>>
    %dma_wait3A_67 = arith.constant 0 : i32
    %dma_wait3A_68 = arith.constant 0 : i32
    %dma_wait3A_69 = tpu.memref_slice %arg7[%dma_wait3A_67, %dma_wait3A_68] : memref<16384x64xf32, #tpu.memory_space<vmem_shared>> -> memref<16384x64xf32, #tpu.memory_space<vmem_shared>>
    tpu.wait_indirect_dma semaphore(%arg17 : memref<!tpu.dma_semaphore, #tpu.memory_space<semaphore_mem>>) src(%arg11 : memref<128x64xf32, #tpu.memory_space<vmem>>) dst(%dma_wait3A_69 : memref<16384x64xf32, #tpu.memory_space<vmem_shared>>)
    %dma_wait3A_70 = arith.constant 63 : i32
    %dma_wait3A_71 = arith.constant 0 : i32
    %dma_wait3A_72 = tpu.memref_slice %arg9[%dma_wait3A_70, %dma_wait3A_71] : memref<64x128xi32, #tpu.memory_space<vmem>> -> memref<1x128xi32, #tpu.memory_space<vmem>>
    %dma_wait3A_73 = tpu.memref_squeeze %dma_wait3A_72 : memref<1x128xi32, #tpu.memory_space<vmem>> -> memref<128xi32, #tpu.memory_space<vmem>>
    %dma_wait3A_74 = arith.constant 0 : i32
    %dma_wait3A_75 = arith.constant 0 : i32
    %dma_wait3A_76 = tpu.memref_slice %arg7[%dma_wait3A_74, %dma_wait3A_75] : memref<16384x64xf32, #tpu.memory_space<vmem_shared>> -> memref<16384x64xf32, #tpu.memory_space<vmem_shared>>
    tpu.wait_indirect_dma semaphore(%arg18 : memref<!tpu.dma_semaphore, #tpu.memory_space<semaphore_mem>>) src(%arg12 : memref<128x64xf32, #tpu.memory_space<vmem>>) dst(%dma_wait3A_76 : memref<16384x64xf32, #tpu.memory_space<vmem_shared>>)
    %barrier3A_77 = arith.constant 0 : index
    tpu.barrier barrier_id(%barrier3A_77)
    %mul3A_78 = arith.constant 1024 : i32
    %mul3A_79 = arith.muli %arg1, %mul3A_78 : i32
    %mul3A_80 = arith.constant 1024 : i32
    %mul3A_81 = arith.muli %arg1, %mul3A_80 : i32
    %run_scoped3A = arith.constant 0 : i32
    "tpu.region"() ({
      %run_scoped3A_260 = tpu.sem_alloc : memref<!tpu.dma_semaphore, #tpu.memory_space<semaphore_mem>>
      %dma_start3A_261 = arith.constant 0 : i32
      %dma_start3A_262 = tpu.memref_slice %arg5[%arg0, %run_scoped3A, %mul3A_81, %dma_start3A_261] : memref<2x4x16384x64xf32, #tpu.memory_space<hbm>> -> memref<1x1x1024x64xf32, #tpu.memory_space<hbm>>
      %dma_start3A_263 = tpu.memref_squeeze %dma_start3A_262 : memref<1x1x1024x64xf32, #tpu.memory_space<hbm>> -> memref<1024x64xf32, #tpu.memory_space<hbm>>
      %dma_start3A_264 = arith.constant 0 : i32
      %dma_start3A_265 = tpu.memref_slice %arg7[%mul3A_79, %dma_start3A_264] : memref<16384x64xf32, #tpu.memory_space<vmem_shared>> -> memref<1024x64xf32, #tpu.memory_space<vmem_shared>>
      tpu.enqueue_dma source(%dma_start3A_265 : memref<1024x64xf32, #tpu.memory_space<vmem_shared>>) target(%dma_start3A_263 : memref<1024x64xf32, #tpu.memory_space<hbm>>) target_semaphore(%run_scoped3A_260 : memref<!tpu.dma_semaphore, #tpu.memory_space<semaphore_mem>>)
      %dma_wait3A_266 = arith.constant 0 : i32
      %dma_wait3A_267 = tpu.memref_slice %arg5[%arg0, %run_scoped3A, %mul3A_81, %dma_wait3A_266] : memref<2x4x16384x64xf32, #tpu.memory_space<hbm>> -> memref<1x1x1024x64xf32, #tpu.memory_space<hbm>>
      %dma_wait3A_268 = tpu.memref_squeeze %dma_wait3A_267 : memref<1x1x1024x64xf32, #tpu.memory_space<hbm>> -> memref<1024x64xf32, #tpu.memory_space<hbm>>
      %dma_wait3A_269 = arith.constant 0 : i32
      %dma_wait3A_270 = tpu.memref_slice %arg7[%mul3A_79, %dma_wait3A_269] : memref<16384x64xf32, #tpu.memory_space<vmem_shared>> -> memref<1024x64xf32, #tpu.memory_space<vmem_shared>>
      tpu.wait_dma2 semaphore(%run_scoped3A_260 : memref<!tpu.dma_semaphore, #tpu.memory_space<semaphore_mem>>) src(%dma_wait3A_270 : memref<1024x64xf32, #tpu.memory_space<vmem_shared>>) dst(%dma_wait3A_268 : memref<1024x64xf32, #tpu.memory_space<hbm>>)
      tpu.yield
    }) : () -> ()
    %mul3A_82 = arith.constant 1024 : i32
    %mul3A_83 = arith.muli %arg1, %mul3A_82 : i32
    %mul3A_84 = arith.constant 1024 : i32
    %mul3A_85 = arith.muli %arg1, %mul3A_84 : i32
    "tpu.region"() ({
      %run_scoped3A_260 = tpu.sem_alloc : memref<!tpu.dma_semaphore, #tpu.memory_space<semaphore_mem>>
      %dma_start3A_261 = arith.constant 0 : i32
      %dma_start3A_262 = tpu.memref_slice %arg6[%arg0, %mul3A_85, %dma_start3A_261] : memref<2x16384x16xf32, #tpu.memory_space<hbm>> -> memref<1x1024x16xf32, #tpu.memory_space<hbm>>
      %dma_start3A_263 = tpu.memref_squeeze %dma_start3A_262 : memref<1x1024x16xf32, #tpu.memory_space<hbm>> -> memref<1024x16xf32, #tpu.memory_space<hbm>>
      %dma_start3A_264 = arith.constant 0 : i32
      %dma_start3A_265 = tpu.memref_slice %arg8[%mul3A_83, %dma_start3A_264] : memref<16384x16xf32, #tpu.memory_space<vmem_shared>> -> memref<1024x16xf32, #tpu.memory_space<vmem_shared>>
      tpu.enqueue_dma source(%dma_start3A_265 : memref<1024x16xf32, #tpu.memory_space<vmem_shared>>) target(%dma_start3A_263 : memref<1024x16xf32, #tpu.memory_space<hbm>>) target_semaphore(%run_scoped3A_260 : memref<!tpu.dma_semaphore, #tpu.memory_space<semaphore_mem>>)
      %dma_wait3A_266 = arith.constant 0 : i32
      %dma_wait3A_267 = tpu.memref_slice %arg6[%arg0, %mul3A_85, %dma_wait3A_266] : memref<2x16384x16xf32, #tpu.memory_space<hbm>> -> memref<1x1024x16xf32, #tpu.memory_space<hbm>>
      %dma_wait3A_268 = tpu.memref_squeeze %dma_wait3A_267 : memref<1x1024x16xf32, #tpu.memory_space<hbm>> -> memref<1024x16xf32, #tpu.memory_space<hbm>>
      %dma_wait3A_269 = arith.constant 0 : i32
      %dma_wait3A_270 = tpu.memref_slice %arg8[%mul3A_83, %dma_wait3A_269] : memref<16384x16xf32, #tpu.memory_space<vmem_shared>> -> memref<1024x16xf32, #tpu.memory_space<vmem_shared>>
      tpu.wait_dma2 semaphore(%run_scoped3A_260 : memref<!tpu.dma_semaphore, #tpu.memory_space<semaphore_mem>>) src(%dma_wait3A_270 : memref<1024x16xf32, #tpu.memory_space<vmem_shared>>) dst(%dma_wait3A_268 : memref<1024x16xf32, #tpu.memory_space<hbm>>)
      tpu.yield
    }) : () -> ()
    %scan3A_86 = arith.constant 0 : i32
    %scan3A_87 = arith.constant 0 : i32
    %scan3A_88 = arith.constant 64 : i32
    %scan3A_89 = arith.addi %scan3A_87, %scan3A_88 : i32
    %scan3A_90 = arith.constant 1 : i32
    %scan3A_91 = scf.for %scan3A_260 = %scan3A_87 to %scan3A_89 step %scan3A_90 iter_args(%scan3A_261 = %scan3A_86) -> (i32)  : i32 {
      %get3A = arith.index_cast %scan3A_260 : i32 to index
      %get3A_262 = arith.constant 0 : index
      %get3A_263 = tpu.vector_load %arg10[%get3A, %get3A_262] {strides = array<i32>} : memref<64x128xi32, #tpu.memory_space<vmem>>, vector<1x16xi32>,
      %get3A_264 = vector.shape_cast %get3A_263 : vector<1x16xi32> to vector<16xi32>
      %add3A_265 = arith.constant 1 : i32
      %add3A_266 = vector.broadcast %add3A_265 : i32 to vector<16xi32>
      %add3A_267 = arith.addi %get3A_264, %add3A_266 : vector<16xi32>
      %swap3A = arith.index_cast %scan3A_260 : i32 to index
      %swap3A_268 = arith.constant 0 : index
      %swap3A_269 = tpu.vector_load %arg10[%swap3A, %swap3A_268] {strides = array<i32>} : memref<64x128xi32, #tpu.memory_space<vmem>>, vector<1x16xi32>,
      %swap3A_270 = vector.shape_cast %swap3A_269 : vector<1x16xi32> to vector<16xi32>
      %swap3A_271 = vector.shape_cast %add3A_267 : vector<16xi32> to vector<1x16xi32>
      tpu.vector_store %arg10[%swap3A, %swap3A_268], %swap3A_271 {strides = array<i32>} : memref<64x128xi32, #tpu.memory_space<vmem>>, vector<1x16xi32>,
      %get3A_272 = arith.index_cast %scan3A_260 : i32 to index
      %get3A_273 = arith.constant 16 : index
      %get3A_274 = tpu.vector_load %arg10[%get3A_272, %get3A_273] {strides = array<i32>} : memref<64x128xi32, #tpu.memory_space<vmem>>, vector<1x16xi32>,
      %get3A_275 = vector.shape_cast %get3A_274 : vector<1x16xi32> to vector<16xi32>
      %add3A_276 = arith.constant 1 : i32
      %add3A_277 = vector.broadcast %add3A_276 : i32 to vector<16xi32>
      %add3A_278 = arith.addi %get3A_275, %add3A_277 : vector<16xi32>
      %swap3A_279 = arith.index_cast %scan3A_260 : i32 to index
      %swap3A_280 = arith.constant 16 : index
      %swap3A_281 = tpu.vector_load %arg10[%swap3A_279, %swap3A_280] {strides = array<i32>} : memref<64x128xi32, #tpu.memory_space<vmem>>, vector<1x16xi32>,
      %swap3A_282 = vector.shape_cast %swap3A_281 : vector<1x16xi32> to vector<16xi32>
      %swap3A_283 = vector.shape_cast %add3A_278 : vector<16xi32> to vector<1x16xi32>
      tpu.vector_store %arg10[%swap3A_279, %swap3A_280], %swap3A_283 {strides = array<i32>} : memref<64x128xi32, #tpu.memory_space<vmem>>, vector<1x16xi32>,
      %get3A_284 = arith.index_cast %scan3A_260 : i32 to index
      %get3A_285 = arith.constant 32 : index
      %get3A_286 = tpu.vector_load %arg10[%get3A_284, %get3A_285] {strides = array<i32>} : memref<64x128xi32, #tpu.memory_space<vmem>>, vector<1x16xi32>,
      %get3A_287 = vector.shape_cast %get3A_286 : vector<1x16xi32> to vector<16xi32>
      %add3A_288 = arith.constant 1 : i32
      %add3A_289 = vector.broadcast %add3A_288 : i32 to vector<16xi32>
      %add3A_290 = arith.addi %get3A_287, %add3A_289 : vector<16xi32>
      %swap3A_291 = arith.index_cast %scan3A_260 : i32 to index
      %swap3A_292 = arith.constant 32 : index
      %swap3A_293 = tpu.vector_load %arg10[%swap3A_291, %swap3A_292] {strides = array<i32>} : memref<64x128xi32, #tpu.memory_space<vmem>>, vector<1x16xi32>,
      %swap3A_294 = vector.shape_cast %swap3A_293 : vector<1x16xi32> to vector<16xi32>
      %swap3A_295 = vector.shape_cast %add3A_290 : vector<16xi32> to vector<1x16xi32>
      tpu.vector_store %arg10[%swap3A_291, %swap3A_292], %swap3A_295 {strides = array<i32>} : memref<64x128xi32, #tpu.memory_space<vmem>>, vector<1x16xi32>,
      %get3A_296 = arith.index_cast %scan3A_260 : i32 to index
      %get3A_297 = arith.constant 48 : index
      %get3A_298 = tpu.vector_load %arg10[%get3A_296, %get3A_297] {strides = array<i32>} : memref<64x128xi32, #tpu.memory_space<vmem>>, vector<1x16xi32>,
      %get3A_299 = vector.shape_cast %get3A_298 : vector<1x16xi32> to vector<16xi32>
      %add3A_300 = arith.constant 1 : i32
      %add3A_301 = vector.broadcast %add3A_300 : i32 to vector<16xi32>
      %add3A_302 = arith.addi %get3A_299, %add3A_301 : vector<16xi32>
      %swap3A_303 = arith.index_cast %scan3A_260 : i32 to index
      %swap3A_304 = arith.constant 48 : index
      %swap3A_305 = tpu.vector_load %arg10[%swap3A_303, %swap3A_304] {strides = array<i32>} : memref<64x128xi32, #tpu.memory_space<vmem>>, vector<1x16xi32>,
      %swap3A_306 = vector.shape_cast %swap3A_305 : vector<1x16xi32> to vector<16xi32>
      %swap3A_307 = vector.shape_cast %add3A_302 : vector<16xi32> to vector<1x16xi32>
      tpu.vector_store %arg10[%swap3A_303, %swap3A_304], %swap3A_307 {strides = array<i32>} : memref<64x128xi32, #tpu.memory_space<vmem>>, vector<1x16xi32>,
      %get3A_308 = arith.index_cast %scan3A_260 : i32 to index
      %get3A_309 = arith.constant 64 : index
      %get3A_310 = tpu.vector_load %arg10[%get3A_308, %get3A_309] {strides = array<i32>} : memref<64x128xi32, #tpu.memory_space<vmem>>, vector<1x16xi32>,
      %get3A_311 = vector.shape_cast %get3A_310 : vector<1x16xi32> to vector<16xi32>
      %add3A_312 = arith.constant 1 : i32
      %add3A_313 = vector.broadcast %add3A_312 : i32 to vector<16xi32>
      %add3A_314 = arith.addi %get3A_311, %add3A_313 : vector<16xi32>
      %swap3A_315 = arith.index_cast %scan3A_260 : i32 to index
      %swap3A_316 = arith.constant 64 : index
      %swap3A_317 = tpu.vector_load %arg10[%swap3A_315, %swap3A_316] {strides = array<i32>} : memref<64x128xi32, #tpu.memory_space<vmem>>, vector<1x16xi32>,
      %swap3A_318 = vector.shape_cast %swap3A_317 : vector<1x16xi32> to vector<16xi32>
      %swap3A_319 = vector.shape_cast %add3A_314 : vector<16xi32> to vector<1x16xi32>
      tpu.vector_store %arg10[%swap3A_315, %swap3A_316], %swap3A_319 {strides = array<i32>} : memref<64x128xi32, #tpu.memory_space<vmem>>, vector<1x16xi32>,
      %get3A_320 = arith.index_cast %scan3A_260 : i32 to index
      %get3A_321 = arith.constant 80 : index
      %get3A_322 = tpu.vector_load %arg10[%get3A_320, %get3A_321] {strides = array<i32>} : memref<64x128xi32, #tpu.memory_space<vmem>>, vector<1x16xi32>,
      %get3A_323 = vector.shape_cast %get3A_322 : vector<1x16xi32> to vector<16xi32>
      %add3A_324 = arith.constant 1 : i32
      %add3A_325 = vector.broadcast %add3A_324 : i32 to vector<16xi32>
      %add3A_326 = arith.addi %get3A_323, %add3A_325 : vector<16xi32>
      %swap3A_327 = arith.index_cast %scan3A_260 : i32 to index
      %swap3A_328 = arith.constant 80 : index
      %swap3A_329 = tpu.vector_load %arg10[%swap3A_327, %swap3A_328] {strides = array<i32>} : memref<64x128xi32, #tpu.memory_space<vmem>>, vector<1x16xi32>,
      %swap3A_330 = vector.shape_cast %swap3A_329 : vector<1x16xi32> to vector<16xi32>
      %swap3A_331 = vector.shape_cast %add3A_326 : vector<16xi32> to vector<1x16xi32>
      tpu.vector_store %arg10[%swap3A_327, %swap3A_328], %swap3A_331 {strides = array<i32>} : memref<64x128xi32, #tpu.memory_space<vmem>>, vector<1x16xi32>,
      %get3A_332 = arith.index_cast %scan3A_260 : i32 to index
      %get3A_333 = arith.constant 96 : index
      %get3A_334 = tpu.vector_load %arg10[%get3A_332, %get3A_333] {strides = array<i32>} : memref<64x128xi32, #tpu.memory_space<vmem>>, vector<1x16xi32>,
      %get3A_335 = vector.shape_cast %get3A_334 : vector<1x16xi32> to vector<16xi32>
      %add3A_336 = arith.constant 1 : i32
      %add3A_337 = vector.broadcast %add3A_336 : i32 to vector<16xi32>
      %add3A_338 = arith.addi %get3A_335, %add3A_337 : vector<16xi32>
      %swap3A_339 = arith.index_cast %scan3A_260 : i32 to index
      %swap3A_340 = arith.constant 96 : index
      %swap3A_341 = tpu.vector_load %arg10[%swap3A_339, %swap3A_340] {strides = array<i32>} : memref<64x128xi32, #tpu.memory_space<vmem>>, vector<1x16xi32>,
      %swap3A_342 = vector.shape_cast %swap3A_341 : vector<1x16xi32> to vector<16xi32>
      %swap3A_343 = vector.shape_cast %add3A_338 : vector<16xi32> to vector<1x16xi32>
      tpu.vector_store %arg10[%swap3A_339, %swap3A_340], %swap3A_343 {strides = array<i32>} : memref<64x128xi32, #tpu.memory_space<vmem>>, vector<1x16xi32>,
      %get3A_344 = arith.index_cast %scan3A_260 : i32 to index
      %get3A_345 = arith.constant 112 : index
      %get3A_346 = tpu.vector_load %arg10[%get3A_344, %get3A_345] {strides = array<i32>} : memref<64x128xi32, #tpu.memory_space<vmem>>, vector<1x16xi32>,
      %get3A_347 = vector.shape_cast %get3A_346 : vector<1x16xi32> to vector<16xi32>
      %add3A_348 = arith.constant 1 : i32
      %add3A_349 = vector.broadcast %add3A_348 : i32 to vector<16xi32>
      %add3A_350 = arith.addi %get3A_347, %add3A_349 : vector<16xi32>
      %swap3A_351 = arith.index_cast %scan3A_260 : i32 to index
      %swap3A_352 = arith.constant 112 : index
      %swap3A_353 = tpu.vector_load %arg10[%swap3A_351, %swap3A_352] {strides = array<i32>} : memref<64x128xi32, #tpu.memory_space<vmem>>, vector<1x16xi32>,
      %swap3A_354 = vector.shape_cast %swap3A_353 : vector<1x16xi32> to vector<16xi32>
      %swap3A_355 = vector.shape_cast %add3A_350 : vector<16xi32> to vector<1x16xi32>
      tpu.vector_store %arg10[%swap3A_351, %swap3A_352], %swap3A_355 {strides = array<i32>} : memref<64x128xi32, #tpu.memory_space<vmem>>, vector<1x16xi32>,
      %scan3A_356 = arith.constant 0 : i32
      scf.yield %scan3A_356 : i32
    }
    %scan3A_92 = arith.constant 64 : i32
    %broadcast_in_dim3A_93 = arith.constant 0.000000e+00 : f32
    %broadcast_in_dim3A_94 = vector.broadcast %broadcast_in_dim3A_93 : f32 to vector<16xf32>
    %scan3A_95 = arith.constant 0 : i32
    %scan3A_96 = arith.constant 0 : i32
    %scan3A_97 = arith.constant 128 : i32
    %scan3A_98 = arith.addi %scan3A_96, %scan3A_97 : i32
    %scan3A_99 = arith.constant 1 : i32
    %scan3A_100 = scf.for %scan3A_260 = %scan3A_96 to %scan3A_98 step %scan3A_99 iter_args(%scan3A_261 = %scan3A_95) -> (i32)  : i32 {
      %swap3A = arith.index_cast %scan3A_260 : i32 to index
      %swap3A_262 = arith.constant 0 : index
      %swap3A_263 = tpu.vector_load %arg11[%swap3A, %swap3A_262] {strides = array<i32>} : memref<128x64xf32, #tpu.memory_space<vmem>>, vector<1x16xf32>,
      %swap3A_264 = vector.shape_cast %swap3A_263 : vector<1x16xf32> to vector<16xf32>
      %swap3A_265 = vector.shape_cast %broadcast_in_dim3A_94 : vector<16xf32> to vector<1x16xf32>
      tpu.vector_store %arg11[%swap3A, %swap3A_262], %swap3A_265 {strides = array<i32>} : memref<128x64xf32, #tpu.memory_space<vmem>>, vector<1x16xf32>,
      %swap3A_266 = arith.index_cast %scan3A_260 : i32 to index
      %swap3A_267 = arith.constant 16 : index
      %swap3A_268 = tpu.vector_load %arg11[%swap3A_266, %swap3A_267] {strides = array<i32>} : memref<128x64xf32, #tpu.memory_space<vmem>>, vector<1x16xf32>,
      %swap3A_269 = vector.shape_cast %swap3A_268 : vector<1x16xf32> to vector<16xf32>
      %swap3A_270 = vector.shape_cast %broadcast_in_dim3A_94 : vector<16xf32> to vector<1x16xf32>
      tpu.vector_store %arg11[%swap3A_266, %swap3A_267], %swap3A_270 {strides = array<i32>} : memref<128x64xf32, #tpu.memory_space<vmem>>, vector<1x16xf32>,
      %swap3A_271 = arith.index_cast %scan3A_260 : i32 to index
      %swap3A_272 = arith.constant 32 : index
      %swap3A_273 = tpu.vector_load %arg11[%swap3A_271, %swap3A_272] {strides = array<i32>} : memref<128x64xf32, #tpu.memory_space<vmem>>, vector<1x16xf32>,
      %swap3A_274 = vector.shape_cast %swap3A_273 : vector<1x16xf32> to vector<16xf32>
      %swap3A_275 = vector.shape_cast %broadcast_in_dim3A_94 : vector<16xf32> to vector<1x16xf32>
      tpu.vector_store %arg11[%swap3A_271, %swap3A_272], %swap3A_275 {strides = array<i32>} : memref<128x64xf32, #tpu.memory_space<vmem>>, vector<1x16xf32>,
      %swap3A_276 = arith.index_cast %scan3A_260 : i32 to index
      %swap3A_277 = arith.constant 48 : index
      %swap3A_278 = tpu.vector_load %arg11[%swap3A_276, %swap3A_277] {strides = array<i32>} : memref<128x64xf32, #tpu.memory_space<vmem>>, vector<1x16xf32>,
      %swap3A_279 = vector.shape_cast %swap3A_278 : vector<1x16xf32> to vector<16xf32>
      %swap3A_280 = vector.shape_cast %broadcast_in_dim3A_94 : vector<16xf32> to vector<1x16xf32>
      tpu.vector_store %arg11[%swap3A_276, %swap3A_277], %swap3A_280 {strides = array<i32>} : memref<128x64xf32, #tpu.memory_space<vmem>>, vector<1x16xf32>,
      %scan3A_281 = arith.constant 0 : i32
      scf.yield %scan3A_281 : i32
    }
    %scan3A_101 = arith.constant 128 : i32
    %scan3A_102 = arith.constant 0 : i32
    %scan3A_103 = arith.constant 0 : i32
    %scan3A_104 = arith.constant 8 : i32
    %scan3A_105 = arith.addi %scan3A_103, %scan3A_104 : i32
    %scan3A_106 = arith.constant 1 : i32
    %scan3A_107 = scf.for %scan3A_260 = %scan3A_103 to %scan3A_105 step %scan3A_106 iter_args(%scan3A_261 = %scan3A_102) -> (i32)  : i32 {
      %mul3A_262 = arith.constant 1024 : i32
      %mul3A_263 = arith.muli %arg1, %mul3A_262 : i32
      %mul3A_264 = arith.constant 128 : i32
      %mul3A_265 = arith.muli %scan3A_260, %mul3A_264 : i32
      %add3A_266 = arith.addi %mul3A_263, %mul3A_265 : i32
      "tpu.region"() ({
        %run_scoped3A_268 = tpu.sem_alloc : memref<!tpu.dma_semaphore, #tpu.memory_space<semaphore_mem>>
        %dma_start3A_269 = arith.constant 0 : i32
        %dma_start3A_270 = tpu.memref_slice %arg7[%add3A_266, %dma_start3A_269] : memref<16384x64xf32, #tpu.memory_space<vmem_shared>> -> memref<128x64xf32, #tpu.memory_space<vmem_shared>>
        %dma_start3A_271 = arith.constant 0 : i32
        %dma_start3A_272 = tpu.memref_slice %arg7[%add3A_266, %dma_start3A_271] : memref<16384x64xf32, #tpu.memory_space<vmem_shared>> -> memref<128x64xf32, #tpu.memory_space<vmem_shared>>
        tpu.enqueue_dma source(%arg11 : memref<128x64xf32, #tpu.memory_space<vmem>>) target(%dma_start3A_272 : memref<128x64xf32, #tpu.memory_space<vmem_shared>>) target_semaphore(%run_scoped3A_268 : memref<!tpu.dma_semaphore, #tpu.memory_space<semaphore_mem>>)
        %dma_wait3A_273 = arith.constant 0 : i32
        %dma_wait3A_274 = tpu.memref_slice %arg7[%add3A_266, %dma_wait3A_273] : memref<16384x64xf32, #tpu.memory_space<vmem_shared>> -> memref<128x64xf32, #tpu.memory_space<vmem_shared>>
        %dma_wait3A_275 = arith.constant 0 : i32
        %dma_wait3A_276 = tpu.memref_slice %arg7[%add3A_266, %dma_wait3A_275] : memref<16384x64xf32, #tpu.memory_space<vmem_shared>> -> memref<128x64xf32, #tpu.memory_space<vmem_shared>>
        tpu.wait_dma2 semaphore(%run_scoped3A_268 : memref<!tpu.dma_semaphore, #tpu.memory_space<semaphore_mem>>) src(%arg11 : memref<128x64xf32, #tpu.memory_space<vmem>>) dst(%dma_wait3A_276 : memref<128x64xf32, #tpu.memory_space<vmem_shared>>)
        tpu.yield
      }) : () -> ()
      %scan3A_267 = arith.constant 0 : i32
      scf.yield %scan3A_267 : i32
    }
    %scan3A_108 = arith.constant 8 : i32
    %barrier3A_109 = arith.constant 0 : index
    tpu.barrier barrier_id(%barrier3A_109)
    %dma_start3A_110 = arith.constant 0 : i32
    %dma_start3A_111 = arith.constant 0 : i32
    %dma_start3A_112 = tpu.memref_slice %arg10[%dma_start3A_110, %dma_start3A_111] : memref<64x128xi32, #tpu.memory_space<vmem>> -> memref<1x128xi32, #tpu.memory_space<vmem>>
    %dma_start3A_113 = tpu.memref_squeeze %dma_start3A_112 : memref<1x128xi32, #tpu.memory_space<vmem>> -> memref<128xi32, #tpu.memory_space<vmem>>
    %dma_start3A_114 = arith.constant 0 : i32
    %dma_start3A_115 = arith.constant 0 : i32
    %dma_start3A_116 = tpu.memref_slice %arg2[%dma_start3A_114, %dma_start3A_115] : memref<200000x64xf32, #tpu.memory_space<hbm>> -> memref<200000x64xf32, #tpu.memory_space<hbm>>
    tpu.enqueue_indirect_dma source(%dma_start3A_116 : memref<200000x64xf32, #tpu.memory_space<hbm>>) target(%arg11 : memref<128x64xf32, #tpu.memory_space<vmem>>) offsets(%dma_start3A_113 : memref<128xi32, #tpu.memory_space<vmem>>) semaphore(%arg15 : memref<!tpu.dma_semaphore, #tpu.memory_space<semaphore_mem>>)
    %scan3A_117 = arith.constant 0 : i32
    %scan3A_118 = arith.constant 0 : i32
    %scan3A_119 = arith.constant 32 : i32
    %scan3A_120 = arith.addi %scan3A_118, %scan3A_119 : i32
    %scan3A_121 = arith.constant 1 : i32
    %scan3A_122 = scf.for %scan3A_260 = %scan3A_118 to %scan3A_120 step %scan3A_121 iter_args(%scan3A_261 = %scan3A_117) -> (i32)  : i32 {
      %mul3A_262 = arith.constant 2 : i32
      %mul3A_263 = arith.muli %mul3A_262, %scan3A_260 : i32
      %add3A_264 = arith.constant 1 : i32
      %add3A_265 = arith.addi %mul3A_263, %add3A_264 : i32
      %gt3A = arith.constant 0 : i32
      %gt3A_266 = arith.cmpi sgt, %scan3A_260, %gt3A : i32
      %convert_element_type3A = arith.extui %gt3A_266 : i1 to i32
      %cond3A = arith.constant 0 : i32
      %cond3A_267 = arith.cmpi ne, %convert_element_type3A, %cond3A : i32
      scf.if %cond3A_267 {
        %sub3A = arith.constant 1 : i32
        %sub3A_303 = arith.subi %mul3A_263, %sub3A : i32
        %dma_wait3A_304 = arith.constant 0 : i32
        %dma_wait3A_305 = tpu.memref_slice %arg9[%sub3A_303, %dma_wait3A_304] : memref<64x128xi32, #tpu.memory_space<vmem>> -> memref<1x128xi32, #tpu.memory_space<vmem>>
        %dma_wait3A_306 = tpu.memref_squeeze %dma_wait3A_305 : memref<1x128xi32, #tpu.memory_space<vmem>> -> memref<128xi32, #tpu.memory_space<vmem>>
        %dma_wait3A_307 = arith.constant 0 : i32
        %dma_wait3A_308 = arith.constant 0 : i32
        %dma_wait3A_309 = tpu.memref_slice %arg7[%dma_wait3A_307, %dma_wait3A_308] : memref<16384x64xf32, #tpu.memory_space<vmem_shared>> -> memref<16384x64xf32, #tpu.memory_space<vmem_shared>>
        tpu.wait_indirect_dma semaphore(%arg18 : memref<!tpu.dma_semaphore, #tpu.memory_space<semaphore_mem>>) src(%arg12 : memref<128x64xf32, #tpu.memory_space<vmem>>) dst(%dma_wait3A_309 : memref<16384x64xf32, #tpu.memory_space<vmem_shared>>)
      } else {
      }
      %dma_start3A_268 = arith.constant 0 : i32
      %dma_start3A_269 = tpu.memref_slice %arg10[%add3A_265, %dma_start3A_268] : memref<64x128xi32, #tpu.memory_space<vmem>> -> memref<1x128xi32, #tpu.memory_space<vmem>>
      %dma_start3A_270 = tpu.memref_squeeze %dma_start3A_269 : memref<1x128xi32, #tpu.memory_space<vmem>> -> memref<128xi32, #tpu.memory_space<vmem>>
      %dma_start3A_271 = arith.constant 0 : i32
      %dma_start3A_272 = arith.constant 0 : i32
      %dma_start3A_273 = tpu.memref_slice %arg2[%dma_start3A_271, %dma_start3A_272] : memref<200000x64xf32, #tpu.memory_space<hbm>> -> memref<200000x64xf32, #tpu.memory_space<hbm>>
      tpu.enqueue_indirect_dma source(%dma_start3A_273 : memref<200000x64xf32, #tpu.memory_space<hbm>>) target(%arg12 : memref<128x64xf32, #tpu.memory_space<vmem>>) offsets(%dma_start3A_270 : memref<128xi32, #tpu.memory_space<vmem>>) semaphore(%arg16 : memref<!tpu.dma_semaphore, #tpu.memory_space<semaphore_mem>>)
      %dma_wait3A_274 = arith.constant 0 : i32
      %dma_wait3A_275 = tpu.memref_slice %arg10[%mul3A_263, %dma_wait3A_274] : memref<64x128xi32, #tpu.memory_space<vmem>> -> memref<1x128xi32, #tpu.memory_space<vmem>>
      %dma_wait3A_276 = tpu.memref_squeeze %dma_wait3A_275 : memref<1x128xi32, #tpu.memory_space<vmem>> -> memref<128xi32, #tpu.memory_space<vmem>>
      %dma_wait3A_277 = arith.constant 0 : i32
      %dma_wait3A_278 = arith.constant 0 : i32
      %dma_wait3A_279 = tpu.memref_slice %arg2[%dma_wait3A_277, %dma_wait3A_278] : memref<200000x64xf32, #tpu.memory_space<hbm>> -> memref<200000x64xf32, #tpu.memory_space<hbm>>
      tpu.wait_indirect_dma semaphore(%arg15 : memref<!tpu.dma_semaphore, #tpu.memory_space<semaphore_mem>>) src(%dma_wait3A_279 : memref<200000x64xf32, #tpu.memory_space<hbm>>) dst(%arg11 : memref<128x64xf32, #tpu.memory_space<vmem>>)
      %dma_start3A_280 = arith.constant 0 : i32
      %dma_start3A_281 = tpu.memref_slice %arg9[%mul3A_263, %dma_start3A_280] : memref<64x128xi32, #tpu.memory_space<vmem>> -> memref<1x128xi32, #tpu.memory_space<vmem>>
      %dma_start3A_282 = tpu.memref_squeeze %dma_start3A_281 : memref<1x128xi32, #tpu.memory_space<vmem>> -> memref<128xi32, #tpu.memory_space<vmem>>
      %dma_start3A_283 = arith.constant 0 : i32
      %dma_start3A_284 = arith.constant 0 : i32
      %dma_start3A_285 = tpu.memref_slice %arg7[%dma_start3A_283, %dma_start3A_284] : memref<16384x64xf32, #tpu.memory_space<vmem_shared>> -> memref<16384x64xf32, #tpu.memory_space<vmem_shared>>
      tpu.enqueue_indirect_dma source(%arg11 : memref<128x64xf32, #tpu.memory_space<vmem>>) target(%dma_start3A_285 : memref<16384x64xf32, #tpu.memory_space<vmem_shared>>) offsets(%dma_start3A_282 : memref<128xi32, #tpu.memory_space<vmem>>) semaphore(%arg17 : memref<!tpu.dma_semaphore, #tpu.memory_space<semaphore_mem>>) {add = true}
      %lt3A = arith.constant 63 : i32
      %lt3A_286 = arith.cmpi slt, %add3A_265, %lt3A : i32
      %convert_element_type3A_287 = arith.extui %lt3A_286 : i1 to i32
      %cond3A_288 = arith.constant 0 : i32
      %cond3A_289 = arith.cmpi ne, %convert_element_type3A_287, %cond3A_288 : i32
      scf.if %cond3A_289 {
        %dma_wait3A_303 = arith.constant 0 : i32
        %dma_wait3A_304 = tpu.memref_slice %arg9[%mul3A_263, %dma_wait3A_303] : memref<64x128xi32, #tpu.memory_space<vmem>> -> memref<1x128xi32, #tpu.memory_space<vmem>>
        %dma_wait3A_305 = tpu.memref_squeeze %dma_wait3A_304 : memref<1x128xi32, #tpu.memory_space<vmem>> -> memref<128xi32, #tpu.memory_space<vmem>>
        %dma_wait3A_306 = arith.constant 0 : i32
        %dma_wait3A_307 = arith.constant 0 : i32
        %dma_wait3A_308 = tpu.memref_slice %arg7[%dma_wait3A_306, %dma_wait3A_307] : memref<16384x64xf32, #tpu.memory_space<vmem_shared>> -> memref<16384x64xf32, #tpu.memory_space<vmem_shared>>
        tpu.wait_indirect_dma semaphore(%arg17 : memref<!tpu.dma_semaphore, #tpu.memory_space<semaphore_mem>>) src(%arg11 : memref<128x64xf32, #tpu.memory_space<vmem>>) dst(%dma_wait3A_308 : memref<16384x64xf32, #tpu.memory_space<vmem_shared>>)
        %add3A_309 = arith.constant 1 : i32
        %add3A_310 = arith.addi %add3A_265, %add3A_309 : i32
        %dma_start3A_311 = arith.constant 0 : i32
        %dma_start3A_312 = tpu.memref_slice %arg10[%add3A_310, %dma_start3A_311] : memref<64x128xi32, #tpu.memory_space<vmem>> -> memref<1x128xi32, #tpu.memory_space<vmem>>
        %dma_start3A_313 = tpu.memref_squeeze %dma_start3A_312 : memref<1x128xi32, #tpu.memory_space<vmem>> -> memref<128xi32, #tpu.memory_space<vmem>>
        %dma_start3A_314 = arith.constant 0 : i32
        %dma_start3A_315 = arith.constant 0 : i32
        %dma_start3A_316 = tpu.memref_slice %arg2[%dma_start3A_314, %dma_start3A_315] : memref<200000x64xf32, #tpu.memory_space<hbm>> -> memref<200000x64xf32, #tpu.memory_space<hbm>>
        tpu.enqueue_indirect_dma source(%dma_start3A_316 : memref<200000x64xf32, #tpu.memory_space<hbm>>) target(%arg11 : memref<128x64xf32, #tpu.memory_space<vmem>>) offsets(%dma_start3A_313 : memref<128xi32, #tpu.memory_space<vmem>>) semaphore(%arg15 : memref<!tpu.dma_semaphore, #tpu.memory_space<semaphore_mem>>)
      } else {
      }
      %dma_wait3A_290 = arith.constant 0 : i32
      %dma_wait3A_291 = tpu.memref_slice %arg10[%add3A_265, %dma_wait3A_290] : memref<64x128xi32, #tpu.memory_space<vmem>> -> memref<1x128xi32, #tpu.memory_space<vmem>>
      %dma_wait3A_292 = tpu.memref_squeeze %dma_wait3A_291 : memref<1x128xi32, #tpu.memory_space<vmem>> -> memref<128xi32, #tpu.memory_space<vmem>>
      %dma_wait3A_293 = arith.constant 0 : i32
      %dma_wait3A_294 = arith.constant 0 : i32
      %dma_wait3A_295 = tpu.memref_slice %arg2[%dma_wait3A_293, %dma_wait3A_294] : memref<200000x64xf32, #tpu.memory_space<hbm>> -> memref<200000x64xf32, #tpu.memory_space<hbm>>
      tpu.wait_indirect_dma semaphore(%arg16 : memref<!tpu.dma_semaphore, #tpu.memory_space<semaphore_mem>>) src(%dma_wait3A_295 : memref<200000x64xf32, #tpu.memory_space<hbm>>) dst(%arg12 : memref<128x64xf32, #tpu.memory_space<vmem>>)
      %dma_start3A_296 = arith.constant 0 : i32
      %dma_start3A_297 = tpu.memref_slice %arg9[%add3A_265, %dma_start3A_296] : memref<64x128xi32, #tpu.memory_space<vmem>> -> memref<1x128xi32, #tpu.memory_space<vmem>>
      %dma_start3A_298 = tpu.memref_squeeze %dma_start3A_297 : memref<1x128xi32, #tpu.memory_space<vmem>> -> memref<128xi32, #tpu.memory_space<vmem>>
      %dma_start3A_299 = arith.constant 0 : i32
      %dma_start3A_300 = arith.constant 0 : i32
      %dma_start3A_301 = tpu.memref_slice %arg7[%dma_start3A_299, %dma_start3A_300] : memref<16384x64xf32, #tpu.memory_space<vmem_shared>> -> memref<16384x64xf32, #tpu.memory_space<vmem_shared>>
      tpu.enqueue_indirect_dma source(%arg12 : memref<128x64xf32, #tpu.memory_space<vmem>>) target(%dma_start3A_301 : memref<16384x64xf32, #tpu.memory_space<vmem_shared>>) offsets(%dma_start3A_298 : memref<128xi32, #tpu.memory_space<vmem>>) semaphore(%arg18 : memref<!tpu.dma_semaphore, #tpu.memory_space<semaphore_mem>>) {add = true}
      %scan3A_302 = arith.constant 0 : i32
      scf.yield %scan3A_302 : i32
    }
    %scan3A_123 = arith.constant 32 : i32
    %dma_wait3A_124 = arith.constant 62 : i32
    %dma_wait3A_125 = arith.constant 0 : i32
    %dma_wait3A_126 = tpu.memref_slice %arg9[%dma_wait3A_124, %dma_wait3A_125] : memref<64x128xi32, #tpu.memory_space<vmem>> -> memref<1x128xi32, #tpu.memory_space<vmem>>
    %dma_wait3A_127 = tpu.memref_squeeze %dma_wait3A_126 : memref<1x128xi32, #tpu.memory_space<vmem>> -> memref<128xi32, #tpu.memory_space<vmem>>
    %dma_wait3A_128 = arith.constant 0 : i32
    %dma_wait3A_129 = arith.constant 0 : i32
    %dma_wait3A_130 = tpu.memref_slice %arg7[%dma_wait3A_128, %dma_wait3A_129] : memref<16384x64xf32, #tpu.memory_space<vmem_shared>> -> memref<16384x64xf32, #tpu.memory_space<vmem_shared>>
    tpu.wait_indirect_dma semaphore(%arg17 : memref<!tpu.dma_semaphore, #tpu.memory_space<semaphore_mem>>) src(%arg11 : memref<128x64xf32, #tpu.memory_space<vmem>>) dst(%dma_wait3A_130 : memref<16384x64xf32, #tpu.memory_space<vmem_shared>>)
    %dma_wait3A_131 = arith.constant 63 : i32
    %dma_wait3A_132 = arith.constant 0 : i32
    %dma_wait3A_133 = tpu.memref_slice %arg9[%dma_wait3A_131, %dma_wait3A_132] : memref<64x128xi32, #tpu.memory_space<vmem>> -> memref<1x128xi32, #tpu.memory_space<vmem>>
    %dma_wait3A_134 = tpu.memref_squeeze %dma_wait3A_133 : memref<1x128xi32, #tpu.memory_space<vmem>> -> memref<128xi32, #tpu.memory_space<vmem>>
    %dma_wait3A_135 = arith.constant 0 : i32
    %dma_wait3A_136 = arith.constant 0 : i32
    %dma_wait3A_137 = tpu.memref_slice %arg7[%dma_wait3A_135, %dma_wait3A_136] : memref<16384x64xf32, #tpu.memory_space<vmem_shared>> -> memref<16384x64xf32, #tpu.memory_space<vmem_shared>>
    tpu.wait_indirect_dma semaphore(%arg18 : memref<!tpu.dma_semaphore, #tpu.memory_space<semaphore_mem>>) src(%arg12 : memref<128x64xf32, #tpu.memory_space<vmem>>) dst(%dma_wait3A_137 : memref<16384x64xf32, #tpu.memory_space<vmem_shared>>)
    %barrier3A_138 = arith.constant 0 : index
    tpu.barrier barrier_id(%barrier3A_138)
    %mul3A_139 = arith.constant 1024 : i32
    %mul3A_140 = arith.muli %arg1, %mul3A_139 : i32
    %mul3A_141 = arith.constant 1024 : i32
    %mul3A_142 = arith.muli %arg1, %mul3A_141 : i32
    %run_scoped3A_143 = arith.constant 1 : i32
    "tpu.region"() ({
      %run_scoped3A_260 = tpu.sem_alloc : memref<!tpu.dma_semaphore, #tpu.memory_space<semaphore_mem>>
      %dma_start3A_261 = arith.constant 0 : i32
      %dma_start3A_262 = tpu.memref_slice %arg5[%arg0, %run_scoped3A_143, %mul3A_142, %dma_start3A_261] : memref<2x4x16384x64xf32, #tpu.memory_space<hbm>> -> memref<1x1x1024x64xf32, #tpu.memory_space<hbm>>
      %dma_start3A_263 = tpu.memref_squeeze %dma_start3A_262 : memref<1x1x1024x64xf32, #tpu.memory_space<hbm>> -> memref<1024x64xf32, #tpu.memory_space<hbm>>
      %dma_start3A_264 = arith.constant 0 : i32
      %dma_start3A_265 = tpu.memref_slice %arg7[%mul3A_140, %dma_start3A_264] : memref<16384x64xf32, #tpu.memory_space<vmem_shared>> -> memref<1024x64xf32, #tpu.memory_space<vmem_shared>>
      tpu.enqueue_dma source(%dma_start3A_265 : memref<1024x64xf32, #tpu.memory_space<vmem_shared>>) target(%dma_start3A_263 : memref<1024x64xf32, #tpu.memory_space<hbm>>) target_semaphore(%run_scoped3A_260 : memref<!tpu.dma_semaphore, #tpu.memory_space<semaphore_mem>>)
      %dma_wait3A_266 = arith.constant 0 : i32
      %dma_wait3A_267 = tpu.memref_slice %arg5[%arg0, %run_scoped3A_143, %mul3A_142, %dma_wait3A_266] : memref<2x4x16384x64xf32, #tpu.memory_space<hbm>> -> memref<1x1x1024x64xf32, #tpu.memory_space<hbm>>
      %dma_wait3A_268 = tpu.memref_squeeze %dma_wait3A_267 : memref<1x1x1024x64xf32, #tpu.memory_space<hbm>> -> memref<1024x64xf32, #tpu.memory_space<hbm>>
      %dma_wait3A_269 = arith.constant 0 : i32
      %dma_wait3A_270 = tpu.memref_slice %arg7[%mul3A_140, %dma_wait3A_269] : memref<16384x64xf32, #tpu.memory_space<vmem_shared>> -> memref<1024x64xf32, #tpu.memory_space<vmem_shared>>
      tpu.wait_dma2 semaphore(%run_scoped3A_260 : memref<!tpu.dma_semaphore, #tpu.memory_space<semaphore_mem>>) src(%dma_wait3A_270 : memref<1024x64xf32, #tpu.memory_space<vmem_shared>>) dst(%dma_wait3A_268 : memref<1024x64xf32, #tpu.memory_space<hbm>>)
      tpu.yield
    }) : () -> ()
    %scan3A_144 = arith.constant 0 : i32
    %scan3A_145 = arith.constant 0 : i32
    %scan3A_146 = arith.constant 64 : i32
    %scan3A_147 = arith.addi %scan3A_145, %scan3A_146 : i32
    %scan3A_148 = arith.constant 1 : i32
    %scan3A_149 = scf.for %scan3A_260 = %scan3A_145 to %scan3A_147 step %scan3A_148 iter_args(%scan3A_261 = %scan3A_144) -> (i32)  : i32 {
      %get3A = arith.index_cast %scan3A_260 : i32 to index
      %get3A_262 = arith.constant 0 : index
      %get3A_263 = tpu.vector_load %arg10[%get3A, %get3A_262] {strides = array<i32>} : memref<64x128xi32, #tpu.memory_space<vmem>>, vector<1x16xi32>,
      %get3A_264 = vector.shape_cast %get3A_263 : vector<1x16xi32> to vector<16xi32>
      %add3A_265 = arith.constant 1 : i32
      %add3A_266 = vector.broadcast %add3A_265 : i32 to vector<16xi32>
      %add3A_267 = arith.addi %get3A_264, %add3A_266 : vector<16xi32>
      %swap3A = arith.index_cast %scan3A_260 : i32 to index
      %swap3A_268 = arith.constant 0 : index
      %swap3A_269 = tpu.vector_load %arg10[%swap3A, %swap3A_268] {strides = array<i32>} : memref<64x128xi32, #tpu.memory_space<vmem>>, vector<1x16xi32>,
      %swap3A_270 = vector.shape_cast %swap3A_269 : vector<1x16xi32> to vector<16xi32>
      %swap3A_271 = vector.shape_cast %add3A_267 : vector<16xi32> to vector<1x16xi32>
      tpu.vector_store %arg10[%swap3A, %swap3A_268], %swap3A_271 {strides = array<i32>} : memref<64x128xi32, #tpu.memory_space<vmem>>, vector<1x16xi32>,
      %get3A_272 = arith.index_cast %scan3A_260 : i32 to index
      %get3A_273 = arith.constant 16 : index
      %get3A_274 = tpu.vector_load %arg10[%get3A_272, %get3A_273] {strides = array<i32>} : memref<64x128xi32, #tpu.memory_space<vmem>>, vector<1x16xi32>,
      %get3A_275 = vector.shape_cast %get3A_274 : vector<1x16xi32> to vector<16xi32>
      %add3A_276 = arith.constant 1 : i32
      %add3A_277 = vector.broadcast %add3A_276 : i32 to vector<16xi32>
      %add3A_278 = arith.addi %get3A_275, %add3A_277 : vector<16xi32>
      %swap3A_279 = arith.index_cast %scan3A_260 : i32 to index
      %swap3A_280 = arith.constant 16 : index
      %swap3A_281 = tpu.vector_load %arg10[%swap3A_279, %swap3A_280] {strides = array<i32>} : memref<64x128xi32, #tpu.memory_space<vmem>>, vector<1x16xi32>,
      %swap3A_282 = vector.shape_cast %swap3A_281 : vector<1x16xi32> to vector<16xi32>
      %swap3A_283 = vector.shape_cast %add3A_278 : vector<16xi32> to vector<1x16xi32>
      tpu.vector_store %arg10[%swap3A_279, %swap3A_280], %swap3A_283 {strides = array<i32>} : memref<64x128xi32, #tpu.memory_space<vmem>>, vector<1x16xi32>,
      %get3A_284 = arith.index_cast %scan3A_260 : i32 to index
      %get3A_285 = arith.constant 32 : index
      %get3A_286 = tpu.vector_load %arg10[%get3A_284, %get3A_285] {strides = array<i32>} : memref<64x128xi32, #tpu.memory_space<vmem>>, vector<1x16xi32>,
      %get3A_287 = vector.shape_cast %get3A_286 : vector<1x16xi32> to vector<16xi32>
      %add3A_288 = arith.constant 1 : i32
      %add3A_289 = vector.broadcast %add3A_288 : i32 to vector<16xi32>
      %add3A_290 = arith.addi %get3A_287, %add3A_289 : vector<16xi32>
      %swap3A_291 = arith.index_cast %scan3A_260 : i32 to index
      %swap3A_292 = arith.constant 32 : index
      %swap3A_293 = tpu.vector_load %arg10[%swap3A_291, %swap3A_292] {strides = array<i32>} : memref<64x128xi32, #tpu.memory_space<vmem>>, vector<1x16xi32>,
      %swap3A_294 = vector.shape_cast %swap3A_293 : vector<1x16xi32> to vector<16xi32>
      %swap3A_295 = vector.shape_cast %add3A_290 : vector<16xi32> to vector<1x16xi32>
      tpu.vector_store %arg10[%swap3A_291, %swap3A_292], %swap3A_295 {strides = array<i32>} : memref<64x128xi32, #tpu.memory_space<vmem>>, vector<1x16xi32>,
      %get3A_296 = arith.index_cast %scan3A_260 : i32 to index
      %get3A_297 = arith.constant 48 : index
      %get3A_298 = tpu.vector_load %arg10[%get3A_296, %get3A_297] {strides = array<i32>} : memref<64x128xi32, #tpu.memory_space<vmem>>, vector<1x16xi32>,
      %get3A_299 = vector.shape_cast %get3A_298 : vector<1x16xi32> to vector<16xi32>
      %add3A_300 = arith.constant 1 : i32
      %add3A_301 = vector.broadcast %add3A_300 : i32 to vector<16xi32>
      %add3A_302 = arith.addi %get3A_299, %add3A_301 : vector<16xi32>
      %swap3A_303 = arith.index_cast %scan3A_260 : i32 to index
      %swap3A_304 = arith.constant 48 : index
      %swap3A_305 = tpu.vector_load %arg10[%swap3A_303, %swap3A_304] {strides = array<i32>} : memref<64x128xi32, #tpu.memory_space<vmem>>, vector<1x16xi32>,
      %swap3A_306 = vector.shape_cast %swap3A_305 : vector<1x16xi32> to vector<16xi32>
      %swap3A_307 = vector.shape_cast %add3A_302 : vector<16xi32> to vector<1x16xi32>
      tpu.vector_store %arg10[%swap3A_303, %swap3A_304], %swap3A_307 {strides = array<i32>} : memref<64x128xi32, #tpu.memory_space<vmem>>, vector<1x16xi32>,
      %get3A_308 = arith.index_cast %scan3A_260 : i32 to index
      %get3A_309 = arith.constant 64 : index
      %get3A_310 = tpu.vector_load %arg10[%get3A_308, %get3A_309] {strides = array<i32>} : memref<64x128xi32, #tpu.memory_space<vmem>>, vector<1x16xi32>,
      %get3A_311 = vector.shape_cast %get3A_310 : vector<1x16xi32> to vector<16xi32>
      %add3A_312 = arith.constant 1 : i32
      %add3A_313 = vector.broadcast %add3A_312 : i32 to vector<16xi32>
      %add3A_314 = arith.addi %get3A_311, %add3A_313 : vector<16xi32>
      %swap3A_315 = arith.index_cast %scan3A_260 : i32 to index
      %swap3A_316 = arith.constant 64 : index
      %swap3A_317 = tpu.vector_load %arg10[%swap3A_315, %swap3A_316] {strides = array<i32>} : memref<64x128xi32, #tpu.memory_space<vmem>>, vector<1x16xi32>,
      %swap3A_318 = vector.shape_cast %swap3A_317 : vector<1x16xi32> to vector<16xi32>
      %swap3A_319 = vector.shape_cast %add3A_314 : vector<16xi32> to vector<1x16xi32>
      tpu.vector_store %arg10[%swap3A_315, %swap3A_316], %swap3A_319 {strides = array<i32>} : memref<64x128xi32, #tpu.memory_space<vmem>>, vector<1x16xi32>,
      %get3A_320 = arith.index_cast %scan3A_260 : i32 to index
      %get3A_321 = arith.constant 80 : index
      %get3A_322 = tpu.vector_load %arg10[%get3A_320, %get3A_321] {strides = array<i32>} : memref<64x128xi32, #tpu.memory_space<vmem>>, vector<1x16xi32>,
      %get3A_323 = vector.shape_cast %get3A_322 : vector<1x16xi32> to vector<16xi32>
      %add3A_324 = arith.constant 1 : i32
      %add3A_325 = vector.broadcast %add3A_324 : i32 to vector<16xi32>
      %add3A_326 = arith.addi %get3A_323, %add3A_325 : vector<16xi32>
      %swap3A_327 = arith.index_cast %scan3A_260 : i32 to index
      %swap3A_328 = arith.constant 80 : index
      %swap3A_329 = tpu.vector_load %arg10[%swap3A_327, %swap3A_328] {strides = array<i32>} : memref<64x128xi32, #tpu.memory_space<vmem>>, vector<1x16xi32>,
      %swap3A_330 = vector.shape_cast %swap3A_329 : vector<1x16xi32> to vector<16xi32>
      %swap3A_331 = vector.shape_cast %add3A_326 : vector<16xi32> to vector<1x16xi32>
      tpu.vector_store %arg10[%swap3A_327, %swap3A_328], %swap3A_331 {strides = array<i32>} : memref<64x128xi32, #tpu.memory_space<vmem>>, vector<1x16xi32>,
      %get3A_332 = arith.index_cast %scan3A_260 : i32 to index
      %get3A_333 = arith.constant 96 : index
      %get3A_334 = tpu.vector_load %arg10[%get3A_332, %get3A_333] {strides = array<i32>} : memref<64x128xi32, #tpu.memory_space<vmem>>, vector<1x16xi32>,
      %get3A_335 = vector.shape_cast %get3A_334 : vector<1x16xi32> to vector<16xi32>
      %add3A_336 = arith.constant 1 : i32
      %add3A_337 = vector.broadcast %add3A_336 : i32 to vector<16xi32>
      %add3A_338 = arith.addi %get3A_335, %add3A_337 : vector<16xi32>
      %swap3A_339 = arith.index_cast %scan3A_260 : i32 to index
      %swap3A_340 = arith.constant 96 : index
      %swap3A_341 = tpu.vector_load %arg10[%swap3A_339, %swap3A_340] {strides = array<i32>} : memref<64x128xi32, #tpu.memory_space<vmem>>, vector<1x16xi32>,
      %swap3A_342 = vector.shape_cast %swap3A_341 : vector<1x16xi32> to vector<16xi32>
      %swap3A_343 = vector.shape_cast %add3A_338 : vector<16xi32> to vector<1x16xi32>
      tpu.vector_store %arg10[%swap3A_339, %swap3A_340], %swap3A_343 {strides = array<i32>} : memref<64x128xi32, #tpu.memory_space<vmem>>, vector<1x16xi32>,
      %get3A_344 = arith.index_cast %scan3A_260 : i32 to index
      %get3A_345 = arith.constant 112 : index
      %get3A_346 = tpu.vector_load %arg10[%get3A_344, %get3A_345] {strides = array<i32>} : memref<64x128xi32, #tpu.memory_space<vmem>>, vector<1x16xi32>,
      %get3A_347 = vector.shape_cast %get3A_346 : vector<1x16xi32> to vector<16xi32>
      %add3A_348 = arith.constant 1 : i32
      %add3A_349 = vector.broadcast %add3A_348 : i32 to vector<16xi32>
      %add3A_350 = arith.addi %get3A_347, %add3A_349 : vector<16xi32>
      %swap3A_351 = arith.index_cast %scan3A_260 : i32 to index
      %swap3A_352 = arith.constant 112 : index
      %swap3A_353 = tpu.vector_load %arg10[%swap3A_351, %swap3A_352] {strides = array<i32>} : memref<64x128xi32, #tpu.memory_space<vmem>>, vector<1x16xi32>,
      %swap3A_354 = vector.shape_cast %swap3A_353 : vector<1x16xi32> to vector<16xi32>
      %swap3A_355 = vector.shape_cast %add3A_350 : vector<16xi32> to vector<1x16xi32>
      tpu.vector_store %arg10[%swap3A_351, %swap3A_352], %swap3A_355 {strides = array<i32>} : memref<64x128xi32, #tpu.memory_space<vmem>>, vector<1x16xi32>,
      %scan3A_356 = arith.constant 0 : i32
      scf.yield %scan3A_356 : i32
    }
    %scan3A_150 = arith.constant 64 : i32
    %broadcast_in_dim3A_151 = arith.constant 0.000000e+00 : f32
    %broadcast_in_dim3A_152 = vector.broadcast %broadcast_in_dim3A_151 : f32 to vector<16xf32>
    %scan3A_153 = arith.constant 0 : i32
    %scan3A_154 = arith.constant 0 : i32
    %scan3A_155 = arith.constant 128 : i32
    %scan3A_156 = arith.addi %scan3A_154, %scan3A_155 : i32
    %scan3A_157 = arith.constant 1 : i32
    %scan3A_158 = scf.for %scan3A_260 = %scan3A_154 to %scan3A_156 step %scan3A_157 iter_args(%scan3A_261 = %scan3A_153) -> (i32)  : i32 {
      %swap3A = arith.index_cast %scan3A_260 : i32 to index
      %swap3A_262 = arith.constant 0 : index
      %swap3A_263 = tpu.vector_load %arg11[%swap3A, %swap3A_262] {strides = array<i32>} : memref<128x64xf32, #tpu.memory_space<vmem>>, vector<1x16xf32>,
      %swap3A_264 = vector.shape_cast %swap3A_263 : vector<1x16xf32> to vector<16xf32>
      %swap3A_265 = vector.shape_cast %broadcast_in_dim3A_152 : vector<16xf32> to vector<1x16xf32>
      tpu.vector_store %arg11[%swap3A, %swap3A_262], %swap3A_265 {strides = array<i32>} : memref<128x64xf32, #tpu.memory_space<vmem>>, vector<1x16xf32>,
      %swap3A_266 = arith.index_cast %scan3A_260 : i32 to index
      %swap3A_267 = arith.constant 16 : index
      %swap3A_268 = tpu.vector_load %arg11[%swap3A_266, %swap3A_267] {strides = array<i32>} : memref<128x64xf32, #tpu.memory_space<vmem>>, vector<1x16xf32>,
      %swap3A_269 = vector.shape_cast %swap3A_268 : vector<1x16xf32> to vector<16xf32>
      %swap3A_270 = vector.shape_cast %broadcast_in_dim3A_152 : vector<16xf32> to vector<1x16xf32>
      tpu.vector_store %arg11[%swap3A_266, %swap3A_267], %swap3A_270 {strides = array<i32>} : memref<128x64xf32, #tpu.memory_space<vmem>>, vector<1x16xf32>,
      %swap3A_271 = arith.index_cast %scan3A_260 : i32 to index
      %swap3A_272 = arith.constant 32 : index
      %swap3A_273 = tpu.vector_load %arg11[%swap3A_271, %swap3A_272] {strides = array<i32>} : memref<128x64xf32, #tpu.memory_space<vmem>>, vector<1x16xf32>,
      %swap3A_274 = vector.shape_cast %swap3A_273 : vector<1x16xf32> to vector<16xf32>
      %swap3A_275 = vector.shape_cast %broadcast_in_dim3A_152 : vector<16xf32> to vector<1x16xf32>
      tpu.vector_store %arg11[%swap3A_271, %swap3A_272], %swap3A_275 {strides = array<i32>} : memref<128x64xf32, #tpu.memory_space<vmem>>, vector<1x16xf32>,
      %swap3A_276 = arith.index_cast %scan3A_260 : i32 to index
      %swap3A_277 = arith.constant 48 : index
      %swap3A_278 = tpu.vector_load %arg11[%swap3A_276, %swap3A_277] {strides = array<i32>} : memref<128x64xf32, #tpu.memory_space<vmem>>, vector<1x16xf32>,
      %swap3A_279 = vector.shape_cast %swap3A_278 : vector<1x16xf32> to vector<16xf32>
      %swap3A_280 = vector.shape_cast %broadcast_in_dim3A_152 : vector<16xf32> to vector<1x16xf32>
      tpu.vector_store %arg11[%swap3A_276, %swap3A_277], %swap3A_280 {strides = array<i32>} : memref<128x64xf32, #tpu.memory_space<vmem>>, vector<1x16xf32>,
      %scan3A_281 = arith.constant 0 : i32
      scf.yield %scan3A_281 : i32
    }
    %scan3A_159 = arith.constant 128 : i32
    %scan3A_160 = arith.constant 0 : i32
    %scan3A_161 = arith.constant 0 : i32
    %scan3A_162 = arith.constant 8 : i32
    %scan3A_163 = arith.addi %scan3A_161, %scan3A_162 : i32
    %scan3A_164 = arith.constant 1 : i32
    %scan3A_165 = scf.for %scan3A_260 = %scan3A_161 to %scan3A_163 step %scan3A_164 iter_args(%scan3A_261 = %scan3A_160) -> (i32)  : i32 {
      %mul3A_262 = arith.constant 1024 : i32
      %mul3A_263 = arith.muli %arg1, %mul3A_262 : i32
      %mul3A_264 = arith.constant 128 : i32
      %mul3A_265 = arith.muli %scan3A_260, %mul3A_264 : i32
      %add3A_266 = arith.addi %mul3A_263, %mul3A_265 : i32
      "tpu.region"() ({
        %run_scoped3A_268 = tpu.sem_alloc : memref<!tpu.dma_semaphore, #tpu.memory_space<semaphore_mem>>
        %dma_start3A_269 = arith.constant 0 : i32
        %dma_start3A_270 = tpu.memref_slice %arg7[%add3A_266, %dma_start3A_269] : memref<16384x64xf32, #tpu.memory_space<vmem_shared>> -> memref<128x64xf32, #tpu.memory_space<vmem_shared>>
        %dma_start3A_271 = arith.constant 0 : i32
        %dma_start3A_272 = tpu.memref_slice %arg7[%add3A_266, %dma_start3A_271] : memref<16384x64xf32, #tpu.memory_space<vmem_shared>> -> memref<128x64xf32, #tpu.memory_space<vmem_shared>>
        tpu.enqueue_dma source(%arg11 : memref<128x64xf32, #tpu.memory_space<vmem>>) target(%dma_start3A_272 : memref<128x64xf32, #tpu.memory_space<vmem_shared>>) target_semaphore(%run_scoped3A_268 : memref<!tpu.dma_semaphore, #tpu.memory_space<semaphore_mem>>)
        %dma_wait3A_273 = arith.constant 0 : i32
        %dma_wait3A_274 = tpu.memref_slice %arg7[%add3A_266, %dma_wait3A_273] : memref<16384x64xf32, #tpu.memory_space<vmem_shared>> -> memref<128x64xf32, #tpu.memory_space<vmem_shared>>
        %dma_wait3A_275 = arith.constant 0 : i32
        %dma_wait3A_276 = tpu.memref_slice %arg7[%add3A_266, %dma_wait3A_275] : memref<16384x64xf32, #tpu.memory_space<vmem_shared>> -> memref<128x64xf32, #tpu.memory_space<vmem_shared>>
        tpu.wait_dma2 semaphore(%run_scoped3A_268 : memref<!tpu.dma_semaphore, #tpu.memory_space<semaphore_mem>>) src(%arg11 : memref<128x64xf32, #tpu.memory_space<vmem>>) dst(%dma_wait3A_276 : memref<128x64xf32, #tpu.memory_space<vmem_shared>>)
        tpu.yield
      }) : () -> ()
      %scan3A_267 = arith.constant 0 : i32
      scf.yield %scan3A_267 : i32
    }
    %scan3A_166 = arith.constant 8 : i32
    %barrier3A_167 = arith.constant 0 : index
    tpu.barrier barrier_id(%barrier3A_167)
    %dma_start3A_168 = arith.constant 0 : i32
    %dma_start3A_169 = arith.constant 0 : i32
    %dma_start3A_170 = tpu.memref_slice %arg10[%dma_start3A_168, %dma_start3A_169] : memref<64x128xi32, #tpu.memory_space<vmem>> -> memref<1x128xi32, #tpu.memory_space<vmem>>
    %dma_start3A_171 = tpu.memref_squeeze %dma_start3A_170 : memref<1x128xi32, #tpu.memory_space<vmem>> -> memref<128xi32, #tpu.memory_space<vmem>>
    %dma_start3A_172 = arith.constant 0 : i32
    %dma_start3A_173 = arith.constant 0 : i32
    %dma_start3A_174 = tpu.memref_slice %arg2[%dma_start3A_172, %dma_start3A_173] : memref<200000x64xf32, #tpu.memory_space<hbm>> -> memref<200000x64xf32, #tpu.memory_space<hbm>>
    tpu.enqueue_indirect_dma source(%dma_start3A_174 : memref<200000x64xf32, #tpu.memory_space<hbm>>) target(%arg11 : memref<128x64xf32, #tpu.memory_space<vmem>>) offsets(%dma_start3A_171 : memref<128xi32, #tpu.memory_space<vmem>>) semaphore(%arg15 : memref<!tpu.dma_semaphore, #tpu.memory_space<semaphore_mem>>)
    %scan3A_175 = arith.constant 0 : i32
    %scan3A_176 = arith.constant 0 : i32
    %scan3A_177 = arith.constant 32 : i32
    %scan3A_178 = arith.addi %scan3A_176, %scan3A_177 : i32
    %scan3A_179 = arith.constant 1 : i32
    %scan3A_180 = scf.for %scan3A_260 = %scan3A_176 to %scan3A_178 step %scan3A_179 iter_args(%scan3A_261 = %scan3A_175) -> (i32)  : i32 {
      %mul3A_262 = arith.constant 2 : i32
      %mul3A_263 = arith.muli %mul3A_262, %scan3A_260 : i32
      %add3A_264 = arith.constant 1 : i32
      %add3A_265 = arith.addi %mul3A_263, %add3A_264 : i32
      %gt3A = arith.constant 0 : i32
      %gt3A_266 = arith.cmpi sgt, %scan3A_260, %gt3A : i32
      %convert_element_type3A = arith.extui %gt3A_266 : i1 to i32
      %cond3A = arith.constant 0 : i32
      %cond3A_267 = arith.cmpi ne, %convert_element_type3A, %cond3A : i32
      scf.if %cond3A_267 {
        %sub3A = arith.constant 1 : i32
        %sub3A_303 = arith.subi %mul3A_263, %sub3A : i32
        %dma_wait3A_304 = arith.constant 0 : i32
        %dma_wait3A_305 = tpu.memref_slice %arg9[%sub3A_303, %dma_wait3A_304] : memref<64x128xi32, #tpu.memory_space<vmem>> -> memref<1x128xi32, #tpu.memory_space<vmem>>
        %dma_wait3A_306 = tpu.memref_squeeze %dma_wait3A_305 : memref<1x128xi32, #tpu.memory_space<vmem>> -> memref<128xi32, #tpu.memory_space<vmem>>
        %dma_wait3A_307 = arith.constant 0 : i32
        %dma_wait3A_308 = arith.constant 0 : i32
        %dma_wait3A_309 = tpu.memref_slice %arg7[%dma_wait3A_307, %dma_wait3A_308] : memref<16384x64xf32, #tpu.memory_space<vmem_shared>> -> memref<16384x64xf32, #tpu.memory_space<vmem_shared>>
        tpu.wait_indirect_dma semaphore(%arg18 : memref<!tpu.dma_semaphore, #tpu.memory_space<semaphore_mem>>) src(%arg12 : memref<128x64xf32, #tpu.memory_space<vmem>>) dst(%dma_wait3A_309 : memref<16384x64xf32, #tpu.memory_space<vmem_shared>>)
      } else {
      }
      %dma_start3A_268 = arith.constant 0 : i32
      %dma_start3A_269 = tpu.memref_slice %arg10[%add3A_265, %dma_start3A_268] : memref<64x128xi32, #tpu.memory_space<vmem>> -> memref<1x128xi32, #tpu.memory_space<vmem>>
      %dma_start3A_270 = tpu.memref_squeeze %dma_start3A_269 : memref<1x128xi32, #tpu.memory_space<vmem>> -> memref<128xi32, #tpu.memory_space<vmem>>
      %dma_start3A_271 = arith.constant 0 : i32
      %dma_start3A_272 = arith.constant 0 : i32
      %dma_start3A_273 = tpu.memref_slice %arg2[%dma_start3A_271, %dma_start3A_272] : memref<200000x64xf32, #tpu.memory_space<hbm>> -> memref<200000x64xf32, #tpu.memory_space<hbm>>
      tpu.enqueue_indirect_dma source(%dma_start3A_273 : memref<200000x64xf32, #tpu.memory_space<hbm>>) target(%arg12 : memref<128x64xf32, #tpu.memory_space<vmem>>) offsets(%dma_start3A_270 : memref<128xi32, #tpu.memory_space<vmem>>) semaphore(%arg16 : memref<!tpu.dma_semaphore, #tpu.memory_space<semaphore_mem>>)
      %dma_wait3A_274 = arith.constant 0 : i32
      %dma_wait3A_275 = tpu.memref_slice %arg10[%mul3A_263, %dma_wait3A_274] : memref<64x128xi32, #tpu.memory_space<vmem>> -> memref<1x128xi32, #tpu.memory_space<vmem>>
      %dma_wait3A_276 = tpu.memref_squeeze %dma_wait3A_275 : memref<1x128xi32, #tpu.memory_space<vmem>> -> memref<128xi32, #tpu.memory_space<vmem>>
      %dma_wait3A_277 = arith.constant 0 : i32
      %dma_wait3A_278 = arith.constant 0 : i32
      %dma_wait3A_279 = tpu.memref_slice %arg2[%dma_wait3A_277, %dma_wait3A_278] : memref<200000x64xf32, #tpu.memory_space<hbm>> -> memref<200000x64xf32, #tpu.memory_space<hbm>>
      tpu.wait_indirect_dma semaphore(%arg15 : memref<!tpu.dma_semaphore, #tpu.memory_space<semaphore_mem>>) src(%dma_wait3A_279 : memref<200000x64xf32, #tpu.memory_space<hbm>>) dst(%arg11 : memref<128x64xf32, #tpu.memory_space<vmem>>)
      %dma_start3A_280 = arith.constant 0 : i32
      %dma_start3A_281 = tpu.memref_slice %arg9[%mul3A_263, %dma_start3A_280] : memref<64x128xi32, #tpu.memory_space<vmem>> -> memref<1x128xi32, #tpu.memory_space<vmem>>
      %dma_start3A_282 = tpu.memref_squeeze %dma_start3A_281 : memref<1x128xi32, #tpu.memory_space<vmem>> -> memref<128xi32, #tpu.memory_space<vmem>>
      %dma_start3A_283 = arith.constant 0 : i32
      %dma_start3A_284 = arith.constant 0 : i32
      %dma_start3A_285 = tpu.memref_slice %arg7[%dma_start3A_283, %dma_start3A_284] : memref<16384x64xf32, #tpu.memory_space<vmem_shared>> -> memref<16384x64xf32, #tpu.memory_space<vmem_shared>>
      tpu.enqueue_indirect_dma source(%arg11 : memref<128x64xf32, #tpu.memory_space<vmem>>) target(%dma_start3A_285 : memref<16384x64xf32, #tpu.memory_space<vmem_shared>>) offsets(%dma_start3A_282 : memref<128xi32, #tpu.memory_space<vmem>>) semaphore(%arg17 : memref<!tpu.dma_semaphore, #tpu.memory_space<semaphore_mem>>) {add = true}
      %lt3A = arith.constant 63 : i32
      %lt3A_286 = arith.cmpi slt, %add3A_265, %lt3A : i32
      %convert_element_type3A_287 = arith.extui %lt3A_286 : i1 to i32
      %cond3A_288 = arith.constant 0 : i32
      %cond3A_289 = arith.cmpi ne, %convert_element_type3A_287, %cond3A_288 : i32
      scf.if %cond3A_289 {
        %dma_wait3A_303 = arith.constant 0 : i32
        %dma_wait3A_304 = tpu.memref_slice %arg9[%mul3A_263, %dma_wait3A_303] : memref<64x128xi32, #tpu.memory_space<vmem>> -> memref<1x128xi32, #tpu.memory_space<vmem>>
        %dma_wait3A_305 = tpu.memref_squeeze %dma_wait3A_304 : memref<1x128xi32, #tpu.memory_space<vmem>> -> memref<128xi32, #tpu.memory_space<vmem>>
        %dma_wait3A_306 = arith.constant 0 : i32
        %dma_wait3A_307 = arith.constant 0 : i32
        %dma_wait3A_308 = tpu.memref_slice %arg7[%dma_wait3A_306, %dma_wait3A_307] : memref<16384x64xf32, #tpu.memory_space<vmem_shared>> -> memref<16384x64xf32, #tpu.memory_space<vmem_shared>>
        tpu.wait_indirect_dma semaphore(%arg17 : memref<!tpu.dma_semaphore, #tpu.memory_space<semaphore_mem>>) src(%arg11 : memref<128x64xf32, #tpu.memory_space<vmem>>) dst(%dma_wait3A_308 : memref<16384x64xf32, #tpu.memory_space<vmem_shared>>)
        %add3A_309 = arith.constant 1 : i32
        %add3A_310 = arith.addi %add3A_265, %add3A_309 : i32
        %dma_start3A_311 = arith.constant 0 : i32
        %dma_start3A_312 = tpu.memref_slice %arg10[%add3A_310, %dma_start3A_311] : memref<64x128xi32, #tpu.memory_space<vmem>> -> memref<1x128xi32, #tpu.memory_space<vmem>>
        %dma_start3A_313 = tpu.memref_squeeze %dma_start3A_312 : memref<1x128xi32, #tpu.memory_space<vmem>> -> memref<128xi32, #tpu.memory_space<vmem>>
        %dma_start3A_314 = arith.constant 0 : i32
        %dma_start3A_315 = arith.constant 0 : i32
        %dma_start3A_316 = tpu.memref_slice %arg2[%dma_start3A_314, %dma_start3A_315] : memref<200000x64xf32, #tpu.memory_space<hbm>> -> memref<200000x64xf32, #tpu.memory_space<hbm>>
        tpu.enqueue_indirect_dma source(%dma_start3A_316 : memref<200000x64xf32, #tpu.memory_space<hbm>>) target(%arg11 : memref<128x64xf32, #tpu.memory_space<vmem>>) offsets(%dma_start3A_313 : memref<128xi32, #tpu.memory_space<vmem>>) semaphore(%arg15 : memref<!tpu.dma_semaphore, #tpu.memory_space<semaphore_mem>>)
      } else {
      }
      %dma_wait3A_290 = arith.constant 0 : i32
      %dma_wait3A_291 = tpu.memref_slice %arg10[%add3A_265, %dma_wait3A_290] : memref<64x128xi32, #tpu.memory_space<vmem>> -> memref<1x128xi32, #tpu.memory_space<vmem>>
      %dma_wait3A_292 = tpu.memref_squeeze %dma_wait3A_291 : memref<1x128xi32, #tpu.memory_space<vmem>> -> memref<128xi32, #tpu.memory_space<vmem>>
      %dma_wait3A_293 = arith.constant 0 : i32
      %dma_wait3A_294 = arith.constant 0 : i32
      %dma_wait3A_295 = tpu.memref_slice %arg2[%dma_wait3A_293, %dma_wait3A_294] : memref<200000x64xf32, #tpu.memory_space<hbm>> -> memref<200000x64xf32, #tpu.memory_space<hbm>>
      tpu.wait_indirect_dma semaphore(%arg16 : memref<!tpu.dma_semaphore, #tpu.memory_space<semaphore_mem>>) src(%dma_wait3A_295 : memref<200000x64xf32, #tpu.memory_space<hbm>>) dst(%arg12 : memref<128x64xf32, #tpu.memory_space<vmem>>)
      %dma_start3A_296 = arith.constant 0 : i32
      %dma_start3A_297 = tpu.memref_slice %arg9[%add3A_265, %dma_start3A_296] : memref<64x128xi32, #tpu.memory_space<vmem>> -> memref<1x128xi32, #tpu.memory_space<vmem>>
      %dma_start3A_298 = tpu.memref_squeeze %dma_start3A_297 : memref<1x128xi32, #tpu.memory_space<vmem>> -> memref<128xi32, #tpu.memory_space<vmem>>
      %dma_start3A_299 = arith.constant 0 : i32
      %dma_start3A_300 = arith.constant 0 : i32
      %dma_start3A_301 = tpu.memref_slice %arg7[%dma_start3A_299, %dma_start3A_300] : memref<16384x64xf32, #tpu.memory_space<vmem_shared>> -> memref<16384x64xf32, #tpu.memory_space<vmem_shared>>
      tpu.enqueue_indirect_dma source(%arg12 : memref<128x64xf32, #tpu.memory_space<vmem>>) target(%dma_start3A_301 : memref<16384x64xf32, #tpu.memory_space<vmem_shared>>) offsets(%dma_start3A_298 : memref<128xi32, #tpu.memory_space<vmem>>) semaphore(%arg18 : memref<!tpu.dma_semaphore, #tpu.memory_space<semaphore_mem>>) {add = true}
      %scan3A_302 = arith.constant 0 : i32
      scf.yield %scan3A_302 : i32
    }
    %scan3A_181 = arith.constant 32 : i32
    %dma_wait3A_182 = arith.constant 62 : i32
    %dma_wait3A_183 = arith.constant 0 : i32
    %dma_wait3A_184 = tpu.memref_slice %arg9[%dma_wait3A_182, %dma_wait3A_183] : memref<64x128xi32, #tpu.memory_space<vmem>> -> memref<1x128xi32, #tpu.memory_space<vmem>>
    %dma_wait3A_185 = tpu.memref_squeeze %dma_wait3A_184 : memref<1x128xi32, #tpu.memory_space<vmem>> -> memref<128xi32, #tpu.memory_space<vmem>>
    %dma_wait3A_186 = arith.constant 0 : i32
    %dma_wait3A_187 = arith.constant 0 : i32
    %dma_wait3A_188 = tpu.memref_slice %arg7[%dma_wait3A_186, %dma_wait3A_187] : memref<16384x64xf32, #tpu.memory_space<vmem_shared>> -> memref<16384x64xf32, #tpu.memory_space<vmem_shared>>
    tpu.wait_indirect_dma semaphore(%arg17 : memref<!tpu.dma_semaphore, #tpu.memory_space<semaphore_mem>>) src(%arg11 : memref<128x64xf32, #tpu.memory_space<vmem>>) dst(%dma_wait3A_188 : memref<16384x64xf32, #tpu.memory_space<vmem_shared>>)
    %dma_wait3A_189 = arith.constant 63 : i32
    %dma_wait3A_190 = arith.constant 0 : i32
    %dma_wait3A_191 = tpu.memref_slice %arg9[%dma_wait3A_189, %dma_wait3A_190] : memref<64x128xi32, #tpu.memory_space<vmem>> -> memref<1x128xi32, #tpu.memory_space<vmem>>
    %dma_wait3A_192 = tpu.memref_squeeze %dma_wait3A_191 : memref<1x128xi32, #tpu.memory_space<vmem>> -> memref<128xi32, #tpu.memory_space<vmem>>
    %dma_wait3A_193 = arith.constant 0 : i32
    %dma_wait3A_194 = arith.constant 0 : i32
    %dma_wait3A_195 = tpu.memref_slice %arg7[%dma_wait3A_193, %dma_wait3A_194] : memref<16384x64xf32, #tpu.memory_space<vmem_shared>> -> memref<16384x64xf32, #tpu.memory_space<vmem_shared>>
    tpu.wait_indirect_dma semaphore(%arg18 : memref<!tpu.dma_semaphore, #tpu.memory_space<semaphore_mem>>) src(%arg12 : memref<128x64xf32, #tpu.memory_space<vmem>>) dst(%dma_wait3A_195 : memref<16384x64xf32, #tpu.memory_space<vmem_shared>>)
    %barrier3A_196 = arith.constant 0 : index
    tpu.barrier barrier_id(%barrier3A_196)
    %mul3A_197 = arith.constant 1024 : i32
    %mul3A_198 = arith.muli %arg1, %mul3A_197 : i32
    %mul3A_199 = arith.constant 1024 : i32
    %mul3A_200 = arith.muli %arg1, %mul3A_199 : i32
    %run_scoped3A_201 = arith.constant 2 : i32
    "tpu.region"() ({
      %run_scoped3A_260 = tpu.sem_alloc : memref<!tpu.dma_semaphore, #tpu.memory_space<semaphore_mem>>
      %dma_start3A_261 = arith.constant 0 : i32
      %dma_start3A_262 = tpu.memref_slice %arg5[%arg0, %run_scoped3A_201, %mul3A_200, %dma_start3A_261] : memref<2x4x16384x64xf32, #tpu.memory_space<hbm>> -> memref<1x1x1024x64xf32, #tpu.memory_space<hbm>>
      %dma_start3A_263 = tpu.memref_squeeze %dma_start3A_262 : memref<1x1x1024x64xf32, #tpu.memory_space<hbm>> -> memref<1024x64xf32, #tpu.memory_space<hbm>>
      %dma_start3A_264 = arith.constant 0 : i32
      %dma_start3A_265 = tpu.memref_slice %arg7[%mul3A_198, %dma_start3A_264] : memref<16384x64xf32, #tpu.memory_space<vmem_shared>> -> memref<1024x64xf32, #tpu.memory_space<vmem_shared>>
      tpu.enqueue_dma source(%dma_start3A_265 : memref<1024x64xf32, #tpu.memory_space<vmem_shared>>) target(%dma_start3A_263 : memref<1024x64xf32, #tpu.memory_space<hbm>>) target_semaphore(%run_scoped3A_260 : memref<!tpu.dma_semaphore, #tpu.memory_space<semaphore_mem>>)
      %dma_wait3A_266 = arith.constant 0 : i32
      %dma_wait3A_267 = tpu.memref_slice %arg5[%arg0, %run_scoped3A_201, %mul3A_200, %dma_wait3A_266] : memref<2x4x16384x64xf32, #tpu.memory_space<hbm>> -> memref<1x1x1024x64xf32, #tpu.memory_space<hbm>>
      %dma_wait3A_268 = tpu.memref_squeeze %dma_wait3A_267 : memref<1x1x1024x64xf32, #tpu.memory_space<hbm>> -> memref<1024x64xf32, #tpu.memory_space<hbm>>
      %dma_wait3A_269 = arith.constant 0 : i32
      %dma_wait3A_270 = tpu.memref_slice %arg7[%mul3A_198, %dma_wait3A_269] : memref<16384x64xf32, #tpu.memory_space<vmem_shared>> -> memref<1024x64xf32, #tpu.memory_space<vmem_shared>>
      tpu.wait_dma2 semaphore(%run_scoped3A_260 : memref<!tpu.dma_semaphore, #tpu.memory_space<semaphore_mem>>) src(%dma_wait3A_270 : memref<1024x64xf32, #tpu.memory_space<vmem_shared>>) dst(%dma_wait3A_268 : memref<1024x64xf32, #tpu.memory_space<hbm>>)
      tpu.yield
    }) : () -> ()
    %scan3A_202 = arith.constant 0 : i32
    %scan3A_203 = arith.constant 0 : i32
    %scan3A_204 = arith.constant 64 : i32
    %scan3A_205 = arith.addi %scan3A_203, %scan3A_204 : i32
    %scan3A_206 = arith.constant 1 : i32
    %scan3A_207 = scf.for %scan3A_260 = %scan3A_203 to %scan3A_205 step %scan3A_206 iter_args(%scan3A_261 = %scan3A_202) -> (i32)  : i32 {
      %get3A = arith.index_cast %scan3A_260 : i32 to index
      %get3A_262 = arith.constant 0 : index
      %get3A_263 = tpu.vector_load %arg10[%get3A, %get3A_262] {strides = array<i32>} : memref<64x128xi32, #tpu.memory_space<vmem>>, vector<1x16xi32>,
      %get3A_264 = vector.shape_cast %get3A_263 : vector<1x16xi32> to vector<16xi32>
      %add3A_265 = arith.constant 1 : i32
      %add3A_266 = vector.broadcast %add3A_265 : i32 to vector<16xi32>
      %add3A_267 = arith.addi %get3A_264, %add3A_266 : vector<16xi32>
      %swap3A = arith.index_cast %scan3A_260 : i32 to index
      %swap3A_268 = arith.constant 0 : index
      %swap3A_269 = tpu.vector_load %arg10[%swap3A, %swap3A_268] {strides = array<i32>} : memref<64x128xi32, #tpu.memory_space<vmem>>, vector<1x16xi32>,
      %swap3A_270 = vector.shape_cast %swap3A_269 : vector<1x16xi32> to vector<16xi32>
      %swap3A_271 = vector.shape_cast %add3A_267 : vector<16xi32> to vector<1x16xi32>
      tpu.vector_store %arg10[%swap3A, %swap3A_268], %swap3A_271 {strides = array<i32>} : memref<64x128xi32, #tpu.memory_space<vmem>>, vector<1x16xi32>,
      %get3A_272 = arith.index_cast %scan3A_260 : i32 to index
      %get3A_273 = arith.constant 16 : index
      %get3A_274 = tpu.vector_load %arg10[%get3A_272, %get3A_273] {strides = array<i32>} : memref<64x128xi32, #tpu.memory_space<vmem>>, vector<1x16xi32>,
      %get3A_275 = vector.shape_cast %get3A_274 : vector<1x16xi32> to vector<16xi32>
      %add3A_276 = arith.constant 1 : i32
      %add3A_277 = vector.broadcast %add3A_276 : i32 to vector<16xi32>
      %add3A_278 = arith.addi %get3A_275, %add3A_277 : vector<16xi32>
      %swap3A_279 = arith.index_cast %scan3A_260 : i32 to index
      %swap3A_280 = arith.constant 16 : index
      %swap3A_281 = tpu.vector_load %arg10[%swap3A_279, %swap3A_280] {strides = array<i32>} : memref<64x128xi32, #tpu.memory_space<vmem>>, vector<1x16xi32>,
      %swap3A_282 = vector.shape_cast %swap3A_281 : vector<1x16xi32> to vector<16xi32>
      %swap3A_283 = vector.shape_cast %add3A_278 : vector<16xi32> to vector<1x16xi32>
      tpu.vector_store %arg10[%swap3A_279, %swap3A_280], %swap3A_283 {strides = array<i32>} : memref<64x128xi32, #tpu.memory_space<vmem>>, vector<1x16xi32>,
      %get3A_284 = arith.index_cast %scan3A_260 : i32 to index
      %get3A_285 = arith.constant 32 : index
      %get3A_286 = tpu.vector_load %arg10[%get3A_284, %get3A_285] {strides = array<i32>} : memref<64x128xi32, #tpu.memory_space<vmem>>, vector<1x16xi32>,
      %get3A_287 = vector.shape_cast %get3A_286 : vector<1x16xi32> to vector<16xi32>
      %add3A_288 = arith.constant 1 : i32
      %add3A_289 = vector.broadcast %add3A_288 : i32 to vector<16xi32>
      %add3A_290 = arith.addi %get3A_287, %add3A_289 : vector<16xi32>
      %swap3A_291 = arith.index_cast %scan3A_260 : i32 to index
      %swap3A_292 = arith.constant 32 : index
      %swap3A_293 = tpu.vector_load %arg10[%swap3A_291, %swap3A_292] {strides = array<i32>} : memref<64x128xi32, #tpu.memory_space<vmem>>, vector<1x16xi32>,
      %swap3A_294 = vector.shape_cast %swap3A_293 : vector<1x16xi32> to vector<16xi32>
      %swap3A_295 = vector.shape_cast %add3A_290 : vector<16xi32> to vector<1x16xi32>
      tpu.vector_store %arg10[%swap3A_291, %swap3A_292], %swap3A_295 {strides = array<i32>} : memref<64x128xi32, #tpu.memory_space<vmem>>, vector<1x16xi32>,
      %get3A_296 = arith.index_cast %scan3A_260 : i32 to index
      %get3A_297 = arith.constant 48 : index
      %get3A_298 = tpu.vector_load %arg10[%get3A_296, %get3A_297] {strides = array<i32>} : memref<64x128xi32, #tpu.memory_space<vmem>>, vector<1x16xi32>,
      %get3A_299 = vector.shape_cast %get3A_298 : vector<1x16xi32> to vector<16xi32>
      %add3A_300 = arith.constant 1 : i32
      %add3A_301 = vector.broadcast %add3A_300 : i32 to vector<16xi32>
      %add3A_302 = arith.addi %get3A_299, %add3A_301 : vector<16xi32>
      %swap3A_303 = arith.index_cast %scan3A_260 : i32 to index
      %swap3A_304 = arith.constant 48 : index
      %swap3A_305 = tpu.vector_load %arg10[%swap3A_303, %swap3A_304] {strides = array<i32>} : memref<64x128xi32, #tpu.memory_space<vmem>>, vector<1x16xi32>,
      %swap3A_306 = vector.shape_cast %swap3A_305 : vector<1x16xi32> to vector<16xi32>
      %swap3A_307 = vector.shape_cast %add3A_302 : vector<16xi32> to vector<1x16xi32>
      tpu.vector_store %arg10[%swap3A_303, %swap3A_304], %swap3A_307 {strides = array<i32>} : memref<64x128xi32, #tpu.memory_space<vmem>>, vector<1x16xi32>,
      %get3A_308 = arith.index_cast %scan3A_260 : i32 to index
      %get3A_309 = arith.constant 64 : index
      %get3A_310 = tpu.vector_load %arg10[%get3A_308, %get3A_309] {strides = array<i32>} : memref<64x128xi32, #tpu.memory_space<vmem>>, vector<1x16xi32>,
      %get3A_311 = vector.shape_cast %get3A_310 : vector<1x16xi32> to vector<16xi32>
      %add3A_312 = arith.constant 1 : i32
      %add3A_313 = vector.broadcast %add3A_312 : i32 to vector<16xi32>
      %add3A_314 = arith.addi %get3A_311, %add3A_313 : vector<16xi32>
      %swap3A_315 = arith.index_cast %scan3A_260 : i32 to index
      %swap3A_316 = arith.constant 64 : index
      %swap3A_317 = tpu.vector_load %arg10[%swap3A_315, %swap3A_316] {strides = array<i32>} : memref<64x128xi32, #tpu.memory_space<vmem>>, vector<1x16xi32>,
      %swap3A_318 = vector.shape_cast %swap3A_317 : vector<1x16xi32> to vector<16xi32>
      %swap3A_319 = vector.shape_cast %add3A_314 : vector<16xi32> to vector<1x16xi32>
      tpu.vector_store %arg10[%swap3A_315, %swap3A_316], %swap3A_319 {strides = array<i32>} : memref<64x128xi32, #tpu.memory_space<vmem>>, vector<1x16xi32>,
      %get3A_320 = arith.index_cast %scan3A_260 : i32 to index
      %get3A_321 = arith.constant 80 : index
      %get3A_322 = tpu.vector_load %arg10[%get3A_320, %get3A_321] {strides = array<i32>} : memref<64x128xi32, #tpu.memory_space<vmem>>, vector<1x16xi32>,
      %get3A_323 = vector.shape_cast %get3A_322 : vector<1x16xi32> to vector<16xi32>
      %add3A_324 = arith.constant 1 : i32
      %add3A_325 = vector.broadcast %add3A_324 : i32 to vector<16xi32>
      %add3A_326 = arith.addi %get3A_323, %add3A_325 : vector<16xi32>
      %swap3A_327 = arith.index_cast %scan3A_260 : i32 to index
      %swap3A_328 = arith.constant 80 : index
      %swap3A_329 = tpu.vector_load %arg10[%swap3A_327, %swap3A_328] {strides = array<i32>} : memref<64x128xi32, #tpu.memory_space<vmem>>, vector<1x16xi32>,
      %swap3A_330 = vector.shape_cast %swap3A_329 : vector<1x16xi32> to vector<16xi32>
      %swap3A_331 = vector.shape_cast %add3A_326 : vector<16xi32> to vector<1x16xi32>
      tpu.vector_store %arg10[%swap3A_327, %swap3A_328], %swap3A_331 {strides = array<i32>} : memref<64x128xi32, #tpu.memory_space<vmem>>, vector<1x16xi32>,
      %get3A_332 = arith.index_cast %scan3A_260 : i32 to index
      %get3A_333 = arith.constant 96 : index
      %get3A_334 = tpu.vector_load %arg10[%get3A_332, %get3A_333] {strides = array<i32>} : memref<64x128xi32, #tpu.memory_space<vmem>>, vector<1x16xi32>,
      %get3A_335 = vector.shape_cast %get3A_334 : vector<1x16xi32> to vector<16xi32>
      %add3A_336 = arith.constant 1 : i32
      %add3A_337 = vector.broadcast %add3A_336 : i32 to vector<16xi32>
      %add3A_338 = arith.addi %get3A_335, %add3A_337 : vector<16xi32>
      %swap3A_339 = arith.index_cast %scan3A_260 : i32 to index
      %swap3A_340 = arith.constant 96 : index
      %swap3A_341 = tpu.vector_load %arg10[%swap3A_339, %swap3A_340] {strides = array<i32>} : memref<64x128xi32, #tpu.memory_space<vmem>>, vector<1x16xi32>,
      %swap3A_342 = vector.shape_cast %swap3A_341 : vector<1x16xi32> to vector<16xi32>
      %swap3A_343 = vector.shape_cast %add3A_338 : vector<16xi32> to vector<1x16xi32>
      tpu.vector_store %arg10[%swap3A_339, %swap3A_340], %swap3A_343 {strides = array<i32>} : memref<64x128xi32, #tpu.memory_space<vmem>>, vector<1x16xi32>,
      %get3A_344 = arith.index_cast %scan3A_260 : i32 to index
      %get3A_345 = arith.constant 112 : index
      %get3A_346 = tpu.vector_load %arg10[%get3A_344, %get3A_345] {strides = array<i32>} : memref<64x128xi32, #tpu.memory_space<vmem>>, vector<1x16xi32>,
      %get3A_347 = vector.shape_cast %get3A_346 : vector<1x16xi32> to vector<16xi32>
      %add3A_348 = arith.constant 1 : i32
      %add3A_349 = vector.broadcast %add3A_348 : i32 to vector<16xi32>
      %add3A_350 = arith.addi %get3A_347, %add3A_349 : vector<16xi32>
      %swap3A_351 = arith.index_cast %scan3A_260 : i32 to index
      %swap3A_352 = arith.constant 112 : index
      %swap3A_353 = tpu.vector_load %arg10[%swap3A_351, %swap3A_352] {strides = array<i32>} : memref<64x128xi32, #tpu.memory_space<vmem>>, vector<1x16xi32>,
      %swap3A_354 = vector.shape_cast %swap3A_353 : vector<1x16xi32> to vector<16xi32>
      %swap3A_355 = vector.shape_cast %add3A_350 : vector<16xi32> to vector<1x16xi32>
      tpu.vector_store %arg10[%swap3A_351, %swap3A_352], %swap3A_355 {strides = array<i32>} : memref<64x128xi32, #tpu.memory_space<vmem>>, vector<1x16xi32>,
      %scan3A_356 = arith.constant 0 : i32
      scf.yield %scan3A_356 : i32
    }
    %scan3A_208 = arith.constant 64 : i32
    %broadcast_in_dim3A_209 = arith.constant 0.000000e+00 : f32
    %broadcast_in_dim3A_210 = vector.broadcast %broadcast_in_dim3A_209 : f32 to vector<16xf32>
    %scan3A_211 = arith.constant 0 : i32
    %scan3A_212 = arith.constant 0 : i32
    %scan3A_213 = arith.constant 128 : i32
    %scan3A_214 = arith.addi %scan3A_212, %scan3A_213 : i32
    %scan3A_215 = arith.constant 1 : i32
    %scan3A_216 = scf.for %scan3A_260 = %scan3A_212 to %scan3A_214 step %scan3A_215 iter_args(%scan3A_261 = %scan3A_211) -> (i32)  : i32 {
      %swap3A = arith.index_cast %scan3A_260 : i32 to index
      %swap3A_262 = arith.constant 0 : index
      %swap3A_263 = tpu.vector_load %arg11[%swap3A, %swap3A_262] {strides = array<i32>} : memref<128x64xf32, #tpu.memory_space<vmem>>, vector<1x16xf32>,
      %swap3A_264 = vector.shape_cast %swap3A_263 : vector<1x16xf32> to vector<16xf32>
      %swap3A_265 = vector.shape_cast %broadcast_in_dim3A_210 : vector<16xf32> to vector<1x16xf32>
      tpu.vector_store %arg11[%swap3A, %swap3A_262], %swap3A_265 {strides = array<i32>} : memref<128x64xf32, #tpu.memory_space<vmem>>, vector<1x16xf32>,
      %swap3A_266 = arith.index_cast %scan3A_260 : i32 to index
      %swap3A_267 = arith.constant 16 : index
      %swap3A_268 = tpu.vector_load %arg11[%swap3A_266, %swap3A_267] {strides = array<i32>} : memref<128x64xf32, #tpu.memory_space<vmem>>, vector<1x16xf32>,
      %swap3A_269 = vector.shape_cast %swap3A_268 : vector<1x16xf32> to vector<16xf32>
      %swap3A_270 = vector.shape_cast %broadcast_in_dim3A_210 : vector<16xf32> to vector<1x16xf32>
      tpu.vector_store %arg11[%swap3A_266, %swap3A_267], %swap3A_270 {strides = array<i32>} : memref<128x64xf32, #tpu.memory_space<vmem>>, vector<1x16xf32>,
      %swap3A_271 = arith.index_cast %scan3A_260 : i32 to index
      %swap3A_272 = arith.constant 32 : index
      %swap3A_273 = tpu.vector_load %arg11[%swap3A_271, %swap3A_272] {strides = array<i32>} : memref<128x64xf32, #tpu.memory_space<vmem>>, vector<1x16xf32>,
      %swap3A_274 = vector.shape_cast %swap3A_273 : vector<1x16xf32> to vector<16xf32>
      %swap3A_275 = vector.shape_cast %broadcast_in_dim3A_210 : vector<16xf32> to vector<1x16xf32>
      tpu.vector_store %arg11[%swap3A_271, %swap3A_272], %swap3A_275 {strides = array<i32>} : memref<128x64xf32, #tpu.memory_space<vmem>>, vector<1x16xf32>,
      %swap3A_276 = arith.index_cast %scan3A_260 : i32 to index
      %swap3A_277 = arith.constant 48 : index
      %swap3A_278 = tpu.vector_load %arg11[%swap3A_276, %swap3A_277] {strides = array<i32>} : memref<128x64xf32, #tpu.memory_space<vmem>>, vector<1x16xf32>,
      %swap3A_279 = vector.shape_cast %swap3A_278 : vector<1x16xf32> to vector<16xf32>
      %swap3A_280 = vector.shape_cast %broadcast_in_dim3A_210 : vector<16xf32> to vector<1x16xf32>
      tpu.vector_store %arg11[%swap3A_276, %swap3A_277], %swap3A_280 {strides = array<i32>} : memref<128x64xf32, #tpu.memory_space<vmem>>, vector<1x16xf32>,
      %scan3A_281 = arith.constant 0 : i32
      scf.yield %scan3A_281 : i32
    }
    %scan3A_217 = arith.constant 128 : i32
    %scan3A_218 = arith.constant 0 : i32
    %scan3A_219 = arith.constant 0 : i32
    %scan3A_220 = arith.constant 8 : i32
    %scan3A_221 = arith.addi %scan3A_219, %scan3A_220 : i32
    %scan3A_222 = arith.constant 1 : i32
    %scan3A_223 = scf.for %scan3A_260 = %scan3A_219 to %scan3A_221 step %scan3A_222 iter_args(%scan3A_261 = %scan3A_218) -> (i32)  : i32 {
      %mul3A_262 = arith.constant 1024 : i32
      %mul3A_263 = arith.muli %arg1, %mul3A_262 : i32
      %mul3A_264 = arith.constant 128 : i32
      %mul3A_265 = arith.muli %scan3A_260, %mul3A_264 : i32
      %add3A_266 = arith.addi %mul3A_263, %mul3A_265 : i32
      "tpu.region"() ({
        %run_scoped3A_268 = tpu.sem_alloc : memref<!tpu.dma_semaphore, #tpu.memory_space<semaphore_mem>>
        %dma_start3A_269 = arith.constant 0 : i32
        %dma_start3A_270 = tpu.memref_slice %arg7[%add3A_266, %dma_start3A_269] : memref<16384x64xf32, #tpu.memory_space<vmem_shared>> -> memref<128x64xf32, #tpu.memory_space<vmem_shared>>
        %dma_start3A_271 = arith.constant 0 : i32
        %dma_start3A_272 = tpu.memref_slice %arg7[%add3A_266, %dma_start3A_271] : memref<16384x64xf32, #tpu.memory_space<vmem_shared>> -> memref<128x64xf32, #tpu.memory_space<vmem_shared>>
        tpu.enqueue_dma source(%arg11 : memref<128x64xf32, #tpu.memory_space<vmem>>) target(%dma_start3A_272 : memref<128x64xf32, #tpu.memory_space<vmem_shared>>) target_semaphore(%run_scoped3A_268 : memref<!tpu.dma_semaphore, #tpu.memory_space<semaphore_mem>>)
        %dma_wait3A_273 = arith.constant 0 : i32
        %dma_wait3A_274 = tpu.memref_slice %arg7[%add3A_266, %dma_wait3A_273] : memref<16384x64xf32, #tpu.memory_space<vmem_shared>> -> memref<128x64xf32, #tpu.memory_space<vmem_shared>>
        %dma_wait3A_275 = arith.constant 0 : i32
        %dma_wait3A_276 = tpu.memref_slice %arg7[%add3A_266, %dma_wait3A_275] : memref<16384x64xf32, #tpu.memory_space<vmem_shared>> -> memref<128x64xf32, #tpu.memory_space<vmem_shared>>
        tpu.wait_dma2 semaphore(%run_scoped3A_268 : memref<!tpu.dma_semaphore, #tpu.memory_space<semaphore_mem>>) src(%arg11 : memref<128x64xf32, #tpu.memory_space<vmem>>) dst(%dma_wait3A_276 : memref<128x64xf32, #tpu.memory_space<vmem_shared>>)
        tpu.yield
      }) : () -> ()
      %scan3A_267 = arith.constant 0 : i32
      scf.yield %scan3A_267 : i32
    }
    %scan3A_224 = arith.constant 8 : i32
    %barrier3A_225 = arith.constant 0 : index
    tpu.barrier barrier_id(%barrier3A_225)
    %dma_start3A_226 = arith.constant 0 : i32
    %dma_start3A_227 = arith.constant 0 : i32
    %dma_start3A_228 = tpu.memref_slice %arg10[%dma_start3A_226, %dma_start3A_227] : memref<64x128xi32, #tpu.memory_space<vmem>> -> memref<1x128xi32, #tpu.memory_space<vmem>>
    %dma_start3A_229 = tpu.memref_squeeze %dma_start3A_228 : memref<1x128xi32, #tpu.memory_space<vmem>> -> memref<128xi32, #tpu.memory_space<vmem>>
    %dma_start3A_230 = arith.constant 0 : i32
    %dma_start3A_231 = arith.constant 0 : i32
    %dma_start3A_232 = tpu.memref_slice %arg2[%dma_start3A_230, %dma_start3A_231] : memref<200000x64xf32, #tpu.memory_space<hbm>> -> memref<200000x64xf32, #tpu.memory_space<hbm>>
    tpu.enqueue_indirect_dma source(%dma_start3A_232 : memref<200000x64xf32, #tpu.memory_space<hbm>>) target(%arg11 : memref<128x64xf32, #tpu.memory_space<vmem>>) offsets(%dma_start3A_229 : memref<128xi32, #tpu.memory_space<vmem>>) semaphore(%arg15 : memref<!tpu.dma_semaphore, #tpu.memory_space<semaphore_mem>>)
    %scan3A_233 = arith.constant 0 : i32
    %scan3A_234 = arith.constant 0 : i32
    %scan3A_235 = arith.constant 32 : i32
    %scan3A_236 = arith.addi %scan3A_234, %scan3A_235 : i32
    %scan3A_237 = arith.constant 1 : i32
    %scan3A_238 = scf.for %scan3A_260 = %scan3A_234 to %scan3A_236 step %scan3A_237 iter_args(%scan3A_261 = %scan3A_233) -> (i32)  : i32 {
      %mul3A_262 = arith.constant 2 : i32
      %mul3A_263 = arith.muli %mul3A_262, %scan3A_260 : i32
      %add3A_264 = arith.constant 1 : i32
      %add3A_265 = arith.addi %mul3A_263, %add3A_264 : i32
      %gt3A = arith.constant 0 : i32
      %gt3A_266 = arith.cmpi sgt, %scan3A_260, %gt3A : i32
      %convert_element_type3A = arith.extui %gt3A_266 : i1 to i32
      %cond3A = arith.constant 0 : i32
      %cond3A_267 = arith.cmpi ne, %convert_element_type3A, %cond3A : i32
      scf.if %cond3A_267 {
        %sub3A = arith.constant 1 : i32
        %sub3A_303 = arith.subi %mul3A_263, %sub3A : i32
        %dma_wait3A_304 = arith.constant 0 : i32
        %dma_wait3A_305 = tpu.memref_slice %arg9[%sub3A_303, %dma_wait3A_304] : memref<64x128xi32, #tpu.memory_space<vmem>> -> memref<1x128xi32, #tpu.memory_space<vmem>>
        %dma_wait3A_306 = tpu.memref_squeeze %dma_wait3A_305 : memref<1x128xi32, #tpu.memory_space<vmem>> -> memref<128xi32, #tpu.memory_space<vmem>>
        %dma_wait3A_307 = arith.constant 0 : i32
        %dma_wait3A_308 = arith.constant 0 : i32
        %dma_wait3A_309 = tpu.memref_slice %arg7[%dma_wait3A_307, %dma_wait3A_308] : memref<16384x64xf32, #tpu.memory_space<vmem_shared>> -> memref<16384x64xf32, #tpu.memory_space<vmem_shared>>
        tpu.wait_indirect_dma semaphore(%arg18 : memref<!tpu.dma_semaphore, #tpu.memory_space<semaphore_mem>>) src(%arg12 : memref<128x64xf32, #tpu.memory_space<vmem>>) dst(%dma_wait3A_309 : memref<16384x64xf32, #tpu.memory_space<vmem_shared>>)
      } else {
      }
      %dma_start3A_268 = arith.constant 0 : i32
      %dma_start3A_269 = tpu.memref_slice %arg10[%add3A_265, %dma_start3A_268] : memref<64x128xi32, #tpu.memory_space<vmem>> -> memref<1x128xi32, #tpu.memory_space<vmem>>
      %dma_start3A_270 = tpu.memref_squeeze %dma_start3A_269 : memref<1x128xi32, #tpu.memory_space<vmem>> -> memref<128xi32, #tpu.memory_space<vmem>>
      %dma_start3A_271 = arith.constant 0 : i32
      %dma_start3A_272 = arith.constant 0 : i32
      %dma_start3A_273 = tpu.memref_slice %arg2[%dma_start3A_271, %dma_start3A_272] : memref<200000x64xf32, #tpu.memory_space<hbm>> -> memref<200000x64xf32, #tpu.memory_space<hbm>>
      tpu.enqueue_indirect_dma source(%dma_start3A_273 : memref<200000x64xf32, #tpu.memory_space<hbm>>) target(%arg12 : memref<128x64xf32, #tpu.memory_space<vmem>>) offsets(%dma_start3A_270 : memref<128xi32, #tpu.memory_space<vmem>>) semaphore(%arg16 : memref<!tpu.dma_semaphore, #tpu.memory_space<semaphore_mem>>)
      %dma_wait3A_274 = arith.constant 0 : i32
      %dma_wait3A_275 = tpu.memref_slice %arg10[%mul3A_263, %dma_wait3A_274] : memref<64x128xi32, #tpu.memory_space<vmem>> -> memref<1x128xi32, #tpu.memory_space<vmem>>
      %dma_wait3A_276 = tpu.memref_squeeze %dma_wait3A_275 : memref<1x128xi32, #tpu.memory_space<vmem>> -> memref<128xi32, #tpu.memory_space<vmem>>
      %dma_wait3A_277 = arith.constant 0 : i32
      %dma_wait3A_278 = arith.constant 0 : i32
      %dma_wait3A_279 = tpu.memref_slice %arg2[%dma_wait3A_277, %dma_wait3A_278] : memref<200000x64xf32, #tpu.memory_space<hbm>> -> memref<200000x64xf32, #tpu.memory_space<hbm>>
      tpu.wait_indirect_dma semaphore(%arg15 : memref<!tpu.dma_semaphore, #tpu.memory_space<semaphore_mem>>) src(%dma_wait3A_279 : memref<200000x64xf32, #tpu.memory_space<hbm>>) dst(%arg11 : memref<128x64xf32, #tpu.memory_space<vmem>>)
      %dma_start3A_280 = arith.constant 0 : i32
      %dma_start3A_281 = tpu.memref_slice %arg9[%mul3A_263, %dma_start3A_280] : memref<64x128xi32, #tpu.memory_space<vmem>> -> memref<1x128xi32, #tpu.memory_space<vmem>>
      %dma_start3A_282 = tpu.memref_squeeze %dma_start3A_281 : memref<1x128xi32, #tpu.memory_space<vmem>> -> memref<128xi32, #tpu.memory_space<vmem>>
      %dma_start3A_283 = arith.constant 0 : i32
      %dma_start3A_284 = arith.constant 0 : i32
      %dma_start3A_285 = tpu.memref_slice %arg7[%dma_start3A_283, %dma_start3A_284] : memref<16384x64xf32, #tpu.memory_space<vmem_shared>> -> memref<16384x64xf32, #tpu.memory_space<vmem_shared>>
      tpu.enqueue_indirect_dma source(%arg11 : memref<128x64xf32, #tpu.memory_space<vmem>>) target(%dma_start3A_285 : memref<16384x64xf32, #tpu.memory_space<vmem_shared>>) offsets(%dma_start3A_282 : memref<128xi32, #tpu.memory_space<vmem>>) semaphore(%arg17 : memref<!tpu.dma_semaphore, #tpu.memory_space<semaphore_mem>>) {add = true}
      %lt3A = arith.constant 63 : i32
      %lt3A_286 = arith.cmpi slt, %add3A_265, %lt3A : i32
      %convert_element_type3A_287 = arith.extui %lt3A_286 : i1 to i32
      %cond3A_288 = arith.constant 0 : i32
      %cond3A_289 = arith.cmpi ne, %convert_element_type3A_287, %cond3A_288 : i32
      scf.if %cond3A_289 {
        %dma_wait3A_303 = arith.constant 0 : i32
        %dma_wait3A_304 = tpu.memref_slice %arg9[%mul3A_263, %dma_wait3A_303] : memref<64x128xi32, #tpu.memory_space<vmem>> -> memref<1x128xi32, #tpu.memory_space<vmem>>
        %dma_wait3A_305 = tpu.memref_squeeze %dma_wait3A_304 : memref<1x128xi32, #tpu.memory_space<vmem>> -> memref<128xi32, #tpu.memory_space<vmem>>
        %dma_wait3A_306 = arith.constant 0 : i32
        %dma_wait3A_307 = arith.constant 0 : i32
        %dma_wait3A_308 = tpu.memref_slice %arg7[%dma_wait3A_306, %dma_wait3A_307] : memref<16384x64xf32, #tpu.memory_space<vmem_shared>> -> memref<16384x64xf32, #tpu.memory_space<vmem_shared>>
        tpu.wait_indirect_dma semaphore(%arg17 : memref<!tpu.dma_semaphore, #tpu.memory_space<semaphore_mem>>) src(%arg11 : memref<128x64xf32, #tpu.memory_space<vmem>>) dst(%dma_wait3A_308 : memref<16384x64xf32, #tpu.memory_space<vmem_shared>>)
        %add3A_309 = arith.constant 1 : i32
        %add3A_310 = arith.addi %add3A_265, %add3A_309 : i32
        %dma_start3A_311 = arith.constant 0 : i32
        %dma_start3A_312 = tpu.memref_slice %arg10[%add3A_310, %dma_start3A_311] : memref<64x128xi32, #tpu.memory_space<vmem>> -> memref<1x128xi32, #tpu.memory_space<vmem>>
        %dma_start3A_313 = tpu.memref_squeeze %dma_start3A_312 : memref<1x128xi32, #tpu.memory_space<vmem>> -> memref<128xi32, #tpu.memory_space<vmem>>
        %dma_start3A_314 = arith.constant 0 : i32
        %dma_start3A_315 = arith.constant 0 : i32
        %dma_start3A_316 = tpu.memref_slice %arg2[%dma_start3A_314, %dma_start3A_315] : memref<200000x64xf32, #tpu.memory_space<hbm>> -> memref<200000x64xf32, #tpu.memory_space<hbm>>
        tpu.enqueue_indirect_dma source(%dma_start3A_316 : memref<200000x64xf32, #tpu.memory_space<hbm>>) target(%arg11 : memref<128x64xf32, #tpu.memory_space<vmem>>) offsets(%dma_start3A_313 : memref<128xi32, #tpu.memory_space<vmem>>) semaphore(%arg15 : memref<!tpu.dma_semaphore, #tpu.memory_space<semaphore_mem>>)
      } else {
      }
      %dma_wait3A_290 = arith.constant 0 : i32
      %dma_wait3A_291 = tpu.memref_slice %arg10[%add3A_265, %dma_wait3A_290] : memref<64x128xi32, #tpu.memory_space<vmem>> -> memref<1x128xi32, #tpu.memory_space<vmem>>
      %dma_wait3A_292 = tpu.memref_squeeze %dma_wait3A_291 : memref<1x128xi32, #tpu.memory_space<vmem>> -> memref<128xi32, #tpu.memory_space<vmem>>
      %dma_wait3A_293 = arith.constant 0 : i32
      %dma_wait3A_294 = arith.constant 0 : i32
      %dma_wait3A_295 = tpu.memref_slice %arg2[%dma_wait3A_293, %dma_wait3A_294] : memref<200000x64xf32, #tpu.memory_space<hbm>> -> memref<200000x64xf32, #tpu.memory_space<hbm>>
      tpu.wait_indirect_dma semaphore(%arg16 : memref<!tpu.dma_semaphore, #tpu.memory_space<semaphore_mem>>) src(%dma_wait3A_295 : memref<200000x64xf32, #tpu.memory_space<hbm>>) dst(%arg12 : memref<128x64xf32, #tpu.memory_space<vmem>>)
      %dma_start3A_296 = arith.constant 0 : i32
      %dma_start3A_297 = tpu.memref_slice %arg9[%add3A_265, %dma_start3A_296] : memref<64x128xi32, #tpu.memory_space<vmem>> -> memref<1x128xi32, #tpu.memory_space<vmem>>
      %dma_start3A_298 = tpu.memref_squeeze %dma_start3A_297 : memref<1x128xi32, #tpu.memory_space<vmem>> -> memref<128xi32, #tpu.memory_space<vmem>>
      %dma_start3A_299 = arith.constant 0 : i32
      %dma_start3A_300 = arith.constant 0 : i32
      %dma_start3A_301 = tpu.memref_slice %arg7[%dma_start3A_299, %dma_start3A_300] : memref<16384x64xf32, #tpu.memory_space<vmem_shared>> -> memref<16384x64xf32, #tpu.memory_space<vmem_shared>>
      tpu.enqueue_indirect_dma source(%arg12 : memref<128x64xf32, #tpu.memory_space<vmem>>) target(%dma_start3A_301 : memref<16384x64xf32, #tpu.memory_space<vmem_shared>>) offsets(%dma_start3A_298 : memref<128xi32, #tpu.memory_space<vmem>>) semaphore(%arg18 : memref<!tpu.dma_semaphore, #tpu.memory_space<semaphore_mem>>) {add = true}
      %scan3A_302 = arith.constant 0 : i32
      scf.yield %scan3A_302 : i32
    }
    %scan3A_239 = arith.constant 32 : i32
    %dma_wait3A_240 = arith.constant 62 : i32
    %dma_wait3A_241 = arith.constant 0 : i32
    %dma_wait3A_242 = tpu.memref_slice %arg9[%dma_wait3A_240, %dma_wait3A_241] : memref<64x128xi32, #tpu.memory_space<vmem>> -> memref<1x128xi32, #tpu.memory_space<vmem>>
    %dma_wait3A_243 = tpu.memref_squeeze %dma_wait3A_242 : memref<1x128xi32, #tpu.memory_space<vmem>> -> memref<128xi32, #tpu.memory_space<vmem>>
    %dma_wait3A_244 = arith.constant 0 : i32
    %dma_wait3A_245 = arith.constant 0 : i32
    %dma_wait3A_246 = tpu.memref_slice %arg7[%dma_wait3A_244, %dma_wait3A_245] : memref<16384x64xf32, #tpu.memory_space<vmem_shared>> -> memref<16384x64xf32, #tpu.memory_space<vmem_shared>>
    tpu.wait_indirect_dma semaphore(%arg17 : memref<!tpu.dma_semaphore, #tpu.memory_space<semaphore_mem>>) src(%arg11 : memref<128x64xf32, #tpu.memory_space<vmem>>) dst(%dma_wait3A_246 : memref<16384x64xf32, #tpu.memory_space<vmem_shared>>)
    %dma_wait3A_247 = arith.constant 63 : i32
    %dma_wait3A_248 = arith.constant 0 : i32
    %dma_wait3A_249 = tpu.memref_slice %arg9[%dma_wait3A_247, %dma_wait3A_248] : memref<64x128xi32, #tpu.memory_space<vmem>> -> memref<1x128xi32, #tpu.memory_space<vmem>>
    %dma_wait3A_250 = tpu.memref_squeeze %dma_wait3A_249 : memref<1x128xi32, #tpu.memory_space<vmem>> -> memref<128xi32, #tpu.memory_space<vmem>>
    %dma_wait3A_251 = arith.constant 0 : i32
    %dma_wait3A_252 = arith.constant 0 : i32
    %dma_wait3A_253 = tpu.memref_slice %arg7[%dma_wait3A_251, %dma_wait3A_252] : memref<16384x64xf32, #tpu.memory_space<vmem_shared>> -> memref<16384x64xf32, #tpu.memory_space<vmem_shared>>
    tpu.wait_indirect_dma semaphore(%arg18 : memref<!tpu.dma_semaphore, #tpu.memory_space<semaphore_mem>>) src(%arg12 : memref<128x64xf32, #tpu.memory_space<vmem>>) dst(%dma_wait3A_253 : memref<16384x64xf32, #tpu.memory_space<vmem_shared>>)
    %barrier3A_254 = arith.constant 0 : index
    tpu.barrier barrier_id(%barrier3A_254)
    %mul3A_255 = arith.constant 1024 : i32
    %mul3A_256 = arith.muli %arg1, %mul3A_255 : i32
    %mul3A_257 = arith.constant 1024 : i32
    %mul3A_258 = arith.muli %arg1, %mul3A_257 : i32
    %run_scoped3A_259 = arith.constant 3 : i32
    "tpu.region"() ({
      %run_scoped3A_260 = tpu.sem_alloc : memref<!tpu.dma_semaphore, #tpu.memory_space<semaphore_mem>>
      %dma_start3A_261 = arith.constant 0 : i32
      %dma_start3A_262 = tpu.memref_slice %arg5[%arg0, %run_scoped3A_259, %mul3A_258, %dma_start3A_261] : memref<2x4x16384x64xf32, #tpu.memory_space<hbm>> -> memref<1x1x1024x64xf32, #tpu.memory_space<hbm>>
      %dma_start3A_263 = tpu.memref_squeeze %dma_start3A_262 : memref<1x1x1024x64xf32, #tpu.memory_space<hbm>> -> memref<1024x64xf32, #tpu.memory_space<hbm>>
      %dma_start3A_264 = arith.constant 0 : i32
      %dma_start3A_265 = tpu.memref_slice %arg7[%mul3A_256, %dma_start3A_264] : memref<16384x64xf32, #tpu.memory_space<vmem_shared>> -> memref<1024x64xf32, #tpu.memory_space<vmem_shared>>
      tpu.enqueue_dma source(%dma_start3A_265 : memref<1024x64xf32, #tpu.memory_space<vmem_shared>>) target(%dma_start3A_263 : memref<1024x64xf32, #tpu.memory_space<hbm>>) target_semaphore(%run_scoped3A_260 : memref<!tpu.dma_semaphore, #tpu.memory_space<semaphore_mem>>)
      %dma_wait3A_266 = arith.constant 0 : i32
      %dma_wait3A_267 = tpu.memref_slice %arg5[%arg0, %run_scoped3A_259, %mul3A_258, %dma_wait3A_266] : memref<2x4x16384x64xf32, #tpu.memory_space<hbm>> -> memref<1x1x1024x64xf32, #tpu.memory_space<hbm>>
      %dma_wait3A_268 = tpu.memref_squeeze %dma_wait3A_267 : memref<1x1x1024x64xf32, #tpu.memory_space<hbm>> -> memref<1024x64xf32, #tpu.memory_space<hbm>>
      %dma_wait3A_269 = arith.constant 0 : i32
      %dma_wait3A_270 = tpu.memref_slice %arg7[%mul3A_256, %dma_wait3A_269] : memref<16384x64xf32, #tpu.memory_space<vmem_shared>> -> memref<1024x64xf32, #tpu.memory_space<vmem_shared>>
      tpu.wait_dma2 semaphore(%run_scoped3A_260 : memref<!tpu.dma_semaphore, #tpu.memory_space<semaphore_mem>>) src(%dma_wait3A_270 : memref<1024x64xf32, #tpu.memory_space<vmem_shared>>) dst(%dma_wait3A_268 : memref<1024x64xf32, #tpu.memory_space<hbm>>)
      tpu.yield
    }) : () -> ()
    return
  }
}

#map = affine_map<(d0, d1) -> (0, 0)>
#map1 = affine_map<(d0, d1) -> (0, 0, 0)>
module attributes {stable_mosaic.version = 14 : i64} {
  func.func @_sc_l1_body(%arg0: i32, %arg1: i32, %arg2: memref<16384x256xf32, #tpu.memory_space<hbm>>, %arg3: memref<1024x64xi32, #tpu.memory_space<hbm>>, %arg4: memref<1024x64xi32, #tpu.memory_space<hbm>>, %arg5: memref<2x4096x256xf32, #tpu.memory_space<hbm>>, %arg6: memref<2x4096x16xf32, #tpu.memory_space<hbm>>, %arg7: memref<4096x256xf32, #tpu.memory_space<vmem_shared>>, %arg8: memref<4096x16xf32, #tpu.memory_space<vmem_shared>>, %arg9: memref<32x64xi32, #tpu.memory_space<vmem>>, %arg10: memref<32x64xi32, #tpu.memory_space<vmem>>, %arg11: memref<64x256xf32, #tpu.memory_space<vmem>>, %arg12: memref<64x256xf32, #tpu.memory_space<vmem>>, %arg13: memref<64x16xf32, #tpu.memory_space<vmem>>, %arg14: memref<64x16xf32, #tpu.memory_space<vmem>>, %arg15: memref<!tpu.dma_semaphore, #tpu.memory_space<semaphore_mem>>, %arg16: memref<!tpu.dma_semaphore, #tpu.memory_space<semaphore_mem>>) attributes {dimension_semantics = [#tpu.dimension_semantics<core_parallel>, #tpu.dimension_semantics<subcore_parallel>], iteration_bounds = array<i64: 2, 16>, scalar_prefetch = 0 : i64, scratch_operands = 10 : i64, tpu.core_type = #tpu.core_type<sc_vector_subcore>, window_params = [{transform_indices = #map}, {transform_indices = #map}, {transform_indices = #map}, {transform_indices = #map1}, {transform_indices = #map1}]} {
    %mul3A = arith.constant 16 : i32
    %mul3A_0 = arith.muli %arg0, %mul3A : i32
    %add3A = arith.addi %mul3A_0, %arg1 : i32
    %broadcast_in_dim3A = arith.constant 0.000000e+00 : f32
    %broadcast_in_dim3A_1 = vector.broadcast %broadcast_in_dim3A : f32 to vector<16xf32>
    %scan3A = arith.constant 0 : i32
    %scan3A_2 = arith.constant 0 : i32
    %scan3A_3 = arith.constant 64 : i32
    %scan3A_4 = arith.addi %scan3A_2, %scan3A_3 : i32
    %scan3A_5 = arith.constant 1 : i32
    %scan3A_6 = scf.for %scan3A_66 = %scan3A_2 to %scan3A_4 step %scan3A_5 iter_args(%scan3A_67 = %scan3A) -> (i32)  : i32 {
      %swap3A = arith.index_cast %scan3A_66 : i32 to index
      %swap3A_68 = arith.constant 0 : index
      %swap3A_69 = tpu.vector_load %arg11[%swap3A, %swap3A_68] {strides = array<i32>} : memref<64x256xf32, #tpu.memory_space<vmem>>, vector<1x16xf32>,
      %swap3A_70 = vector.shape_cast %swap3A_69 : vector<1x16xf32> to vector<16xf32>
      %swap3A_71 = vector.shape_cast %broadcast_in_dim3A_1 : vector<16xf32> to vector<1x16xf32>
      tpu.vector_store %arg11[%swap3A, %swap3A_68], %swap3A_71 {strides = array<i32>} : memref<64x256xf32, #tpu.memory_space<vmem>>, vector<1x16xf32>,
      %swap3A_72 = arith.index_cast %scan3A_66 : i32 to index
      %swap3A_73 = arith.constant 16 : index
      %swap3A_74 = tpu.vector_load %arg11[%swap3A_72, %swap3A_73] {strides = array<i32>} : memref<64x256xf32, #tpu.memory_space<vmem>>, vector<1x16xf32>,
      %swap3A_75 = vector.shape_cast %swap3A_74 : vector<1x16xf32> to vector<16xf32>
      %swap3A_76 = vector.shape_cast %broadcast_in_dim3A_1 : vector<16xf32> to vector<1x16xf32>
      tpu.vector_store %arg11[%swap3A_72, %swap3A_73], %swap3A_76 {strides = array<i32>} : memref<64x256xf32, #tpu.memory_space<vmem>>, vector<1x16xf32>,
      %swap3A_77 = arith.index_cast %scan3A_66 : i32 to index
      %swap3A_78 = arith.constant 32 : index
      %swap3A_79 = tpu.vector_load %arg11[%swap3A_77, %swap3A_78] {strides = array<i32>} : memref<64x256xf32, #tpu.memory_space<vmem>>, vector<1x16xf32>,
      %swap3A_80 = vector.shape_cast %swap3A_79 : vector<1x16xf32> to vector<16xf32>
      %swap3A_81 = vector.shape_cast %broadcast_in_dim3A_1 : vector<16xf32> to vector<1x16xf32>
      tpu.vector_store %arg11[%swap3A_77, %swap3A_78], %swap3A_81 {strides = array<i32>} : memref<64x256xf32, #tpu.memory_space<vmem>>, vector<1x16xf32>,
      %swap3A_82 = arith.index_cast %scan3A_66 : i32 to index
      %swap3A_83 = arith.constant 48 : index
      %swap3A_84 = tpu.vector_load %arg11[%swap3A_82, %swap3A_83] {strides = array<i32>} : memref<64x256xf32, #tpu.memory_space<vmem>>, vector<1x16xf32>,
      %swap3A_85 = vector.shape_cast %swap3A_84 : vector<1x16xf32> to vector<16xf32>
      %swap3A_86 = vector.shape_cast %broadcast_in_dim3A_1 : vector<16xf32> to vector<1x16xf32>
      tpu.vector_store %arg11[%swap3A_82, %swap3A_83], %swap3A_86 {strides = array<i32>} : memref<64x256xf32, #tpu.memory_space<vmem>>, vector<1x16xf32>,
      %swap3A_87 = arith.index_cast %scan3A_66 : i32 to index
      %swap3A_88 = arith.constant 64 : index
      %swap3A_89 = tpu.vector_load %arg11[%swap3A_87, %swap3A_88] {strides = array<i32>} : memref<64x256xf32, #tpu.memory_space<vmem>>, vector<1x16xf32>,
      %swap3A_90 = vector.shape_cast %swap3A_89 : vector<1x16xf32> to vector<16xf32>
      %swap3A_91 = vector.shape_cast %broadcast_in_dim3A_1 : vector<16xf32> to vector<1x16xf32>
      tpu.vector_store %arg11[%swap3A_87, %swap3A_88], %swap3A_91 {strides = array<i32>} : memref<64x256xf32, #tpu.memory_space<vmem>>, vector<1x16xf32>,
      %swap3A_92 = arith.index_cast %scan3A_66 : i32 to index
      %swap3A_93 = arith.constant 80 : index
      %swap3A_94 = tpu.vector_load %arg11[%swap3A_92, %swap3A_93] {strides = array<i32>} : memref<64x256xf32, #tpu.memory_space<vmem>>, vector<1x16xf32>,
      %swap3A_95 = vector.shape_cast %swap3A_94 : vector<1x16xf32> to vector<16xf32>
      %swap3A_96 = vector.shape_cast %broadcast_in_dim3A_1 : vector<16xf32> to vector<1x16xf32>
      tpu.vector_store %arg11[%swap3A_92, %swap3A_93], %swap3A_96 {strides = array<i32>} : memref<64x256xf32, #tpu.memory_space<vmem>>, vector<1x16xf32>,
      %swap3A_97 = arith.index_cast %scan3A_66 : i32 to index
      %swap3A_98 = arith.constant 96 : index
      %swap3A_99 = tpu.vector_load %arg11[%swap3A_97, %swap3A_98] {strides = array<i32>} : memref<64x256xf32, #tpu.memory_space<vmem>>, vector<1x16xf32>,
      %swap3A_100 = vector.shape_cast %swap3A_99 : vector<1x16xf32> to vector<16xf32>
      %swap3A_101 = vector.shape_cast %broadcast_in_dim3A_1 : vector<16xf32> to vector<1x16xf32>
      tpu.vector_store %arg11[%swap3A_97, %swap3A_98], %swap3A_101 {strides = array<i32>} : memref<64x256xf32, #tpu.memory_space<vmem>>, vector<1x16xf32>,
      %swap3A_102 = arith.index_cast %scan3A_66 : i32 to index
      %swap3A_103 = arith.constant 112 : index
      %swap3A_104 = tpu.vector_load %arg11[%swap3A_102, %swap3A_103] {strides = array<i32>} : memref<64x256xf32, #tpu.memory_space<vmem>>, vector<1x16xf32>,
      %swap3A_105 = vector.shape_cast %swap3A_104 : vector<1x16xf32> to vector<16xf32>
      %swap3A_106 = vector.shape_cast %broadcast_in_dim3A_1 : vector<16xf32> to vector<1x16xf32>
      tpu.vector_store %arg11[%swap3A_102, %swap3A_103], %swap3A_106 {strides = array<i32>} : memref<64x256xf32, #tpu.memory_space<vmem>>, vector<1x16xf32>,
      %swap3A_107 = arith.index_cast %scan3A_66 : i32 to index
      %swap3A_108 = arith.constant 128 : index
      %swap3A_109 = tpu.vector_load %arg11[%swap3A_107, %swap3A_108] {strides = array<i32>} : memref<64x256xf32, #tpu.memory_space<vmem>>, vector<1x16xf32>,
      %swap3A_110 = vector.shape_cast %swap3A_109 : vector<1x16xf32> to vector<16xf32>
      %swap3A_111 = vector.shape_cast %broadcast_in_dim3A_1 : vector<16xf32> to vector<1x16xf32>
      tpu.vector_store %arg11[%swap3A_107, %swap3A_108], %swap3A_111 {strides = array<i32>} : memref<64x256xf32, #tpu.memory_space<vmem>>, vector<1x16xf32>,
      %swap3A_112 = arith.index_cast %scan3A_66 : i32 to index
      %swap3A_113 = arith.constant 144 : index
      %swap3A_114 = tpu.vector_load %arg11[%swap3A_112, %swap3A_113] {strides = array<i32>} : memref<64x256xf32, #tpu.memory_space<vmem>>, vector<1x16xf32>,
      %swap3A_115 = vector.shape_cast %swap3A_114 : vector<1x16xf32> to vector<16xf32>
      %swap3A_116 = vector.shape_cast %broadcast_in_dim3A_1 : vector<16xf32> to vector<1x16xf32>
      tpu.vector_store %arg11[%swap3A_112, %swap3A_113], %swap3A_116 {strides = array<i32>} : memref<64x256xf32, #tpu.memory_space<vmem>>, vector<1x16xf32>,
      %swap3A_117 = arith.index_cast %scan3A_66 : i32 to index
      %swap3A_118 = arith.constant 160 : index
      %swap3A_119 = tpu.vector_load %arg11[%swap3A_117, %swap3A_118] {strides = array<i32>} : memref<64x256xf32, #tpu.memory_space<vmem>>, vector<1x16xf32>,
      %swap3A_120 = vector.shape_cast %swap3A_119 : vector<1x16xf32> to vector<16xf32>
      %swap3A_121 = vector.shape_cast %broadcast_in_dim3A_1 : vector<16xf32> to vector<1x16xf32>
      tpu.vector_store %arg11[%swap3A_117, %swap3A_118], %swap3A_121 {strides = array<i32>} : memref<64x256xf32, #tpu.memory_space<vmem>>, vector<1x16xf32>,
      %swap3A_122 = arith.index_cast %scan3A_66 : i32 to index
      %swap3A_123 = arith.constant 176 : index
      %swap3A_124 = tpu.vector_load %arg11[%swap3A_122, %swap3A_123] {strides = array<i32>} : memref<64x256xf32, #tpu.memory_space<vmem>>, vector<1x16xf32>,
      %swap3A_125 = vector.shape_cast %swap3A_124 : vector<1x16xf32> to vector<16xf32>
      %swap3A_126 = vector.shape_cast %broadcast_in_dim3A_1 : vector<16xf32> to vector<1x16xf32>
      tpu.vector_store %arg11[%swap3A_122, %swap3A_123], %swap3A_126 {strides = array<i32>} : memref<64x256xf32, #tpu.memory_space<vmem>>, vector<1x16xf32>,
      %swap3A_127 = arith.index_cast %scan3A_66 : i32 to index
      %swap3A_128 = arith.constant 192 : index
      %swap3A_129 = tpu.vector_load %arg11[%swap3A_127, %swap3A_128] {strides = array<i32>} : memref<64x256xf32, #tpu.memory_space<vmem>>, vector<1x16xf32>,
      %swap3A_130 = vector.shape_cast %swap3A_129 : vector<1x16xf32> to vector<16xf32>
      %swap3A_131 = vector.shape_cast %broadcast_in_dim3A_1 : vector<16xf32> to vector<1x16xf32>
      tpu.vector_store %arg11[%swap3A_127, %swap3A_128], %swap3A_131 {strides = array<i32>} : memref<64x256xf32, #tpu.memory_space<vmem>>, vector<1x16xf32>,
      %swap3A_132 = arith.index_cast %scan3A_66 : i32 to index
      %swap3A_133 = arith.constant 208 : index
      %swap3A_134 = tpu.vector_load %arg11[%swap3A_132, %swap3A_133] {strides = array<i32>} : memref<64x256xf32, #tpu.memory_space<vmem>>, vector<1x16xf32>,
      %swap3A_135 = vector.shape_cast %swap3A_134 : vector<1x16xf32> to vector<16xf32>
      %swap3A_136 = vector.shape_cast %broadcast_in_dim3A_1 : vector<16xf32> to vector<1x16xf32>
      tpu.vector_store %arg11[%swap3A_132, %swap3A_133], %swap3A_136 {strides = array<i32>} : memref<64x256xf32, #tpu.memory_space<vmem>>, vector<1x16xf32>,
      %swap3A_137 = arith.index_cast %scan3A_66 : i32 to index
      %swap3A_138 = arith.constant 224 : index
      %swap3A_139 = tpu.vector_load %arg11[%swap3A_137, %swap3A_138] {strides = array<i32>} : memref<64x256xf32, #tpu.memory_space<vmem>>, vector<1x16xf32>,
      %swap3A_140 = vector.shape_cast %swap3A_139 : vector<1x16xf32> to vector<16xf32>
      %swap3A_141 = vector.shape_cast %broadcast_in_dim3A_1 : vector<16xf32> to vector<1x16xf32>
      tpu.vector_store %arg11[%swap3A_137, %swap3A_138], %swap3A_141 {strides = array<i32>} : memref<64x256xf32, #tpu.memory_space<vmem>>, vector<1x16xf32>,
      %swap3A_142 = arith.index_cast %scan3A_66 : i32 to index
      %swap3A_143 = arith.constant 240 : index
      %swap3A_144 = tpu.vector_load %arg11[%swap3A_142, %swap3A_143] {strides = array<i32>} : memref<64x256xf32, #tpu.memory_space<vmem>>, vector<1x16xf32>,
      %swap3A_145 = vector.shape_cast %swap3A_144 : vector<1x16xf32> to vector<16xf32>
      %swap3A_146 = vector.shape_cast %broadcast_in_dim3A_1 : vector<16xf32> to vector<1x16xf32>
      tpu.vector_store %arg11[%swap3A_142, %swap3A_143], %swap3A_146 {strides = array<i32>} : memref<64x256xf32, #tpu.memory_space<vmem>>, vector<1x16xf32>,
      %scan3A_147 = arith.constant 0 : i32
      scf.yield %scan3A_147 : i32
    }
    %scan3A_7 = arith.constant 64 : i32
    %broadcast_in_dim3A_8 = arith.constant 0.000000e+00 : f32
    %broadcast_in_dim3A_9 = vector.broadcast %broadcast_in_dim3A_8 : f32 to vector<16xf32>
    %scan3A_10 = arith.constant 0 : i32
    %scan3A_11 = arith.constant 0 : i32
    %scan3A_12 = arith.constant 64 : i32
    %scan3A_13 = arith.addi %scan3A_11, %scan3A_12 : i32
    %scan3A_14 = arith.constant 1 : i32
    %scan3A_15 = scf.for %scan3A_66 = %scan3A_11 to %scan3A_13 step %scan3A_14 iter_args(%scan3A_67 = %scan3A_10) -> (i32)  : i32 {
      %swap3A = arith.index_cast %scan3A_66 : i32 to index
      %swap3A_68 = arith.constant 0 : index
      %swap3A_69 = tpu.vector_load %arg14[%swap3A, %swap3A_68] {strides = array<i32>} : memref<64x16xf32, #tpu.memory_space<vmem>>, vector<1x16xf32>,
      %swap3A_70 = vector.shape_cast %swap3A_69 : vector<1x16xf32> to vector<16xf32>
      %swap3A_71 = vector.shape_cast %broadcast_in_dim3A_9 : vector<16xf32> to vector<1x16xf32>
      tpu.vector_store %arg14[%swap3A, %swap3A_68], %swap3A_71 {strides = array<i32>} : memref<64x16xf32, #tpu.memory_space<vmem>>, vector<1x16xf32>,
      %scan3A_72 = arith.constant 0 : i32
      scf.yield %scan3A_72 : i32
    }
    %scan3A_16 = arith.constant 64 : i32
    %broadcast_in_dim3A_17 = arith.constant 1.000000e+00 : f32
    %broadcast_in_dim3A_18 = vector.broadcast %broadcast_in_dim3A_17 : f32 to vector<16xf32>
    %scan3A_19 = arith.constant 0 : i32
    %scan3A_20 = arith.constant 0 : i32
    %scan3A_21 = arith.constant 64 : i32
    %scan3A_22 = arith.addi %scan3A_20, %scan3A_21 : i32
    %scan3A_23 = arith.constant 1 : i32
    %scan3A_24 = scf.for %scan3A_66 = %scan3A_20 to %scan3A_22 step %scan3A_23 iter_args(%scan3A_67 = %scan3A_19) -> (i32)  : i32 {
      %swap3A = arith.index_cast %scan3A_66 : i32 to index
      %swap3A_68 = arith.constant 0 : index
      %swap3A_69 = tpu.vector_load %arg13[%swap3A, %swap3A_68] {strides = array<i32>} : memref<64x16xf32, #tpu.memory_space<vmem>>, vector<1x16xf32>,
      %swap3A_70 = vector.shape_cast %swap3A_69 : vector<1x16xf32> to vector<16xf32>
      %swap3A_71 = vector.shape_cast %broadcast_in_dim3A_18 : vector<16xf32> to vector<1x16xf32>
      tpu.vector_store %arg13[%swap3A, %swap3A_68], %swap3A_71 {strides = array<i32>} : memref<64x16xf32, #tpu.memory_space<vmem>>, vector<1x16xf32>,
      %scan3A_72 = arith.constant 0 : i32
      scf.yield %scan3A_72 : i32
    }
    %scan3A_25 = arith.constant 64 : i32
    %scan3A_26 = arith.constant 0 : i32
    %scan3A_27 = arith.constant 0 : i32
    %scan3A_28 = arith.constant 4 : i32
    %scan3A_29 = arith.addi %scan3A_27, %scan3A_28 : i32
    %scan3A_30 = arith.constant 1 : i32
    %scan3A_31 = scf.for %scan3A_66 = %scan3A_27 to %scan3A_29 step %scan3A_30 iter_args(%scan3A_67 = %scan3A_26) -> (i32)  : i32 {
      %mul3A_68 = arith.constant 256 : i32
      %mul3A_69 = arith.muli %arg1, %mul3A_68 : i32
      %mul3A_70 = arith.constant 64 : i32
      %mul3A_71 = arith.muli %scan3A_66, %mul3A_70 : i32
      %add3A_72 = arith.addi %mul3A_69, %mul3A_71 : i32
      "tpu.region"() ({
        %run_scoped3A = tpu.sem_alloc : memref<!tpu.dma_semaphore, #tpu.memory_space<semaphore_mem>>
        %dma_start3A_74 = arith.constant 0 : i32
        %dma_start3A_75 = tpu.memref_slice %arg7[%add3A_72, %dma_start3A_74] : memref<4096x256xf32, #tpu.memory_space<vmem_shared>> -> memref<64x256xf32, #tpu.memory_space<vmem_shared>>
        %dma_start3A_76 = arith.constant 0 : i32
        %dma_start3A_77 = tpu.memref_slice %arg7[%add3A_72, %dma_start3A_76] : memref<4096x256xf32, #tpu.memory_space<vmem_shared>> -> memref<64x256xf32, #tpu.memory_space<vmem_shared>>
        tpu.enqueue_dma source(%arg11 : memref<64x256xf32, #tpu.memory_space<vmem>>) target(%dma_start3A_77 : memref<64x256xf32, #tpu.memory_space<vmem_shared>>) target_semaphore(%run_scoped3A : memref<!tpu.dma_semaphore, #tpu.memory_space<semaphore_mem>>)
        %dma_wait3A = arith.constant 0 : i32
        %dma_wait3A_78 = tpu.memref_slice %arg7[%add3A_72, %dma_wait3A] : memref<4096x256xf32, #tpu.memory_space<vmem_shared>> -> memref<64x256xf32, #tpu.memory_space<vmem_shared>>
        %dma_wait3A_79 = arith.constant 0 : i32
        %dma_wait3A_80 = tpu.memref_slice %arg7[%add3A_72, %dma_wait3A_79] : memref<4096x256xf32, #tpu.memory_space<vmem_shared>> -> memref<64x256xf32, #tpu.memory_space<vmem_shared>>
        tpu.wait_dma2 semaphore(%run_scoped3A : memref<!tpu.dma_semaphore, #tpu.memory_space<semaphore_mem>>) src(%arg11 : memref<64x256xf32, #tpu.memory_space<vmem>>) dst(%dma_wait3A_80 : memref<64x256xf32, #tpu.memory_space<vmem_shared>>)
        tpu.yield
      }) : () -> ()
      %scan3A_73 = arith.constant 0 : i32
      scf.yield %scan3A_73 : i32
    }
    %scan3A_32 = arith.constant 4 : i32
    %scan3A_33 = arith.constant 0 : i32
    %scan3A_34 = arith.constant 0 : i32
    %scan3A_35 = arith.constant 4 : i32
    %scan3A_36 = arith.addi %scan3A_34, %scan3A_35 : i32
    %scan3A_37 = arith.constant 1 : i32
    %scan3A_38 = scf.for %scan3A_66 = %scan3A_34 to %scan3A_36 step %scan3A_37 iter_args(%scan3A_67 = %scan3A_33) -> (i32)  : i32 {
      %mul3A_68 = arith.constant 256 : i32
      %mul3A_69 = arith.muli %arg1, %mul3A_68 : i32
      %mul3A_70 = arith.constant 64 : i32
      %mul3A_71 = arith.muli %scan3A_66, %mul3A_70 : i32
      %add3A_72 = arith.addi %mul3A_69, %mul3A_71 : i32
      "tpu.region"() ({
        %run_scoped3A = tpu.sem_alloc : memref<!tpu.dma_semaphore, #tpu.memory_space<semaphore_mem>>
        %dma_start3A_74 = arith.constant 0 : i32
        %dma_start3A_75 = tpu.memref_slice %arg8[%add3A_72, %dma_start3A_74] : memref<4096x16xf32, #tpu.memory_space<vmem_shared>> -> memref<64x16xf32, #tpu.memory_space<vmem_shared>>
        %dma_start3A_76 = arith.constant 0 : i32
        %dma_start3A_77 = tpu.memref_slice %arg8[%add3A_72, %dma_start3A_76] : memref<4096x16xf32, #tpu.memory_space<vmem_shared>> -> memref<64x16xf32, #tpu.memory_space<vmem_shared>>
        tpu.enqueue_dma source(%arg14 : memref<64x16xf32, #tpu.memory_space<vmem>>) target(%dma_start3A_77 : memref<64x16xf32, #tpu.memory_space<vmem_shared>>) target_semaphore(%run_scoped3A : memref<!tpu.dma_semaphore, #tpu.memory_space<semaphore_mem>>)
        %dma_wait3A = arith.constant 0 : i32
        %dma_wait3A_78 = tpu.memref_slice %arg8[%add3A_72, %dma_wait3A] : memref<4096x16xf32, #tpu.memory_space<vmem_shared>> -> memref<64x16xf32, #tpu.memory_space<vmem_shared>>
        %dma_wait3A_79 = arith.constant 0 : i32
        %dma_wait3A_80 = tpu.memref_slice %arg8[%add3A_72, %dma_wait3A_79] : memref<4096x16xf32, #tpu.memory_space<vmem_shared>> -> memref<64x16xf32, #tpu.memory_space<vmem_shared>>
        tpu.wait_dma2 semaphore(%run_scoped3A : memref<!tpu.dma_semaphore, #tpu.memory_space<semaphore_mem>>) src(%arg14 : memref<64x16xf32, #tpu.memory_space<vmem>>) dst(%dma_wait3A_80 : memref<64x16xf32, #tpu.memory_space<vmem_shared>>)
        tpu.yield
      }) : () -> ()
      %scan3A_73 = arith.constant 0 : i32
      scf.yield %scan3A_73 : i32
    }
    %scan3A_39 = arith.constant 4 : i32
    %mul3A_40 = arith.constant 32 : i32
    %mul3A_41 = arith.muli %add3A, %mul3A_40 : i32
    "tpu.region"() ({
      %run_scoped3A = tpu.sem_alloc : memref<!tpu.dma_semaphore, #tpu.memory_space<semaphore_mem>>
      %dma_start3A_66 = arith.constant 0 : i32
      %dma_start3A_67 = tpu.memref_slice %arg3[%mul3A_41, %dma_start3A_66] : memref<1024x64xi32, #tpu.memory_space<hbm>> -> memref<32x64xi32, #tpu.memory_space<hbm>>
      %dma_start3A_68 = arith.constant 0 : i32
      %dma_start3A_69 = tpu.memref_slice %arg3[%mul3A_41, %dma_start3A_68] : memref<1024x64xi32, #tpu.memory_space<hbm>> -> memref<32x64xi32, #tpu.memory_space<hbm>>
      tpu.enqueue_dma source(%dma_start3A_69 : memref<32x64xi32, #tpu.memory_space<hbm>>) target(%arg9 : memref<32x64xi32, #tpu.memory_space<vmem>>) target_semaphore(%run_scoped3A : memref<!tpu.dma_semaphore, #tpu.memory_space<semaphore_mem>>)
      %dma_wait3A = arith.constant 0 : i32
      %dma_wait3A_70 = tpu.memref_slice %arg3[%mul3A_41, %dma_wait3A] : memref<1024x64xi32, #tpu.memory_space<hbm>> -> memref<32x64xi32, #tpu.memory_space<hbm>>
      %dma_wait3A_71 = arith.constant 0 : i32
      %dma_wait3A_72 = tpu.memref_slice %arg3[%mul3A_41, %dma_wait3A_71] : memref<1024x64xi32, #tpu.memory_space<hbm>> -> memref<32x64xi32, #tpu.memory_space<hbm>>
      tpu.wait_dma2 semaphore(%run_scoped3A : memref<!tpu.dma_semaphore, #tpu.memory_space<semaphore_mem>>) src(%dma_wait3A_72 : memref<32x64xi32, #tpu.memory_space<hbm>>) dst(%arg9 : memref<32x64xi32, #tpu.memory_space<vmem>>)
      tpu.yield
    }) : () -> ()
    %mul3A_42 = arith.constant 32 : i32
    %mul3A_43 = arith.muli %add3A, %mul3A_42 : i32
    "tpu.region"() ({
      %run_scoped3A = tpu.sem_alloc : memref<!tpu.dma_semaphore, #tpu.memory_space<semaphore_mem>>
      %dma_start3A_66 = arith.constant 0 : i32
      %dma_start3A_67 = tpu.memref_slice %arg4[%mul3A_43, %dma_start3A_66] : memref<1024x64xi32, #tpu.memory_space<hbm>> -> memref<32x64xi32, #tpu.memory_space<hbm>>
      %dma_start3A_68 = arith.constant 0 : i32
      %dma_start3A_69 = tpu.memref_slice %arg4[%mul3A_43, %dma_start3A_68] : memref<1024x64xi32, #tpu.memory_space<hbm>> -> memref<32x64xi32, #tpu.memory_space<hbm>>
      tpu.enqueue_dma source(%dma_start3A_69 : memref<32x64xi32, #tpu.memory_space<hbm>>) target(%arg10 : memref<32x64xi32, #tpu.memory_space<vmem>>) target_semaphore(%run_scoped3A : memref<!tpu.dma_semaphore, #tpu.memory_space<semaphore_mem>>)
      %dma_wait3A = arith.constant 0 : i32
      %dma_wait3A_70 = tpu.memref_slice %arg4[%mul3A_43, %dma_wait3A] : memref<1024x64xi32, #tpu.memory_space<hbm>> -> memref<32x64xi32, #tpu.memory_space<hbm>>
      %dma_wait3A_71 = arith.constant 0 : i32
      %dma_wait3A_72 = tpu.memref_slice %arg4[%mul3A_43, %dma_wait3A_71] : memref<1024x64xi32, #tpu.memory_space<hbm>> -> memref<32x64xi32, #tpu.memory_space<hbm>>
      tpu.wait_dma2 semaphore(%run_scoped3A : memref<!tpu.dma_semaphore, #tpu.memory_space<semaphore_mem>>) src(%dma_wait3A_72 : memref<32x64xi32, #tpu.memory_space<hbm>>) dst(%arg10 : memref<32x64xi32, #tpu.memory_space<vmem>>)
      tpu.yield
    }) : () -> ()
    %barrier3A = arith.constant 0 : index
    tpu.barrier barrier_id(%barrier3A)
    %dma_start3A = arith.constant 0 : i32
    %dma_start3A_44 = arith.constant 0 : i32
    %dma_start3A_45 = tpu.memref_slice %arg9[%dma_start3A, %dma_start3A_44] : memref<32x64xi32, #tpu.memory_space<vmem>> -> memref<1x64xi32, #tpu.memory_space<vmem>>
    %dma_start3A_46 = tpu.memref_squeeze %dma_start3A_45 : memref<1x64xi32, #tpu.memory_space<vmem>> -> memref<64xi32, #tpu.memory_space<vmem>>
    %dma_start3A_47 = arith.constant 0 : i32
    %dma_start3A_48 = arith.constant 0 : i32
    %dma_start3A_49 = tpu.memref_slice %arg2[%dma_start3A_47, %dma_start3A_48] : memref<16384x256xf32, #tpu.memory_space<hbm>> -> memref<16384x256xf32, #tpu.memory_space<hbm>>
    tpu.enqueue_indirect_dma source(%dma_start3A_49 : memref<16384x256xf32, #tpu.memory_space<hbm>>) target(%arg11 : memref<64x256xf32, #tpu.memory_space<vmem>>) offsets(%dma_start3A_46 : memref<64xi32, #tpu.memory_space<vmem>>) semaphore(%arg15 : memref<!tpu.dma_semaphore, #tpu.memory_space<semaphore_mem>>)
    %scan3A_50 = arith.constant 0 : i32
    %scan3A_51 = arith.constant 0 : i32
    %scan3A_52 = arith.constant 16 : i32
    %scan3A_53 = arith.addi %scan3A_51, %scan3A_52 : i32
    %scan3A_54 = arith.constant 1 : i32
    %scan3A_55 = scf.for %scan3A_66 = %scan3A_51 to %scan3A_53 step %scan3A_54 iter_args(%scan3A_67 = %scan3A_50) -> (i32)  : i32 {
      %mul3A_68 = arith.constant 2 : i32
      %mul3A_69 = arith.muli %mul3A_68, %scan3A_66 : i32
      %add3A_70 = arith.constant 1 : i32
      %add3A_71 = arith.addi %mul3A_69, %add3A_70 : i32
      %dma_start3A_72 = arith.constant 0 : i32
      %dma_start3A_73 = tpu.memref_slice %arg9[%add3A_71, %dma_start3A_72] : memref<32x64xi32, #tpu.memory_space<vmem>> -> memref<1x64xi32, #tpu.memory_space<vmem>>
      %dma_start3A_74 = tpu.memref_squeeze %dma_start3A_73 : memref<1x64xi32, #tpu.memory_space<vmem>> -> memref<64xi32, #tpu.memory_space<vmem>>
      %dma_start3A_75 = arith.constant 0 : i32
      %dma_start3A_76 = arith.constant 0 : i32
      %dma_start3A_77 = tpu.memref_slice %arg2[%dma_start3A_75, %dma_start3A_76] : memref<16384x256xf32, #tpu.memory_space<hbm>> -> memref<16384x256xf32, #tpu.memory_space<hbm>>
      tpu.enqueue_indirect_dma source(%dma_start3A_77 : memref<16384x256xf32, #tpu.memory_space<hbm>>) target(%arg12 : memref<64x256xf32, #tpu.memory_space<vmem>>) offsets(%dma_start3A_74 : memref<64xi32, #tpu.memory_space<vmem>>) semaphore(%arg16 : memref<!tpu.dma_semaphore, #tpu.memory_space<semaphore_mem>>)
      %dma_wait3A = arith.constant 0 : i32
      %dma_wait3A_78 = tpu.memref_slice %arg9[%mul3A_69, %dma_wait3A] : memref<32x64xi32, #tpu.memory_space<vmem>> -> memref<1x64xi32, #tpu.memory_space<vmem>>
      %dma_wait3A_79 = tpu.memref_squeeze %dma_wait3A_78 : memref<1x64xi32, #tpu.memory_space<vmem>> -> memref<64xi32, #tpu.memory_space<vmem>>
      %dma_wait3A_80 = arith.constant 0 : i32
      %dma_wait3A_81 = arith.constant 0 : i32
      %dma_wait3A_82 = tpu.memref_slice %arg2[%dma_wait3A_80, %dma_wait3A_81] : memref<16384x256xf32, #tpu.memory_space<hbm>> -> memref<16384x256xf32, #tpu.memory_space<hbm>>
      tpu.wait_indirect_dma semaphore(%arg15 : memref<!tpu.dma_semaphore, #tpu.memory_space<semaphore_mem>>) src(%dma_wait3A_82 : memref<16384x256xf32, #tpu.memory_space<hbm>>) dst(%arg11 : memref<64x256xf32, #tpu.memory_space<vmem>>)
      "tpu.region"() ({
        %run_scoped3A = tpu.sem_alloc : memref<!tpu.dma_semaphore, #tpu.memory_space<semaphore_mem>>
        %dma_start3A_92 = arith.constant 0 : i32
        %dma_start3A_93 = tpu.memref_slice %arg10[%mul3A_69, %dma_start3A_92] : memref<32x64xi32, #tpu.memory_space<vmem>> -> memref<1x64xi32, #tpu.memory_space<vmem>>
        %dma_start3A_94 = tpu.memref_squeeze %dma_start3A_93 : memref<1x64xi32, #tpu.memory_space<vmem>> -> memref<64xi32, #tpu.memory_space<vmem>>
        %dma_start3A_95 = arith.constant 0 : i32
        %dma_start3A_96 = arith.constant 0 : i32
        %dma_start3A_97 = tpu.memref_slice %arg7[%dma_start3A_95, %dma_start3A_96] : memref<4096x256xf32, #tpu.memory_space<vmem_shared>> -> memref<4096x256xf32, #tpu.memory_space<vmem_shared>>
        tpu.enqueue_indirect_dma source(%arg11 : memref<64x256xf32, #tpu.memory_space<vmem>>) target(%dma_start3A_97 : memref<4096x256xf32, #tpu.memory_space<vmem_shared>>) offsets(%dma_start3A_94 : memref<64xi32, #tpu.memory_space<vmem>>) semaphore(%run_scoped3A : memref<!tpu.dma_semaphore, #tpu.memory_space<semaphore_mem>>) {add = true}
        %dma_wait3A_98 = arith.constant 0 : i32
        %dma_wait3A_99 = tpu.memref_slice %arg10[%mul3A_69, %dma_wait3A_98] : memref<32x64xi32, #tpu.memory_space<vmem>> -> memref<1x64xi32, #tpu.memory_space<vmem>>
        %dma_wait3A_100 = tpu.memref_squeeze %dma_wait3A_99 : memref<1x64xi32, #tpu.memory_space<vmem>> -> memref<64xi32, #tpu.memory_space<vmem>>
        %dma_wait3A_101 = arith.constant 0 : i32
        %dma_wait3A_102 = arith.constant 0 : i32
        %dma_wait3A_103 = tpu.memref_slice %arg7[%dma_wait3A_101, %dma_wait3A_102] : memref<4096x256xf32, #tpu.memory_space<vmem_shared>> -> memref<4096x256xf32, #tpu.memory_space<vmem_shared>>
        tpu.wait_indirect_dma semaphore(%run_scoped3A : memref<!tpu.dma_semaphore, #tpu.memory_space<semaphore_mem>>) src(%arg11 : memref<64x256xf32, #tpu.memory_space<vmem>>) dst(%dma_wait3A_103 : memref<4096x256xf32, #tpu.memory_space<vmem_shared>>)
        tpu.yield
      }) : () -> ()
      "tpu.region"() ({
        %run_scoped3A = tpu.sem_alloc : memref<!tpu.dma_semaphore, #tpu.memory_space<semaphore_mem>>
        %dma_start3A_92 = arith.constant 0 : i32
        %dma_start3A_93 = tpu.memref_slice %arg10[%mul3A_69, %dma_start3A_92] : memref<32x64xi32, #tpu.memory_space<vmem>> -> memref<1x64xi32, #tpu.memory_space<vmem>>
        %dma_start3A_94 = tpu.memref_squeeze %dma_start3A_93 : memref<1x64xi32, #tpu.memory_space<vmem>> -> memref<64xi32, #tpu.memory_space<vmem>>
        %dma_start3A_95 = arith.constant 0 : i32
        %dma_start3A_96 = arith.constant 0 : i32
        %dma_start3A_97 = tpu.memref_slice %arg8[%dma_start3A_95, %dma_start3A_96] : memref<4096x16xf32, #tpu.memory_space<vmem_shared>> -> memref<4096x16xf32, #tpu.memory_space<vmem_shared>>
        tpu.enqueue_indirect_dma source(%arg13 : memref<64x16xf32, #tpu.memory_space<vmem>>) target(%dma_start3A_97 : memref<4096x16xf32, #tpu.memory_space<vmem_shared>>) offsets(%dma_start3A_94 : memref<64xi32, #tpu.memory_space<vmem>>) semaphore(%run_scoped3A : memref<!tpu.dma_semaphore, #tpu.memory_space<semaphore_mem>>) {add = true}
        %dma_wait3A_98 = arith.constant 0 : i32
        %dma_wait3A_99 = tpu.memref_slice %arg10[%mul3A_69, %dma_wait3A_98] : memref<32x64xi32, #tpu.memory_space<vmem>> -> memref<1x64xi32, #tpu.memory_space<vmem>>
        %dma_wait3A_100 = tpu.memref_squeeze %dma_wait3A_99 : memref<1x64xi32, #tpu.memory_space<vmem>> -> memref<64xi32, #tpu.memory_space<vmem>>
        %dma_wait3A_101 = arith.constant 0 : i32
        %dma_wait3A_102 = arith.constant 0 : i32
        %dma_wait3A_103 = tpu.memref_slice %arg8[%dma_wait3A_101, %dma_wait3A_102] : memref<4096x16xf32, #tpu.memory_space<vmem_shared>> -> memref<4096x16xf32, #tpu.memory_space<vmem_shared>>
        tpu.wait_indirect_dma semaphore(%run_scoped3A : memref<!tpu.dma_semaphore, #tpu.memory_space<semaphore_mem>>) src(%arg13 : memref<64x16xf32, #tpu.memory_space<vmem>>) dst(%dma_wait3A_103 : memref<4096x16xf32, #tpu.memory_space<vmem_shared>>)
        tpu.yield
      }) : () -> ()
      %lt3A = arith.constant 31 : i32
      %lt3A_83 = arith.cmpi slt, %add3A_71, %lt3A : i32
      %convert_element_type3A = arith.extui %lt3A_83 : i1 to i32
      %cond3A = arith.constant 0 : i32
      %cond3A_84 = arith.cmpi ne, %convert_element_type3A, %cond3A : i32
      scf.if %cond3A_84 {
        %add3A_92 = arith.constant 1 : i32
        %add3A_93 = arith.addi %add3A_71, %add3A_92 : i32
        %dma_start3A_94 = arith.constant 0 : i32
        %dma_start3A_95 = tpu.memref_slice %arg9[%add3A_93, %dma_start3A_94] : memref<32x64xi32, #tpu.memory_space<vmem>> -> memref<1x64xi32, #tpu.memory_space<vmem>>
        %dma_start3A_96 = tpu.memref_squeeze %dma_start3A_95 : memref<1x64xi32, #tpu.memory_space<vmem>> -> memref<64xi32, #tpu.memory_space<vmem>>
        %dma_start3A_97 = arith.constant 0 : i32
        %dma_start3A_98 = arith.constant 0 : i32
        %dma_start3A_99 = tpu.memref_slice %arg2[%dma_start3A_97, %dma_start3A_98] : memref<16384x256xf32, #tpu.memory_space<hbm>> -> memref<16384x256xf32, #tpu.memory_space<hbm>>
        tpu.enqueue_indirect_dma source(%dma_start3A_99 : memref<16384x256xf32, #tpu.memory_space<hbm>>) target(%arg11 : memref<64x256xf32, #tpu.memory_space<vmem>>) offsets(%dma_start3A_96 : memref<64xi32, #tpu.memory_space<vmem>>) semaphore(%arg15 : memref<!tpu.dma_semaphore, #tpu.memory_space<semaphore_mem>>)
      } else {
      }
      %dma_wait3A_85 = arith.constant 0 : i32
      %dma_wait3A_86 = tpu.memref_slice %arg9[%add3A_71, %dma_wait3A_85] : memref<32x64xi32, #tpu.memory_space<vmem>> -> memref<1x64xi32, #tpu.memory_space<vmem>>
      %dma_wait3A_87 = tpu.memref_squeeze %dma_wait3A_86 : memref<1x64xi32, #tpu.memory_space<vmem>> -> memref<64xi32, #tpu.memory_space<vmem>>
      %dma_wait3A_88 = arith.constant 0 : i32
      %dma_wait3A_89 = arith.constant 0 : i32
      %dma_wait3A_90 = tpu.memref_slice %arg2[%dma_wait3A_88, %dma_wait3A_89] : memref<16384x256xf32, #tpu.memory_space<hbm>> -> memref<16384x256xf32, #tpu.memory_space<hbm>>
      tpu.wait_indirect_dma semaphore(%arg16 : memref<!tpu.dma_semaphore, #tpu.memory_space<semaphore_mem>>) src(%dma_wait3A_90 : memref<16384x256xf32, #tpu.memory_space<hbm>>) dst(%arg12 : memref<64x256xf32, #tpu.memory_space<vmem>>)
      "tpu.region"() ({
        %run_scoped3A = tpu.sem_alloc : memref<!tpu.dma_semaphore, #tpu.memory_space<semaphore_mem>>
        %dma_start3A_92 = arith.constant 0 : i32
        %dma_start3A_93 = tpu.memref_slice %arg10[%add3A_71, %dma_start3A_92] : memref<32x64xi32, #tpu.memory_space<vmem>> -> memref<1x64xi32, #tpu.memory_space<vmem>>
        %dma_start3A_94 = tpu.memref_squeeze %dma_start3A_93 : memref<1x64xi32, #tpu.memory_space<vmem>> -> memref<64xi32, #tpu.memory_space<vmem>>
        %dma_start3A_95 = arith.constant 0 : i32
        %dma_start3A_96 = arith.constant 0 : i32
        %dma_start3A_97 = tpu.memref_slice %arg7[%dma_start3A_95, %dma_start3A_96] : memref<4096x256xf32, #tpu.memory_space<vmem_shared>> -> memref<4096x256xf32, #tpu.memory_space<vmem_shared>>
        tpu.enqueue_indirect_dma source(%arg12 : memref<64x256xf32, #tpu.memory_space<vmem>>) target(%dma_start3A_97 : memref<4096x256xf32, #tpu.memory_space<vmem_shared>>) offsets(%dma_start3A_94 : memref<64xi32, #tpu.memory_space<vmem>>) semaphore(%run_scoped3A : memref<!tpu.dma_semaphore, #tpu.memory_space<semaphore_mem>>) {add = true}
        %dma_wait3A_98 = arith.constant 0 : i32
        %dma_wait3A_99 = tpu.memref_slice %arg10[%add3A_71, %dma_wait3A_98] : memref<32x64xi32, #tpu.memory_space<vmem>> -> memref<1x64xi32, #tpu.memory_space<vmem>>
        %dma_wait3A_100 = tpu.memref_squeeze %dma_wait3A_99 : memref<1x64xi32, #tpu.memory_space<vmem>> -> memref<64xi32, #tpu.memory_space<vmem>>
        %dma_wait3A_101 = arith.constant 0 : i32
        %dma_wait3A_102 = arith.constant 0 : i32
        %dma_wait3A_103 = tpu.memref_slice %arg7[%dma_wait3A_101, %dma_wait3A_102] : memref<4096x256xf32, #tpu.memory_space<vmem_shared>> -> memref<4096x256xf32, #tpu.memory_space<vmem_shared>>
        tpu.wait_indirect_dma semaphore(%run_scoped3A : memref<!tpu.dma_semaphore, #tpu.memory_space<semaphore_mem>>) src(%arg12 : memref<64x256xf32, #tpu.memory_space<vmem>>) dst(%dma_wait3A_103 : memref<4096x256xf32, #tpu.memory_space<vmem_shared>>)
        tpu.yield
      }) : () -> ()
      "tpu.region"() ({
        %run_scoped3A = tpu.sem_alloc : memref<!tpu.dma_semaphore, #tpu.memory_space<semaphore_mem>>
        %dma_start3A_92 = arith.constant 0 : i32
        %dma_start3A_93 = tpu.memref_slice %arg10[%add3A_71, %dma_start3A_92] : memref<32x64xi32, #tpu.memory_space<vmem>> -> memref<1x64xi32, #tpu.memory_space<vmem>>
        %dma_start3A_94 = tpu.memref_squeeze %dma_start3A_93 : memref<1x64xi32, #tpu.memory_space<vmem>> -> memref<64xi32, #tpu.memory_space<vmem>>
        %dma_start3A_95 = arith.constant 0 : i32
        %dma_start3A_96 = arith.constant 0 : i32
        %dma_start3A_97 = tpu.memref_slice %arg8[%dma_start3A_95, %dma_start3A_96] : memref<4096x16xf32, #tpu.memory_space<vmem_shared>> -> memref<4096x16xf32, #tpu.memory_space<vmem_shared>>
        tpu.enqueue_indirect_dma source(%arg13 : memref<64x16xf32, #tpu.memory_space<vmem>>) target(%dma_start3A_97 : memref<4096x16xf32, #tpu.memory_space<vmem_shared>>) offsets(%dma_start3A_94 : memref<64xi32, #tpu.memory_space<vmem>>) semaphore(%run_scoped3A : memref<!tpu.dma_semaphore, #tpu.memory_space<semaphore_mem>>) {add = true}
        %dma_wait3A_98 = arith.constant 0 : i32
        %dma_wait3A_99 = tpu.memref_slice %arg10[%add3A_71, %dma_wait3A_98] : memref<32x64xi32, #tpu.memory_space<vmem>> -> memref<1x64xi32, #tpu.memory_space<vmem>>
        %dma_wait3A_100 = tpu.memref_squeeze %dma_wait3A_99 : memref<1x64xi32, #tpu.memory_space<vmem>> -> memref<64xi32, #tpu.memory_space<vmem>>
        %dma_wait3A_101 = arith.constant 0 : i32
        %dma_wait3A_102 = arith.constant 0 : i32
        %dma_wait3A_103 = tpu.memref_slice %arg8[%dma_wait3A_101, %dma_wait3A_102] : memref<4096x16xf32, #tpu.memory_space<vmem_shared>> -> memref<4096x16xf32, #tpu.memory_space<vmem_shared>>
        tpu.wait_indirect_dma semaphore(%run_scoped3A : memref<!tpu.dma_semaphore, #tpu.memory_space<semaphore_mem>>) src(%arg13 : memref<64x16xf32, #tpu.memory_space<vmem>>) dst(%dma_wait3A_103 : memref<4096x16xf32, #tpu.memory_space<vmem_shared>>)
        tpu.yield
      }) : () -> ()
      %scan3A_91 = arith.constant 0 : i32
      scf.yield %scan3A_91 : i32
    }
    %scan3A_56 = arith.constant 16 : i32
    %barrier3A_57 = arith.constant 0 : index
    tpu.barrier barrier_id(%barrier3A_57)
    %mul3A_58 = arith.constant 256 : i32
    %mul3A_59 = arith.muli %arg1, %mul3A_58 : i32
    %mul3A_60 = arith.constant 256 : i32
    %mul3A_61 = arith.muli %arg1, %mul3A_60 : i32
    "tpu.region"() ({
      %run_scoped3A = tpu.sem_alloc : memref<!tpu.dma_semaphore, #tpu.memory_space<semaphore_mem>>
      %dma_start3A_66 = arith.constant 0 : i32
      %dma_start3A_67 = tpu.memref_slice %arg5[%arg0, %mul3A_61, %dma_start3A_66] : memref<2x4096x256xf32, #tpu.memory_space<hbm>> -> memref<1x256x256xf32, #tpu.memory_space<hbm>>
      %dma_start3A_68 = tpu.memref_squeeze %dma_start3A_67 : memref<1x256x256xf32, #tpu.memory_space<hbm>> -> memref<256x256xf32, #tpu.memory_space<hbm>>
      %dma_start3A_69 = arith.constant 0 : i32
      %dma_start3A_70 = tpu.memref_slice %arg7[%mul3A_59, %dma_start3A_69] : memref<4096x256xf32, #tpu.memory_space<vmem_shared>> -> memref<256x256xf32, #tpu.memory_space<vmem_shared>>
      tpu.enqueue_dma source(%dma_start3A_70 : memref<256x256xf32, #tpu.memory_space<vmem_shared>>) target(%dma_start3A_68 : memref<256x256xf32, #tpu.memory_space<hbm>>) target_semaphore(%run_scoped3A : memref<!tpu.dma_semaphore, #tpu.memory_space<semaphore_mem>>)
      %dma_wait3A = arith.constant 0 : i32
      %dma_wait3A_71 = tpu.memref_slice %arg5[%arg0, %mul3A_61, %dma_wait3A] : memref<2x4096x256xf32, #tpu.memory_space<hbm>> -> memref<1x256x256xf32, #tpu.memory_space<hbm>>
      %dma_wait3A_72 = tpu.memref_squeeze %dma_wait3A_71 : memref<1x256x256xf32, #tpu.memory_space<hbm>> -> memref<256x256xf32, #tpu.memory_space<hbm>>
      %dma_wait3A_73 = arith.constant 0 : i32
      %dma_wait3A_74 = tpu.memref_slice %arg7[%mul3A_59, %dma_wait3A_73] : memref<4096x256xf32, #tpu.memory_space<vmem_shared>> -> memref<256x256xf32, #tpu.memory_space<vmem_shared>>
      tpu.wait_dma2 semaphore(%run_scoped3A : memref<!tpu.dma_semaphore, #tpu.memory_space<semaphore_mem>>) src(%dma_wait3A_74 : memref<256x256xf32, #tpu.memory_space<vmem_shared>>) dst(%dma_wait3A_72 : memref<256x256xf32, #tpu.memory_space<hbm>>)
      tpu.yield
    }) : () -> ()
    %mul3A_62 = arith.constant 256 : i32
    %mul3A_63 = arith.muli %arg1, %mul3A_62 : i32
    %mul3A_64 = arith.constant 256 : i32
    %mul3A_65 = arith.muli %arg1, %mul3A_64 : i32
    "tpu.region"() ({
      %run_scoped3A = tpu.sem_alloc : memref<!tpu.dma_semaphore, #tpu.memory_space<semaphore_mem>>
      %dma_start3A_66 = arith.constant 0 : i32
      %dma_start3A_67 = tpu.memref_slice %arg6[%arg0, %mul3A_65, %dma_start3A_66] : memref<2x4096x16xf32, #tpu.memory_space<hbm>> -> memref<1x256x16xf32, #tpu.memory_space<hbm>>
      %dma_start3A_68 = tpu.memref_squeeze %dma_start3A_67 : memref<1x256x16xf32, #tpu.memory_space<hbm>> -> memref<256x16xf32, #tpu.memory_space<hbm>>
      %dma_start3A_69 = arith.constant 0 : i32
      %dma_start3A_70 = tpu.memref_slice %arg8[%mul3A_63, %dma_start3A_69] : memref<4096x16xf32, #tpu.memory_space<vmem_shared>> -> memref<256x16xf32, #tpu.memory_space<vmem_shared>>
      tpu.enqueue_dma source(%dma_start3A_70 : memref<256x16xf32, #tpu.memory_space<vmem_shared>>) target(%dma_start3A_68 : memref<256x16xf32, #tpu.memory_space<hbm>>) target_semaphore(%run_scoped3A : memref<!tpu.dma_semaphore, #tpu.memory_space<semaphore_mem>>)
      %dma_wait3A = arith.constant 0 : i32
      %dma_wait3A_71 = tpu.memref_slice %arg6[%arg0, %mul3A_65, %dma_wait3A] : memref<2x4096x16xf32, #tpu.memory_space<hbm>> -> memref<1x256x16xf32, #tpu.memory_space<hbm>>
      %dma_wait3A_72 = tpu.memref_squeeze %dma_wait3A_71 : memref<1x256x16xf32, #tpu.memory_space<hbm>> -> memref<256x16xf32, #tpu.memory_space<hbm>>
      %dma_wait3A_73 = arith.constant 0 : i32
      %dma_wait3A_74 = tpu.memref_slice %arg8[%mul3A_63, %dma_wait3A_73] : memref<4096x16xf32, #tpu.memory_space<vmem_shared>> -> memref<256x16xf32, #tpu.memory_space<vmem_shared>>
      tpu.wait_dma2 semaphore(%run_scoped3A : memref<!tpu.dma_semaphore, #tpu.memory_space<semaphore_mem>>) src(%dma_wait3A_74 : memref<256x16xf32, #tpu.memory_space<vmem_shared>>) dst(%dma_wait3A_72 : memref<256x16xf32, #tpu.memory_space<hbm>>)
      tpu.yield
    }) : () -> ()
    return
  }
}

module attributes {stable_mosaic.version = 14 : i64} {
  func.func @_dense0_body(%arg0: i32, %arg1: memref<512x256xf32, #tpu.memory_space<vmem>>, %arg2: memref<2x4x512x64xf32, #tpu.memory_space<vmem>>, %arg3: memref<2x512x16xf32, #tpu.memory_space<vmem>>, %arg4: memref<256x256xf32, #tpu.memory_space<vmem>>, %arg5: memref<256x256xf32, #tpu.memory_space<vmem>>, %arg6: memref<1x256xf32, #tpu.memory_space<vmem>>, %arg7: memref<512x256xf32, #tpu.memory_space<vmem>>) attributes {dimension_semantics = [#tpu.dimension_semantics<arbitrary>], iteration_bounds = array<i64: 32>, scalar_prefetch = 0 : i64, scratch_operands = 0 : i64, tpu.core_type = #tpu.core_type<tc>, window_params = [{transform_indices = @transform_0, window_bounds = array<i64: 512, 256>}, {transform_indices = @transform_1, window_bounds = array<i64: 2, 4, 512, 64>}, {transform_indices = @transform_2, window_bounds = array<i64: 2, 512, 16>}, {pipeline_mode = #tpu.pipeline_mode<synchronous>, transform_indices = @transform_3, window_bounds = array<i64: 256, 256>}, {pipeline_mode = #tpu.pipeline_mode<synchronous>, transform_indices = @transform_4, window_bounds = array<i64: 256, 256>}, {pipeline_mode = #tpu.pipeline_mode<synchronous>, transform_indices = @transform_5, window_bounds = array<i64: 1, 256>}, {transform_indices = @transform_6, window_bounds = array<i64: 512, 256>}]} {
    %get3A = arith.constant 0 : index
    %get3A_0 = arith.constant 0 : index
    %get3A_1 = arith.constant 0 : index
    %get3A_2 = arith.constant 0 : index
    %get3A_3 = vector.load %arg2[%get3A, %get3A_0, %get3A_1, %get3A_2] : memref<2x4x512x64xf32, #tpu.memory_space<vmem>>, vector<2x4x512x64xf32>
    %slice3A = vector.extract_strided_slice %get3A_3 {offsets = [0, 0, 0, 0], sizes = [1, 4, 512, 64], strides = [1, 1, 1, 1]} : vector<2x4x512x64xf32> to vector<1x4x512x64xf32>
    %squeeze3A = vector.shape_cast %slice3A : vector<1x4x512x64xf32> to vector<4x512x64xf32>
    %slice3A_4 = vector.extract_strided_slice %get3A_3 {offsets = [1, 0, 0, 0], sizes = [1, 4, 512, 64], strides = [1, 1, 1, 1]} : vector<2x4x512x64xf32> to vector<1x4x512x64xf32>
    %squeeze3A_5 = vector.shape_cast %slice3A_4 : vector<1x4x512x64xf32> to vector<4x512x64xf32>
    %add3A = arith.addf %squeeze3A, %squeeze3A_5 : vector<4x512x64xf32>
    %slice3A_6 = vector.extract_strided_slice %add3A {offsets = [0, 0, 0], sizes = [1, 512, 64], strides = [1, 1, 1]} : vector<4x512x64xf32> to vector<1x512x64xf32>
    %squeeze3A_7 = vector.shape_cast %slice3A_6 : vector<1x512x64xf32> to vector<512x64xf32>
    %slice3A_8 = vector.extract_strided_slice %add3A {offsets = [1, 0, 0], sizes = [1, 512, 64], strides = [1, 1, 1]} : vector<4x512x64xf32> to vector<1x512x64xf32>
    %squeeze3A_9 = vector.shape_cast %slice3A_8 : vector<1x512x64xf32> to vector<512x64xf32>
    %slice3A_10 = vector.extract_strided_slice %add3A {offsets = [2, 0, 0], sizes = [1, 512, 64], strides = [1, 1, 1]} : vector<4x512x64xf32> to vector<1x512x64xf32>
    %squeeze3A_11 = vector.shape_cast %slice3A_10 : vector<1x512x64xf32> to vector<512x64xf32>
    %slice3A_12 = vector.extract_strided_slice %add3A {offsets = [3, 0, 0], sizes = [1, 512, 64], strides = [1, 1, 1]} : vector<4x512x64xf32> to vector<1x512x64xf32>
    %squeeze3A_13 = vector.shape_cast %slice3A_12 : vector<1x512x64xf32> to vector<512x64xf32>
    %concatenate3A = tpu.concatenate %squeeze3A_7, %squeeze3A_9, %squeeze3A_11, %squeeze3A_13 in 1 : vector<512x64xf32>, vector<512x64xf32>, vector<512x64xf32>, vector<512x64xf32> -> vector<512x256xf32>
    %get3A_14 = arith.constant 0 : index
    %get3A_15 = arith.constant 0 : index
    %get3A_16 = arith.constant 0 : index
    %get3A_17 = vector.load %arg3[%get3A_14, %get3A_15, %get3A_16] : memref<2x512x16xf32, #tpu.memory_space<vmem>>, vector<1x512x16xf32>
    %get3A_18 = vector.shape_cast %get3A_17 : vector<1x512x16xf32> to vector<512x16xf32>
    %get3A_19 = arith.constant 1 : index
    %get3A_20 = arith.constant 0 : index
    %get3A_21 = arith.constant 0 : index
    %get3A_22 = vector.load %arg3[%get3A_19, %get3A_20, %get3A_21] : memref<2x512x16xf32, #tpu.memory_space<vmem>>, vector<1x512x16xf32>
    %get3A_23 = vector.shape_cast %get3A_22 : vector<1x512x16xf32> to vector<512x16xf32>
    %add3A_24 = arith.addf %get3A_18, %get3A_23 : vector<512x16xf32>
    %reduce_max3A = arith.constant dense<0xFF800000> : vector<512xf32>
    %reduce_max3A_25 = vector.multi_reduction <maximumf>, %add3A_24, %reduce_max3A [1] : vector<512x16xf32> to vector<512xf32>
    %jit3A = arith.constant 1.000000e+00 : f32
    %max3A = vector.broadcast %jit3A : f32 to vector<512xf32>
    %max3A_26 = arith.maximumf %max3A, %reduce_max3A_25 : vector<512xf32>
    %broadcast_in_dim3A = vector.shape_cast %max3A_26 : vector<512xf32> to vector<512x1xf32>
    %div3A = vector.broadcast %broadcast_in_dim3A : vector<512x1xf32> to vector<512x256xf32>
    %div3A_27 = arith.divf %concatenate3A, %div3A : vector<512x256xf32>
    %get3A_28 = arith.constant 0 : index
    %get3A_29 = arith.constant 0 : index
    %get3A_30 = vector.load %arg1[%get3A_28, %get3A_29] : memref<512x256xf32, #tpu.memory_space<vmem>>, vector<512x256xf32>
    %get3A_31 = arith.constant 0 : index
    %get3A_32 = arith.constant 0 : index
    %get3A_33 = vector.load %arg4[%get3A_31, %get3A_32] : memref<256x256xf32, #tpu.memory_space<vmem>>, vector<256x256xf32>
    %dot_general3A = arith.constant dense<0.000000e+00> : vector<512x256xf32>
    %dot_general3A_34 = tpu.matmul %get3A_30, %get3A_33, %dot_general3A {dimension_numbers = #tpu.dot_dimension_numbers<[1], [0], [0], [1], [0, 0, 1, 1], [], []>, transpose_lhs_hint = false} : vector<512x256xf32>, vector<256x256xf32>, vector<512x256xf32> -> vector<512x256xf32>
    %get3A_35 = arith.constant 0 : index
    %get3A_36 = arith.constant 0 : index
    %get3A_37 = vector.load %arg5[%get3A_35, %get3A_36] : memref<256x256xf32, #tpu.memory_space<vmem>>, vector<256x256xf32>
    %dot_general3A_38 = arith.constant dense<0.000000e+00> : vector<512x256xf32>
    %dot_general3A_39 = tpu.matmul %div3A_27, %get3A_37, %dot_general3A_38 {dimension_numbers = #tpu.dot_dimension_numbers<[1], [0], [0], [1], [0, 0, 1, 1], [], []>, transpose_lhs_hint = false} : vector<512x256xf32>, vector<256x256xf32>, vector<512x256xf32> -> vector<512x256xf32>
    %add3A_40 = arith.addf %dot_general3A_34, %dot_general3A_39 : vector<512x256xf32>
    %get3A_41 = arith.constant 0 : index
    %get3A_42 = arith.constant 0 : index
    %get3A_43 = vector.load %arg6[%get3A_41, %get3A_42] : memref<1x256xf32, #tpu.memory_space<vmem>>, vector<1x256xf32>
    %add3A_44 = vector.broadcast %get3A_43 : vector<1x256xf32> to vector<512x256xf32>
    %add3A_45 = arith.addf %add3A_40, %add3A_44 : vector<512x256xf32>
    %max3A_46 = arith.constant 0.000000e+00 : f32
    %max3A_47 = vector.broadcast %max3A_46 : f32 to vector<512x256xf32>
    %max3A_48 = arith.maximumf %add3A_45, %max3A_47 : vector<512x256xf32>
    %swap3A = arith.constant 0 : index
    %swap3A_49 = arith.constant 0 : index
    %swap3A_50 = vector.load %arg7[%swap3A, %swap3A_49] : memref<512x256xf32, #tpu.memory_space<vmem>>, vector<512x256xf32>
    tpu.vector_store %arg7[%swap3A, %swap3A_49], %max3A_48 {strides = array<i32>} : memref<512x256xf32, #tpu.memory_space<vmem>>, vector<512x256xf32>,
    return
  }
  func.func @transform_0(%arg0: i32) -> (i32, i32) {
    %c0_i32 = arith.constant 0 : i32
    %c0_i32_0 = arith.constant 0 : i32
    return %arg0, %c0_i32 : i32, i32
  }
  func.func @transform_1(%arg0: i32) -> (i32, i32, i32, i32) {
    %c0_i32 = arith.constant 0 : i32
    %c0_i32_0 = arith.constant 0 : i32
    %c0_i32_1 = arith.constant 0 : i32
    %c0_i32_2 = arith.constant 0 : i32
    return %c0_i32, %c0_i32_0, %arg0, %c0_i32_1 : i32, i32, i32, i32
  }
  func.func @transform_2(%arg0: i32) -> (i32, i32, i32) {
    %c0_i32 = arith.constant 0 : i32
    %c0_i32_0 = arith.constant 0 : i32
    %c0_i32_1 = arith.constant 0 : i32
    return %c0_i32, %arg0, %c0_i32_0 : i32, i32, i32
  }
  func.func @transform_3(%arg0: i32) -> (i32, i32) {
    %c0_i32 = arith.constant 0 : i32
    %c0_i32_0 = arith.constant 0 : i32
    %c0_i32_1 = arith.constant 0 : i32
    return %c0_i32, %c0_i32_0 : i32, i32
  }
  func.func @transform_4(%arg0: i32) -> (i32, i32) {
    %c0_i32 = arith.constant 0 : i32
    %c0_i32_0 = arith.constant 0 : i32
    %c0_i32_1 = arith.constant 0 : i32
    return %c0_i32, %c0_i32_0 : i32, i32
  }
  func.func @transform_5(%arg0: i32) -> (i32, i32) {
    %c0_i32 = arith.constant 0 : i32
    %c0_i32_0 = arith.constant 0 : i32
    %c0_i32_1 = arith.constant 0 : i32
    return %c0_i32, %c0_i32_0 : i32, i32
  }
  func.func @transform_6(%arg0: i32) -> (i32, i32) {
    %c0_i32 = arith.constant 0 : i32
    %c0_i32_0 = arith.constant 0 : i32
    return %arg0, %c0_i32 : i32, i32
  }
}

module attributes {stable_mosaic.version = 14 : i64} {
  func.func @_head_body(%arg0: i32, %arg1: memref<512x256xf32, #tpu.memory_space<vmem>>, %arg2: memref<2x512x256xf32, #tpu.memory_space<vmem>>, %arg3: memref<2x512x16xf32, #tpu.memory_space<vmem>>, %arg4: memref<256x256xf32, #tpu.memory_space<vmem>>, %arg5: memref<256x256xf32, #tpu.memory_space<vmem>>, %arg6: memref<1x256xf32, #tpu.memory_space<vmem>>, %arg7: memref<8x512xf32, #tpu.memory_space<vmem>>, %arg8: memref<128x512xf32, #tpu.memory_space<vmem>>, %arg9: memref<512x16xf32, #tpu.memory_space<vmem>>) attributes {dimension_semantics = [#tpu.dimension_semantics<arbitrary>], iteration_bounds = array<i64: 8>, scalar_prefetch = 0 : i64, scratch_operands = 0 : i64, tpu.core_type = #tpu.core_type<tc>, window_params = [{transform_indices = @transform_0, window_bounds = array<i64: 512, 256>}, {transform_indices = @transform_1, window_bounds = array<i64: 2, 512, 256>}, {transform_indices = @transform_2, window_bounds = array<i64: 2, 512, 16>}, {pipeline_mode = #tpu.pipeline_mode<synchronous>, transform_indices = @transform_3, window_bounds = array<i64: 256, 256>}, {pipeline_mode = #tpu.pipeline_mode<synchronous>, transform_indices = @transform_4, window_bounds = array<i64: 256, 256>}, {pipeline_mode = #tpu.pipeline_mode<synchronous>, transform_indices = @transform_5, window_bounds = array<i64: 1, 256>}, {pipeline_mode = #tpu.pipeline_mode<synchronous>, transform_indices = @transform_6, window_bounds = array<i64: 8, 512>}, {pipeline_mode = #tpu.pipeline_mode<synchronous>, transform_indices = @transform_7, window_bounds = array<i64: 128, 512>}, {transform_indices = @transform_8, window_bounds = array<i64: 512, 16>}]} {
    %get3A = arith.constant 0 : index
    %get3A_0 = arith.constant 0 : index
    %get3A_1 = arith.constant 0 : index
    %get3A_2 = vector.load %arg2[%get3A, %get3A_0, %get3A_1] : memref<2x512x256xf32, #tpu.memory_space<vmem>>, vector<2x512x256xf32>
    %get3A_3 = arith.constant 0 : index
    %get3A_4 = arith.constant 0 : index
    %get3A_5 = arith.constant 0 : index
    %get3A_6 = vector.load %arg3[%get3A_3, %get3A_4, %get3A_5] : memref<2x512x16xf32, #tpu.memory_space<vmem>>, vector<1x512x16xf32>
    %get3A_7 = vector.shape_cast %get3A_6 : vector<1x512x16xf32> to vector<512x16xf32>
    %get3A_8 = arith.constant 1 : index
    %get3A_9 = arith.constant 0 : index
    %get3A_10 = arith.constant 0 : index
    %get3A_11 = vector.load %arg3[%get3A_8, %get3A_9, %get3A_10] : memref<2x512x16xf32, #tpu.memory_space<vmem>>, vector<1x512x16xf32>
    %get3A_12 = vector.shape_cast %get3A_11 : vector<1x512x16xf32> to vector<512x16xf32>
    %add3A = arith.addf %get3A_7, %get3A_12 : vector<512x16xf32>
    %reduce_max3A = arith.constant dense<0xFF800000> : vector<512xf32>
    %reduce_max3A_13 = vector.multi_reduction <maximumf>, %add3A, %reduce_max3A [1] : vector<512x16xf32> to vector<512xf32>
    %slice3A = vector.extract_strided_slice %get3A_2 {offsets = [0, 0, 0], sizes = [1, 512, 256], strides = [1, 1, 1]} : vector<2x512x256xf32> to vector<1x512x256xf32>
    %squeeze3A = vector.shape_cast %slice3A : vector<1x512x256xf32> to vector<512x256xf32>
    %slice3A_14 = vector.extract_strided_slice %get3A_2 {offsets = [1, 0, 0], sizes = [1, 512, 256], strides = [1, 1, 1]} : vector<2x512x256xf32> to vector<1x512x256xf32>
    %squeeze3A_15 = vector.shape_cast %slice3A_14 : vector<1x512x256xf32> to vector<512x256xf32>
    %add3A_16 = arith.addf %squeeze3A, %squeeze3A_15 : vector<512x256xf32>
    %jit3A = arith.constant 1.000000e+00 : f32
    %max3A = vector.broadcast %jit3A : f32 to vector<512xf32>
    %max3A_17 = arith.maximumf %max3A, %reduce_max3A_13 : vector<512xf32>
    %broadcast_in_dim3A = vector.shape_cast %max3A_17 : vector<512xf32> to vector<512x1xf32>
    %div3A = vector.broadcast %broadcast_in_dim3A : vector<512x1xf32> to vector<512x256xf32>
    %div3A_18 = arith.divf %add3A_16, %div3A : vector<512x256xf32>
    %get3A_19 = arith.constant 0 : index
    %get3A_20 = arith.constant 0 : index
    %get3A_21 = vector.load %arg1[%get3A_19, %get3A_20] : memref<512x256xf32, #tpu.memory_space<vmem>>, vector<512x256xf32>
    %get3A_22 = arith.constant 0 : index
    %get3A_23 = arith.constant 0 : index
    %get3A_24 = vector.load %arg4[%get3A_22, %get3A_23] : memref<256x256xf32, #tpu.memory_space<vmem>>, vector<256x256xf32>
    %dot_general3A = arith.constant dense<0.000000e+00> : vector<512x256xf32>
    %dot_general3A_25 = tpu.matmul %get3A_21, %get3A_24, %dot_general3A {dimension_numbers = #tpu.dot_dimension_numbers<[1], [0], [0], [1], [0, 0, 1, 1], [], []>, transpose_lhs_hint = false} : vector<512x256xf32>, vector<256x256xf32>, vector<512x256xf32> -> vector<512x256xf32>
    %get3A_26 = arith.constant 0 : index
    %get3A_27 = arith.constant 0 : index
    %get3A_28 = vector.load %arg5[%get3A_26, %get3A_27] : memref<256x256xf32, #tpu.memory_space<vmem>>, vector<256x256xf32>
    %dot_general3A_29 = arith.constant dense<0.000000e+00> : vector<512x256xf32>
    %dot_general3A_30 = tpu.matmul %div3A_18, %get3A_28, %dot_general3A_29 {dimension_numbers = #tpu.dot_dimension_numbers<[1], [0], [0], [1], [0, 0, 1, 1], [], []>, transpose_lhs_hint = false} : vector<512x256xf32>, vector<256x256xf32>, vector<512x256xf32> -> vector<512x256xf32>
    %add3A_31 = arith.addf %dot_general3A_25, %dot_general3A_30 : vector<512x256xf32>
    %get3A_32 = arith.constant 0 : index
    %get3A_33 = arith.constant 0 : index
    %get3A_34 = vector.load %arg6[%get3A_32, %get3A_33] : memref<1x256xf32, #tpu.memory_space<vmem>>, vector<1x256xf32>
    %add3A_35 = vector.broadcast %get3A_34 : vector<1x256xf32> to vector<512x256xf32>
    %add3A_36 = arith.addf %add3A_31, %add3A_35 : vector<512x256xf32>
    %max3A_37 = arith.constant 0.000000e+00 : f32
    %max3A_38 = vector.broadcast %max3A_37 : f32 to vector<512x256xf32>
    %max3A_39 = arith.maximumf %add3A_36, %max3A_38 : vector<512x256xf32>
    %max3A_40 = arith.constant 0.000000e+00 : f32
    %max3A_41 = vector.broadcast %max3A_40 : f32 to vector<512x256xf32>
    %max3A_42 = arith.maximumf %get3A_21, %max3A_41 : vector<512x256xf32>
    %concatenate3A = tpu.concatenate %max3A_39, %max3A_42 in 1 : vector<512x256xf32>, vector<512x256xf32> -> vector<512x512xf32>
    %get3A_43 = arith.constant 0 : index
    %get3A_44 = arith.constant 0 : index
    %get3A_45 = vector.load %arg7[%get3A_43, %get3A_44] : memref<8x512xf32, #tpu.memory_space<vmem>>, vector<8x512xf32>
    %dot_general3A_46 = arith.constant dense<0.000000e+00> : vector<512x8xf32>
    %dot_general3A_47 = tpu.matmul %concatenate3A, %get3A_45, %dot_general3A_46 {dimension_numbers = #tpu.dot_dimension_numbers<[1], [1], [0], [0], [0, 0, 1, 0], [], []>, transpose_lhs_hint = false} : vector<512x512xf32>, vector<8x512xf32>, vector<512x8xf32> -> vector<512x8xf32>
    %reduce_max3A_48 = arith.constant dense<0xFF800000> : vector<512xf32>
    %reduce_max3A_49 = vector.multi_reduction <maximumf>, %dot_general3A_47, %reduce_max3A_48 [1] : vector<512x8xf32> to vector<512xf32>
    %broadcast_in_dim3A_50 = vector.shape_cast %reduce_max3A_49 : vector<512xf32> to vector<512x1xf32>
    %ge3A = vector.broadcast %broadcast_in_dim3A_50 : vector<512x1xf32> to vector<512x8xf32>
    %ge3A_51 = arith.cmpf oge, %dot_general3A_47, %ge3A : vector<512x8xf32>
    %convert_element_type3A = arith.extui %ge3A_51 : vector<512x8xi1> to vector<512x8xi32>
    %convert_element_type3A_52 = arith.sitofp %convert_element_type3A : vector<512x8xi32> to vector<512x8xf32>
    %iota3A = tpu.iota {dimensions = array<i32: 0>} : vector<8x8xi32>
    %iota3A_53 = tpu.iota {dimensions = array<i32: 1>} : vector<8x8xi32>
    %le3A = arith.cmpi sle, %iota3A, %iota3A_53 : vector<8x8xi32>
    %convert_element_type3A_54 = arith.extui %le3A : vector<8x8xi1> to vector<8x8xi32>
    %convert_element_type3A_55 = arith.sitofp %convert_element_type3A_54 : vector<8x8xi32> to vector<8x8xf32>
    %dot_general3A_56 = arith.constant dense<0.000000e+00> : vector<512x8xf32>
    %dot_general3A_57 = tpu.matmul %convert_element_type3A_52, %convert_element_type3A_55, %dot_general3A_56 {dimension_numbers = #tpu.dot_dimension_numbers<[1], [0], [0], [1], [0, 0, 1, 1], [], []>, transpose_lhs_hint = false} : vector<512x8xf32>, vector<8x8xf32>, vector<512x8xf32> -> vector<512x8xf32>
    %eq3A = arith.constant 1.000000e+00 : f32
    %eq3A_58 = vector.broadcast %eq3A : f32 to vector<512x8xf32>
    %eq3A_59 = arith.cmpf oeq, %dot_general3A_57, %eq3A_58 : vector<512x8xf32>
    %convert_element_type3A_60 = arith.extui %eq3A_59 : vector<512x8xi1> to vector<512x8xi32>
    %convert_element_type3A_61 = arith.sitofp %convert_element_type3A_60 : vector<512x8xi32> to vector<512x8xf32>
    %mul3A = arith.mulf %convert_element_type3A_52, %convert_element_type3A_61 : vector<512x8xf32>
    %get3A_62 = arith.constant 0 : index
    %get3A_63 = arith.constant 0 : index
    %get3A_64 = vector.load %arg8[%get3A_62, %get3A_63] : memref<128x512xf32, #tpu.memory_space<vmem>>, vector<128x512xf32>
    %dot_general3A_65 = arith.constant dense<0.000000e+00> : vector<512x128xf32>
    %dot_general3A_66 = tpu.matmul %concatenate3A, %get3A_64, %dot_general3A_65 {dimension_numbers = #tpu.dot_dimension_numbers<[1], [1], [0], [0], [0, 0, 1, 0], [], []>, transpose_lhs_hint = false} : vector<512x512xf32>, vector<128x512xf32>, vector<512x128xf32> -> vector<512x128xf32>
    %iota3A_67 = tpu.iota {dimensions = array<i32: 0>} : vector<8x128xi32>
    %iota3A_68 = tpu.iota {dimensions = array<i32: 1>} : vector<8x128xi32>
    %jit3A_69 = arith.constant 16 : i32
    %div3A_70 = vector.broadcast %jit3A_69 : i32 to vector<8x128xi32>
    %div3A_71 = arith.divsi %iota3A_68, %div3A_70 : vector<8x128xi32>
    %sign3A = arith.constant 0 : i32
    %sign3A_72 = vector.broadcast %sign3A : i32 to vector<8x128xi32>
    %sign3A_73 = arith.cmpi sgt, %iota3A_68, %sign3A_72 : vector<8x128xi32>
    %sign3A_74 = arith.extui %sign3A_73 : vector<8x128xi1> to vector<8x128xi32>
    %sign3A_75 = arith.constant 0 : i32
    %sign3A_76 = vector.broadcast %sign3A_75 : i32 to vector<8x128xi32>
    %sign3A_77 = arith.cmpi slt, %iota3A_68, %sign3A_76 : vector<8x128xi32>
    %sign3A_78 = arith.extui %sign3A_77 : vector<8x128xi1> to vector<8x128xi32>
    %sign3A_79 = arith.subi %sign3A_74, %sign3A_78 : vector<8x128xi32>
    %sign3A_80 = arith.constant 0 : i32
    %sign3A_81 = arith.cmpi sgt, %jit3A_69, %sign3A_80 : i32
    %sign3A_82 = arith.extui %sign3A_81 : i1 to i32
    %sign3A_83 = arith.constant 0 : i32
    %sign3A_84 = arith.cmpi slt, %jit3A_69, %sign3A_83 : i32
    %sign3A_85 = arith.extui %sign3A_84 : i1 to i32
    %sign3A_86 = arith.subi %sign3A_82, %sign3A_85 : i32
    %ne3A = vector.broadcast %sign3A_86 : i32 to vector<8x128xi32>
    %ne3A_87 = arith.cmpi ne, %sign3A_79, %ne3A : vector<8x128xi32>
    %rem3A = vector.broadcast %jit3A_69 : i32 to vector<8x128xi32>
    %rem3A_88 = arith.remsi %iota3A_68, %rem3A : vector<8x128xi32>
    %ne3A_89 = arith.constant 0 : i32
    %ne3A_90 = vector.broadcast %ne3A_89 : i32 to vector<8x128xi32>
    %ne3A_91 = arith.cmpi ne, %rem3A_88, %ne3A_90 : vector<8x128xi32>
    %and3A = arith.andi %ne3A_87, %ne3A_91 : vector<8x128xi1>
    %sub3A = arith.constant 1 : i32
    %sub3A_92 = vector.broadcast %sub3A : i32 to vector<8x128xi32>
    %sub3A_93 = arith.subi %div3A_71, %sub3A_92 : vector<8x128xi32>
    %select_n3A = arith.select %and3A, %sub3A_93, %div3A_71 : vector<8x128xi1>, vector<8x128xi32>
    %eq3A_94 = arith.cmpi eq, %select_n3A, %iota3A_67 : vector<8x128xi32>
    %convert_element_type3A_95 = arith.extui %eq3A_94 : vector<8x128xi1> to vector<8x128xi32>
    %convert_element_type3A_96 = arith.sitofp %convert_element_type3A_95 : vector<8x128xi32> to vector<8x128xf32>
    %dot_general3A_97 = arith.constant dense<0.000000e+00> : vector<512x128xf32>
    %dot_general3A_98 = tpu.matmul %mul3A, %convert_element_type3A_96, %dot_general3A_97 {dimension_numbers = #tpu.dot_dimension_numbers<[1], [0], [0], [1], [0, 0, 1, 1], [], []>, transpose_lhs_hint = false} : vector<512x8xf32>, vector<8x128xf32>, vector<512x128xf32> -> vector<512x128xf32>
    %iota3A_99 = tpu.iota {dimensions = array<i32: 0>} : vector<128x16xi32>
    %iota3A_100 = tpu.iota {dimensions = array<i32: 1>} : vector<128x16xi32>
    %jit3A_101 = arith.constant 16 : i32
    %eq3A_102 = arith.constant 0 : i32
    %eq3A_103 = arith.cmpi eq, %jit3A_101, %eq3A_102 : i32
    %jit3A_104 = arith.constant 1 : i32
    %select_n3A_105 = arith.select %eq3A_103, %jit3A_104, %jit3A_101 : i32
    %rem3A_106 = vector.broadcast %select_n3A_105 : i32 to vector<128x16xi32>
    %rem3A_107 = arith.remsi %iota3A_99, %rem3A_106 : vector<128x16xi32>
    %ne3A_108 = arith.constant 0 : i32
    %ne3A_109 = vector.broadcast %ne3A_108 : i32 to vector<128x16xi32>
    %ne3A_110 = arith.cmpi ne, %rem3A_107, %ne3A_109 : vector<128x16xi32>
    %lt3A = arith.constant 0 : i32
    %lt3A_111 = vector.broadcast %lt3A : i32 to vector<128x16xi32>
    %lt3A_112 = arith.cmpi slt, %rem3A_107, %lt3A_111 : vector<128x16xi32>
    %lt3A_113 = arith.constant 0 : i32
    %lt3A_114 = arith.cmpi slt, %select_n3A_105, %lt3A_113 : i32
    %ne3A_115 = vector.broadcast %lt3A_114 : i1 to vector<128x16xi1>
    %ne3A_116 = vector.broadcast %ne3A_115 : vector<128x16xi1> to vector<128x16xi1>
    %ne3A_117 = arith.xori %lt3A_112, %ne3A_116 : vector<128x16xi1>
    %and3A_118 = arith.andi %ne3A_117, %ne3A_110 : vector<128x16xi1>
    %add3A_119 = vector.broadcast %select_n3A_105 : i32 to vector<128x16xi32>
    %add3A_120 = arith.addi %rem3A_107, %add3A_119 : vector<128x16xi32>
    %select_n3A_121 = arith.select %and3A_118, %add3A_120, %rem3A_107 : vector<128x16xi1>, vector<128x16xi32>
    %eq3A_122 = arith.cmpi eq, %select_n3A_121, %iota3A_100 : vector<128x16xi32>
    %convert_element_type3A_123 = arith.extui %eq3A_122 : vector<128x16xi1> to vector<128x16xi32>
    %convert_element_type3A_124 = arith.sitofp %convert_element_type3A_123 : vector<128x16xi32> to vector<128x16xf32>
    %mul3A_125 = arith.mulf %dot_general3A_66, %dot_general3A_98 : vector<512x128xf32>
    %dot_general3A_126 = arith.constant dense<0.000000e+00> : vector<512x16xf32>
    %dot_general3A_127 = tpu.matmul %mul3A_125, %convert_element_type3A_124, %dot_general3A_126 {dimension_numbers = #tpu.dot_dimension_numbers<[1], [0], [0], [1], [0, 0, 1, 1], [], []>, transpose_lhs_hint = false} : vector<512x128xf32>, vector<128x16xf32>, vector<512x16xf32> -> vector<512x16xf32>
    %swap3A = arith.constant 0 : index
    %swap3A_128 = arith.constant 0 : index
    %swap3A_129 = vector.load %arg9[%swap3A, %swap3A_128] : memref<512x16xf32, #tpu.memory_space<vmem>>, vector<512x16xf32>
    tpu.vector_store %arg9[%swap3A, %swap3A_128], %dot_general3A_127 {strides = array<i32>} : memref<512x16xf32, #tpu.memory_space<vmem>>, vector<512x16xf32>,
    return
  }
  func.func @transform_0(%arg0: i32) -> (i32, i32) {
    %c0_i32 = arith.constant 0 : i32
    %c0_i32_0 = arith.constant 0 : i32
    return %arg0, %c0_i32 : i32, i32
  }
  func.func @transform_1(%arg0: i32) -> (i32, i32, i32) {
    %c0_i32 = arith.constant 0 : i32
    %c0_i32_0 = arith.constant 0 : i32
    %c0_i32_1 = arith.constant 0 : i32
    return %c0_i32, %arg0, %c0_i32_0 : i32, i32, i32
  }
  func.func @transform_2(%arg0: i32) -> (i32, i32, i32) {
    %c0_i32 = arith.constant 0 : i32
    %c0_i32_0 = arith.constant 0 : i32
    %c0_i32_1 = arith.constant 0 : i32
    return %c0_i32, %arg0, %c0_i32_0 : i32, i32, i32
  }
  func.func @transform_3(%arg0: i32) -> (i32, i32) {
    %c0_i32 = arith.constant 0 : i32
    %c0_i32_0 = arith.constant 0 : i32
    %c0_i32_1 = arith.constant 0 : i32
    return %c0_i32, %c0_i32_0 : i32, i32
  }
  func.func @transform_4(%arg0: i32) -> (i32, i32) {
    %c0_i32 = arith.constant 0 : i32
    %c0_i32_0 = arith.constant 0 : i32
    %c0_i32_1 = arith.constant 0 : i32
    return %c0_i32, %c0_i32_0 : i32, i32
  }
  func.func @transform_5(%arg0: i32) -> (i32, i32) {
    %c0_i32 = arith.constant 0 : i32
    %c0_i32_0 = arith.constant 0 : i32
    %c0_i32_1 = arith.constant 0 : i32
    return %c0_i32, %c0_i32_0 : i32, i32
  }
  func.func @transform_6(%arg0: i32) -> (i32, i32) {
    %c0_i32 = arith.constant 0 : i32
    %c0_i32_0 = arith.constant 0 : i32
    %c0_i32_1 = arith.constant 0 : i32
    return %c0_i32, %c0_i32_0 : i32, i32
  }
  func.func @transform_7(%arg0: i32) -> (i32, i32) {
    %c0_i32 = arith.constant 0 : i32
    %c0_i32_0 = arith.constant 0 : i32
    %c0_i32_1 = arith.constant 0 : i32
    return %c0_i32, %c0_i32_0 : i32, i32
  }
  func.func @transform_8(%arg0: i32) -> (i32, i32) {
    %c0_i32 = arith.constant 0 : i32
    %c0_i32_0 = arith.constant 0 : i32
    return %arg0, %c0_i32 : i32, i32
  }
}

</mosaic_0001>

<sc_bundles>
// kernel: kernel.6.cloned.1.call-start
scs
__scs_entry_jumppad:
0x0: {  	(pc) =	sbr.rel $0x88, $3  }
0x1: {  	(tag) =	ssettag $0x0;
	lr =	simm.s32 $0x1  }
0x2: {  	[smem:$0x3F94] =	sst lr;
	_ =	strace $0xD0000000  }
0x3: {  	_ = 	snop  }
0x4: {  	_ = 	snop  }
0x5: {  	_ = 	snop  }
0x6: {  	_ = 	snop  }
0x7: {  	_ = 	snop  }
__scs_overlays_trampoline_lowered:
0x8: {  	[smem:$0x3FA3] =	sst s0  }
0x9: {  	[smem:$0x3FA4] =	sst s1  }
0xa: {  	[smem:$0x3FA5] =	sst s2  }
0xb: {  	[smem:$0x3FA6] =	sst s3  }
0xc: {  	[smem:$0x3FA7] =	sst s4  }
0xd: {  	[smem:$0x3FA8] =	sst s5  }
0xe: {  	[smem:$0x3FA9] =	sst s6  }
0xf: {  	[smem:$0x3FAA] =	sst s7  }
0x10: {  	[smem:$0x3FAB] =	sst s8  }
0x11: {  	[smem:$0x3FAC] =	sst s9;
	s0 =	simm.s32 @!p0 $0x0  }
0x12: {  	s1 =	sld [smem:$0x3F92];
	s0 =	simm.s32 @p0 $0x1  }
0x13: {  	[smem:$0x3FAD] =	sst s0;
	s0 =	simm.s32 @!p1 $0x0  }
0x14: {  	s2 =	sld [smem:$0x3F91];
	s0 =	simm.s32 @p1 $0x1  }
0x15: {  	[smem:$0x3FAE] =	sst s0;
	s0 =	simm.s32 @!p2 $0x0  }
0x16: {  	s3 =	sld [smem:$0x3FDB];
	s0 =	simm.s32 @p2 $0x1  }
0x17: {  	s4 =	simm.s32 $0x1BF5;
	[smem:$0x3FB0] =	sst s0  }
0x18: {  	s0 =	sld [smem:$0x3F93];
	_ =	swait.ge [sflag:s4], $0x0  }
0x19: {  	s7 =	sld [smem:$0x3F94]  }
0x1a: {  	s8 =	sadd.s32 $0xFFFFE003, lr  }
0x1b: {  	s9 =	sadd.s32 $0xFFFFFEF7, lr;
	s5 =	simm.s32 $0xFFFFFFFF;
	p2 =	slt.u32 s8, $0xFFFFF086  }
0x1c: {  	p1 =	slt.u32 s9, $0xF7A;
	s5 =	simm.s32 @!p2 $0x0  }
0x1d: {  	s5 =	simm.s32 @p1 $0x1;
	p0 =	seq.s32 s7, s2  }
0x1e: {  	s7 =	smul.u32 @!p0 $0xF7A, s2;
	p2 =	seq.s32 @!p0 s5, $0x0  }
0x1f: {  	s9 =	smul.u32 $0xF7A, s1;
	s8 =	simm.s32 @!p0 $0x1BF5;
	p2 =	por !p2, p0  }
0x20: {  	[sflag:s8] =	ssyncset.s32 @!p0 $0xFFFFF086;
	s6 =	sadd.s32 @!p0 s3, s7;
	s7 =	simm.s32 @!p0 $0x108  }
0x21: {  	s3 =	sadd.s32 s3, s9;
	s6 =	sadd.s32 @!p0 $0x88, s6;
	s7 =	simm.s32 @p2 $0x1082  }
0x22: {  	[simem:s7], [sflag:s8] =	dma.local @!p0 [hbm:s6], $0xF7A  }
0x23: {  	s9 =	sor.u32 $0xD0000000, s2;
	s6 =	simm.s32 $0x108;
	_ =	swait.ge @!p0 [sflag:s8], $0x0  }
0x24: {  	s3 =	sadd.s32 $0x88, s3;
	s6 =	simm.s32 @!p1 $0x1082;
	[sflag:s4] =	ssyncset.s32 $0xFFFFF086  }
0x25: {  	[simem:s6], [sflag:s4] =	dma.local [hbm:s3], $0xF7A  }
0x26: {  	[smem:$0x3F94] =	sst s1;
	(tag) =	ssettag s2;
	_ =	strace s9  }
0x27: {  	s1 =	sld [smem:$0x3FA4]  }
0x28: {  	s2 =	sld [smem:$0x3FA5]  }
0x29: {  	s4 =	sld [smem:$0x3FA7]  }
0x2a: {  	p0 =	seq.s32 s5, $0x0;
	s5 =	sld [smem:$0x3FA8]  }
0x2b: {  	s6 =	sld [smem:$0x3FA9]  }
0x2c: {  	s7 =	sld [smem:$0x3FAA]  }
0x2d: {  	s3 =	simm.s32 $0x108;
	s8 =	sld [smem:$0x3FAB]  }
0x2e: {  	s3 =	simm.s32 @!p0 $0x1082;
	s9 =	sld [smem:$0x3FAC]  }
0x2f: {  	lr =	sadd.s32 s0, s3;
	s0 =	sld [smem:$0x3FA3]  }
0x30: {  	s3 =	sld [smem:$0x3FA6]  }
0x31: {  	[smem:$0x3FAF] =	sst s10  }
0x32: {  	s10 =	sld [smem:$0x3FAD];
	_ =	sdelay $0x3  }
0x33: {  	p0 =	seq.s32 s10, $0x1;
	s10 =	sld [smem:$0x3FAF];
	_ =	sdelay $0x3  }
0x34: {  	[smem:$0x3FAF] =	sst s10  }
0x35: {  	s10 =	sld [smem:$0x3FAE];
	_ =	sdelay $0x3  }
0x36: {  	p1 =	seq.s32 s10, $0x1;
	s10 =	sld [smem:$0x3FAF];
	_ =	sdelay $0x3  }
0x37: {  	[smem:$0x3FAF] =	sst s10  }
0x38: {  	s10 =	sld [smem:$0x3FB0]  }
0x39: {  	_ = 	snop;
	(pc) =	sbr.ind lr, $3  }
0x3a: {  	_ = 	snop  }
0x3b: {  	_ = 	snop  }
0x3c: {  	p2 =	seq.s32 s10, $0x1;
	s10 =	sld [smem:$0x3FAF]  }
0x3d: {  	_ =	shalt  }
0x3e: {  	_ =	shalt  }
0x3f: {  	_ =	shalt  }
0x40: {  	_ =	shalt  }
0x41: {  	_ =	shalt  }
0x42: {  	_ =	shalt  }
0x43: {  	_ =	shalt  }
0x44: {  	_ =	shalt  }
0x45: {  	_ =	shalt  }
0x46: {  	_ =	shalt  }
0x47: {  	_ =	shalt  }
0x48: {  	_ =	shalt  }
0x49: {  	_ =	shalt  }
0x4a: {  	_ =	shalt  }
0x4b: {  	_ =	shalt  }
0x4c: {  	_ =	shalt  }
0x4d: {  	_ =	shalt  }
0x4e: {  	_ =	shalt  }
0x4f: {  	_ =	shalt  }
0x50: {  	_ =	shalt  }
0x51: {  	_ =	shalt  }
0x52: {  	_ =	shalt  }
0x53: {  	_ =	shalt  }
0x54: {  	_ =	shalt  }
0x55: {  	_ =	shalt  }
0x56: {  	_ =	shalt  }
0x57: {  	_ =	shalt  }
0x58: {  	_ =	shalt  }
0x59: {  	_ =	shalt  }
0x5a: {  	_ =	shalt  }
0x5b: {  	_ =	shalt  }
0x5c: {  	_ =	shalt  }
0x5d: {  	_ =	shalt  }
0x5e: {  	_ =	shalt  }
0x5f: {  	_ =	shalt  }
0x60: {  	_ =	shalt  }
0x61: {  	_ =	shalt  }
0x62: {  	_ =	shalt  }
0x63: {  	_ =	shalt  }
0x64: {  	_ =	shalt  }
0x65: {  	_ =	shalt  }
0x66: {  	_ =	shalt  }
0x67: {  	_ =	shalt  }
0x68: {  	_ =	shalt  }
0x69: {  	_ =	shalt  }
0x6a: {  	_ =	shalt  }
0x6b: {  	_ =	shalt  }
0x6c: {  	_ =	shalt  }
0x6d: {  	_ =	shalt  }
0x6e: {  	_ =	shalt  }
0x6f: {  	_ =	shalt  }
0x70: {  	_ =	shalt  }
0x71: {  	_ =	shalt  }
0x72: {  	_ =	shalt  }
0x73: {  	_ =	shalt  }
0x74: {  	_ =	shalt  }
0x75: {  	_ =	shalt  }
0x76: {  	_ =	shalt  }
0x77: {  	_ =	shalt  }
0x78: {  	_ =	shalt  }
0x79: {  	_ =	shalt  }
0x7a: {  	_ =	shalt  }
0x7b: {  	_ =	shalt  }
0x7c: {  	_ =	shalt  }
0x7d: {  	_ =	shalt  }
0x7e: {  	_ =	shalt  }
0x7f: {  	_ =	shalt  }
0x80: {  	_ =	shalt  }
0x81: {  	_ =	shalt  }
0x82: {  	_ =	shalt  }
0x83: {  	_ =	shalt  }
0x84: {  	_ =	shalt  }
0x85: {  	_ =	shalt  }
0x86: {  	_ =	shalt  }
0x87: {  	_ =	shalt  }
.Lfunc_end0:
.L_simem_size_0:
called_computation.1_lowered:
.L_overlay_start_0:
0x88: {  	s2 =	sld [smem:$0x3FD9]  }
0x89: {  	s3 =	sld [smem:$0x3FFE];
	_ =	sdelay $0x1  }
0x8a: {  	s1 =	srdreg.scid  }
0x8b: {  	s0 =	sand.u32 $0x1, s1  }
0x8c: {  	s17 =	sshll.u32 s0, $0xA;
	s2 =	sadd.s32 s3, s2  }
0x8d: {  	s2 =	sadd.s32 s2, s17  }
0x8e: {  	[smem:$0x3FBB] =	sst s2  }
0x8f: {  	_ = 	snop  }
0x90: {  	s2 =	sld [smem:$0x3FC8]  }
0x91: {  	s18 =	sld [smem:$0x3FC7];
	(tm) =	ssettm $0x1  }
0x92: {  	s4 =	sld [smem:$0x3FFB];
	_ =	sdelay $0x3  }
0x93: {  	_ =	strace s4  }
0x94: {  	s4 =	sld [smem:$0x3FFC];
	_ =	sdelay $0x3  }
0x95: {  	_ =	strace s4  }
0x96: {  	s4 =	sld [smem:$0x3FFD];
	_ =	sdelay $0x3  }
0x97: {  	_ =	strace s4  }
0x98: {  	_ =	strace $0x8FFFFFFF  }
0x99: {  	s19 =	sld [smem:$0x3FDB];
	_ =	sdelay $0x1  }
0x9a: {  	s5 =	simm.s32 $_scs_section_size  }
0x9b: {  	s6 =	simm.s32 $_size__tile_overlayer_lowered;
	s7 =	simm.s32 $_tile_overlayer_lowered  }
0x9c: {  	s22 =	simm.s32 $0x1BFF;
	s21 =	sshll.u32 s7, $0x1;
	s4 =	sadd.s32 s5, s19  }
0x9d: {  	s8 =	simm.s32 $0x0;
	s20 =	sshll.u32 s6, $0x1;
	s6 =	sadd.s32 s21, s4  }
0x9e: {  	[timem:s8], [sflag:s22] =	dma.local [hbm:s6], s20  }
0x9f: {  	_ =	swait.ge [sflag:s22], s20  }
0xa0: {  	s5 =	ssub.s32 $0x0, s20;
	[sflag:s22] =	ssyncset.done $0x0  }
0xa1: {  	[sflag:s22] =	ssyncadd.s32 s5;
	_ =	sdelay $0x1  }
0xa2: {  	s23 =	simm.s32 $0x1B8B  }
0xa3: {  	_ =	swait.ge [sflag:s23], $0x1  }
0xa4: {  	[sflag:s23] =	ssyncset.done $0x0  }
0xa5: {  	s25 =	simm.s32 $0x1B8E;
	s24 =	sld [smem:$0x3FFE];
	[sflag:s23] =	ssyncadd.s32 $0xFFFFFFFF  }
0xa6: {  	s26 =	simm.s32 $execute0_lowered;
	[smem:$0x3FD2] =	sst s25  }
0xa7: {  	s6 =	sshll.u32 s26, $0x1;
	_ =	strace $0x80000049;
	[dreg:$0x1] =	wrdreg $0xFFFFFFFF  }
0xa8: {  	s28 =	simm.s32 $_size_execute0_lowered;
	s4 =	sadd.s32 s4, s6;
	[dreg:$0x0] =	wrdreg $0x0  }
0xa9: {  	s6 =	sshll.u32 s28, $0x1;
	[dreg:$0x2] =	wrdreg s4  }
0xaa: {  	[dreg:$0x3] =	wrdreg s6  }
0xab: {  	[dreg:$0x4] =	wrdreg $0xC0  }
0xac: {  	_ =	task [dreg:s8], $0x5FFFF  }
0xad: {  	[dreg:$0x1] =	wrdreg $0xFFFFFFFF  }
0xae: {  	[dreg:$0x0] =	wrdreg $0x60  }
0xaf: {  	[dreg:$0x2] =	wrdreg s24  }
0xb0: {  	[dreg:$0x3] =	wrdreg s2  }
0xb1: {  	[dreg:$0x4] =	wrdreg s18  }
0xb2: {  	[dreg:$0x5] =	wrdreg $0x0  }
0xb3: {  	[dreg:$0x6] =	wrdreg $0x100000  }
0xb4: {  	[dreg:$0x7] =	wrdreg $0x9  }
0xb5: {  	_ =	task.clear_ibuf [dreg:s8], $0x8FFFF;
	_ =	strace $0x90000049  }
0xb6: {  	s29 =	simm.s32 $0x9;
	_ =	strace $0x8000004B  }
0xb7: {  	_ =	swait.ge [sflag:s29], $0x1  }
0xb8: {  	[sflag:s29] =	ssyncadd.s32 $0xFFFFFFFF  }
0xb9: {  	_ =	strace $0x9000004B  }
0xba: {  	_ =	sfence  }
0xbb: {  	s30 =	sld [smem:$0x0];
	_ =	sdelay $0x2  }
0xbc: {  	s31 =	sshll.u32 s1, $0xD;
	s1 =	sshrl.u32 s1, $0x2  }
0xbd: {  	s3 =	sand.u32 $0x4000, s31;
	s1 =	sadd.s32 s1, s30  }
0xbe: {  	s0 =	sor.u32 s3, s0;
	s1 =	sshll.u32 s1, $0x11  }
0xbf: {  	s0 =	sor.u32 s1, s0  }
0xc0: {  	s0 =	sadd.s32 $0x8F2B, s0  }
0xc1: {  	[sflag:s0] =	ssyncadd.remote.s32 $0x1  }
0xc2: {  	_ =	sfence.sel $0xFFFF  }
0xc3: {  	[dreg:$0x0] =	wrdreg $0xFFFFFFFF;
	(pc) =	sbr.abs _section_cstart, $3  }
0xc4: {  	[dreg:$0x1] =	wrdreg $0xFFFFFFFF  }
0xc5: {  	_ =	task.clear_ibuf [dreg:s8], $0x2FFFF;
	_ =	strace $0x9FFFFFFF  }
0xc6: {  	(tm) =	ssettm $0x7FFFFFFF  }
0xc7: {  	_ =	shalt  }
tec
execute0_lowered:
.L_overlay_start_1:
0x0: {  	(tag) =	ssettag $0x1  }
0x1: {  	s0 =	rddreg [dreg:$0x0]  }
0x2: {  	s3 =	rddreg [dreg:$0x1]  }
0x3: {  	s6 =	rddreg [dreg:$0x2]  }
0x4: {  	s1 =	rddreg [dreg:$0x3]  }
0x5: {  	s2 =	rddreg [dreg:$0x4]  }
0x6: {  	s4 =	simm.s32 $0x0;
	s5 =	srdreg.scid;
	s14 =	stileid.u32  }
0x7: {  	s28 =	simm.s32 $0x4;
	s30 =	simm.s32 $0x15F00;
	s31 =	simm.s32 $0x15F80  }
0x8: {  	[smem:$0x7FF] =	sst s4;
	s7 =	sand.u32 $0x1, s5;
	s8 =	sshll.u32 s14, $0x10  }
0x9: {  	s11 =	sshll.u32 s14, $0xE;
	s14 =	sshll.u32 s14, $0xA;
	_ =	strace $0x8000004A  }
0xa: {  	s5 =	sshll.u32 s7, $0x16;
	s10 =	sshll.u32 s7, $0x12;
	s12 =	ssub.s32 $0x2, s7  }
0xb: {  	s7 =	sshll.u32 s7, $0xE;
	s25 =	sshrl.u32 s8, $0x2;
	s29 =	sadd.s32 s11, s2  }
0xc: {  	s9 =	sor.u32 s8, s5;
	s5 =	sadd.s32 $0x2A00, s0;
	s10 =	sor.u32 s11, s10  }
0xd: {  	s13 =	sshrl.u32 s12, $0x1;
	s7 =	sor.u32 s14, s7;
	s8 =	sadd.s32 s8, s1  }
0xe: {  	s9 =	sshrl.u32 s9, $0x3;
	s10 =	sshrl.u32 s10, $0x3;
	s3 =	sadd.s32 s3, s7  }
0xf: {  	s23 =	ssub.s32 s12, s13;
	s24 =	sadd.s32 s6, s7;
	[dreg:$0x6] =	wrdreg s3  }
0x10: {  	s16 =	sadd.s32 $0x2000, s8;
	[dreg:$0x7] =	wrdreg s24;
	s13 =	smax.u32 s23, $0x1  }
0x11: {  	s9 =	sadd.s32 s9, s0;
	s3 =	sadd.s32 s25, s2;
	[dreg:$0xe] =	wrdreg s13  }
0x12: {  	s0 =	sadd.s32 s10, s0;
	s26 =	sadd.s32 $0x189400, s9;
	[dreg:$0x8] =	wrdreg s3  }
0x13: {  	s17 =	sadd.s32 $0x4000, s8;
	s0 =	sadd.s32 $0x289400, s0;
	[dreg:$0x9] =	wrdreg s26  }
0x14: {  	s18 =	sadd.s32 $0x6000, s8;
	s7 =	sadd.s32 $0x1A9400, s9;
	[dreg:$0xa] =	wrdreg s0  }
0x15: {  	s19 =	sadd.s32 $0x8000, s8;
	s11 =	sadd.s32 $0x1C9400, s9;
	[dreg:$0xb] =	wrdreg s7  }
0x16: {  	s20 =	sadd.s32 $0xA000, s8;
	s12 =	sadd.s32 $0x1E9400, s9;
	[dreg:$0xc] =	wrdreg s11  }
0x17: {  	s21 =	sadd.s32 $0xC000, s8;
	s14 =	sadd.s32 $0x800, s3;
	[dreg:$0xd] =	wrdreg s12  }
0x18: {  	s22 =	sadd.s32 $0xE000, s8;
	s15 =	sadd.s32 $0x1000, s3;
	[dreg:$0xf] =	wrdreg s14  }
0x19: {  	s6 =	simm.s32 $0x14000;
	s23 =	sadd.s32 $0x1800, s3;
	[dreg:$0x10] =	wrdreg s15  }
0x1a: {  	s10 =	simm.s32 $0x1C800;
	s24 =	sadd.s32 $0x2000, s3;
	[dreg:$0x12] =	wrdreg s23  }
0x1b: {  	s25 =	sadd.s32 $0x2800, s3;
	s13 =	simm.s32 $0x1A000;
	[dreg:$0x13] =	wrdreg s24  }
0x1c: {  	s0 =	sshrl.u32 s29, $0x3;
	[dreg:$0x14] =	wrdreg s25;
	s26 =	sadd.s32 $0x3000, s3  }
0x1d: {  	s29 =	sadd.s32 $0x3800, s3;
	s3 =	simm.s32 $0x5;
	s7 =	simm.s32 $0x18000  }
0x1e: {  	s11 =	simm.s32 $0x80;
	s14 =	simm.s32 $0x1;
	[dreg:$0x11] =	wrdreg s0  }
0x1f: {  	s15 =	simm.s32 $0x1C000;
	s23 =	simm.s32 $0x3;
	[dreg:$0x15] =	wrdreg s26  }
0x20: {  	v0 =	vimm.f32 $1.000000000e+00;
	v1 =	vimm.f32 $0.0e+00;
	s25 =	simm.s32 $0x2;
	[dreg:$0x16] =	wrdreg s29;
	s26 =	simm.s32 $0x14080  }
.LBB2_1:
0x21: {  	s9 =	simm.s32 $0x0  }
.LBB2_2:
0x22: {  	p0 =	sne.s32 s9, $0x1FC0  }
.Ltmp0:
0x23: {  	_ = 	snop;
	(pc) =	sbr.rel @p0 .LBB2_2-.Ltmp0, $3  }
0x24: {  	_ =	sdelay $0x1  }
0x25: {  	s12 =	sshra.s32 s9, $0x2  }
0x26: {  	s9 =	sadd.s32 $0x40, s9;
	[tilespmem:s12+$0x1C000] =	vst v0  }
0x27: {  	s9 =	simm.s32 $0x40;
	s12 =	simm.s32 $0x0  }
.LBB2_4:
0x28: {  	p0 =	sne.s32 s9, $0x1FC0;
	[tilespmem:s12+$0x1C800] =	vst v1;
	s12 =	smov.u32 s9;
	s9 =	sadd.s32 $0x40, s9  }
.Ltmp1:
0x29: {  	(pc) =	sbr.rel @p0 .LBB2_4-.Ltmp1, $2  }
0x2a: {  	_ =	sdelay $0x2  }
0x2b: {  	s12 =	sshra.s32 s12, $0x2  }
0x2c: {  	[tilespmem:s12+$0x1C800] =	vst v1;
	s9 =	simm.s32 $0x0;
	s0 =	rddreg [dreg:$0x6];
	s24 =	simm.s32 $0x16000  }
0x2d: {  	[tilespmem:s24], [sflag:$0x5] =	stream.linear.gather [hbm4b:s0+s9], $0x2000, $0x38;
	[tilespmem:$0x1D000] =	vst v63  }
0x2e: {  	_ =	swait.ge [sflag:s3], $0x2000  }
0x2f: {  	[sflag:s3] =	ssyncset.done $0x0  }
0x30: {  	s29 =	rddreg [dreg:$0x7];
	[sflag:s3] =	ssyncadd.s32 $0xFFFFE000  }
0x31: {  	[tilespmem:s6], [sflag:$0x5] =	stream.linear.gather [hbm4b:s29+s9], $0x2000, $0x38;
	[tilespmem:$0x1D000] =	vst v63  }
0x32: {  	_ =	swait.ge [sflag:s3], $0x2000  }
0x33: {  	[sflag:s3] =	ssyncset.done $0x0  }
0x34: {  	s9 =	simm.s32 $0x0;
	[sflag:s3] =	ssyncadd.s32 $0xFFFFE000  }
0x35: {  	v4 =	vld [tilespmem:s9+$0x16000]  }
0x36: {  	v6 =	vld [tilespmem:s9+$0x16010]  }
0x37: {  	v5 =	vld [tilespmem:s9+$0x16020]  }
0x38: {  	v3 =	vld [tilespmem:s9+$0x16030]  }
0x39: {  	v2 =	vld [tilespmem:s9+$0x16040]  }
0x3a: {  	v7 =	vshll.u32 v4, $0x2;
	v4 =	vld [tilespmem:s9+$0x16050]  }
0x3b: {  	s12 =	simm.s32 $0x200;
	[tilespmem:s9+$0x16000] =	vst v7;
	v7 =	vshll.u32 v6, $0x2;
	v6 =	vld [tilespmem:s9+$0x16060]  }
.LBB2_6:
0x3c: {  	s24 =	sshra.s32 s12, $0x2;
	p0 =	sne.s32 s12, $0x7E00;
	[tilespmem:s9+$0x16010] =	vst v7;
	v5 =	vshll.u32 v5, $0x2;
	v7 =	vld [tilespmem:s9+$0x16070]  }
0x3d: {  	v8 =	vld [tilespmem:s24+$0x16000];
	[tilespmem:s9+$0x16020] =	vst v5;
	v3 =	vshll.u32 v3, $0x2  }
0x3e: {  	v9 =	vld [tilespmem:s24+$0x16010];
	[tilespmem:s9+$0x16030] =	vst v3;
	v2 =	vshll.u32 v2, $0x2  }
.Ltmp2:
0x3f: {  	v5 =	vld [tilespmem:s24+$0x16020];
	[tilespmem:s9+$0x16040] =	vst v2;
	v2 =	vshll.u32 v4, $0x2;
	(pc) =	sbr.rel @p0 .LBB2_6-.Ltmp2, $4  }
0x40: {  	v3 =	vld [tilespmem:s24+$0x16030];
	[tilespmem:s9+$0x16050] =	vst v2;
	v4 =	vshll.u32 v6, $0x2  }
0x41: {  	v2 =	vld [tilespmem:s24+$0x16040];
	[tilespmem:s9+$0x16060] =	vst v4;
	v6 =	vshll.u32 v7, $0x2  }
0x42: {  	v7 =	vshll.u32 v8, $0x2;
	v4 =	vld [tilespmem:s24+$0x16050];
	[tilespmem:s9+$0x16070] =	vst v6;
	s9 =	smov.u32 s24  }
0x43: {  	s12 =	sadd.s32 $0x200, s12;
	[tilespmem:s9+$0x16000] =	vst v7;
	v7 =	vshll.u32 v9, $0x2;
	v6 =	vld [tilespmem:s9+$0x16060]  }
0x44: {  	[tilespmem:s9+$0x16010] =	vst v7;
	v5 =	vshll.u32 v5, $0x2;
	v63 =	vld [tilespmem:s9+$0x16070]  }
0x45: {  	[tilespmem:s9+$0x16020] =	vst v5;
	v3 =	vshll.u32 v3, $0x2  }
0x46: {  	[tilespmem:s9+$0x16030] =	vst v3;
	v2 =	vshll.u32 v2, $0x2  }
0x47: {  	[tilespmem:s9+$0x16040] =	vst v2;
	v2 =	vshll.u32 v4, $0x2  }
0x48: {  	[tilespmem:s9+$0x16050] =	vst v2;
	v2 =	vshll.u32 v6, $0x2  }
0x49: {  	[tilespmem:s9+$0x16060] =	vst v2;
	v2 =	vshll.u32 v63, $0x2  }
0x4a: {  	s12 =	simm.s32 $0x100;
	[tilespmem:s9+$0x16070] =	vst v2;
	s9 =	simm.s32 $0x0  }
.LBB2_8:
0x4b: {  	p0 =	sne.s32 s12, $0x7F00;
	[tilespmem:s9+$0x18030] =	vst v1;
	s24 =	smov.u32 s12;
	s12 =	sadd.s32 $0x100, s12  }
.Ltmp3:
0x4c: {  	[tilespmem:s9+$0x18020] =	vst v1;
	(pc) =	sbr.rel @p0 .LBB2_8-.Ltmp3, $3  }
0x4d: {  	[tilespmem:s9+$0x18000] =	vst v1  }
0x4e: {  	[tilespmem:s9+$0x18010] =	vst v1;
	_ =	sdelay $0x1  }
0x4f: {  	s9 =	sshra.s32 s24, $0x2  }
0x50: {  	[tilespmem:s9+$0x18030] =	vst v1  }
0x51: {  	[tilespmem:s9+$0x18020] =	vst v1  }
0x52: {  	[tilespmem:s9+$0x18000] =	vst v1  }
0x53: {  	[tilespmem:s9+$0x18010] =	vst v1  }
0x54: {  	[spmem:s8] =	stream.linear.scatter [tilespmem:s7], [sflag:$0x5], $0x2000, $0x38;
	[tilespmem:$0x1D000] =	vst v63  }
0x55: {  	_ =	swait.ge [sflag:s3], $0x2000  }
0x56: {  	[sflag:s3] =	ssyncset.done $0x0  }
0x57: {  	[sflag:s3] =	ssyncadd.s32 $0xFFFFE000  }
0x58: {  	[spmem:s16] =	stream.linear.scatter [tilespmem:s7], [sflag:$0x5], $0x2000, $0x38;
	[tilespmem:$0x1D000] =	vst v63  }
0x59: {  	_ =	swait.ge [sflag:s3], $0x2000  }
0x5a: {  	[sflag:s3] =	ssyncset.done $0x0  }
0x5b: {  	[sflag:s3] =	ssyncadd.s32 $0xFFFFE000  }
0x5c: {  	[spmem:s17] =	stream.linear.scatter [tilespmem:s7], [sflag:$0x5], $0x2000, $0x38;
	[tilespmem:$0x1D000] =	vst v63  }
0x5d: {  	_ =	swait.ge [sflag:s3], $0x2000  }
0x5e: {  	[sflag:s3] =	ssyncset.done $0x0  }
0x5f: {  	[sflag:s3] =	ssyncadd.s32 $0xFFFFE000  }
0x60: {  	[spmem:s18] =	stream.linear.scatter [tilespmem:s7], [sflag:$0x5], $0x2000, $0x38;
	[tilespmem:$0x1D000] =	vst v63  }
0x61: {  	_ =	swait.ge [sflag:s3], $0x2000  }
0x62: {  	[sflag:s3] =	ssyncset.done $0x0  }
0x63: {  	[sflag:s3] =	ssyncadd.s32 $0xFFFFE000  }
0x64: {  	[spmem:s19] =	stream.linear.scatter [tilespmem:s7], [sflag:$0x5], $0x2000, $0x38;
	[tilespmem:$0x1D000] =	vst v63  }
0x65: {  	_ =	swait.ge [sflag:s3], $0x2000  }
0x66: {  	[sflag:s3] =	ssyncset.done $0x0  }
0x67: {  	[sflag:s3] =	ssyncadd.s32 $0xFFFFE000  }
0x68: {  	[spmem:s20] =	stream.linear.scatter [tilespmem:s7], [sflag:$0x5], $0x2000, $0x38;
	[tilespmem:$0x1D000] =	vst v63  }
0x69: {  	_ =	swait.ge [sflag:s3], $0x2000  }
0x6a: {  	[sflag:s3] =	ssyncset.done $0x0  }
0x6b: {  	[sflag:s3] =	ssyncadd.s32 $0xFFFFE000  }
0x6c: {  	[spmem:s21] =	stream.linear.scatter [tilespmem:s7], [sflag:$0x5], $0x2000, $0x38;
	[tilespmem:$0x1D000] =	vst v63  }
0x6d: {  	_ =	swait.ge [sflag:s3], $0x2000  }
0x6e: {  	[sflag:s3] =	ssyncset.done $0x0  }
0x6f: {  	[sflag:s3] =	ssyncadd.s32 $0xFFFFE000  }
0x70: {  	[spmem:s22] =	stream.linear.scatter [tilespmem:s7], [sflag:$0x5], $0x2000, $0x38;
	[tilespmem:$0x1D000] =	vst v63  }
0x71: {  	_ =	swait.ge [sflag:s3], $0x2000  }
0x72: {  	[sflag:s3] =	ssyncset.done $0x0  }
0x73: {  	s0 =	rddreg [dreg:$0x8];
	[sflag:s3] =	ssyncadd.s32 $0xFFFFE000  }
0x74: {  	[spmem:s0] =	stream.linear.scatter [tilespmem:s10], [sflag:$0x5], $0x800, $0x38;
	[tilespmem:$0x1D000] =	vst v63  }
0x75: {  	_ =	swait.ge [sflag:s3], $0x800  }
0x76: {  	[sflag:s3] =	ssyncset.done $0x0  }
0x77: {  	s24 =	rddreg [dreg:$0xf];
	[sflag:s3] =	ssyncadd.s32 $0xFFFFF800  }
0x78: {  	[spmem:s24] =	stream.linear.scatter [tilespmem:s10], [sflag:$0x5], $0x800, $0x38;
	[tilespmem:$0x1D000] =	vst v63  }
0x79: {  	_ =	swait.ge [sflag:s3], $0x800  }
0x7a: {  	[sflag:s3] =	ssyncset.done $0x0  }
0x7b: {  	s29 =	rddreg [dreg:$0x10];
	[sflag:s3] =	ssyncadd.s32 $0xFFFFF800  }
0x7c: {  	[spmem:s29] =	stream.linear.scatter [tilespmem:s10], [sflag:$0x5], $0x800, $0x38;
	[tilespmem:$0x1D000] =	vst v63  }
0x7d: {  	_ =	swait.ge [sflag:s3], $0x800  }
0x7e: {  	[sflag:s3] =	ssyncset.done $0x0  }
0x7f: {  	s9 =	rddreg [dreg:$0x12];
	[sflag:s3] =	ssyncadd.s32 $0xFFFFF800  }
0x80: {  	[spmem:s9] =	stream.linear.scatter [tilespmem:s10], [sflag:$0x5], $0x800, $0x38;
	[tilespmem:$0x1D000] =	vst v63  }
0x81: {  	_ =	swait.ge [sflag:s3], $0x800  }
0x82: {  	[sflag:s3] =	ssyncset.done $0x0  }
0x83: {  	s12 =	rddreg [dreg:$0x13];
	[sflag:s3] =	ssyncadd.s32 $0xFFFFF800  }
0x84: {  	[spmem:s12] =	stream.linear.scatter [tilespmem:s10], [sflag:$0x5], $0x800, $0x38;
	[tilespmem:$0x1D000] =	vst v63  }
0x85: {  	_ =	swait.ge [sflag:s3], $0x800  }
0x86: {  	[sflag:s3] =	ssyncset.done $0x0  }
0x87: {  	s24 =	rddreg [dreg:$0x14];
	[sflag:s3] =	ssyncadd.s32 $0xFFFFF800  }
0x88: {  	[spmem:s24] =	stream.linear.scatter [tilespmem:s10], [sflag:$0x5], $0x800, $0x38;
	[tilespmem:$0x1D000] =	vst v63  }
0x89: {  	_ =	swait.ge [sflag:s3], $0x800  }
0x8a: {  	[sflag:s3] =	ssyncset.done $0x0  }
0x8b: {  	s29 =	rddreg [dreg:$0x15];
	[sflag:s3] =	ssyncadd.s32 $0xFFFFF800  }
0x8c: {  	[spmem:s29] =	stream.linear.scatter [tilespmem:s10], [sflag:$0x5], $0x800, $0x38;
	[tilespmem:$0x1D000] =	vst v63  }
0x8d: {  	_ =	swait.ge [sflag:s3], $0x800  }
0x8e: {  	[sflag:s3] =	ssyncset.done $0x0  }
0x8f: {  	s9 =	rddreg [dreg:$0x16];
	[sflag:s3] =	ssyncadd.s32 $0xFFFFF800  }
0x90: {  	[spmem:s9] =	stream.linear.scatter [tilespmem:s10], [sflag:$0x5], $0x800, $0x38;
	[tilespmem:$0x1D000] =	vst v63  }
0x91: {  	_ =	swait.ge [sflag:s3], $0x800  }
0x92: {  	[sflag:s3] =	ssyncset.done $0x0  }
0x93: {  	[sflag:s3] =	ssyncadd.s32 $0xFFFFF800  }
0x94: {  	s12 =	simm.s32 $0x16000;
	[bflag:$0x0] =	sbarrier.arrive $0xFFFF  }
0x95: {  	[tilespmem:s7], [sflag:$0x1] =	stream.indirect.gather [hbm4b:s5+s11], $0x40, s12, s11, $0xb8;
	[tilespmem:$0x1D000] =	vst v63  }
0x96: {  	s24 =	simm.s32 $0x16080  }
0x97: {  	[tilespmem:s13], [sflag:$0x2] =	stream.indirect.gather [hbm4b:s5+s11], $0x40, s24, s11, $0xb8;
	[tilespmem:$0x1D000] =	vst v63  }
0x98: {  	_ =	swait.ge [sflag:s14], $0x2000  }
0x99: {  	[sflag:s14] =	ssyncset.done $0x0  }
0x9a: {  	[sflag:s14] =	ssyncadd.s32 $0xFFFFE000  }
0x9b: {  	[spmem:s1] =	stream.indirect.scatter.add.f32 [tilespmem:s7], [sflag:$0x3], $0x40, s6, s11, $0xb8;
	[tilespmem:$0x1D000] =	vst v63  }
0x9c: {  	_ = 	snop  }
0x9d: {  	[spmem:s2] =	stream.indirect.scatter.add.f32 [tilespmem:s15], [sflag:$0x5], $0x10, s6, s11, $0xb8;
	[tilespmem:$0x1D000] =	vst v63  }
0x9e: {  	_ =	swait.ge [sflag:s3], $0x800  }
0x9f: {  	[sflag:s3] =	ssyncset.done $0x0  }
0xa0: {  	[sflag:s3] =	ssyncadd.s32 $0xFFFFF800  }
0xa1: {  	_ =	swait.ge [sflag:s23], $0x2000  }
0xa2: {  	[sflag:s23] =	ssyncset.done $0x0  }
0xa3: {  	s29 =	simm.s32 $0x16100;
	[sflag:s23] =	ssyncadd.s32 $0xFFFFE000  }
0xa4: {  	[tilespmem:s7], [sflag:$0x1] =	stream.indirect.gather [hbm4b:s5+s11], $0x40, s29, s11, $0xb8;
	[tilespmem:$0x1D000] =	vst v63  }
0xa5: {  	_ =	swait.ge [sflag:s25], $0x2000  }
0xa6: {  	[sflag:s25] =	ssyncset.done $0x0  }
0xa7: {  	[sflag:s25] =	ssyncadd.s32 $0xFFFFE000  }
0xa8: {  	[spmem:s1] =	stream.indirect.scatter.add.f32 [tilespmem:s13], [sflag:$0x4], $0x40, s26, s11, $0xb8;
	[tilespmem:$0x1D000] =	vst v63  }
0xa9: {  	_ = 	snop  }
0xaa: {  	[spmem:s2] =	stream.indirect.scatter.add.f32 [tilespmem:s15], [sflag:$0x5], $0x10, s26, s11, $0xb8;
	[tilespmem:$0x1D000] =	vst v63  }
0xab: {  	_ =	swait.ge [sflag:s3], $0x800  }
0xac: {  	[sflag:s3] =	ssyncset.done $0x0  }
0xad: {  	[sflag:s3] =	ssyncadd.s32 $0xFFFFF800  }
0xae: {  	_ =	swait.ge [sflag:s28], $0x2000  }
0xaf: {  	[sflag:s28] =	ssyncset.done $0x0  }
0xb0: {  	s0 =	simm.s32 $0x16180;
	[sflag:s28] =	ssyncadd.s32 $0xFFFFE000  }
0xb1: {  	[tilespmem:s13], [sflag:$0x2] =	stream.indirect.gather [hbm4b:s5+s11], $0x40, s0, s11, $0xb8;
	[tilespmem:$0x1D000] =	vst v63  }
0xb2: {  	_ =	swait.ge [sflag:s14], $0x2000  }
0xb3: {  	[sflag:s14] =	ssyncset.done $0x0  }
0xb4: {  	s12 =	simm.s32 $0x14100;
	[sflag:s14] =	ssyncadd.s32 $0xFFFFE000  }
0xb5: {  	[spmem:s1] =	stream.indirect.scatter.add.f32 [tilespmem:s7], [sflag:$0x3], $0x40, s12, s11, $0xb8;
	[tilespmem:$0x1D000] =	vst v63  }
0xb6: {  	_ = 	snop  }
0xb7: {  	[spmem:s2] =	stream.indirect.scatter.add.f32 [tilespmem:s15], [sflag:$0x5], $0x10, s12, s11, $0xb8;
	[tilespmem:$0x1D000] =	vst v63  }
0xb8: {  	_ =	swait.ge [sflag:s3], $0x800  }
0xb9: {  	[sflag:s3] =	ssyncset.done $0x0  }
0xba: {  	[sflag:s3] =	ssyncadd.s32 $0xFFFFF800  }
0xbb: {  	_ =	swait.ge [sflag:s23], $0x2000  }
0xbc: {  	[sflag:s23] =	ssyncset.done $0x0  }
0xbd: {  	s24 =	simm.s32 $0x16200;
	[sflag:s23] =	ssyncadd.s32 $0xFFFFE000  }
0xbe: {  	[tilespmem:s7], [sflag:$0x1] =	stream.indirect.gather [hbm4b:s5+s11], $0x40, s24, s11, $0xb8;
	[tilespmem:$0x1D000] =	vst v63  }
0xbf: {  	_ =	swait.ge [sflag:s25], $0x2000  }
0xc0: {  	[sflag:s25] =	ssyncset.done $0x0  }
0xc1: {  	s29 =	simm.s32 $0x14180;
	[sflag:s25] =	ssyncadd.s32 $0xFFFFE000  }
0xc2: {  	[spmem:s1] =	stream.indirect.scatter.add.f32 [tilespmem:s13], [sflag:$0x4], $0x40, s29, s11, $0xb8;
	[tilespmem:$0x1D000] =	vst v63  }
0xc3: {  	_ = 	snop  }
0xc4: {  	[spmem:s2] =	stream.indirect.scatter.add.f32 [tilespmem:s15], [sflag:$0x5], $0x10, s29, s11, $0xb8;
	[tilespmem:$0x1D000] =	vst v63  }
0xc5: {  	_ =	swait.ge [sflag:s3], $0x800  }
0xc6: {  	s9 =	simm.s32 $0xFFFF8C00;
	[sflag:s3] =	ssyncset.done $0x0  }
.LBB2_10:
0xc7: {  	p0 =	sne.s32 s9, $0xFFFFFC00  }
0xc8: {  	[sflag:s3] =	ssyncadd.s32 $0xFFFFF800;
	s12 =	smov.u32 s9;
	s9 =	sadd.s32 $0x400, s9  }
0xc9: {  	_ = 	snop  }
0xca: {  	_ =	swait.ge [sflag:s28], $0x2000  }
0xcb: {  	s12 =	sshra.s32 s12, $0x2;
	[sflag:s28] =	ssyncset.done $0x0  }
0xcc: {  	s24 =	sadd.s32 $0x17F80, s12;
	[sflag:s28] =	ssyncadd.s32 $0xFFFFE000  }
0xcd: {  	[tilespmem:s13], [sflag:$0x2] =	stream.indirect.gather [hbm4b:s5+s11], $0x40, s24, s11, $0xb8;
	[tilespmem:$0x1D000] =	vst v63  }
0xce: {  	_ =	swait.ge [sflag:s14], $0x2000  }
0xcf: {  	[sflag:s14] =	ssyncset.done $0x0  }
0xd0: {  	s24 =	sadd.s32 $0x15F00, s12;
	[sflag:s14] =	ssyncadd.s32 $0xFFFFE000  }
0xd1: {  	[spmem:s1] =	stream.indirect.scatter.add.f32 [tilespmem:s7], [sflag:$0x3], $0x40, s24, s11, $0xb8;
	[tilespmem:$0x1D000] =	vst v63  }
0xd2: {  	_ = 	snop  }
0xd3: {  	[spmem:s2] =	stream.indirect.scatter.add.f32 [tilespmem:s15], [sflag:$0x5], $0x10, s24, s11, $0xb8;
	[tilespmem:$0x1D000] =	vst v63  }
0xd4: {  	_ =	swait.ge [sflag:s3], $0x800  }
0xd5: {  	[sflag:s3] =	ssyncset.done $0x0  }
0xd6: {  	[sflag:s3] =	ssyncadd.s32 $0xFFFFF800  }
0xd7: {  	_ =	swait.ge [sflag:s23], $0x2000  }
0xd8: {  	[sflag:s23] =	ssyncset.done $0x0  }
0xd9: {  	s24 =	sadd.s32 $0x18000, s12;
	[sflag:s23] =	ssyncadd.s32 $0xFFFFE000  }
0xda: {  	[tilespmem:s7], [sflag:$0x1] =	stream.indirect.gather [hbm4b:s5+s11], $0x40, s24, s11, $0xb8;
	[tilespmem:$0x1D000] =	vst v63  }
0xdb: {  	_ =	swait.ge [sflag:s25], $0x2000  }
0xdc: {  	[sflag:s25] =	ssyncset.done $0x0  }
0xdd: {  	s12 =	sadd.s32 $0x15F80, s12;
	[sflag:s25] =	ssyncadd.s32 $0xFFFFE000  }
0xde: {  	[spmem:s1] =	stream.indirect.scatter.add.f32 [tilespmem:s13], [sflag:$0x4], $0x40, s12, s11, $0xb8;
	[tilespmem:$0x1D000] =	vst v63  }
.Ltmp4:
0xdf: {  	_ = 	snop;
	(pc) =	sbr.rel @p0 .LBB2_10-.Ltmp4, $4  }
0xe0: {  	_ = 	snop  }
0xe1: {  	[spmem:s2] =	stream.indirect.scatter.add.f32 [tilespmem:s15], [sflag:$0x5], $0x10, s12, s11, $0xb8;
	[tilespmem:$0x1D000] =	vst v63  }
0xe2: {  	_ =	swait.ge [sflag:s3], $0x800  }
0xe3: {  	[sflag:s3] =	ssyncset.done $0x0  }
0xe4: {  	[sflag:s3] =	ssyncadd.s32 $0xFFFFF800  }
0xe5: {  	_ =	swait.ge [sflag:s28], $0x2000  }
0xe6: {  	[sflag:s28] =	ssyncset.done $0x0  }
0xe7: {  	s0 =	simm.s32 $0x17F80;
	[sflag:s28] =	ssyncadd.s32 $0xFFFFE000  }
0xe8: {  	[tilespmem:s13], [sflag:$0x2] =	stream.indirect.gather [hbm4b:s5+s11], $0x40, s0, s11, $0xb8;
	[tilespmem:$0x1D000] =	vst v63  }
0xe9: {  	_ =	swait.ge [sflag:s14], $0x2000  }
0xea: {  	[sflag:s14] =	ssyncset.done $0x0  }
0xeb: {  	[sflag:s14] =	ssyncadd.s32 $0xFFFFE000  }
0xec: {  	[spmem:s1] =	stream.indirect.scatter.add.f32 [tilespmem:s7], [sflag:$0x3], $0x40, s30, s11, $0xb8;
	[tilespmem:$0x1D000] =	vst v63  }
0xed: {  	_ = 	snop  }
0xee: {  	[spmem:s2] =	stream.indirect.scatter.add.f32 [tilespmem:s15], [sflag:$0x5], $0x10, s30, s11, $0xb8;
	[tilespmem:$0x1D000] =	vst v63  }
0xef: {  	_ =	swait.ge [sflag:s3], $0x800  }
0xf0: {  	[sflag:s3] =	ssyncset.done $0x0  }
0xf1: {  	[sflag:s3] =	ssyncadd.s32 $0xFFFFF800  }
0xf2: {  	_ =	swait.ge [sflag:s25], $0x2000  }
0xf3: {  	[sflag:s25] =	ssyncset.done $0x0  }
0xf4: {  	[sflag:s25] =	ssyncadd.s32 $0xFFFFE000  }
0xf5: {  	[spmem:s1] =	stream.indirect.scatter.add.f32 [tilespmem:s13], [sflag:$0x4], $0x40, s31, s11, $0xb8;
	[tilespmem:$0x1D000] =	vst v63  }
0xf6: {  	_ = 	snop  }
0xf7: {  	[spmem:s2] =	stream.indirect.scatter.add.f32 [tilespmem:s15], [sflag:$0x5], $0x10, s31, s11, $0xb8;
	[tilespmem:$0x1D000] =	vst v63  }
0xf8: {  	_ =	swait.ge [sflag:s3], $0x800  }
0xf9: {  	[sflag:s3] =	ssyncset.done $0x0  }
0xfa: {  	[sflag:s3] =	ssyncadd.s32 $0xFFFFF800  }
0xfb: {  	_ =	swait.ge [sflag:s23], $0x2000  }
0xfc: {  	[sflag:s23] =	ssyncset.done $0x0  }
0xfd: {  	[sflag:s23] =	ssyncadd.s32 $0xFFFFE000  }
0xfe: {  	_ =	swait.ge [sflag:s28], $0x2000  }
0xff: {  	[sflag:s28] =	ssyncset.done $0x0  }
0x100: {  	s12 =	stileid.u32;
	[sflag:s28] =	ssyncadd.s32 $0xFFFFE000  }
0x101: {  	s9 =	sshll.u32 s12, $0x6;
	[bflag:$0x0] =	sbarrier.arrive $0xFFFF  }
0x102: {  	s12 =	sshrl.u32 s8, $0x3;
	s9 =	sor.u32 $0x1C05, s9;
	s24 =	rddreg [dreg:$0x9]  }
0x103: {  	[hbm:s24], [sflag:s9] =	dma.local [spmem:s12], $0x2000  }
0x104: {  	_ =	swait.ge [sflag:s3], $0x2000  }
0x105: {  	[sflag:s3] =	ssyncset.done $0x0;
	s0 =	rddreg [dreg:$0xa]  }
0x106: {  	s24 =	rddreg [dreg:$0x11];
	[sflag:s3] =	ssyncadd.s32 $0xFFFFE000  }
0x107: {  	[hbm:s0], [sflag:s9] =	dma.local [spmem:s24], $0x800  }
0x108: {  	_ =	swait.ge [sflag:s3], $0x800  }
0x109: {  	[sflag:s3] =	ssyncset.done $0x0  }
0x10a: {  	s24 =	simm.s32 $0x0;
	[sflag:s3] =	ssyncadd.s32 $0xFFFFF800  }
0x10b: {  	v4 =	vld [tilespmem:s24+$0x16000]  }
0x10c: {  	v6 =	vld [tilespmem:s24+$0x16010]  }
0x10d: {  	v5 =	vld [tilespmem:s24+$0x16020]  }
0x10e: {  	v3 =	vld [tilespmem:s24+$0x16030]  }
0x10f: {  	v2 =	vld [tilespmem:s24+$0x16040]  }
0x110: {  	v7 =	vadd.s32 $0x1, v4;
	v4 =	vld [tilespmem:s24+$0x16050]  }
0x111: {  	s29 =	simm.s32 $0x200;
	[tilespmem:s24+$0x16000] =	vst v7;
	v7 =	vadd.s32 $0x1, v6;
	v6 =	vld [tilespmem:s24+$0x16060]  }
.LBB2_12:
0x112: {  	s0 =	sshra.s32 s29, $0x2;
	p0 =	sne.s32 s29, $0x7E00;
	[tilespmem:s24+$0x16010] =	vst v7;
	v5 =	vadd.s32 $0x1, v5;
	v7 =	vld [tilespmem:s24+$0x16070]  }
0x113: {  	v8 =	vld [tilespmem:s0+$0x16000];
	[tilespmem:s24+$0x16020] =	vst v5;
	v3 =	vadd.s32 $0x1, v3  }
0x114: {  	v9 =	vld [tilespmem:s0+$0x16010];
	[tilespmem:s24+$0x16030] =	vst v3;
	v2 =	vadd.s32 $0x1, v2  }
.Ltmp5:
0x115: {  	v5 =	vld [tilespmem:s0+$0x16020];
	[tilespmem:s24+$0x16040] =	vst v2;
	v2 =	vadd.s32 $0x1, v4;
	(pc) =	sbr.rel @p0 .LBB2_12-.Ltmp5, $4  }
0x116: {  	v3 =	vld [tilespmem:s0+$0x16030];
	[tilespmem:s24+$0x16050] =	vst v2;
	v4 =	vadd.s32 $0x1, v6  }
0x117: {  	v2 =	vld [tilespmem:s0+$0x16040];
	[tilespmem:s24+$0x16060] =	vst v4;
	v6 =	vadd.s32 $0x1, v7  }
0x118: {  	v7 =	vadd.s32 $0x1, v8;
	v4 =	vld [tilespmem:s0+$0x16050];
	[tilespmem:s24+$0x16070] =	vst v6;
	s24 =	smov.u32 s0  }
0x119: {  	s29 =	sadd.s32 $0x200, s29;
	[tilespmem:s24+$0x16000] =	vst v7;
	v7 =	vadd.s32 $0x1, v9;
	v6 =	vld [tilespmem:s24+$0x16060]  }
0x11a: {  	[tilespmem:s24+$0x16010] =	vst v7;
	v5 =	vadd.s32 $0x1, v5;
	v63 =	vld [tilespmem:s24+$0x16070]  }
0x11b: {  	[tilespmem:s24+$0x16020] =	vst v5;
	v3 =	vadd.s32 $0x1, v3  }
0x11c: {  	[tilespmem:s24+$0x16030] =	vst v3;
	v2 =	vadd.s32 $0x1, v2  }
0x11d: {  	[tilespmem:s24+$0x16040] =	vst v2;
	v2 =	vadd.s32 $0x1, v4  }
0x11e: {  	[tilespmem:s24+$0x16050] =	vst v2;
	v2 =	vadd.s32 $0x1, v6  }
0x11f: {  	[tilespmem:s24+$0x16060] =	vst v2;
	v2 =	vadd.s32 $0x1, v63  }
0x120: {  	s29 =	simm.s32 $0x100;
	[tilespmem:s24+$0x16070] =	vst v2;
	s24 =	simm.s32 $0x0  }
.LBB2_14:
0x121: {  	p0 =	sne.s32 s29, $0x7F00;
	[tilespmem:s24+$0x18030] =	vst v1;
	s0 =	smov.u32 s29;
	s29 =	sadd.s32 $0x100, s29  }
.Ltmp6:
0x122: {  	[tilespmem:s24+$0x18020] =	vst v1;
	(pc) =	sbr.rel @p0 .LBB2_14-.Ltmp6, $3  }
0x123: {  	[tilespmem:s24+$0x18000] =	vst v1  }
0x124: {  	[tilespmem:s24+$0x18010] =	vst v1;
	_ =	sdelay $0x1  }
0x125: {  	s24 =	sshra.s32 s0, $0x2  }
0x126: {  	[tilespmem:s24+$0x18030] =	vst v1  }
0x127: {  	[tilespmem:s24+$0x18020] =	vst v1  }
0x128: {  	[tilespmem:s24+$0x18000] =	vst v1  }
0x129: {  	[tilespmem:s24+$0x18010] =	vst v1  }
0x12a: {  	[spmem:s8] =	stream.linear.scatter [tilespmem:s7], [sflag:$0x5], $0x2000, $0x38;
	[tilespmem:$0x1D000] =	vst v63  }
0x12b: {  	_ =	swait.ge [sflag:s3], $0x2000  }
0x12c: {  	[sflag:s3] =	ssyncset.done $0x0  }
0x12d: {  	[sflag:s3] =	ssyncadd.s32 $0xFFFFE000  }
0x12e: {  	[spmem:s16] =	stream.linear.scatter [tilespmem:s7], [sflag:$0x5], $0x2000, $0x38;
	[tilespmem:$0x1D000] =	vst v63  }
0x12f: {  	_ =	swait.ge [sflag:s3], $0x2000  }
0x130: {  	[sflag:s3] =	ssyncset.done $0x0  }
0x131: {  	[sflag:s3] =	ssyncadd.s32 $0xFFFFE000  }
0x132: {  	[spmem:s17] =	stream.linear.scatter [tilespmem:s7], [sflag:$0x5], $0x2000, $0x38;
	[tilespmem:$0x1D000] =	vst v63  }
0x133: {  	_ =	swait.ge [sflag:s3], $0x2000  }
0x134: {  	[sflag:s3] =	ssyncset.done $0x0  }
0x135: {  	[sflag:s3] =	ssyncadd.s32 $0xFFFFE000  }
0x136: {  	[spmem:s18] =	stream.linear.scatter [tilespmem:s7], [sflag:$0x5], $0x2000, $0x38;
	[tilespmem:$0x1D000] =	vst v63  }
0x137: {  	_ =	swait.ge [sflag:s3], $0x2000  }
0x138: {  	[sflag:s3] =	ssyncset.done $0x0  }
0x139: {  	[sflag:s3] =	ssyncadd.s32 $0xFFFFE000  }
0x13a: {  	[spmem:s19] =	stream.linear.scatter [tilespmem:s7], [sflag:$0x5], $0x2000, $0x38;
	[tilespmem:$0x1D000] =	vst v63  }
0x13b: {  	_ =	swait.ge [sflag:s3], $0x2000  }
0x13c: {  	[sflag:s3] =	ssyncset.done $0x0  }
0x13d: {  	[sflag:s3] =	ssyncadd.s32 $0xFFFFE000  }
0x13e: {  	[spmem:s20] =	stream.linear.scatter [tilespmem:s7], [sflag:$0x5], $0x2000, $0x38;
	[tilespmem:$0x1D000] =	vst v63  }
0x13f: {  	_ =	swait.ge [sflag:s3], $0x2000  }
0x140: {  	[sflag:s3] =	ssyncset.done $0x0  }
0x141: {  	[sflag:s3] =	ssyncadd.s32 $0xFFFFE000  }
0x142: {  	[spmem:s21] =	stream.linear.scatter [tilespmem:s7], [sflag:$0x5], $0x2000, $0x38;
	[tilespmem:$0x1D000] =	vst v63  }
0x143: {  	_ =	swait.ge [sflag:s3], $0x2000  }
0x144: {  	[sflag:s3] =	ssyncset.done $0x0  }
0x145: {  	[sflag:s3] =	ssyncadd.s32 $0xFFFFE000  }
0x146: {  	[spmem:s22] =	stream.linear.scatter [tilespmem:s7], [sflag:$0x5], $0x2000, $0x38;
	[tilespmem:$0x1D000] =	vst v63  }
0x147: {  	_ =	swait.ge [sflag:s3], $0x2000  }
0x148: {  	[sflag:s3] =	ssyncset.done $0x0  }
0x149: {  	[sflag:s3] =	ssyncadd.s32 $0xFFFFE000  }
0x14a: {  	s0 =	simm.s32 $0x16000;
	[bflag:$0x0] =	sbarrier.arrive $0xFFFF  }
0x14b: {  	[tilespmem:s7], [sflag:$0x1] =	stream.indirect.gather [hbm4b:s5+s11], $0x40, s0, s11, $0xb8;
	[tilespmem:$0x1D000] =	vst v63  }
0x14c: {  	s24 =	simm.s32 $0x16080  }
0x14d: {  	[tilespmem:s13], [sflag:$0x2] =	stream.indirect.gather [hbm4b:s5+s11], $0x40, s24, s11, $0xb8;
	[tilespmem:$0x1D000] =	vst v63  }
0x14e: {  	_ =	swait.ge [sflag:s14], $0x2000  }
0x14f: {  	[sflag:s14] =	ssyncset.done $0x0  }
0x150: {  	[sflag:s14] =	ssyncadd.s32 $0xFFFFE000  }
0x151: {  	[spmem:s1] =	stream.indirect.scatter.add.f32 [tilespmem:s7], [sflag:$0x3], $0x40, s6, s11, $0xb8;
	[tilespmem:$0x1D000] =	vst v63  }
0x152: {  	_ =	swait.ge [sflag:s23], $0x2000  }
0x153: {  	[sflag:s23] =	ssyncset.done $0x0  }
0x154: {  	s24 =	simm.s32 $0x16100;
	[sflag:s23] =	ssyncadd.s32 $0xFFFFE000  }
0x155: {  	[tilespmem:s7], [sflag:$0x1] =	stream.indirect.gather [hbm4b:s5+s11], $0x40, s24, s11, $0xb8;
	[tilespmem:$0x1D000] =	vst v63  }
0x156: {  	_ =	swait.ge [sflag:s25], $0x2000  }
0x157: {  	[sflag:s25] =	ssyncset.done $0x0  }
0x158: {  	[sflag:s25] =	ssyncadd.s32 $0xFFFFE000  }
0x159: {  	[spmem:s1] =	stream.indirect.scatter.add.f32 [tilespmem:s13], [sflag:$0x4], $0x40, s26, s11, $0xb8;
	[tilespmem:$0x1D000] =	vst v63  }
0x15a: {  	_ =	swait.ge [sflag:s28], $0x2000  }
0x15b: {  	[sflag:s28] =	ssyncset.done $0x0  }
0x15c: {  	s24 =	simm.s32 $0x16180;
	[sflag:s28] =	ssyncadd.s32 $0xFFFFE000  }
0x15d: {  	[tilespmem:s13], [sflag:$0x2] =	stream.indirect.gather [hbm4b:s5+s11], $0x40, s24, s11, $0xb8;
	[tilespmem:$0x1D000] =	vst v63  }
0x15e: {  	_ =	swait.ge [sflag:s14], $0x2000  }
0x15f: {  	[sflag:s14] =	ssyncset.done $0x0  }
0x160: {  	s24 =	simm.s32 $0x14100;
	[sflag:s14] =	ssyncadd.s32 $0xFFFFE000  }
0x161: {  	[spmem:s1] =	stream.indirect.scatter.add.f32 [tilespmem:s7], [sflag:$0x3], $0x40, s24, s11, $0xb8;
	[tilespmem:$0x1D000] =	vst v63  }
0x162: {  	_ =	swait.ge [sflag:s23], $0x2000  }
0x163: {  	[sflag:s23] =	ssyncset.done $0x0  }
0x164: {  	s24 =	simm.s32 $0x16200;
	[sflag:s23] =	ssyncadd.s32 $0xFFFFE000  }
0x165: {  	[tilespmem:s7], [sflag:$0x1] =	stream.indirect.gather [hbm4b:s5+s11], $0x40, s24, s11, $0xb8;
	[tilespmem:$0x1D000] =	vst v63  }
0x166: {  	_ =	swait.ge [sflag:s25], $0x2000  }
0x167: {  	[sflag:s25] =	ssyncset.done $0x0  }
0x168: {  	s29 =	simm.s32 $0x14180;
	s24 =	simm.s32 $0xFFFF8C00;
	[sflag:s25] =	ssyncadd.s32 $0xFFFFE000  }
.LBB2_16:
0x169: {  	[spmem:s1] =	stream.indirect.scatter.add.f32 [tilespmem:s13], [sflag:$0x4], $0x40, s29, s11, $0xb8;
	[tilespmem:$0x1D000] =	vst v63  }
0x16a: {  	s0 =	smov.u32 s24  }
0x16b: {  	p0 =	sne.s32 s24, $0xFFFFFC00;
	s24 =	sadd.s32 $0x400, s24;
	_ =	swait.ge [sflag:s28], $0x2000  }
0x16c: {  	s0 =	sshra.s32 s0, $0x2;
	[sflag:s28] =	ssyncset.done $0x0  }
0x16d: {  	s29 =	sadd.s32 $0x17F80, s0;
	[sflag:s28] =	ssyncadd.s32 $0xFFFFE000  }
0x16e: {  	[tilespmem:s13], [sflag:$0x2] =	stream.indirect.gather [hbm4b:s5+s11], $0x40, s29, s11, $0xb8;
	[tilespmem:$0x1D000] =	vst v63  }
0x16f: {  	_ =	swait.ge [sflag:s14], $0x2000  }
0x170: {  	[sflag:s14] =	ssyncset.done $0x0  }
0x171: {  	s29 =	sadd.s32 $0x15F00, s0;
	[sflag:s14] =	ssyncadd.s32 $0xFFFFE000  }
0x172: {  	[spmem:s1] =	stream.indirect.scatter.add.f32 [tilespmem:s7], [sflag:$0x3], $0x40, s29, s11, $0xb8;
	[tilespmem:$0x1D000] =	vst v63  }
0x173: {  	_ =	swait.ge [sflag:s23], $0x2000  }
0x174: {  	[sflag:s23] =	ssyncset.done $0x0  }
.Ltmp7:
0x175: {  	s29 =	sadd.s32 $0x18000, s0;
	[sflag:s23] =	ssyncadd.s32 $0xFFFFE000;
	(pc) =	sbr.rel @p0 .LBB2_16-.Ltmp7, $4  }
0x176: {  	[tilespmem:s7], [sflag:$0x1] =	stream.indirect.gather [hbm4b:s5+s11], $0x40, s29, s11, $0xb8;
	[tilespmem:$0x1D000] =	vst v63  }
0x177: {  	_ =	swait.ge [sflag:s25], $0x2000  }
0x178: {  	[sflag:s25] =	ssyncset.done $0x0  }
0x179: {  	s29 =	sadd.s32 $0x15F80, s0;
	[sflag:s25] =	ssyncadd.s32 $0xFFFFE000  }
0x17a: {  	[spmem:s1] =	stream.indirect.scatter.add.f32 [tilespmem:s13], [sflag:$0x4], $0x40, s29, s11, $0xb8;
	[tilespmem:$0x1D000] =	vst v63  }
0x17b: {  	_ =	swait.ge [sflag:s28], $0x2000  }
0x17c: {  	[sflag:s28] =	ssyncset.done $0x0  }
0x17d: {  	s0 =	simm.s32 $0x17F80;
	[sflag:s28] =	ssyncadd.s32 $0xFFFFE000  }
0x17e: {  	[tilespmem:s13], [sflag:$0x2] =	stream.indirect.gather [hbm4b:s5+s11], $0x40, s0, s11, $0xb8;
	[tilespmem:$0x1D000] =	vst v63  }
0x17f: {  	_ =	swait.ge [sflag:s14], $0x2000  }
0x180: {  	[sflag:s14] =	ssyncset.done $0x0  }
0x181: {  	[sflag:s14] =	ssyncadd.s32 $0xFFFFE000  }
0x182: {  	[spmem:s1] =	stream.indirect.scatter.add.f32 [tilespmem:s7], [sflag:$0x3], $0x40, s30, s11, $0xb8;
	[tilespmem:$0x1D000] =	vst v63  }
0x183: {  	_ =	swait.ge [sflag:s25], $0x2000  }
0x184: {  	[sflag:s25] =	ssyncset.done $0x0  }
0x185: {  	[sflag:s25] =	ssyncadd.s32 $0xFFFFE000  }
0x186: {  	[spmem:s1] =	stream.indirect.scatter.add.f32 [tilespmem:s13], [sflag:$0x4], $0x40, s31, s11, $0xb8;
	[tilespmem:$0x1D000] =	vst v63  }
0x187: {  	_ =	swait.ge [sflag:s23], $0x2000  }
0x188: {  	[sflag:s23] =	ssyncset.done $0x0  }
0x189: {  	[sflag:s23] =	ssyncadd.s32 $0xFFFFE000  }
0x18a: {  	_ =	swait.ge [sflag:s28], $0x2000  }
0x18b: {  	[sflag:s28] =	ssyncset.done $0x0  }
0x18c: {  	[sflag:s28] =	ssyncadd.s32 $0xFFFFE000  }
0x18d: {  	[bflag:$0x0] =	sbarrier.arrive $0xFFFF  }
0x18e: {  	s24 =	rddreg [dreg:$0xb]  }
0x18f: {  	[hbm:s24], [sflag:s9] =	dma.local [spmem:s12], $0x2000  }
0x190: {  	_ =	swait.ge [sflag:s3], $0x2000  }
0x191: {  	[sflag:s3] =	ssyncset.done $0x0  }
0x192: {  	s24 =	simm.s32 $0x0;
	[sflag:s3] =	ssyncadd.s32 $0xFFFFE000  }
0x193: {  	v4 =	vld [tilespmem:s24+$0x16000]  }
0x194: {  	v6 =	vld [tilespmem:s24+$0x16010]  }
0x195: {  	v5 =	vld [tilespmem:s24+$0x16020]  }
0x196: {  	v3 =	vld [tilespmem:s24+$0x16030]  }
0x197: {  	v2 =	vld [tilespmem:s24+$0x16040]  }
0x198: {  	v7 =	vadd.s32 $0x1, v4;
	v4 =	vld [tilespmem:s24+$0x16050]  }
0x199: {  	s29 =	simm.s32 $0x200;
	[tilespmem:s24+$0x16000] =	vst v7;
	v7 =	vadd.s32 $0x1, v6;
	v6 =	vld [tilespmem:s24+$0x16060]  }
.LBB2_18:
0x19a: {  	s0 =	sshra.s32 s29, $0x2;
	p0 =	sne.s32 s29, $0x7E00;
	[tilespmem:s24+$0x16010] =	vst v7;
	v5 =	vadd.s32 $0x1, v5;
	v7 =	vld [tilespmem:s24+$0x16070]  }
0x19b: {  	v8 =	vld [tilespmem:s0+$0x16000];
	[tilespmem:s24+$0x16020] =	vst v5;
	v3 =	vadd.s32 $0x1, v3  }
0x19c: {  	v9 =	vld [tilespmem:s0+$0x16010];
	[tilespmem:s24+$0x16030] =	vst v3;
	v2 =	vadd.s32 $0x1, v2  }
.Ltmp8:
0x19d: {  	v5 =	vld [tilespmem:s0+$0x16020];
	[tilespmem:s24+$0x16040] =	vst v2;
	v2 =	vadd.s32 $0x1, v4;
	(pc) =	sbr.rel @p0 .LBB2_18-.Ltmp8, $4  }
0x19e: {  	v3 =	vld [tilespmem:s0+$0x16030];
	[tilespmem:s24+$0x16050] =	vst v2;
	v4 =	vadd.s32 $0x1, v6  }
0x19f: {  	v2 =	vld [tilespmem:s0+$0x16040];
	[tilespmem:s24+$0x16060] =	vst v4;
	v6 =	vadd.s32 $0x1, v7  }
0x1a0: {  	v7 =	vadd.s32 $0x1, v8;
	v4 =	vld [tilespmem:s0+$0x16050];
	[tilespmem:s24+$0x16070] =	vst v6;
	s24 =	smov.u32 s0  }
0x1a1: {  	s29 =	sadd.s32 $0x200, s29;
	[tilespmem:s24+$0x16000] =	vst v7;
	v7 =	vadd.s32 $0x1, v9;
	v6 =	vld [tilespmem:s24+$0x16060]  }
0x1a2: {  	[tilespmem:s24+$0x16010] =	vst v7;
	v5 =	vadd.s32 $0x1, v5;
	v63 =	vld [tilespmem:s24+$0x16070]  }
0x1a3: {  	[tilespmem:s24+$0x16020] =	vst v5;
	v3 =	vadd.s32 $0x1, v3  }
0x1a4: {  	[tilespmem:s24+$0x16030] =	vst v3;
	v2 =	vadd.s32 $0x1, v2  }
0x1a5: {  	[tilespmem:s24+$0x16040] =	vst v2;
	v2 =	vadd.s32 $0x1, v4  }
0x1a6: {  	[tilespmem:s24+$0x16050] =	vst v2;
	v2 =	vadd.s32 $0x1, v6  }
0x1a7: {  	[tilespmem:s24+$0x16060] =	vst v2;
	v2 =	vadd.s32 $0x1, v63  }
0x1a8: {  	s29 =	simm.s32 $0x100;
	[tilespmem:s24+$0x16070] =	vst v2;
	s24 =	simm.s32 $0x0  }
.LBB2_20:
0x1a9: {  	p0 =	sne.s32 s29, $0x7F00;
	[tilespmem:s24+$0x18030] =	vst v1;
	s0 =	smov.u32 s29;
	s29 =	sadd.s32 $0x100, s29  }
.Ltmp9:
0x1aa: {  	[tilespmem:s24+$0x18020] =	vst v1;
	(pc) =	sbr.rel @p0 .LBB2_20-.Ltmp9, $3  }
0x1ab: {  	[tilespmem:s24+$0x18000] =	vst v1  }
0x1ac: {  	[tilespmem:s24+$0x18010] =	vst v1;
	_ =	sdelay $0x1  }
0x1ad: {  	s24 =	sshra.s32 s0, $0x2  }
0x1ae: {  	[tilespmem:s24+$0x18030] =	vst v1  }
0x1af: {  	[tilespmem:s24+$0x18020] =	vst v1  }
0x1b0: {  	[tilespmem:s24+$0x18000] =	vst v1  }
0x1b1: {  	[tilespmem:s24+$0x18010] =	vst v1  }
0x1b2: {  	[spmem:s8] =	stream.linear.scatter [tilespmem:s7], [sflag:$0x5], $0x2000, $0x38;
	[tilespmem:$0x1D000] =	vst v63  }
0x1b3: {  	_ =	swait.ge [sflag:s3], $0x2000  }
0x1b4: {  	[sflag:s3] =	ssyncset.done $0x0  }
0x1b5: {  	[sflag:s3] =	ssyncadd.s32 $0xFFFFE000  }
0x1b6: {  	[spmem:s16] =	stream.linear.scatter [tilespmem:s7], [sflag:$0x5], $0x2000, $0x38;
	[tilespmem:$0x1D000] =	vst v63  }
0x1b7: {  	_ =	swait.ge [sflag:s3], $0x2000  }
0x1b8: {  	[sflag:s3] =	ssyncset.done $0x0  }
0x1b9: {  	[sflag:s3] =	ssyncadd.s32 $0xFFFFE000  }
0x1ba: {  	[spmem:s17] =	stream.linear.scatter [tilespmem:s7], [sflag:$0x5], $0x2000, $0x38;
	[tilespmem:$0x1D000] =	vst v63  }
0x1bb: {  	_ =	swait.ge [sflag:s3], $0x2000  }
0x1bc: {  	[sflag:s3] =	ssyncset.done $0x0  }
0x1bd: {  	[sflag:s3] =	ssyncadd.s32 $0xFFFFE000  }
0x1be: {  	[spmem:s18] =	stream.linear.scatter [tilespmem:s7], [sflag:$0x5], $0x2000, $0x38;
	[tilespmem:$0x1D000] =	vst v63  }
0x1bf: {  	_ =	swait.ge [sflag:s3], $0x2000  }
0x1c0: {  	[sflag:s3] =	ssyncset.done $0x0  }
0x1c1: {  	[sflag:s3] =	ssyncadd.s32 $0xFFFFE000  }
0x1c2: {  	[spmem:s19] =	stream.linear.scatter [tilespmem:s7], [sflag:$0x5], $0x2000, $0x38;
	[tilespmem:$0x1D000] =	vst v63  }
0x1c3: {  	_ =	swait.ge [sflag:s3], $0x2000  }
0x1c4: {  	[sflag:s3] =	ssyncset.done $0x0  }
0x1c5: {  	[sflag:s3] =	ssyncadd.s32 $0xFFFFE000  }
0x1c6: {  	[spmem:s20] =	stream.linear.scatter [tilespmem:s7], [sflag:$0x5], $0x2000, $0x38;
	[tilespmem:$0x1D000] =	vst v63  }
0x1c7: {  	_ =	swait.ge [sflag:s3], $0x2000  }
0x1c8: {  	[sflag:s3] =	ssyncset.done $0x0  }
0x1c9: {  	[sflag:s3] =	ssyncadd.s32 $0xFFFFE000  }
0x1ca: {  	[spmem:s21] =	stream.linear.scatter [tilespmem:s7], [sflag:$0x5], $0x2000, $0x38;
	[tilespmem:$0x1D000] =	vst v63  }
0x1cb: {  	_ =	swait.ge [sflag:s3], $0x2000  }
0x1cc: {  	[sflag:s3] =	ssyncset.done $0x0  }
0x1cd: {  	[sflag:s3] =	ssyncadd.s32 $0xFFFFE000  }
0x1ce: {  	[spmem:s22] =	stream.linear.scatter [tilespmem:s7], [sflag:$0x5], $0x2000, $0x38;
	[tilespmem:$0x1D000] =	vst v63  }
0x1cf: {  	_ =	swait.ge [sflag:s3], $0x2000  }
0x1d0: {  	[sflag:s3] =	ssyncset.done $0x0  }
0x1d1: {  	[sflag:s3] =	ssyncadd.s32 $0xFFFFE000  }
0x1d2: {  	s0 =	simm.s32 $0x16000;
	[bflag:$0x0] =	sbarrier.arrive $0xFFFF  }
0x1d3: {  	[tilespmem:s7], [sflag:$0x1] =	stream.indirect.gather [hbm4b:s5+s11], $0x40, s0, s11, $0xb8;
	[tilespmem:$0x1D000] =	vst v63  }
0x1d4: {  	s24 =	simm.s32 $0x16080  }
0x1d5: {  	[tilespmem:s13], [sflag:$0x2] =	stream.indirect.gather [hbm4b:s5+s11], $0x40, s24, s11, $0xb8;
	[tilespmem:$0x1D000] =	vst v63  }
0x1d6: {  	_ =	swait.ge [sflag:s14], $0x2000  }
0x1d7: {  	[sflag:s14] =	ssyncset.done $0x0  }
0x1d8: {  	[sflag:s14] =	ssyncadd.s32 $0xFFFFE000  }
0x1d9: {  	[spmem:s1] =	stream.indirect.scatter.add.f32 [tilespmem:s7], [sflag:$0x3], $0x40, s6, s11, $0xb8;
	[tilespmem:$0x1D000] =	vst v63  }
0x1da: {  	_ =	swait.ge [sflag:s23], $0x2000  }
0x1db: {  	[sflag:s23] =	ssyncset.done $0x0  }
0x1dc: {  	s24 =	simm.s32 $0x16100;
	[sflag:s23] =	ssyncadd.s32 $0xFFFFE000  }
0x1dd: {  	[tilespmem:s7], [sflag:$0x1] =	stream.indirect.gather [hbm4b:s5+s11], $0x40, s24, s11, $0xb8;
	[tilespmem:$0x1D000] =	vst v63  }
0x1de: {  	_ =	swait.ge [sflag:s25], $0x2000  }
0x1df: {  	[sflag:s25] =	ssyncset.done $0x0  }
0x1e0: {  	[sflag:s25] =	ssyncadd.s32 $0xFFFFE000  }
0x1e1: {  	[spmem:s1] =	stream.indirect.scatter.add.f32 [tilespmem:s13], [sflag:$0x4], $0x40, s26, s11, $0xb8;
	[tilespmem:$0x1D000] =	vst v63  }
0x1e2: {  	_ =	swait.ge [sflag:s28], $0x2000  }
0x1e3: {  	[sflag:s28] =	ssyncset.done $0x0  }
0x1e4: {  	s24 =	simm.s32 $0x16180;
	[sflag:s28] =	ssyncadd.s32 $0xFFFFE000  }
0x1e5: {  	[tilespmem:s13], [sflag:$0x2] =	stream.indirect.gather [hbm4b:s5+s11], $0x40, s24, s11, $0xb8;
	[tilespmem:$0x1D000] =	vst v63  }
0x1e6: {  	_ =	swait.ge [sflag:s14], $0x2000  }
0x1e7: {  	[sflag:s14] =	ssyncset.done $0x0  }
0x1e8: {  	s24 =	simm.s32 $0x14100;
	[sflag:s14] =	ssyncadd.s32 $0xFFFFE000  }
0x1e9: {  	[spmem:s1] =	stream.indirect.scatter.add.f32 [tilespmem:s7], [sflag:$0x3], $0x40, s24, s11, $0xb8;
	[tilespmem:$0x1D000] =	vst v63  }
0x1ea: {  	_ =	swait.ge [sflag:s23], $0x2000  }
0x1eb: {  	[sflag:s23] =	ssyncset.done $0x0  }
0x1ec: {  	s24 =	simm.s32 $0x16200;
	[sflag:s23] =	ssyncadd.s32 $0xFFFFE000  }
0x1ed: {  	[tilespmem:s7], [sflag:$0x1] =	stream.indirect.gather [hbm4b:s5+s11], $0x40, s24, s11, $0xb8;
	[tilespmem:$0x1D000] =	vst v63  }
0x1ee: {  	_ =	swait.ge [sflag:s25], $0x2000  }
0x1ef: {  	[sflag:s25] =	ssyncset.done $0x0  }
0x1f0: {  	s29 =	simm.s32 $0x14180;
	s24 =	simm.s32 $0xFFFF8C00;
	[sflag:s25] =	ssyncadd.s32 $0xFFFFE000  }
.LBB2_22:
0x1f1: {  	[spmem:s1] =	stream.indirect.scatter.add.f32 [tilespmem:s13], [sflag:$0x4], $0x40, s29, s11, $0xb8;
	[tilespmem:$0x1D000] =	vst v63  }
0x1f2: {  	s0 =	smov.u32 s24  }
0x1f3: {  	p0 =	sne.s32 s24, $0xFFFFFC00;
	s24 =	sadd.s32 $0x400, s24;
	_ =	swait.ge [sflag:s28], $0x2000  }
0x1f4: {  	s0 =	sshra.s32 s0, $0x2;
	[sflag:s28] =	ssyncset.done $0x0  }
0x1f5: {  	s29 =	sadd.s32 $0x17F80, s0;
	[sflag:s28] =	ssyncadd.s32 $0xFFFFE000  }
0x1f6: {  	[tilespmem:s13], [sflag:$0x2] =	stream.indirect.gather [hbm4b:s5+s11], $0x40, s29, s11, $0xb8;
	[tilespmem:$0x1D000] =	vst v63  }
0x1f7: {  	_ =	swait.ge [sflag:s14], $0x2000  }
0x1f8: {  	[sflag:s14] =	ssyncset.done $0x0  }
0x1f9: {  	s29 =	sadd.s32 $0x15F00, s0;
	[sflag:s14] =	ssyncadd.s32 $0xFFFFE000  }
0x1fa: {  	[spmem:s1] =	stream.indirect.scatter.add.f32 [tilespmem:s7], [sflag:$0x3], $0x40, s29, s11, $0xb8;
	[tilespmem:$0x1D000] =	vst v63  }
0x1fb: {  	_ =	swait.ge [sflag:s23], $0x2000  }
0x1fc: {  	[sflag:s23] =	ssyncset.done $0x0  }
.Ltmp10:
0x1fd: {  	s29 =	sadd.s32 $0x18000, s0;
	[sflag:s23] =	ssyncadd.s32 $0xFFFFE000;
	(pc) =	sbr.rel @p0 .LBB2_22-.Ltmp10, $4  }
0x1fe: {  	[tilespmem:s7], [sflag:$0x1] =	stream.indirect.gather [hbm4b:s5+s11], $0x40, s29, s11, $0xb8;
	[tilespmem:$0x1D000] =	vst v63  }
0x1ff: {  	_ =	swait.ge [sflag:s25], $0x2000  }
0x200: {  	[sflag:s25] =	ssyncset.done $0x0  }
0x201: {  	s29 =	sadd.s32 $0x15F80, s0;
	[sflag:s25] =	ssyncadd.s32 $0xFFFFE000  }
0x202: {  	[spmem:s1] =	stream.indirect.scatter.add.f32 [tilespmem:s13], [sflag:$0x4], $0x40, s29, s11, $0xb8;
	[tilespmem:$0x1D000] =	vst v63  }
0x203: {  	_ =	swait.ge [sflag:s28], $0x2000  }
0x204: {  	[sflag:s28] =	ssyncset.done $0x0  }
0x205: {  	s0 =	simm.s32 $0x17F80;
	[sflag:s28] =	ssyncadd.s32 $0xFFFFE000  }
0x206: {  	[tilespmem:s13], [sflag:$0x2] =	stream.indirect.gather [hbm4b:s5+s11], $0x40, s0, s11, $0xb8;
	[tilespmem:$0x1D000] =	vst v63  }
0x207: {  	_ =	swait.ge [sflag:s14], $0x2000  }
0x208: {  	[sflag:s14] =	ssyncset.done $0x0  }
0x209: {  	[sflag:s14] =	ssyncadd.s32 $0xFFFFE000  }
0x20a: {  	[spmem:s1] =	stream.indirect.scatter.add.f32 [tilespmem:s7], [sflag:$0x3], $0x40, s30, s11, $0xb8;
	[tilespmem:$0x1D000] =	vst v63  }
0x20b: {  	_ =	swait.ge [sflag:s25], $0x2000  }
0x20c: {  	[sflag:s25] =	ssyncset.done $0x0  }
0x20d: {  	[sflag:s25] =	ssyncadd.s32 $0xFFFFE000  }
0x20e: {  	[spmem:s1] =	stream.indirect.scatter.add.f32 [tilespmem:s13], [sflag:$0x4], $0x40, s31, s11, $0xb8;
	[tilespmem:$0x1D000] =	vst v63  }
0x20f: {  	_ =	swait.ge [sflag:s23], $0x2000  }
0x210: {  	[sflag:s23] =	ssyncset.done $0x0  }
0x211: {  	[sflag:s23] =	ssyncadd.s32 $0xFFFFE000  }
0x212: {  	_ =	swait.ge [sflag:s28], $0x2000  }
0x213: {  	[sflag:s28] =	ssyncset.done $0x0  }
0x214: {  	[sflag:s28] =	ssyncadd.s32 $0xFFFFE000  }
0x215: {  	[bflag:$0x0] =	sbarrier.arrive $0xFFFF  }
0x216: {  	s24 =	rddreg [dreg:$0xc]  }
0x217: {  	[hbm:s24], [sflag:s9] =	dma.local [spmem:s12], $0x2000  }
0x218: {  	_ =	swait.ge [sflag:s3], $0x2000  }
0x219: {  	[sflag:s3] =	ssyncset.done $0x0  }
0x21a: {  	s24 =	simm.s32 $0x0;
	[sflag:s3] =	ssyncadd.s32 $0xFFFFE000  }
0x21b: {  	v4 =	vld [tilespmem:s24+$0x16000]  }
0x21c: {  	v6 =	vld [tilespmem:s24+$0x16010]  }
0x21d: {  	v5 =	vld [tilespmem:s24+$0x16020]  }
0x21e: {  	v3 =	vld [tilespmem:s24+$0x16030]  }
0x21f: {  	v2 =	vld [tilespmem:s24+$0x16040]  }
0x220: {  	v7 =	vadd.s32 $0x1, v4;
	v4 =	vld [tilespmem:s24+$0x16050]  }
0x221: {  	s29 =	simm.s32 $0x200;
	[tilespmem:s24+$0x16000] =	vst v7;
	v7 =	vadd.s32 $0x1, v6;
	v6 =	vld [tilespmem:s24+$0x16060]  }
.LBB2_24:
0x222: {  	s0 =	sshra.s32 s29, $0x2;
	p0 =	sne.s32 s29, $0x7E00;
	[tilespmem:s24+$0x16010] =	vst v7;
	v5 =	vadd.s32 $0x1, v5;
	v7 =	vld [tilespmem:s24+$0x16070]  }
0x223: {  	v8 =	vld [tilespmem:s0+$0x16000];
	[tilespmem:s24+$0x16020] =	vst v5;
	v3 =	vadd.s32 $0x1, v3  }
0x224: {  	v9 =	vld [tilespmem:s0+$0x16010];
	[tilespmem:s24+$0x16030] =	vst v3;
	v2 =	vadd.s32 $0x1, v2  }
.Ltmp11:
0x225: {  	v5 =	vld [tilespmem:s0+$0x16020];
	[tilespmem:s24+$0x16040] =	vst v2;
	v2 =	vadd.s32 $0x1, v4;
	(pc) =	sbr.rel @p0 .LBB2_24-.Ltmp11, $4  }
0x226: {  	v3 =	vld [tilespmem:s0+$0x16030];
	[tilespmem:s24+$0x16050] =	vst v2;
	v4 =	vadd.s32 $0x1, v6  }
0x227: {  	v2 =	vld [tilespmem:s0+$0x16040];
	[tilespmem:s24+$0x16060] =	vst v4;
	v6 =	vadd.s32 $0x1, v7  }
0x228: {  	v7 =	vadd.s32 $0x1, v8;
	v4 =	vld [tilespmem:s0+$0x16050];
	[tilespmem:s24+$0x16070] =	vst v6;
	s24 =	smov.u32 s0  }
0x229: {  	s29 =	sadd.s32 $0x200, s29;
	[tilespmem:s24+$0x16000] =	vst v7;
	v7 =	vadd.s32 $0x1, v9;
	v6 =	vld [tilespmem:s24+$0x16060]  }
0x22a: {  	[tilespmem:s24+$0x16010] =	vst v7;
	v5 =	vadd.s32 $0x1, v5;
	v63 =	vld [tilespmem:s24+$0x16070]  }
0x22b: {  	[tilespmem:s24+$0x16020] =	vst v5;
	v3 =	vadd.s32 $0x1, v3  }
0x22c: {  	[tilespmem:s24+$0x16030] =	vst v3;
	v2 =	vadd.s32 $0x1, v2  }
0x22d: {  	[tilespmem:s24+$0x16040] =	vst v2;
	v2 =	vadd.s32 $0x1, v4  }
0x22e: {  	[tilespmem:s24+$0x16050] =	vst v2;
	v2 =	vadd.s32 $0x1, v6  }
0x22f: {  	[tilespmem:s24+$0x16060] =	vst v2;
	v2 =	vadd.s32 $0x1, v63  }
0x230: {  	s29 =	simm.s32 $0x100;
	[tilespmem:s24+$0x16070] =	vst v2;
	s24 =	simm.s32 $0x0  }
.LBB2_26:
0x231: {  	p0 =	sne.s32 s29, $0x7F00;
	[tilespmem:s24+$0x18030] =	vst v1;
	s0 =	smov.u32 s29;
	s29 =	sadd.s32 $0x100, s29  }
.Ltmp12:
0x232: {  	[tilespmem:s24+$0x18020] =	vst v1;
	(pc) =	sbr.rel @p0 .LBB2_26-.Ltmp12, $3  }
0x233: {  	[tilespmem:s24+$0x18000] =	vst v1  }
0x234: {  	[tilespmem:s24+$0x18010] =	vst v1;
	_ =	sdelay $0x1  }
0x235: {  	s24 =	sshra.s32 s0, $0x2  }
0x236: {  	[tilespmem:s24+$0x18030] =	vst v1  }
0x237: {  	[tilespmem:s24+$0x18020] =	vst v1  }
0x238: {  	[tilespmem:s24+$0x18000] =	vst v1  }
0x239: {  	[tilespmem:s24+$0x18010] =	vst v1  }
0x23a: {  	[spmem:s8] =	stream.linear.scatter [tilespmem:s7], [sflag:$0x5], $0x2000, $0x38;
	[tilespmem:$0x1D000] =	vst v63  }
0x23b: {  	_ =	swait.ge [sflag:s3], $0x2000  }
0x23c: {  	[sflag:s3] =	ssyncset.done $0x0  }
0x23d: {  	[sflag:s3] =	ssyncadd.s32 $0xFFFFE000  }
0x23e: {  	[spmem:s16] =	stream.linear.scatter [tilespmem:s7], [sflag:$0x5], $0x2000, $0x38;
	[tilespmem:$0x1D000] =	vst v63  }
0x23f: {  	_ =	swait.ge [sflag:s3], $0x2000  }
0x240: {  	[sflag:s3] =	ssyncset.done $0x0  }
0x241: {  	[sflag:s3] =	ssyncadd.s32 $0xFFFFE000  }
0x242: {  	[spmem:s17] =	stream.linear.scatter [tilespmem:s7], [sflag:$0x5], $0x2000, $0x38;
	[tilespmem:$0x1D000] =	vst v63  }
0x243: {  	_ =	swait.ge [sflag:s3], $0x2000  }
0x244: {  	[sflag:s3] =	ssyncset.done $0x0  }
0x245: {  	[sflag:s3] =	ssyncadd.s32 $0xFFFFE000  }
0x246: {  	[spmem:s18] =	stream.linear.scatter [tilespmem:s7], [sflag:$0x5], $0x2000, $0x38;
	[tilespmem:$0x1D000] =	vst v63  }
0x247: {  	_ =	swait.ge [sflag:s3], $0x2000  }
0x248: {  	[sflag:s3] =	ssyncset.done $0x0  }
0x249: {  	[sflag:s3] =	ssyncadd.s32 $0xFFFFE000  }
0x24a: {  	[spmem:s19] =	stream.linear.scatter [tilespmem:s7], [sflag:$0x5], $0x2000, $0x38;
	[tilespmem:$0x1D000] =	vst v63  }
0x24b: {  	_ =	swait.ge [sflag:s3], $0x2000  }
0x24c: {  	[sflag:s3] =	ssyncset.done $0x0  }
0x24d: {  	[sflag:s3] =	ssyncadd.s32 $0xFFFFE000  }
0x24e: {  	[spmem:s20] =	stream.linear.scatter [tilespmem:s7], [sflag:$0x5], $0x2000, $0x38;
	[tilespmem:$0x1D000] =	vst v63  }
0x24f: {  	_ =	swait.ge [sflag:s3], $0x2000  }
0x250: {  	[sflag:s3] =	ssyncset.done $0x0  }
0x251: {  	[sflag:s3] =	ssyncadd.s32 $0xFFFFE000  }
0x252: {  	[spmem:s21] =	stream.linear.scatter [tilespmem:s7], [sflag:$0x5], $0x2000, $0x38;
	[tilespmem:$0x1D000] =	vst v63  }
0x253: {  	_ =	swait.ge [sflag:s3], $0x2000  }
0x254: {  	[sflag:s3] =	ssyncset.done $0x0  }
0x255: {  	[sflag:s3] =	ssyncadd.s32 $0xFFFFE000  }
0x256: {  	[spmem:s22] =	stream.linear.scatter [tilespmem:s7], [sflag:$0x5], $0x2000, $0x38;
	[tilespmem:$0x1D000] =	vst v63  }
0x257: {  	_ =	swait.ge [sflag:s3], $0x2000  }
0x258: {  	[sflag:s3] =	ssyncset.done $0x0  }
0x259: {  	[sflag:s3] =	ssyncadd.s32 $0xFFFFE000  }
0x25a: {  	s0 =	simm.s32 $0x16000;
	[bflag:$0x0] =	sbarrier.arrive $0xFFFF  }
0x25b: {  	[tilespmem:s7], [sflag:$0x1] =	stream.indirect.gather [hbm4b:s5+s11], $0x40, s0, s11, $0xb8;
	[tilespmem:$0x1D000] =	vst v63  }
0x25c: {  	s24 =	simm.s32 $0x16080  }
0x25d: {  	[tilespmem:s13], [sflag:$0x2] =	stream.indirect.gather [hbm4b:s5+s11], $0x40, s24, s11, $0xb8;
	[tilespmem:$0x1D000] =	vst v63  }
0x25e: {  	_ =	swait.ge [sflag:s14], $0x2000  }
0x25f: {  	[sflag:s14] =	ssyncset.done $0x0  }
0x260: {  	[sflag:s14] =	ssyncadd.s32 $0xFFFFE000  }
0x261: {  	[spmem:s1] =	stream.indirect.scatter.add.f32 [tilespmem:s7], [sflag:$0x3], $0x40, s6, s11, $0xb8;
	[tilespmem:$0x1D000] =	vst v63  }
0x262: {  	_ =	swait.ge [sflag:s23], $0x2000  }
0x263: {  	[sflag:s23] =	ssyncset.done $0x0  }
0x264: {  	s24 =	simm.s32 $0x16100;
	[sflag:s23] =	ssyncadd.s32 $0xFFFFE000  }
0x265: {  	[tilespmem:s7], [sflag:$0x1] =	stream.indirect.gather [hbm4b:s5+s11], $0x40, s24, s11, $0xb8;
	[tilespmem:$0x1D000] =	vst v63  }
0x266: {  	_ =	swait.ge [sflag:s25], $0x2000  }
0x267: {  	[sflag:s25] =	ssyncset.done $0x0  }
0x268: {  	[sflag:s25] =	ssyncadd.s32 $0xFFFFE000  }
0x269: {  	[spmem:s1] =	stream.indirect.scatter.add.f32 [tilespmem:s13], [sflag:$0x4], $0x40, s26, s11, $0xb8;
	[tilespmem:$0x1D000] =	vst v63  }
0x26a: {  	_ =	swait.ge [sflag:s28], $0x2000  }
0x26b: {  	[sflag:s28] =	ssyncset.done $0x0  }
0x26c: {  	s24 =	simm.s32 $0x16180;
	[sflag:s28] =	ssyncadd.s32 $0xFFFFE000  }
0x26d: {  	[tilespmem:s13], [sflag:$0x2] =	stream.indirect.gather [hbm4b:s5+s11], $0x40, s24, s11, $0xb8;
	[tilespmem:$0x1D000] =	vst v63  }
0x26e: {  	_ =	swait.ge [sflag:s14], $0x2000  }
0x26f: {  	[sflag:s14] =	ssyncset.done $0x0  }
0x270: {  	s24 =	simm.s32 $0x14100;
	[sflag:s14] =	ssyncadd.s32 $0xFFFFE000  }
0x271: {  	[spmem:s1] =	stream.indirect.scatter.add.f32 [tilespmem:s7], [sflag:$0x3], $0x40, s24, s11, $0xb8;
	[tilespmem:$0x1D000] =	vst v63  }
0x272: {  	_ =	swait.ge [sflag:s23], $0x2000  }
0x273: {  	[sflag:s23] =	ssyncset.done $0x0  }
0x274: {  	s24 =	simm.s32 $0x16200;
	[sflag:s23] =	ssyncadd.s32 $0xFFFFE000  }
0x275: {  	[tilespmem:s7], [sflag:$0x1] =	stream.indirect.gather [hbm4b:s5+s11], $0x40, s24, s11, $0xb8;
	[tilespmem:$0x1D000] =	vst v63  }
0x276: {  	_ =	swait.ge [sflag:s25], $0x2000  }
0x277: {  	[sflag:s25] =	ssyncset.done $0x0  }
0x278: {  	s29 =	simm.s32 $0x14180;
	s24 =	simm.s32 $0xFFFF8C00;
	[sflag:s25] =	ssyncadd.s32 $0xFFFFE000  }
.LBB2_28:
0x279: {  	[spmem:s1] =	stream.indirect.scatter.add.f32 [tilespmem:s13], [sflag:$0x4], $0x40, s29, s11, $0xb8;
	[tilespmem:$0x1D000] =	vst v63  }
0x27a: {  	s0 =	smov.u32 s24  }
0x27b: {  	p0 =	sne.s32 s24, $0xFFFFFC00;
	s24 =	sadd.s32 $0x400, s24;
	_ =	swait.ge [sflag:s28], $0x2000  }
0x27c: {  	s0 =	sshra.s32 s0, $0x2;
	[sflag:s28] =	ssyncset.done $0x0  }
0x27d: {  	s29 =	sadd.s32 $0x17F80, s0;
	[sflag:s28] =	ssyncadd.s32 $0xFFFFE000  }
0x27e: {  	[tilespmem:s13], [sflag:$0x2] =	stream.indirect.gather [hbm4b:s5+s11], $0x40, s29, s11, $0xb8;
	[tilespmem:$0x1D000] =	vst v63  }
0x27f: {  	_ =	swait.ge [sflag:s14], $0x2000  }
0x280: {  	[sflag:s14] =	ssyncset.done $0x0  }
0x281: {  	s29 =	sadd.s32 $0x15F00, s0;
	[sflag:s14] =	ssyncadd.s32 $0xFFFFE000  }
0x282: {  	[spmem:s1] =	stream.indirect.scatter.add.f32 [tilespmem:s7], [sflag:$0x3], $0x40, s29, s11, $0xb8;
	[tilespmem:$0x1D000] =	vst v63  }
0x283: {  	_ =	swait.ge [sflag:s23], $0x2000  }
0x284: {  	[sflag:s23] =	ssyncset.done $0x0  }
.Ltmp13:
0x285: {  	s29 =	sadd.s32 $0x18000, s0;
	[sflag:s23] =	ssyncadd.s32 $0xFFFFE000;
	(pc) =	sbr.rel @p0 .LBB2_28-.Ltmp13, $4  }
0x286: {  	[tilespmem:s7], [sflag:$0x1] =	stream.indirect.gather [hbm4b:s5+s11], $0x40, s29, s11, $0xb8;
	[tilespmem:$0x1D000] =	vst v63  }
0x287: {  	_ =	swait.ge [sflag:s25], $0x2000  }
0x288: {  	[sflag:s25] =	ssyncset.done $0x0  }
0x289: {  	s29 =	sadd.s32 $0x15F80, s0;
	[sflag:s25] =	ssyncadd.s32 $0xFFFFE000  }
0x28a: {  	[spmem:s1] =	stream.indirect.scatter.add.f32 [tilespmem:s13], [sflag:$0x4], $0x40, s29, s11, $0xb8;
	[tilespmem:$0x1D000] =	vst v63  }
0x28b: {  	_ =	swait.ge [sflag:s28], $0x2000  }
0x28c: {  	[sflag:s28] =	ssyncset.done $0x0  }
0x28d: {  	s0 =	simm.s32 $0x17F80;
	[sflag:s28] =	ssyncadd.s32 $0xFFFFE000  }
0x28e: {  	[tilespmem:s13], [sflag:$0x2] =	stream.indirect.gather [hbm4b:s5+s11], $0x40, s0, s11, $0xb8;
	[tilespmem:$0x1D000] =	vst v63  }
0x28f: {  	_ =	swait.ge [sflag:s14], $0x2000  }
0x290: {  	[sflag:s14] =	ssyncset.done $0x0  }
0x291: {  	[sflag:s14] =	ssyncadd.s32 $0xFFFFE000  }
0x292: {  	[spmem:s1] =	stream.indirect.scatter.add.f32 [tilespmem:s7], [sflag:$0x3], $0x40, s30, s11, $0xb8;
	[tilespmem:$0x1D000] =	vst v63  }
0x293: {  	_ =	swait.ge [sflag:s25], $0x2000  }
0x294: {  	[sflag:s25] =	ssyncset.done $0x0  }
0x295: {  	[sflag:s25] =	ssyncadd.s32 $0xFFFFE000  }
0x296: {  	[spmem:s1] =	stream.indirect.scatter.add.f32 [tilespmem:s13], [sflag:$0x4], $0x40, s31, s11, $0xb8;
	[tilespmem:$0x1D000] =	vst v63  }
0x297: {  	_ =	swait.ge [sflag:s23], $0x2000  }
0x298: {  	[sflag:s23] =	ssyncset.done $0x0  }
0x299: {  	[sflag:s23] =	ssyncadd.s32 $0xFFFFE000  }
0x29a: {  	_ =	swait.ge [sflag:s28], $0x2000  }
0x29b: {  	[sflag:s28] =	ssyncset.done $0x0  }
0x29c: {  	[sflag:s28] =	ssyncadd.s32 $0xFFFFE000  }
0x29d: {  	[bflag:$0x0] =	sbarrier.arrive $0xFFFF  }
0x29e: {  	s24 =	rddreg [dreg:$0xd]  }
0x29f: {  	[hbm:s24], [sflag:s9] =	dma.local [spmem:s12], $0x2000  }
0x2a0: {  	_ =	swait.ge [sflag:s3], $0x2000  }
0x2a1: {  	s4 =	sadd.s32 $0x1, s4;
	s29 =	rddreg [dreg:$0xe]  }
0x2a2: {  	p0 =	sne.s32 s4, s29  }
.Ltmp14:
0x2a3: {  	_ = 	snop;
	(pc) =	sbr.rel @p0 .LBB2_1-.Ltmp14, $3  }
0x2a4: {  	_ =	sdelay $0x1  }
0x2a5: {  	[sflag:s3] =	ssyncset.done $0x0  }
0x2a6: {  	[sflag:s3] =	ssyncadd.s32 $0xFFFFE000  }
0x2a7: {  	_ =	sfence.sel $0x180000  }
0x2a8: {  	[bflag:$0x0] =	sbarrier.arrive $0xFFFF  }
0x2a9: {  	_ =	strace $0x9000004A  }
0x2aa: {  	s0 =	stileid.u32;
	[bflag:$0x2] =	sbarrier.arrive $0xFFFF  }
0x2ab: {  	p0 =	sne.s32 s0, $0x0;
	s0 =	rddreg [dreg:$0x5]  }
0x2ac: {  	s0 =	sadd.s32 @!p0 $0x100000, s0  }
0x2ad: {  	[sflag:s0] =	ssyncadd.tile.s32 @!p0 $0x1;
	_ =	shalt  }
.Lfunc_end2:
_tile_overlayer_lowered:
.L_overlay_start_2:
0x2ae: {  	(tag) =	ssettag $0x2  }
0x2af: {  	s0 =	rddreg [dreg:$0x0];
	s2 =	stileid.u32  }
0x2b0: {  	s1 =	rddreg [dreg:$0x1];
	p0 =	sne.s32 s2, $0x0  }
0x2b1: {  	s3 =	rddreg [dreg:$0x2];
	[bflag:$0x3] =	sbarrier.arrive $0xFFFF;
	s2 =	simm.s32 @!p0 $0x1C05  }
0x2b2: {  	[timem:s3], [sflag:s2] =	dma.local @!p0 [hbm:s0], s1  }
0x2b3: {  	s0 =	simm.s32 @!p0 $0x5  }
0x2b4: {  	_ =	swait.ge @!p0 [sflag:s0], s1  }
0x2b5: {  	s1 =	ssub.s32 @!p0 $0x0, s1;
	[sflag:s0] =	ssyncset.done @!p0 $0x0  }
0x2b6: {  	[sflag:s0] =	ssyncadd.s32 @!p0 s1  }
0x2b7: {  	[bflag:$0x3] =	sbarrier.arrive $0xFFFF  }
0x2b8: {  	_ =	shalt  }

// kernel: kernel.9.cloned.1.call-start
scs
__scs_entry_jumppad:
0x0: {  	(pc) =	sbr.rel $0x88, $3  }
0x1: {  	(tag) =	ssettag $0x0;
	lr =	simm.s32 $0x1  }
0x2: {  	[smem:$0x3F94] =	sst lr;
	_ =	strace $0xD0000000  }
0x3: {  	_ = 	snop  }
0x4: {  	_ = 	snop  }
0x5: {  	_ = 	snop  }
0x6: {  	_ = 	snop  }
0x7: {  	_ = 	snop  }
__scs_overlays_trampoline_lowered:
0x8: {  	[smem:$0x3FA3] =	sst s0  }
0x9: {  	[smem:$0x3FA4] =	sst s1  }
0xa: {  	[smem:$0x3FA5] =	sst s2  }
0xb: {  	[smem:$0x3FA6] =	sst s3  }
0xc: {  	[smem:$0x3FA7] =	sst s4  }
0xd: {  	[smem:$0x3FA8] =	sst s5  }
0xe: {  	[smem:$0x3FA9] =	sst s6  }
0xf: {  	[smem:$0x3FAA] =	sst s7  }
0x10: {  	[smem:$0x3FAB] =	sst s8  }
0x11: {  	[smem:$0x3FAC] =	sst s9;
	s0 =	simm.s32 @!p0 $0x0  }
0x12: {  	s1 =	sld [smem:$0x3F92];
	s0 =	simm.s32 @p0 $0x1  }
0x13: {  	[smem:$0x3FAD] =	sst s0;
	s0 =	simm.s32 @!p1 $0x0  }
0x14: {  	s2 =	sld [smem:$0x3F91];
	s0 =	simm.s32 @p1 $0x1  }
0x15: {  	[smem:$0x3FAE] =	sst s0;
	s0 =	simm.s32 @!p2 $0x0  }
0x16: {  	s3 =	sld [smem:$0x3FDB];
	s0 =	simm.s32 @p2 $0x1  }
0x17: {  	s4 =	simm.s32 $0x1BF5;
	[smem:$0x3FB0] =	sst s0  }
0x18: {  	s0 =	sld [smem:$0x3F93];
	_ =	swait.ge [sflag:s4], $0x0  }
0x19: {  	s7 =	sld [smem:$0x3F94]  }
0x1a: {  	s8 =	sadd.s32 $0xFFFFE003, lr  }
0x1b: {  	s9 =	sadd.s32 $0xFFFFFEF7, lr;
	s5 =	simm.s32 $0xFFFFFFFF;
	p2 =	slt.u32 s8, $0xFFFFF086  }
0x1c: {  	p1 =	slt.u32 s9, $0xF7A;
	s5 =	simm.s32 @!p2 $0x0  }
0x1d: {  	s5 =	simm.s32 @p1 $0x1;
	p0 =	seq.s32 s7, s2  }
0x1e: {  	s7 =	smul.u32 @!p0 $0xF7A, s2;
	p2 =	seq.s32 @!p0 s5, $0x0  }
0x1f: {  	s9 =	smul.u32 $0xF7A, s1;
	s8 =	simm.s32 @!p0 $0x1BF5;
	p2 =	por !p2, p0  }
0x20: {  	[sflag:s8] =	ssyncset.s32 @!p0 $0xFFFFF086;
	s6 =	sadd.s32 @!p0 s3, s7;
	s7 =	simm.s32 @!p0 $0x108  }
0x21: {  	s3 =	sadd.s32 s3, s9;
	s6 =	sadd.s32 @!p0 $0x88, s6;
	s7 =	simm.s32 @p2 $0x1082  }
0x22: {  	[simem:s7], [sflag:s8] =	dma.local @!p0 [hbm:s6], $0xF7A  }
0x23: {  	s9 =	sor.u32 $0xD0000000, s2;
	s6 =	simm.s32 $0x108;
	_ =	swait.ge @!p0 [sflag:s8], $0x0  }
0x24: {  	s3 =	sadd.s32 $0x88, s3;
	s6 =	simm.s32 @!p1 $0x1082;
	[sflag:s4] =	ssyncset.s32 $0xFFFFF086  }
0x25: {  	[simem:s6], [sflag:s4] =	dma.local [hbm:s3], $0xF7A  }
0x26: {  	[smem:$0x3F94] =	sst s1;
	(tag) =	ssettag s2;
	_ =	strace s9  }
0x27: {  	s1 =	sld [smem:$0x3FA4]  }
0x28: {  	s2 =	sld [smem:$0x3FA5]  }
0x29: {  	s4 =	sld [smem:$0x3FA7]  }
0x2a: {  	p0 =	seq.s32 s5, $0x0;
	s5 =	sld [smem:$0x3FA8]  }
0x2b: {  	s6 =	sld [smem:$0x3FA9]  }
0x2c: {  	s7 =	sld [smem:$0x3FAA]  }
0x2d: {  	s3 =	simm.s32 $0x108;
	s8 =	sld [smem:$0x3FAB]  }
0x2e: {  	s3 =	simm.s32 @!p0 $0x1082;
	s9 =	sld [smem:$0x3FAC]  }
0x2f: {  	lr =	sadd.s32 s0, s3;
	s0 =	sld [smem:$0x3FA3]  }
0x30: {  	s3 =	sld [smem:$0x3FA6]  }
0x31: {  	[smem:$0x3FAF] =	sst s10  }
0x32: {  	s10 =	sld [smem:$0x3FAD];
	_ =	sdelay $0x3  }
0x33: {  	p0 =	seq.s32 s10, $0x1;
	s10 =	sld [smem:$0x3FAF];
	_ =	sdelay $0x3  }
0x34: {  	[smem:$0x3FAF] =	sst s10  }
0x35: {  	s10 =	sld [smem:$0x3FAE];
	_ =	sdelay $0x3  }
0x36: {  	p1 =	seq.s32 s10, $0x1;
	s10 =	sld [smem:$0x3FAF];
	_ =	sdelay $0x3  }
0x37: {  	[smem:$0x3FAF] =	sst s10  }
0x38: {  	s10 =	sld [smem:$0x3FB0]  }
0x39: {  	_ = 	snop;
	(pc) =	sbr.ind lr, $3  }
0x3a: {  	_ = 	snop  }
0x3b: {  	_ = 	snop  }
0x3c: {  	p2 =	seq.s32 s10, $0x1;
	s10 =	sld [smem:$0x3FAF]  }
0x3d: {  	_ =	shalt  }
0x3e: {  	_ =	shalt  }
0x3f: {  	_ =	shalt  }
0x40: {  	_ =	shalt  }
0x41: {  	_ =	shalt  }
0x42: {  	_ =	shalt  }
0x43: {  	_ =	shalt  }
0x44: {  	_ =	shalt  }
0x45: {  	_ =	shalt  }
0x46: {  	_ =	shalt  }
0x47: {  	_ =	shalt  }
0x48: {  	_ =	shalt  }
0x49: {  	_ =	shalt  }
0x4a: {  	_ =	shalt  }
0x4b: {  	_ =	shalt  }
0x4c: {  	_ =	shalt  }
0x4d: {  	_ =	shalt  }
0x4e: {  	_ =	shalt  }
0x4f: {  	_ =	shalt  }
0x50: {  	_ =	shalt  }
0x51: {  	_ =	shalt  }
0x52: {  	_ =	shalt  }
0x53: {  	_ =	shalt  }
0x54: {  	_ =	shalt  }
0x55: {  	_ =	shalt  }
0x56: {  	_ =	shalt  }
0x57: {  	_ =	shalt  }
0x58: {  	_ =	shalt  }
0x59: {  	_ =	shalt  }
0x5a: {  	_ =	shalt  }
0x5b: {  	_ =	shalt  }
0x5c: {  	_ =	shalt  }
0x5d: {  	_ =	shalt  }
0x5e: {  	_ =	shalt  }
0x5f: {  	_ =	shalt  }
0x60: {  	_ =	shalt  }
0x61: {  	_ =	shalt  }
0x62: {  	_ =	shalt  }
0x63: {  	_ =	shalt  }
0x64: {  	_ =	shalt  }
0x65: {  	_ =	shalt  }
0x66: {  	_ =	shalt  }
0x67: {  	_ =	shalt  }
0x68: {  	_ =	shalt  }
0x69: {  	_ =	shalt  }
0x6a: {  	_ =	shalt  }
0x6b: {  	_ =	shalt  }
0x6c: {  	_ =	shalt  }
0x6d: {  	_ =	shalt  }
0x6e: {  	_ =	shalt  }
0x6f: {  	_ =	shalt  }
0x70: {  	_ =	shalt  }
0x71: {  	_ =	shalt  }
0x72: {  	_ =	shalt  }
0x73: {  	_ =	shalt  }
0x74: {  	_ =	shalt  }
0x75: {  	_ =	shalt  }
0x76: {  	_ =	shalt  }
0x77: {  	_ =	shalt  }
0x78: {  	_ =	shalt  }
0x79: {  	_ =	shalt  }
0x7a: {  	_ =	shalt  }
0x7b: {  	_ =	shalt  }
0x7c: {  	_ =	shalt  }
0x7d: {  	_ =	shalt  }
0x7e: {  	_ =	shalt  }
0x7f: {  	_ =	shalt  }
0x80: {  	_ =	shalt  }
0x81: {  	_ =	shalt  }
0x82: {  	_ =	shalt  }
0x83: {  	_ =	shalt  }
0x84: {  	_ =	shalt  }
0x85: {  	_ =	shalt  }
0x86: {  	_ =	shalt  }
0x87: {  	_ =	shalt  }
.Lfunc_end0:
.L_simem_size_0:
called_computation.2_lowered:
.L_overlay_start_0:
0x88: {  	s2 =	sld [smem:$0x3FD9]  }
0x89: {  	s3 =	sld [smem:$0x3FFE];
	_ =	sdelay $0x1  }
0x8a: {  	s1 =	srdreg.scid  }
0x8b: {  	s0 =	sand.u32 $0x1, s1  }
0x8c: {  	s17 =	sshll.u32 s0, $0xA;
	s2 =	sadd.s32 s3, s2  }
0x8d: {  	s2 =	sadd.s32 s2, s17  }
0x8e: {  	[smem:$0x3FBB] =	sst s2  }
0x8f: {  	_ = 	snop  }
0x90: {  	s2 =	sld [smem:$0x3FC6]  }
0x91: {  	s18 =	sld [smem:$0x3FC5];
	(tm) =	ssettm $0x1  }
0x92: {  	s4 =	sld [smem:$0x3FFB];
	_ =	sdelay $0x3  }
0x93: {  	_ =	strace s4  }
0x94: {  	s4 =	sld [smem:$0x3FFC];
	_ =	sdelay $0x3  }
0x95: {  	_ =	strace s4  }
0x96: {  	s4 =	sld [smem:$0x3FFD];
	_ =	sdelay $0x3  }
0x97: {  	_ =	strace s4  }
0x98: {  	_ =	strace $0x8FFFFFFF  }
0x99: {  	s19 =	sld [smem:$0x3FDB];
	_ =	sdelay $0x1  }
0x9a: {  	s5 =	simm.s32 $_scs_section_size  }
0x9b: {  	s6 =	simm.s32 $_size__tile_overlayer_lowered;
	s7 =	simm.s32 $_tile_overlayer_lowered  }
0x9c: {  	s22 =	simm.s32 $0x1BFF;
	s21 =	sshll.u32 s7, $0x1;
	s4 =	sadd.s32 s5, s19  }
0x9d: {  	s8 =	simm.s32 $0x0;
	s20 =	sshll.u32 s6, $0x1;
	s6 =	sadd.s32 s21, s4  }
0x9e: {  	[timem:s8], [sflag:s22] =	dma.local [hbm:s6], s20  }
0x9f: {  	_ =	swait.ge [sflag:s22], s20  }
0xa0: {  	s5 =	ssub.s32 $0x0, s20;
	[sflag:s22] =	ssyncset.done $0x0  }
0xa1: {  	[sflag:s22] =	ssyncadd.s32 s5;
	_ =	sdelay $0x1  }
0xa2: {  	s23 =	simm.s32 $0x1B8B  }
0xa3: {  	_ =	swait.ge [sflag:s23], $0x1  }
0xa4: {  	[sflag:s23] =	ssyncset.done $0x0  }
0xa5: {  	s25 =	simm.s32 $0x1B8E;
	s24 =	sld [smem:$0x3FFE];
	[sflag:s23] =	ssyncadd.s32 $0xFFFFFFFF  }
0xa6: {  	s26 =	simm.s32 $execute0_lowered;
	[smem:$0x3FD2] =	sst s25  }
0xa7: {  	s6 =	sshll.u32 s26, $0x1;
	_ =	strace $0x8000004C;
	[dreg:$0x1] =	wrdreg $0xFFFFFFFF  }
0xa8: {  	s28 =	simm.s32 $_size_execute0_lowered;
	s4 =	sadd.s32 s4, s6;
	[dreg:$0x0] =	wrdreg $0x0  }
0xa9: {  	s6 =	sshll.u32 s28, $0x1;
	[dreg:$0x2] =	wrdreg s4  }
0xaa: {  	[dreg:$0x3] =	wrdreg s6  }
0xab: {  	[dreg:$0x4] =	wrdreg $0xC0  }
0xac: {  	_ =	task [dreg:s8], $0x5FFFF  }
0xad: {  	[dreg:$0x1] =	wrdreg $0xFFFFFFFF  }
0xae: {  	[dreg:$0x0] =	wrdreg $0x60  }
0xaf: {  	[dreg:$0x2] =	wrdreg s24  }
0xb0: {  	[dreg:$0x3] =	wrdreg s2  }
0xb1: {  	[dreg:$0x4] =	wrdreg s18  }
0xb2: {  	[dreg:$0x5] =	wrdreg $0x0  }
0xb3: {  	[dreg:$0x6] =	wrdreg $0x100000  }
0xb4: {  	[dreg:$0x7] =	wrdreg $0x9  }
0xb5: {  	_ =	task.clear_ibuf [dreg:s8], $0x8FFFF;
	_ =	strace $0x9000004C  }
0xb6: {  	s29 =	simm.s32 $0x9;
	_ =	strace $0x8000004E  }
0xb7: {  	_ =	swait.ge [sflag:s29], $0x1  }
0xb8: {  	[sflag:s29] =	ssyncadd.s32 $0xFFFFFFFF  }
0xb9: {  	_ =	strace $0x9000004E  }
0xba: {  	_ =	sfence  }
0xbb: {  	s30 =	sld [smem:$0x0];
	_ =	sdelay $0x2  }
0xbc: {  	s31 =	sshll.u32 s1, $0xD;
	s1 =	sshrl.u32 s1, $0x2  }
0xbd: {  	s3 =	sand.u32 $0x4000, s31;
	s1 =	sadd.s32 s1, s30  }
0xbe: {  	s0 =	sor.u32 s3, s0;
	s1 =	sshll.u32 s1, $0x11  }
0xbf: {  	s0 =	sor.u32 s1, s0  }
0xc0: {  	s0 =	sadd.s32 $0x8F2B, s0  }
0xc1: {  	[sflag:s0] =	ssyncadd.remote.s32 $0x1  }
0xc2: {  	_ =	sfence.sel $0xFFFF  }
0xc3: {  	[dreg:$0x0] =	wrdreg $0xFFFFFFFF;
	(pc) =	sbr.abs _section_cstart, $3  }
0xc4: {  	[dreg:$0x1] =	wrdreg $0xFFFFFFFF  }
0xc5: {  	_ =	task.clear_ibuf [dreg:s8], $0x2FFFF;
	_ =	strace $0x9FFFFFFF  }
0xc6: {  	(tm) =	ssettm $0x7FFFFFFF  }
0xc7: {  	_ =	shalt  }
tec
execute0_lowered:
.L_overlay_start_1:
0x0: {  	(tag) =	ssettag $0x1  }
0x1: {  	s0 =	rddreg [dreg:$0x0]  }
0x2: {  	s4 =	rddreg [dreg:$0x1]  }
0x3: {  	s9 =	rddreg [dreg:$0x2]  }
0x4: {  	s1 =	rddreg [dreg:$0x3]  }
0x5: {  	s2 =	rddreg [dreg:$0x4];
	s3 =	simm.s32 $0x0  }
0x6: {  	s5 =	srdreg.scid;
	s14 =	stileid.u32;
	s19 =	simm.s32 $0x12000  }
0x7: {  	s20 =	simm.s32 $0x3;
	s21 =	simm.s32 $0x1A400;
	s22 =	simm.s32 $0x11000  }
0x8: {  	s24 =	simm.s32 $0x40;
	s28 =	simm.s32 $0x1A000;
	s29 =	simm.s32 $0x2  }
0x9: {  	s31 =	simm.s32 $0x11F80;
	[smem:$0x7FF] =	sst s3;
	s6 =	sand.u32 $0x1, s5  }
0xa: {  	s8 =	sshll.u32 s14, $0x10;
	s11 =	sshll.u32 s14, $0xC;
	s5 =	sadd.s32 $0x82A00, s0  }
0xb: {  	s14 =	sshll.u32 s14, $0x8;
	_ =	strace $0x8000004D;
	s7 =	sshll.u32 s6, $0x14  }
0xc: {  	s10 =	sshll.u32 s6, $0x10;
	s12 =	ssub.s32 $0x2, s6;
	s26 =	sshll.u32 s6, $0xC  }
0xd: {  	s6 =	sadd.s32 s8, s1;
	s7 =	sor.u32 s8, s7;
	s10 =	sor.u32 s11, s10  }
0xe: {  	s25 =	sshrl.u32 s12, $0x1;
	s15 =	sadd.s32 $0xC000, s6;
	s7 =	sshrl.u32 s7, $0x3  }
0xf: {  	s10 =	sshrl.u32 s10, $0x3;
	s12 =	ssub.s32 s12, s25;
	s25 =	simm.s32 $0x16000  }
0x10: {  	s13 =	sadd.s32 s7, s0;
	s0 =	sadd.s32 s10, s0;
	s7 =	sadd.s32 s11, s2  }
0x11: {  	s10 =	sor.u32 s14, s26;
	s12 =	smax.u32 s12, $0x1;
	s14 =	sadd.s32 $0x8000, s6  }
0x12: {  	s4 =	sadd.s32 s4, s10;
	s30 =	sadd.s32 s9, s10;
	s10 =	sadd.s32 $0x102A00, s13  }
0x13: {  	s26 =	simm.s32 $0x1;
	s11 =	sadd.s32 $0x142A00, s0;
	s13 =	sadd.s32 $0x4000, s6  }
0x14: {  	s16 =	sadd.s32 $0x400, s7;
	s17 =	sadd.s32 $0x800, s7;
	[dreg:$0x6] =	wrdreg s4  }
0x15: {  	v0 =	vimm.f32 $0.0e+00;
	v1 =	vimm.f32 $1.000000000e+00;
	s18 =	sadd.s32 $0xC00, s7;
	s0 =	simm.s32 $0x11FC0;
	[dreg:$0x7] =	wrdreg s30  }
.LBB2_1:
0x16: {  	s23 =	simm.s32 $0x0;
	s4 =	simm.s32 $0x400  }
.LBB2_2:
0x17: {  	p0 =	sne.s32 s4, $0xFC00;
	[tilespmem:s23+$0x120F0] =	vst v0  }
0x18: {  	[tilespmem:s23+$0x12000] =	vst v0  }
0x19: {  	[tilespmem:s23+$0x12010] =	vst v0  }
0x1a: {  	[tilespmem:s23+$0x12020] =	vst v0  }
0x1b: {  	[tilespmem:s23+$0x12030] =	vst v0  }
0x1c: {  	[tilespmem:s23+$0x12040] =	vst v0  }
0x1d: {  	[tilespmem:s23+$0x12050] =	vst v0  }
0x1e: {  	[tilespmem:s23+$0x12060] =	vst v0  }
0x1f: {  	[tilespmem:s23+$0x12070] =	vst v0  }
0x20: {  	[tilespmem:s23+$0x12080] =	vst v0  }
0x21: {  	[tilespmem:s23+$0x12090] =	vst v0  }
.Ltmp0:
0x22: {  	[tilespmem:s23+$0x120A0] =	vst v0;
	(pc) =	sbr.rel @p0 .LBB2_2-.Ltmp0, $4  }
0x23: {  	[tilespmem:s23+$0x120B0] =	vst v0  }
0x24: {  	[tilespmem:s23+$0x120C0] =	vst v0  }
0x25: {  	[tilespmem:s23+$0x120D0] =	vst v0  }
0x26: {  	[tilespmem:s23+$0x120E0] =	vst v0;
	s23 =	sshra.s32 s4, $0x2;
	s4 =	sadd.s32 $0x400, s4  }
0x27: {  	[tilespmem:s23+$0x120F0] =	vst v0  }
0x28: {  	[tilespmem:s23+$0x12000] =	vst v0  }
0x29: {  	[tilespmem:s23+$0x12010] =	vst v0  }
0x2a: {  	[tilespmem:s23+$0x12020] =	vst v0  }
0x2b: {  	[tilespmem:s23+$0x12030] =	vst v0  }
0x2c: {  	[tilespmem:s23+$0x12040] =	vst v0  }
0x2d: {  	[tilespmem:s23+$0x12050] =	vst v0  }
0x2e: {  	[tilespmem:s23+$0x12060] =	vst v0  }
0x2f: {  	[tilespmem:s23+$0x12070] =	vst v0  }
0x30: {  	[tilespmem:s23+$0x12080] =	vst v0  }
0x31: {  	[tilespmem:s23+$0x12090] =	vst v0  }
0x32: {  	[tilespmem:s23+$0x120A0] =	vst v0  }
0x33: {  	[tilespmem:s23+$0x120B0] =	vst v0  }
0x34: {  	[tilespmem:s23+$0x120C0] =	vst v0  }
0x35: {  	[tilespmem:s23+$0x120D0] =	vst v0  }
0x36: {  	[tilespmem:s23+$0x120E0] =	vst v0;
	s4 =	simm.s32 $0x40;
	s23 =	simm.s32 $0x0  }
.LBB2_4:
0x37: {  	p0 =	sne.s32 s4, $0xFC0;
	[tilespmem:s23+$0x1A400] =	vst v0;
	s23 =	smov.u32 s4;
	s4 =	sadd.s32 $0x40, s4  }
.Ltmp1:
0x38: {  	(pc) =	sbr.rel @p0 .LBB2_4-.Ltmp1, $2  }
0x39: {  	_ =	sdelay $0x2  }
0x3a: {  	s23 =	sshra.s32 s23, $0x2  }
0x3b: {  	[tilespmem:s23+$0x1A400] =	vst v0;
	s4 =	simm.s32 $0x40;
	s23 =	simm.s32 $0x0  }
.LBB2_6:
0x3c: {  	p0 =	sne.s32 s4, $0xFC0;
	[tilespmem:s23+$0x1A000] =	vst v1;
	s23 =	smov.u32 s4;
	s4 =	sadd.s32 $0x40, s4  }
.Ltmp2:
0x3d: {  	(pc) =	sbr.rel @p0 .LBB2_6-.Ltmp2, $2  }
0x3e: {  	_ =	sdelay $0x2  }
0x3f: {  	s23 =	sshra.s32 s23, $0x2  }
0x40: {  	[tilespmem:s23+$0x1A000] =	vst v1  }
0x41: {  	[spmem:s6] =	stream.linear.scatter [tilespmem:s19], [sflag:$0x3], $0x4000, $0x38;
	[tilespmem:$0x1A800] =	vst v63  }
0x42: {  	_ =	swait.ge [sflag:s20], $0x4000  }
0x43: {  	[sflag:s20] =	ssyncset.done $0x0  }
0x44: {  	[sflag:s20] =	ssyncadd.s32 $0xFFFFC000  }
0x45: {  	[spmem:s13] =	stream.linear.scatter [tilespmem:s19], [sflag:$0x3], $0x4000, $0x38;
	[tilespmem:$0x1A800] =	vst v63  }
0x46: {  	_ =	swait.ge [sflag:s20], $0x4000  }
0x47: {  	[sflag:s20] =	ssyncset.done $0x0  }
0x48: {  	[sflag:s20] =	ssyncadd.s32 $0xFFFFC000  }
0x49: {  	[spmem:s14] =	stream.linear.scatter [tilespmem:s19], [sflag:$0x3], $0x4000, $0x38;
	[tilespmem:$0x1A800] =	vst v63  }
0x4a: {  	_ =	swait.ge [sflag:s20], $0x4000  }
0x4b: {  	[sflag:s20] =	ssyncset.done $0x0  }
0x4c: {  	[sflag:s20] =	ssyncadd.s32 $0xFFFFC000  }
0x4d: {  	[spmem:s15] =	stream.linear.scatter [tilespmem:s19], [sflag:$0x3], $0x4000, $0x38;
	[tilespmem:$0x1A800] =	vst v63  }
0x4e: {  	_ =	swait.ge [sflag:s20], $0x4000  }
0x4f: {  	[sflag:s20] =	ssyncset.done $0x0  }
0x50: {  	[sflag:s20] =	ssyncadd.s32 $0xFFFFC000  }
0x51: {  	[spmem:s7] =	stream.linear.scatter [tilespmem:s21], [sflag:$0x3], $0x400, $0x38;
	[tilespmem:$0x1A800] =	vst v63  }
0x52: {  	_ =	swait.ge [sflag:s20], $0x400  }
0x53: {  	[sflag:s20] =	ssyncset.done $0x0  }
0x54: {  	[sflag:s20] =	ssyncadd.s32 $0xFFFFFC00  }
0x55: {  	[spmem:s16] =	stream.linear.scatter [tilespmem:s21], [sflag:$0x3], $0x400, $0x38;
	[tilespmem:$0x1A800] =	vst v63  }
0x56: {  	_ =	swait.ge [sflag:s20], $0x400  }
0x57: {  	[sflag:s20] =	ssyncset.done $0x0  }
0x58: {  	[sflag:s20] =	ssyncadd.s32 $0xFFFFFC00  }
0x59: {  	[spmem:s17] =	stream.linear.scatter [tilespmem:s21], [sflag:$0x3], $0x400, $0x38;
	[tilespmem:$0x1A800] =	vst v63  }
0x5a: {  	_ =	swait.ge [sflag:s20], $0x400  }
0x5b: {  	[sflag:s20] =	ssyncset.done $0x0  }
0x5c: {  	[sflag:s20] =	ssyncadd.s32 $0xFFFFFC00  }
0x5d: {  	[spmem:s18] =	stream.linear.scatter [tilespmem:s21], [sflag:$0x3], $0x400, $0x38;
	[tilespmem:$0x1A800] =	vst v63  }
0x5e: {  	_ =	swait.ge [sflag:s20], $0x400  }
0x5f: {  	[sflag:s20] =	ssyncset.done $0x0  }
0x60: {  	s4 =	simm.s32 $0x0;
	s8 =	rddreg [dreg:$0x6];
	[sflag:s20] =	ssyncadd.s32 $0xFFFFFC00  }
0x61: {  	[tilespmem:s22], [sflag:$0x3] =	stream.linear.gather [hbm4b:s8+s4], $0x800, $0x38;
	[tilespmem:$0x1A800] =	vst v63  }
0x62: {  	_ =	swait.ge [sflag:s20], $0x800  }
0x63: {  	[sflag:s20] =	ssyncset.done $0x0  }
0x64: {  	s9 =	simm.s32 $0x11800;
	s30 =	rddreg [dreg:$0x7];
	[sflag:s20] =	ssyncadd.s32 $0xFFFFF800  }
0x65: {  	[tilespmem:s9], [sflag:$0x3] =	stream.linear.gather [hbm4b:s30+s4], $0x800, $0x38;
	[tilespmem:$0x1A800] =	vst v63  }
0x66: {  	_ =	swait.ge [sflag:s20], $0x800  }
0x67: {  	[sflag:s20] =	ssyncset.done $0x0  }
0x68: {  	[sflag:s20] =	ssyncadd.s32 $0xFFFFF800  }
0x69: {  	[bflag:$0x0] =	sbarrier.arrive $0xFFFF  }
0x6a: {  	[tilespmem:s19], [sflag:$0x1] =	stream.indirect.gather [hbm4b:s5+s24], $0x100, s22, s24, $0xb8;
	[tilespmem:$0x1A800] =	vst v63  }
0x6b: {  	s8 =	simm.s32 $0x11040  }
0x6c: {  	[tilespmem:s25], [sflag:$0x2] =	stream.indirect.gather [hbm4b:s5+s24], $0x100, s8, s24, $0xb8;
	[tilespmem:$0x1A800] =	vst v63  }
0x6d: {  	_ =	swait.ge [sflag:s26], $0x4000  }
0x6e: {  	[sflag:s26] =	ssyncset.done $0x0  }
0x6f: {  	s9 =	simm.s32 $0x11800;
	[sflag:s26] =	ssyncadd.s32 $0xFFFFC000  }
0x70: {  	[spmem:s1] =	stream.indirect.scatter.add.f32 [tilespmem:s19], [sflag:$0x3], $0x100, s9, s24, $0xb8;
	[tilespmem:$0x1A800] =	vst v63  }
0x71: {  	_ =	swait.ge [sflag:s20], $0x4000  }
0x72: {  	[sflag:s20] =	ssyncset.done $0x0  }
0x73: {  	[sflag:s20] =	ssyncadd.s32 $0xFFFFC000  }
0x74: {  	[spmem:s2] =	stream.indirect.scatter.add.f32 [tilespmem:s28], [sflag:$0x3], $0x10, s9, s24, $0xb8;
	[tilespmem:$0x1A800] =	vst v63  }
0x75: {  	_ =	swait.ge [sflag:s20], $0x400  }
0x76: {  	[sflag:s20] =	ssyncset.done $0x0  }
0x77: {  	s23 =	simm.s32 $0x11080;
	[sflag:s20] =	ssyncadd.s32 $0xFFFFFC00  }
0x78: {  	[tilespmem:s19], [sflag:$0x1] =	stream.indirect.gather [hbm4b:s5+s24], $0x100, s23, s24, $0xb8;
	[tilespmem:$0x1A800] =	vst v63  }
0x79: {  	_ =	swait.ge [sflag:s29], $0x4000  }
0x7a: {  	[sflag:s29] =	ssyncset.done $0x0  }
0x7b: {  	s30 =	simm.s32 $0x11840;
	[sflag:s29] =	ssyncadd.s32 $0xFFFFC000  }
0x7c: {  	[spmem:s1] =	stream.indirect.scatter.add.f32 [tilespmem:s25], [sflag:$0x3], $0x100, s30, s24, $0xb8;
	[tilespmem:$0x1A800] =	vst v63  }
0x7d: {  	_ =	swait.ge [sflag:s20], $0x4000  }
0x7e: {  	[sflag:s20] =	ssyncset.done $0x0  }
0x7f: {  	[sflag:s20] =	ssyncadd.s32 $0xFFFFC000  }
0x80: {  	[spmem:s2] =	stream.indirect.scatter.add.f32 [tilespmem:s28], [sflag:$0x3], $0x10, s30, s24, $0xb8;
	[tilespmem:$0x1A800] =	vst v63  }
0x81: {  	_ =	swait.ge [sflag:s20], $0x400  }
0x82: {  	s4 =	simm.s32 $0x400;
	s23 =	simm.s32 $0x80;
	[sflag:s20] =	ssyncset.done $0x0  }
.LBB2_8:
0x83: {  	s30 =	sadd.s32 $0x11040, s23  }
0x84: {  	[sflag:s20] =	ssyncadd.s32 $0xFFFFFC00;
	s8 =	smov.u32 s4;
	s9 =	sadd.s32 $0x200, s4  }
0x85: {  	[tilespmem:s25], [sflag:$0x2] =	stream.indirect.gather [hbm4b:s5+s24], $0x100, s30, s24, $0xb8;
	[tilespmem:$0x1A800] =	vst v63  }
0x86: {  	p0 =	sne.s32 s4, $0x1C00;
	_ =	swait.ge [sflag:s26], $0x4000  }
0x87: {  	[sflag:s26] =	ssyncset.done $0x0  }
0x88: {  	s4 =	sadd.s32 $0x11800, s23;
	[sflag:s26] =	ssyncadd.s32 $0xFFFFC000  }
0x89: {  	[spmem:s1] =	stream.indirect.scatter.add.f32 [tilespmem:s19], [sflag:$0x3], $0x100, s4, s24, $0xb8;
	[tilespmem:$0x1A800] =	vst v63  }
0x8a: {  	_ =	swait.ge [sflag:s20], $0x4000  }
0x8b: {  	[sflag:s20] =	ssyncset.done $0x0  }
0x8c: {  	[sflag:s20] =	ssyncadd.s32 $0xFFFFC000  }
0x8d: {  	[spmem:s2] =	stream.indirect.scatter.add.f32 [tilespmem:s28], [sflag:$0x3], $0x10, s4, s24, $0xb8;
	[tilespmem:$0x1A800] =	vst v63  }
0x8e: {  	_ =	swait.ge [sflag:s20], $0x400  }
0x8f: {  	[sflag:s20] =	ssyncset.done $0x0  }
0x90: {  	s4 =	sadd.s32 $0x11080, s23;
	[sflag:s20] =	ssyncadd.s32 $0xFFFFFC00  }
0x91: {  	[tilespmem:s19], [sflag:$0x1] =	stream.indirect.gather [hbm4b:s5+s24], $0x100, s4, s24, $0xb8;
	[tilespmem:$0x1A800] =	vst v63  }
0x92: {  	_ =	swait.ge [sflag:s29], $0x4000  }
0x93: {  	[sflag:s29] =	ssyncset.done $0x0  }
0x94: {  	s4 =	sadd.s32 $0x11840, s23;
	[sflag:s29] =	ssyncadd.s32 $0xFFFFC000  }
0x95: {  	[spmem:s1] =	stream.indirect.scatter.add.f32 [tilespmem:s25], [sflag:$0x3], $0x100, s4, s24, $0xb8;
	[tilespmem:$0x1A800] =	vst v63  }
0x96: {  	_ =	swait.ge [sflag:s20], $0x4000  }
.Ltmp3:
0x97: {  	[sflag:s20] =	ssyncset.done $0x0;
	(pc) =	sbr.rel @p0 .LBB2_8-.Ltmp3, $4  }
0x98: {  	[sflag:s20] =	ssyncadd.s32 $0xFFFFC000  }
0x99: {  	[spmem:s2] =	stream.indirect.scatter.add.f32 [tilespmem:s28], [sflag:$0x3], $0x10, s4, s24, $0xb8;
	[tilespmem:$0x1A800] =	vst v63  }
0x9a: {  	_ =	swait.ge [sflag:s20], $0x400  }
0x9b: {  	s23 =	sshra.s32 s8, $0x2;
	s4 =	smov.u32 s9;
	[sflag:s20] =	ssyncset.done $0x0  }
0x9c: {  	s4 =	sadd.s32 $0x11040, s23;
	[sflag:s20] =	ssyncadd.s32 $0xFFFFFC00  }
0x9d: {  	[tilespmem:s25], [sflag:$0x2] =	stream.indirect.gather [hbm4b:s5+s24], $0x100, s4, s24, $0xb8;
	[tilespmem:$0x1A800] =	vst v63  }
0x9e: {  	_ =	swait.ge [sflag:s26], $0x4000  }
0x9f: {  	[sflag:s26] =	ssyncset.done $0x0  }
0xa0: {  	s9 =	sadd.s32 $0x11800, s23;
	[sflag:s26] =	ssyncadd.s32 $0xFFFFC000  }
0xa1: {  	[spmem:s1] =	stream.indirect.scatter.add.f32 [tilespmem:s19], [sflag:$0x3], $0x100, s9, s24, $0xb8;
	[tilespmem:$0x1A800] =	vst v63  }
0xa2: {  	_ =	swait.ge [sflag:s20], $0x4000  }
0xa3: {  	[sflag:s20] =	ssyncset.done $0x0  }
0xa4: {  	[sflag:s20] =	ssyncadd.s32 $0xFFFFC000  }
0xa5: {  	[spmem:s2] =	stream.indirect.scatter.add.f32 [tilespmem:s28], [sflag:$0x3], $0x10, s9, s24, $0xb8;
	[tilespmem:$0x1A800] =	vst v63  }
0xa6: {  	_ =	swait.ge [sflag:s20], $0x400  }
0xa7: {  	[sflag:s20] =	ssyncset.done $0x0  }
0xa8: {  	s30 =	sadd.s32 $0x11080, s23;
	[sflag:s20] =	ssyncadd.s32 $0xFFFFFC00  }
0xa9: {  	[tilespmem:s19], [sflag:$0x1] =	stream.indirect.gather [hbm4b:s5+s24], $0x100, s30, s24, $0xb8;
	[tilespmem:$0x1A800] =	vst v63  }
0xaa: {  	_ =	swait.ge [sflag:s29], $0x4000  }
0xab: {  	[sflag:s29] =	ssyncset.done $0x0  }
0xac: {  	s8 =	sadd.s32 $0x11840, s23;
	[sflag:s29] =	ssyncadd.s32 $0xFFFFC000  }
0xad: {  	[spmem:s1] =	stream.indirect.scatter.add.f32 [tilespmem:s25], [sflag:$0x3], $0x100, s8, s24, $0xb8;
	[tilespmem:$0x1A800] =	vst v63  }
0xae: {  	_ =	swait.ge [sflag:s20], $0x4000  }
0xaf: {  	[sflag:s20] =	ssyncset.done $0x0  }
0xb0: {  	[sflag:s20] =	ssyncadd.s32 $0xFFFFC000  }
0xb1: {  	[spmem:s2] =	stream.indirect.scatter.add.f32 [tilespmem:s28], [sflag:$0x3], $0x10, s8, s24, $0xb8;
	[tilespmem:$0x1A800] =	vst v63  }
0xb2: {  	_ =	swait.ge [sflag:s20], $0x400  }
0xb3: {  	[sflag:s20] =	ssyncset.done $0x0  }
0xb4: {  	s9 =	simm.s32 $0x117C0;
	[sflag:s20] =	ssyncadd.s32 $0xFFFFFC00  }
0xb5: {  	[tilespmem:s25], [sflag:$0x2] =	stream.indirect.gather [hbm4b:s5+s24], $0x100, s9, s24, $0xb8;
	[tilespmem:$0x1A800] =	vst v63  }
0xb6: {  	_ =	swait.ge [sflag:s26], $0x4000  }
0xb7: {  	[sflag:s26] =	ssyncset.done $0x0  }
0xb8: {  	[sflag:s26] =	ssyncadd.s32 $0xFFFFC000  }
0xb9: {  	[spmem:s1] =	stream.indirect.scatter.add.f32 [tilespmem:s19], [sflag:$0x3], $0x100, s31, s24, $0xb8;
	[tilespmem:$0x1A800] =	vst v63  }
0xba: {  	_ =	swait.ge [sflag:s20], $0x4000  }
0xbb: {  	[sflag:s20] =	ssyncset.done $0x0  }
0xbc: {  	[sflag:s20] =	ssyncadd.s32 $0xFFFFC000  }
0xbd: {  	[spmem:s2] =	stream.indirect.scatter.add.f32 [tilespmem:s28], [sflag:$0x3], $0x10, s31, s24, $0xb8;
	[tilespmem:$0x1A800] =	vst v63  }
0xbe: {  	_ =	swait.ge [sflag:s20], $0x400  }
0xbf: {  	[sflag:s20] =	ssyncset.done $0x0  }
0xc0: {  	[sflag:s20] =	ssyncadd.s32 $0xFFFFFC00  }
0xc1: {  	_ =	swait.ge [sflag:s29], $0x4000  }
0xc2: {  	[sflag:s29] =	ssyncset.done $0x0  }
0xc3: {  	[sflag:s29] =	ssyncadd.s32 $0xFFFFC000  }
0xc4: {  	[spmem:s1] =	stream.indirect.scatter.add.f32 [tilespmem:s25], [sflag:$0x3], $0x100, s0, s24, $0xb8;
	[tilespmem:$0x1A800] =	vst v63  }
0xc5: {  	_ =	swait.ge [sflag:s20], $0x4000  }
0xc6: {  	[sflag:s20] =	ssyncset.done $0x0  }
0xc7: {  	[sflag:s20] =	ssyncadd.s32 $0xFFFFC000  }
0xc8: {  	[spmem:s2] =	stream.indirect.scatter.add.f32 [tilespmem:s28], [sflag:$0x3], $0x10, s0, s24, $0xb8;
	[tilespmem:$0x1A800] =	vst v63  }
0xc9: {  	_ =	swait.ge [sflag:s20], $0x400  }
0xca: {  	s23 =	stileid.u32;
	[sflag:s20] =	ssyncset.done $0x0  }
0xcb: {  	s4 =	sshll.u32 s23, $0x6;
	[sflag:s20] =	ssyncadd.s32 $0xFFFFFC00  }
0xcc: {  	s4 =	sor.u32 $0x1C03, s4;
	s8 =	sshrl.u32 s6, $0x3;
	[bflag:$0x0] =	sbarrier.arrive $0xFFFF  }
0xcd: {  	[hbm:s10], [sflag:s4] =	dma.local [spmem:s8], $0x2000  }
0xce: {  	s3 =	sadd.s32 $0x1, s3;
	_ =	swait.ge [sflag:s20], $0x2000  }
0xcf: {  	p0 =	sne.s32 s3, s12;
	[sflag:s20] =	ssyncset.done $0x0  }
.Ltmp4:
0xd0: {  	s30 =	sshrl.u32 s7, $0x3;
	[sflag:s20] =	ssyncadd.s32 $0xFFFFE000;
	(pc) =	sbr.rel @p0 .LBB2_1-.Ltmp4, $4  }
0xd1: {  	[hbm:s11], [sflag:s4] =	dma.local [spmem:s30], $0x200  }
0xd2: {  	_ =	swait.ge [sflag:s20], $0x200  }
0xd3: {  	[sflag:s20] =	ssyncset.done $0x0  }
0xd4: {  	[sflag:s20] =	ssyncadd.s32 $0xFFFFFE00  }
0xd5: {  	_ =	sfence.sel $0x180000  }
0xd6: {  	[bflag:$0x0] =	sbarrier.arrive $0xFFFF  }
0xd7: {  	_ =	strace $0x9000004D  }
0xd8: {  	s0 =	stileid.u32;
	[bflag:$0x2] =	sbarrier.arrive $0xFFFF  }
0xd9: {  	p0 =	sne.s32 s0, $0x0;
	s0 =	rddreg [dreg:$0x5]  }
0xda: {  	s0 =	sadd.s32 @!p0 $0x100000, s0  }
0xdb: {  	[sflag:s0] =	ssyncadd.tile.s32 @!p0 $0x1;
	_ =	shalt  }
.Lfunc_end2:
_tile_overlayer_lowered:
.L_overlay_start_2:
0xdc: {  	(tag) =	ssettag $0x2  }
0xdd: {  	s0 =	rddreg [dreg:$0x0];
	s2 =	stileid.u32  }
0xde: {  	s1 =	rddreg [dreg:$0x1];
	p0 =	sne.s32 s2, $0x0  }
0xdf: {  	s3 =	rddreg [dreg:$0x2];
	[bflag:$0x3] =	sbarrier.arrive $0xFFFF;
	s2 =	simm.s32 @!p0 $0x1C03  }
0xe0: {  	[timem:s3], [sflag:s2] =	dma.local @!p0 [hbm:s0], s1  }
0xe1: {  	s0 =	simm.s32 @!p0 $0x3  }
0xe2: {  	_ =	swait.ge @!p0 [sflag:s0], s1  }
0xe3: {  	s1 =	ssub.s32 @!p0 $0x0, s1;
	[sflag:s0] =	ssyncset.done @!p0 $0x0  }
0xe4: {  	[sflag:s0] =	ssyncadd.s32 @!p0 s1  }
0xe5: {  	[bflag:$0x3] =	sbarrier.arrive $0xFFFF  }
0xe6: {  	_ =	shalt  }

// kernel: sparse-core-data-format-call.cloned.1.call-start
scs
called_computation_lowered:
.L_overlay_start_0:
0x0: {  	s2 =	sld [smem:$0x3FD9]  }
0x1: {  	s3 =	sld [smem:$0x3FFE];
	_ =	sdelay $0x1  }
0x2: {  	s1 =	srdreg.scid  }
0x3: {  	s0 =	sand.u32 $0x1, s1  }
0x4: {  	s18 =	sshll.u32 s0, $0xA;
	s2 =	sadd.s32 s3, s2  }
0x5: {  	s2 =	sadd.s32 s2, s18  }
0x6: {  	[smem:$0x3FBB] =	sst s2  }
0x7: {  	_ = 	snop  }
0x8: {  	s2 =	sld [smem:$0x3FC9];
	(tm) =	ssettm $0x1  }
0x9: {  	s19 =	sld [smem:$0x3FFB];
	_ =	sdelay $0x3  }
0xa: {  	_ =	strace s19  }
0xb: {  	s3 =	sld [smem:$0x3FFC];
	_ =	sdelay $0x3  }
0xc: {  	_ =	strace s3  }
0xd: {  	s3 =	sld [smem:$0x3FFD];
	_ =	sdelay $0x3  }
0xe: {  	_ =	strace s3  }
0xf: {  	_ =	strace $0x8FFFFFFF  }
0x10: {  	s20 =	sld [smem:$0x3FDB];
	_ =	sdelay $0x1  }
0x11: {  	s4 =	simm.s32 $_scs_section_size  }
0x12: {  	s5 =	simm.s32 $_size__tile_overlayer_lowered;
	s6 =	simm.s32 $_tile_overlayer_lowered  }
0x13: {  	s23 =	simm.s32 $0x1BFF;
	s22 =	sshll.u32 s6, $0x1;
	s3 =	sadd.s32 s4, s20  }
0x14: {  	s7 =	simm.s32 $0x0;
	s21 =	sshll.u32 s5, $0x1;
	s5 =	sadd.s32 s22, s3  }
0x15: {  	[timem:s7], [sflag:s23] =	dma.local [hbm:s5], s21  }
0x16: {  	_ =	swait.ge [sflag:s23], s21  }
0x17: {  	s4 =	ssub.s32 $0x0, s21;
	[sflag:s23] =	ssyncset.done $0x0  }
0x18: {  	[sflag:s23] =	ssyncadd.s32 s4;
	_ =	sdelay $0x1  }
0x19: {  	s24 =	simm.s32 $0x1B8B  }
0x1a: {  	_ =	swait.ge [sflag:s24], $0x1  }
0x1b: {  	[sflag:s24] =	ssyncset.done $0x0  }
0x1c: {  	s26 =	simm.s32 $0x1B8E;
	s25 =	sld [smem:$0x3FFE];
	[sflag:s24] =	ssyncadd.s32 $0xFFFFFFFF  }
0x1d: {  	s27 =	simm.s32 $execute0_lowered;
	[smem:$0x3FD2] =	sst s26  }
0x1e: {  	s5 =	sshll.u32 s27, $0x1;
	_ =	strace $0x80000046;
	[dreg:$0x1] =	wrdreg $0xFFFFFFFF  }
0x1f: {  	s28 =	simm.s32 $_size_execute0_lowered;
	s3 =	sadd.s32 s3, s5;
	[dreg:$0x0] =	wrdreg $0x0  }
0x20: {  	s5 =	sshll.u32 s28, $0x1;
	[dreg:$0x2] =	wrdreg s3  }
0x21: {  	[dreg:$0x3] =	wrdreg s5  }
0x22: {  	[dreg:$0x4] =	wrdreg $0xC0  }
0x23: {  	_ =	task [dreg:s7], $0x5FFFF  }
0x24: {  	[dreg:$0x1] =	wrdreg $0xFFFFFFFF  }
0x25: {  	[dreg:$0x0] =	wrdreg $0x60  }
0x26: {  	[dreg:$0x2] =	wrdreg s2  }
0x27: {  	[dreg:$0x3] =	wrdreg s25  }
0x28: {  	[dreg:$0x4] =	wrdreg $0x9  }
0x29: {  	_ =	task.clear_ibuf [dreg:s7], $0x5FFFF;
	_ =	strace $0x90000046  }
0x2a: {  	s29 =	simm.s32 $0x9;
	_ =	strace $0x80000048  }
0x2b: {  	_ =	swait.ge [sflag:s29], $0x1  }
0x2c: {  	[sflag:s29] =	ssyncadd.s32 $0xFFFFFFFF  }
0x2d: {  	_ =	strace $0x90000048  }
0x2e: {  	_ =	sfence  }
0x2f: {  	s30 =	sld [smem:$0x0];
	_ =	sdelay $0x2  }
0x30: {  	s31 =	sshll.u32 s1, $0xD;
	s1 =	sshrl.u32 s1, $0x2  }
0x31: {  	s3 =	sand.u32 $0x4000, s31;
	s1 =	sadd.s32 s1, s30  }
0x32: {  	s0 =	sor.u32 s3, s0;
	s1 =	sshll.u32 s1, $0x11  }
0x33: {  	s0 =	sor.u32 s1, s0  }
0x34: {  	s0 =	sadd.s32 $0x8F2B, s0  }
0x35: {  	[sflag:s0] =	ssyncadd.remote.s32 $0x1  }
0x36: {  	_ =	sfence.sel $0xFFFF  }
0x37: {  	[dreg:$0x0] =	wrdreg $0xFFFFFFFF;
	(pc) =	sbr.abs _section_cstart, $3  }
0x38: {  	[dreg:$0x1] =	wrdreg $0xFFFFFFFF  }
0x39: {  	_ =	task.clear_ibuf [dreg:s7], $0x2FFFF;
	_ =	strace $0x9FFFFFFF  }
0x3a: {  	(tm) =	ssettm $0x7FFFFFFF  }
0x3b: {  	_ =	shalt  }
tec
execute0_lowered:
.L_overlay_start_1:
0x0: {  	(tag) =	ssettag $0x1  }
0x1: {  	s0 =	srdreg.scid;
	s2 =	rddreg [dreg:$0x0]  }
0x2: {  	s5 =	rddreg [dreg:$0x1];
	s1 =	stileid.u32  }
0x3: {  	s4 =	simm.s32 $0x1;
	s6 =	simm.s32 $0x2;
	s0 =	sshll.u32 s0, $0x4  }
0x4: {  	s8 =	simm.s32 $0x0;
	s9 =	simm.s32 $0x0;
	s3 =	sand.u32 $0x10, s0  }
.Ltmp0:
0x5: {  	s13 =	simm.s32 $0x0;
	s3 =	sor.u32 s1, s3;
	(pc) =	sbr.rel .LBB1_1-.Ltmp0, $4  }
0x6: {  	s0 =	rddreg [dreg:$0x2];
	_ =	strace $0x80000047;
	s3 =	sshll.u32 s3, $0x3  }
0x7: {  	s10 =	simm.s32 $0x0;
	[sflag:s4] =	ssyncpa.u1 $0x0;
	s7 =	ssub.s32 $0x1868, s3  }
0x8: {  	s12 =	simm.s32 $0x0;
	[sflag:s6] =	ssyncpa.u1 $0x0;
	s6 =	sshrl.u32 s7, $0x8  }
0x9: {  	s5 =	sadd.s32 $0x2A00, s5;
	s11 =	smov.u32 s3;
	s7 =	sadd.s32 $0x2, s6  }
.LBB1_9:
0xa: {  	s15 =	sshll.u32 s12, $0xE  }
0xb: {  	s16 =	sshll.u32 s10, $0x8;
	s15 =	sand.u32 $0x4000, s15  }
0xc: {  	s16 =	sadd.s32 s5, s16;
	s15 =	sor.u32 $0x8000, s15  }
0xd: {  	[hbm4b:s16+s8] =	stream.linear.scatter [tilespmem:s15], [sflag:$0x2], s14, $0x38;
	[tilespmem:$0x10000] =	vst v63  }
.LBB1_10:
0xe: {  	p0 =	slt.u32 s12, $0x2  }
0xf: {  	p1 =	sgt.s32 @!p0 s13, $0x1862  }
0x10: {  	s14 =	smov.u32 s13;
	s15 =	sshra.s32 @!p0 s13, $0x1F;
	p1 =	por !p1, p0  }
0x11: {  	s13 =	sand.u32 @!p0 s15, s13;
	s14 =	simm.s32 @p1 $0x1862  }
0x12: {  	s13 =	ssub.s32 @!p0 s14, s13  }
0x13: {  	s13 =	sadd.s32 @!p0 $0xFFFFE79E, s13  }
0x14: {  	s14 =	sshll.u32 @!p0 s13, $0xD  }
0x15: {  	p1 =	sgt.s32 @!p0 s13, $0x7;
	s13 =	ssub.s32 @!p0 $0x10000, s14  }
0x16: {  	s15 =	sadd.s32 $0x100, s11;
	p1 =	por !p1, p0;
	s13 =	sshrl.u32 @!p0 s13, $0x2  }
0x17: {  	s13 =	simm.s32 @!p1 $0x0;
	p1 =	sgt.s32 s15, $0x1869  }
0x18: {  	s15 =	smov.u32 @p1 s3;
	p1 =	sne.s32 s12, s7  }
.Ltmp1:
0x19: {  	_ = 	snop;
	(pc) =	sbr.rel @!p1 .LBB1_11-.Ltmp1, $4  }
0x1a: {  	s14 =	simm.s32 @!p0 $0x2  }
0x1b: {  	s9 =	sadd.s32 $0x4000, s9;
	_ =	swait.ge @!p0 [sflag:s14], s13;
	s16 =	ssub.s32 @!p0 $0x0, s13  }
0x1c: {  	s13 =	smov.u32 s10;
	s12 =	sadd.s32 $0x1, s12;
	[sflag:s14] =	ssyncset.done @!p0 $0x0  }
0x1d: {  	s10 =	smov.u32 s11;
	s11 =	smov.u32 s15;
	[sflag:s14] =	ssyncadd.s32 @!p0 s16  }
.LBB1_1:
0x1e: {  	p0 =	sgt.u32 s12, s6  }
0x1f: {  	p1 =	sgt.s32 @!p0 s11, $0x1862  }
0x20: {  	s14 =	smov.u32 s11;
	s15 =	sshra.s32 @!p0 s11, $0x1F;
	p1 =	por !p1, p0  }
0x21: {  	s15 =	sand.u32 @!p0 s15, s11;
	s14 =	simm.s32 @p1 $0x1862  }
0x22: {  	s14 =	ssub.s32 @!p0 s14, s15  }
0x23: {  	s14 =	sadd.s32 @!p0 $0xFFFFE79E, s14  }
0x24: {  	s17 =	simm.s32 @!p0 $0x0;
	s15 =	sxor.u32 @!p0 $0xFFFFFFFF, s12;
	s16 =	sshll.u32 @!p0 s14, $0xD  }
0x25: {  	s15 =	sshll.u32 @!p0 s15, $0xE;
	p1 =	sgt.s32 @!p0 s14, $0x7;
	s14 =	ssub.s32 @!p0 $0x10000, s16  }
0x26: {  	p1 =	por !p1, p0;
	s16 =	sshll.u32 @!p0 s11, $0x8;
	s14 =	sshrl.u32 @!p0 s14, $0x2  }
0x27: {  	s15 =	sand.u32 @!p0 $0x4000, s15;
	s16 =	sadd.s32 @!p0 s2, s16;
	s14 =	simm.s32 @!p1 $0x0  }
0x28: {  	[tilespmem:s15], [sflag:$0x1] =	stream.linear.gather @!p0 [hbm4b:s16+s17], s14, $0x38;
	[tilespmem:$0x10000] =	vst v63  }
0x29: {  	p0 =	seq.s32 s12, $0x0  }
0x2a: {  	p1 =	sge.u32 @!p0 s12, s7  }
0x2b: {  	p0 =	por p0, p1  }
.Ltmp2:
0x2c: {  	_ = 	snop;
	(pc) =	sbr.rel @p0 .LBB1_10-.Ltmp2, $1  }
0x2d: {  	_ =	sdelay $0x3  }
0x2e: {  	p0 =	sgt.s32 s10, $0x1862;
	s14 =	smov.u32 s10;
	s15 =	sshra.s32 s10, $0x1F  }
0x2f: {  	s14 =	simm.s32 @!p0 $0x1862;
	s15 =	sand.u32 s15, s10  }
0x30: {  	s14 =	ssub.s32 s14, s15  }
0x31: {  	s16 =	sadd.s32 $0x8, s10;
	s14 =	sadd.s32 $0xFFFFE79E, s14  }
0x32: {  	p1 =	slt.s32 s16, $0x186A;
	s30 =	sshll.u32 s14, $0xD  }
0x33: {  	s16 =	simm.s32 @!p1 $0x186A;
	s15 =	ssub.s32 $0x10000, s30  }
0x34: {  	p0 =	sgt.s32 s14, $0x7;
	s14 =	sshrl.u32 s15, $0x2;
	s15 =	ssub.s32 s16, s10  }
0x35: {  	s14 =	simm.s32 @p0 $0x0;
	p0 =	slt.s32 s15, $0x1  }
.Ltmp3:
0x36: {  	_ = 	snop;
	(pc) =	sbr.rel @p0 .LBB1_9-.Ltmp3, $4  }
0x37: {  	_ = 	snop  }
0x38: {  	_ =	swait.ge [sflag:s4], s14  }
0x39: {  	s31 =	ssub.s32 $0x0, s14;
	[sflag:s4] =	ssyncset.done $0x0  }
0x3a: {  	[sflag:s4] =	ssyncadd.s32 s31  }
0x3b: {  	s16 =	sshll.u32 s9, $0x2  }
0x3c: {  	s16 =	sand.u32 $0x10000, s16  }
0x3d: {  	s16 =	sshrl.u32 s16, $0x2  }
0x3e: {  	s18 =	simm.s32 $0x0;
	s19 =	simm.s32 $0x0;
	s17 =	sor.u32 $0x8000, s16  }
.LBB1_4:
0x3f: {  	s20 =	sshra.s32 s18, $0x2  }
0x40: {  	v0 =	vmov s20;
	_ =	sdelay $0x3  }
0x41: {  	p1 =	por $0x1, $0x1;
	s20 =	simm.s32 $0x0  }
.LBB1_5:
0x42: {  	_ = 	snop  }
0x43: {  	s21 =	sshll.u32 s20, $0xA  }
0x44: {  	s21 =	sand.u32 $0x3FFFFC00, s21  }
0x45: {  	s21 =	sadd.s32 s21, s16  }
0x46: {  	v5 =	vld.idx.msk [tilespmem:v0+s21+$0x70 ss:$0x1], $0xffff  }
0x47: {  	v6 =	vld.idx.msk [tilespmem:v0+s21+$0x10 ss:$0x1], $0xffff  }
0x48: {  	v7 =	vld.idx.msk [tilespmem:v0+s21+$0x20 ss:$0x1], $0xffff  }
0x49: {  	s31 =	sshll.u32 s20, $0x7;
	v1 =	vld.idx.msk [tilespmem:v0+s21+$0x30 ss:$0x1], $0xffff  }
0x4a: {  	s20 =	sand.u32 $0x3FFFFF80, s31;
	v2 =	vld.idx.msk [tilespmem:v0+s21+$0x40 ss:$0x1], $0xffff  }
0x4b: {  	s20 =	sadd.s32 s20, s17;
	v3 =	vld.idx.msk [tilespmem:v0+s21+$0x50 ss:$0x1], $0xffff  }
0x4c: {  	v4 =	vld.idx.msk [tilespmem:v0+s21+$0x60 ss:$0x1], $0xffff;
	[tilespmem:v0+s20+$0x70 ss:$0x1] =	vst.idx.msk $0xffff, v5  }
0x4d: {  	v5 =	vld.idx.msk [tilespmem:v0+s21+$0x0 ss:$0x1], $0xffff;
	[tilespmem:v0+s20+$0x10 ss:$0x1] =	vst.idx.msk $0xffff, v6;
	s21 =	sadd.s32 $0x80, s21  }
0x4e: {  	p0 =	por p1, p1;
	s22 =	simm.s32 $0x6;
	[tilespmem:v0+s20+$0x20 ss:$0x1] =	vst.idx.msk $0xffff, v7;
	v6 =	vld.idx.msk [tilespmem:v0+s21+$0x70 ss:$0x1], $0xffff  }
.LBB1_6:
0x4f: {  	p1 =	sne.s32 s22, $0x1;
	v7 =	vld.idx.msk [tilespmem:v0+s21+$0x10 ss:$0x1], $0xffff;
	[tilespmem:v0+s20+$0x30 ss:$0x1] =	vst.idx.msk $0xffff, v1  }
0x50: {  	v8 =	vld.idx.msk [tilespmem:v0+s21+$0x20 ss:$0x1], $0xffff;
	[tilespmem:v0+s20+$0x40 ss:$0x1] =	vst.idx.msk $0xffff, v2  }
0x51: {  	v1 =	vld.idx.msk [tilespmem:v0+s21+$0x30 ss:$0x1], $0xffff;
	[tilespmem:v0+s20+$0x50 ss:$0x1] =	vst.idx.msk $0xffff, v3  }
.Ltmp4:
0x52: {  	v2 =	vld.idx.msk [tilespmem:v0+s21+$0x40 ss:$0x1], $0xffff;
	[tilespmem:v0+s20+$0x60 ss:$0x1] =	vst.idx.msk $0xffff, v4;
	(pc) =	sbr.rel @p1 .LBB1_6-.Ltmp4, $4  }
0x53: {  	v3 =	vld.idx.msk [tilespmem:v0+s21+$0x50 ss:$0x1], $0xffff;
	[tilespmem:v0+s20+$0x0 ss:$0x1] =	vst.idx.msk $0xffff, v5;
	s20 =	sadd.s32 $0x100, s20  }
0x54: {  	v4 =	vld.idx.msk [tilespmem:v0+s21+$0x60 ss:$0x1], $0xffff;
	[tilespmem:v0+s20+$0x70 ss:$0x1] =	vst.idx.msk $0xffff, v6  }
0x55: {  	v5 =	vld.idx.msk [tilespmem:v0+s21+$0x0 ss:$0x1], $0xffff;
	[tilespmem:v0+s20+$0x10 ss:$0x1] =	vst.idx.msk $0xffff, v7;
	s21 =	sadd.s32 $0x80, s21  }
0x56: {  	s22 =	sadd.s32 $0xFFFFFFFF, s22;
	v6 =	vld.idx.msk [tilespmem:v0+s21+$0x70 ss:$0x1], $0xffff;
	[tilespmem:v0+s20+$0x20 ss:$0x1] =	vst.idx.msk $0xffff, v8  }
0x57: {  	_ =	sdelay $0x3  }
0x58: {  	[tilespmem:v0+s20+$0x30 ss:$0x1] =	vst.idx.msk $0xffff, v1  }
0x59: {  	v1 =	vld.idx.msk [tilespmem:v0+s21+$0x10 ss:$0x1], $0xffff;
	[tilespmem:v0+s20+$0x40 ss:$0x1] =	vst.idx.msk $0xffff, v2  }
0x5a: {  	v2 =	vld.idx.msk [tilespmem:v0+s21+$0x20 ss:$0x1], $0xffff;
	[tilespmem:v0+s20+$0x50 ss:$0x1] =	vst.idx.msk $0xffff, v3  }
0x5b: {  	v61 =	vld.idx.msk [tilespmem:v0+s21+$0x40 ss:$0x1], $0xffff;
	[tilespmem:v0+s20+$0x60 ss:$0x1] =	vst.idx.msk $0xffff, v4  }
0x5c: {  	s31 =	sadd.s32 $0x100, s20;
	v62 =	vld.idx.msk [tilespmem:v0+s21+$0x50 ss:$0x1], $0xffff;
	[tilespmem:v0+s20+$0x0 ss:$0x1] =	vst.idx.msk $0xffff, v5  }
0x5d: {  	v63 =	vld.idx.msk [tilespmem:v0+s21+$0x60 ss:$0x1], $0xffff;
	[tilespmem:v0+s31+$0x70 ss:$0x1] =	vst.idx.msk $0xffff, v6  }
0x5e: {  	v3 =	vld.idx.msk [tilespmem:v0+s21+$0x30 ss:$0x1], $0xffff;
	[tilespmem:v0+s31+$0x10 ss:$0x1] =	vst.idx.msk $0xffff, v1  }
0x5f: {  	v1 =	vld.idx.msk [tilespmem:v0+s21+$0x0 ss:$0x1], $0xffff;
	[tilespmem:v0+s31+$0x20 ss:$0x1] =	vst.idx.msk $0xffff, v2  }
.Ltmp5:
0x60: {  	[tilespmem:v0+s31+$0x40 ss:$0x1] =	vst.idx.msk $0xffff, v61;
	(pc) =	sbr.rel @p0 .LBB1_5-.Ltmp5, $4  }
0x61: {  	[tilespmem:v0+s31+$0x50 ss:$0x1] =	vst.idx.msk $0xffff, v62  }
0x62: {  	[tilespmem:v0+s31+$0x60 ss:$0x1] =	vst.idx.msk $0xffff, v63  }
0x63: {  	[tilespmem:v0+s31+$0x30 ss:$0x1] =	vst.idx.msk $0xffff, v3  }
0x64: {  	p1 =	por $0x0, $0x0;
	s20 =	simm.s32 $0x1;
	[tilespmem:v0+s31+$0x0 ss:$0x1] =	vst.idx.msk $0xffff, v1  }
0x65: {  	s19 =	sadd.s32 $0x1, s19  }
0x66: {  	p0 =	sne.s32 s19, s15  }
.Ltmp6:
0x67: {  	_ = 	snop;
	(pc) =	sbr.rel @p0 .LBB1_4-.Ltmp6, $4  }
.Ltmp7:
0x68: {  	_ = 	snop;
	(pc) =	sbr.rel @!p0 .LBB1_9-.Ltmp7, $4  }
0x69: {  	_ = 	snop  }
0x6a: {  	_ = 	snop  }
0x6b: {  	s18 =	sadd.s32 $0x2000, s18  }
0x6c: {  	_ = 	snop  }
.LBB1_11:
0x6d: {  	_ =	sfence.sel $0x180000  }
0x6e: {  	s2 =	simm.s32 $0x1;
	[bflag:$0x0] =	sbarrier.arrive $0xFFFF  }
0x6f: {  	s31 =	simm.s32 $0x2;
	[sflag:s2] =	ssyncpa.u1 $0x1  }
0x70: {  	[sflag:s31] =	ssyncpa.u1 $0x1  }
0x71: {  	p0 =	sne.s32 s1, $0x0;
	_ =	strace $0x90000047  }
0x72: {  	s0 =	sadd.s32 @!p0 $0x100000, s0;
	[bflag:$0x2] =	sbarrier.arrive $0xFFFF  }
0x73: {  	[sflag:s0] =	ssyncadd.tile.s32 @!p0 $0x1;
	_ =	shalt  }
.Lfunc_end1:
_tile_overlayer_lowered:
.L_overlay_start_2:
0x74: {  	(tag) =	ssettag $0x2  }
0x75: {  	s0 =	rddreg [dreg:$0x0];
	s2 =	stileid.u32  }
0x76: {  	s1 =	rddreg [dreg:$0x1];
	p0 =	sne.s32 s2, $0x0  }
0x77: {  	s3 =	rddreg [dreg:$0x2];
	[bflag:$0x3] =	sbarrier.arrive $0xFFFF;
	s2 =	simm.s32 @!p0 $0x1C01  }
0x78: {  	[timem:s3], [sflag:s2] =	dma.local @!p0 [hbm:s0], s1  }
0x79: {  	s0 =	simm.s32 @!p0 $0x1  }
0x7a: {  	_ =	swait.ge @!p0 [sflag:s0], s1  }
0x7b: {  	s1 =	ssub.s32 @!p0 $0x0, s1;
	[sflag:s0] =	ssyncset.done @!p0 $0x0  }
0x7c: {  	[sflag:s0] =	ssyncadd.s32 @!p0 s1  }
0x7d: {  	[bflag:$0x3] =	sbarrier.arrive $0xFFFF  }
0x7e: {  	_ =	shalt  }

</sc_bundles>
